<compile_context>
chip_gen: v7x
topology: tpu7x:2x2x1
jax: 0.10.2.dev20260603
libtpu: 0.0.44.dev20260713+nightly
codegen_flags: <defaults>
</compile_context>

<pallas_src>
import functools

import jax
import jax.numpy as jnp
from jax import lax
from jax.experimental import pallas as pl
from jax.experimental.pallas import tpu as pltpu
from jax.experimental.pallas import tpu_sc as plsc

B = 4096
F = 26
V = 1000
E = 128
D1 = 1024
D2 = 512

NSPLIT = 1
BH = B // NSPLIT
NUM_WORKERS = 32
SPW = BH // NUM_WORKERS
RPW = SPW * F
SPAD = 32
NBUF = 4
BLK = 512


def _sc_gather(table_hbm, idx2_hbm, idxs_hbm, wf_hbm, xv2_hbm,
               e2_out, s_out,
               idx_v, idxs_v, wf_v, s_v, xv_v,
               rows0, rows1, rows2, rows3,
               gsem0, gsem1, gsem2, gsem3,
               ssem0, ssem1, ssem2, ssem3):
    wid = lax.axis_index("s") * 2 + lax.axis_index("c")
    base = wid * SPW
    rbase = wid * RPW

    rows = (rows0, rows1, rows2, rows3)
    gsem = (gsem0, gsem1, gsem2, gsem3)
    ssem = (ssem0, ssem1, ssem2, ssem3)
    gcp = [None] * NBUF
    scp = [None] * NBUF

    pltpu.sync_copy(idx2_hbm.at[pl.ds(rbase, RPW)], idx_v)

    def start_gather(c, p):
        idx_c = idx_v.at[pl.ds(c * SPW, SPW)]
        return pltpu.async_copy(table_hbm.at[idx_c], rows[p], gsem[p])

    gcp[0] = start_gather(0, 0)
    gcp[1] = start_gather(1, 1)

    pltpu.sync_copy(xv2_hbm.at[pl.ds(rbase, RPW)], xv_v)
    pltpu.sync_copy(idxs_hbm.at[pl.ds(base * SPAD, SPW * SPAD)], idxs_v)
    pltpu.sync_copy(wf_hbm, wf_v)

    def s_body(i, carry):
        ids = idxs_v[pl.ds(i * 16, 16)]
        vals = plsc.load_gather(wf_v, [ids])
        s_v[pl.ds(i * 16, 16)] = vals
        return carry

    lax.fori_loop(0, SPW * SPAD // 16, s_body, 0)
    pltpu.sync_copy(s_v, s_out.at[pl.ds(base * SPAD, SPW * SPAD)])

    for c in range(F):
        p = c % NBUF
        if c + 2 < F:
            q = (c + 2) % NBUF
            if scp[q] is not None:
                scp[q].wait()
            gcp[q] = start_gather(c + 2, q)
        gcp[p].wait()

        buf = rows[p]

        def scale_row(r, carry, buf=buf, c=c):
            bc = plsc.load_gather(
                xv_v, [jnp.full((16,), c * SPW + r, jnp.int32)])
            for k in range(E // 16):
                buf[r, pl.ds(k * 16, 16)] = buf[r, pl.ds(k * 16, 16)] * bc
            return carry

        lax.fori_loop(0, SPW, scale_row, 0)
        scp[p] = pltpu.async_copy(
            buf, e2_out.at[pl.ds(base, SPW), pl.ds(c * E, E)], ssem[p])
    for p in range(NBUF):
        if scp[p] is not None:
            scp[p].wait()


def _mlp_body(e2_ref, xv_ref, s_ref, w1s_ref, w1m_ref,
              b1_ref, w2_ref, b2_ref, w3_ref, b3_ref, out_ref):
    scaled = e2_ref[:].astype(jnp.bfloat16)
    acc = jnp.dot(scaled, w1s_ref[:], preferred_element_type=jnp.float32)
    acc += jnp.dot((s_ref[:] * xv_ref[:]).astype(jnp.bfloat16), w1m_ref[:],
                   preferred_element_type=jnp.float32)
    h1 = jnp.tanh(acc + b1_ref[:])
    h2 = jnp.tanh(jnp.dot(h1.astype(jnp.bfloat16), w2_ref[:],
                          preferred_element_type=jnp.float32) + b2_ref[:])
    out_ref[:] = (jnp.dot(h2.astype(jnp.bfloat16), w3_ref[:],
                          preferred_element_type=jnp.float32) + b3_ref[0, 0])


def kernel(Xi, Xv, fm_bias, W_first, W_second, W1, b1, W2, b2, W3, b3):
    idx = Xi[:, :, 0].astype(jnp.int32)
    offs = (jnp.arange(F, dtype=jnp.int32) * V)[None, :]
    idx2 = ((idx + offs).reshape(NSPLIT, NUM_WORKERS, SPW, F)
            .transpose(0, 1, 3, 2).reshape(NSPLIT, BH * F))
    xv2 = (Xv.reshape(NSPLIT, NUM_WORKERS, SPW, F)
           .transpose(0, 1, 3, 2).reshape(NSPLIT, BH * F))
    idxs = jnp.concatenate(
        [idx + offs,
         jnp.full((B, SPAD - F), F * V, dtype=jnp.int32)], axis=1
    ).reshape(NSPLIT, BH * SPAD)

    table = W_second.reshape(F * V, E)
    wf = jnp.concatenate(
        [W_first.reshape(F * V), jnp.zeros((8,), jnp.float32)])

    mesh = plsc.VectorSubcoreMesh(
        core_axis_name="c", subcore_axis_name="s", num_cores=2)
    sc = functools.partial(
        pl.kernel,
        mesh=mesh,
        compiler_params=pltpu.CompilerParams(needs_layout_passes=False),
        out_type=(
            jax.ShapeDtypeStruct((BH, F * E), jnp.float32),
            jax.ShapeDtypeStruct((BH * SPAD,), jnp.float32),
        ),
        scratch_types=[
            pltpu.VMEM((RPW,), jnp.int32),
            pltpu.VMEM((SPW * SPAD,), jnp.int32),
            pltpu.VMEM((F * V + 8,), jnp.float32),
            pltpu.VMEM((SPW * SPAD,), jnp.float32),
            pltpu.VMEM((RPW,), jnp.float32),
            pltpu.VMEM((SPW, E), jnp.float32),
            pltpu.VMEM((SPW, E), jnp.float32),
            pltpu.VMEM((SPW, E), jnp.float32),
            pltpu.VMEM((SPW, E), jnp.float32),
            pltpu.SemaphoreType.DMA,
            pltpu.SemaphoreType.DMA,
            pltpu.SemaphoreType.DMA,
            pltpu.SemaphoreType.DMA,
            pltpu.SemaphoreType.DMA,
            pltpu.SemaphoreType.DMA,
            pltpu.SemaphoreType.DMA,
            pltpu.SemaphoreType.DMA,
        ],
    )(_sc_gather)

    xvp = jnp.concatenate(
        [Xv, jnp.zeros((B, SPAD - F), jnp.float32)], axis=1)
    w1m = jnp.concatenate(
        [W1[1:1 + F], jnp.zeros((SPAD - F, D1), jnp.float32)],
        axis=0).astype(jnp.bfloat16)
    w1s = W1[1 + F:].astype(jnp.bfloat16)
    fmb = fm_bias.astype(jnp.bfloat16).astype(jnp.float32)
    b1eff = (b1[None, :]
             + fmb[:, None] * W1[0:1].astype(jnp.bfloat16).astype(jnp.float32))
    w2b = W2.astype(jnp.bfloat16)
    w3b = W3.astype(jnp.bfloat16)

    mlp = pl.pallas_call(
        _mlp_body,
        grid=(BH // BLK,),
        in_specs=[
            pl.BlockSpec((BLK, F * E), lambda i: (i, 0)),
            pl.BlockSpec((BLK, SPAD), lambda i: (i, 0)),
            pl.BlockSpec((BLK, SPAD), lambda i: (i, 0)),
            pl.BlockSpec((F * E, D1), lambda i: (0, 0)),
            pl.BlockSpec((SPAD, D1), lambda i: (0, 0)),
            pl.BlockSpec((1, D1), lambda i: (0, 0)),
            pl.BlockSpec((D1, D2), lambda i: (0, 0)),
            pl.BlockSpec((1, D2), lambda i: (0, 0)),
            pl.BlockSpec((D2, 1), lambda i: (0, 0)),
            pl.BlockSpec(memory_space=pltpu.SMEM),
        ],
        out_specs=pl.BlockSpec((BLK, 1), lambda i: (i, 0)),
        out_shape=jax.ShapeDtypeStruct((BH, 1), jnp.float32),
    )

    e2s, ss = [], []
    for h in range(NSPLIT):
        e2_h, s_h = sc(table, idx2[h], idxs[h], wf, xv2[h])
        e2s.append(e2_h)
        ss.append(s_h)
    outs = []
    for h in range(NSPLIT):
        out_h = mlp(e2s[h], xvp[h * BH:(h + 1) * BH],
                    ss[h].reshape(BH, SPAD), w1s, w1m, b1eff, w2b,
                    b2.reshape(1, D2), w3b, b3.reshape(1, 1))
        outs.append(out_h)
    return jnp.concatenate(outs, axis=0)

# --- scband reference (transcript-rebuilt; emitter-appended) ---
"""Pipeline reference for scband-fnn-65111704207794 (READ-ONLY COPY).

The authoritative reference and input builder live on the scoring server;
editing this copy changes nothing except your own understanding.
"""

import jax, jax.numpy as jnp
import numpy as np

B = 4096
F = 26
V = 1000
E = 128
D1 = 1024
D2 = 512
DIN = 1 + F + F * E  # 3355


def setup_inputs(seed: int = 0) -> dict:
    key = jax.random.key(seed)
    ks = jax.random.split(key, 12)
    Xi = jax.random.randint(ks[0], (B, F, 1), 0, V)
    Xv = jax.random.uniform(ks[1], (B, F), dtype=jnp.float32)
    fm_bias = jax.random.normal(ks[2], (1,), dtype=jnp.float32)
    W_first = jax.random.normal(ks[3], (F, V, 1), dtype=jnp.float32) * 0.01
    W_second = jax.random.normal(ks[4], (F, V, E), dtype=jnp.float32) * 0.01
    W1 = jax.random.normal(ks[5], (DIN, D1), dtype=jnp.float32) * (1.0 / np.sqrt(DIN))
    b1 = jnp.zeros((D1,), dtype=jnp.float32)
    W2 = jax.random.normal(ks[6], (D1, D2), dtype=jnp.float32) * (1.0 / np.sqrt(D1))
    b2 = jnp.zeros((D2,), dtype=jnp.float32)
    W3 = jax.random.normal(ks[7], (D2, 1), dtype=jnp.float32) * (1.0 / np.sqrt(D2))
    b3 = jnp.zeros((1,), dtype=jnp.float32)
    return {"Xi": Xi, "Xv": Xv, "fm_bias": fm_bias, "W_first": W_first,
            "W_second": W_second, "W1": W1, "b1": b1, "W2": W2, "b2": b2,
            "W3": W3, "b3": b3}


def reference(Xi, Xv, fm_bias, W_first, W_second, W1, b1, W2, b2, W3, b3):
    # Xi: [B, F, 1] indices; Xv: [B, F] values.
    idx = Xi[:, :, 0]  # [B, F]
    field_ids = jnp.arange(F)[None, :]  # [1, F]
    # fm first-order: per field emb(Xi[:, i, :]) summed over the singleton axis,
    # scaled by Xv[:, i]; concatenated over fields -> [B, F]
    first_emb = W_first[field_ids, idx]              # [B, F, 1]
    fm_first_order = (first_emb * Xv[:, :, None]).reshape(B, F)
    # fm second-order: per field [B, E] scaled by Xv; concatenated -> [B, F*E]
    second_emb = W_second[field_ids, idx]            # [B, F, E]
    fm_second_order = (second_emb * Xv[:, :, None]).reshape(B, F * E)
    bias_col = fm_bias * jnp.ones((B, 1), dtype=jnp.float32)
    deep_emb = jnp.concatenate([bias_col, fm_first_order, fm_second_order], axis=1)  # [B, DIN]
    # deep part (dropout = identity in eval mode), activation = tanh
    x = deep_emb
    x = jnp.tanh(x @ W1 + b1)
    x = jnp.tanh(x @ W2 + b2)
    out = x @ W3 + b3  # [B, 1]
    return out

if __name__ == "__main__":
    import jax
    _d = setup_inputs()
    print(jax.jit(kernel)(*tuple(_d.values())))

</pallas_src>

<mosaic_0001>
#map = affine_map<(d0, d1) -> (0, 0)>
#map1 = affine_map<(d0, d1) -> (0)>
module attributes {stable_mosaic.version = 14 : i64} {
  func.func @_sc_gather(%arg0: i32, %arg1: i32, %arg2: memref<26000x128xf32, #tpu.memory_space<hbm>>, %arg3: memref<106496xi32, #tpu.memory_space<hbm>>, %arg4: memref<131072xi32, #tpu.memory_space<hbm>>, %arg5: memref<26008xf32, #tpu.memory_space<hbm>>, %arg6: memref<106496xf32, #tpu.memory_space<hbm>>, %arg7: memref<4096x3328xf32, #tpu.memory_space<hbm>>, %arg8: memref<131072xf32, #tpu.memory_space<hbm>>, %arg9: memref<3328xi32, #tpu.memory_space<vmem>>, %arg10: memref<4096xi32, #tpu.memory_space<vmem>>, %arg11: memref<26008xf32, #tpu.memory_space<vmem>>, %arg12: memref<4096xf32, #tpu.memory_space<vmem>>, %arg13: memref<3328xf32, #tpu.memory_space<vmem>>, %arg14: memref<128x128xf32, #tpu.memory_space<vmem>>, %arg15: memref<128x128xf32, #tpu.memory_space<vmem>>, %arg16: memref<128x128xf32, #tpu.memory_space<vmem>>, %arg17: memref<128x128xf32, #tpu.memory_space<vmem>>, %arg18: memref<!tpu.dma_semaphore, #tpu.memory_space<semaphore_mem>>, %arg19: memref<!tpu.dma_semaphore, #tpu.memory_space<semaphore_mem>>, %arg20: memref<!tpu.dma_semaphore, #tpu.memory_space<semaphore_mem>>, %arg21: memref<!tpu.dma_semaphore, #tpu.memory_space<semaphore_mem>>, %arg22: memref<!tpu.dma_semaphore, #tpu.memory_space<semaphore_mem>>, %arg23: memref<!tpu.dma_semaphore, #tpu.memory_space<semaphore_mem>>, %arg24: memref<!tpu.dma_semaphore, #tpu.memory_space<semaphore_mem>>, %arg25: memref<!tpu.dma_semaphore, #tpu.memory_space<semaphore_mem>>) attributes {dimension_semantics = [#tpu.dimension_semantics<core_parallel>, #tpu.dimension_semantics<subcore_parallel>], iteration_bounds = array<i64: 2, 16>, scalar_prefetch = 0 : i64, scratch_operands = 17 : i64, tpu.core_type = #tpu.core_type<sc_vector_subcore>, window_params = [{transform_indices = #map}, {transform_indices = #map1}, {transform_indices = #map1}, {transform_indices = #map1}, {transform_indices = #map1}, {transform_indices = #map}, {transform_indices = #map1}]} {
    %mul3A = arith.constant 2 : i32
    %mul3A_0 = arith.muli %arg1, %mul3A : i32
    %add3A = arith.addi %mul3A_0, %arg0 : i32
    %mul3A_1 = arith.constant 128 : i32
    %mul3A_2 = arith.muli %add3A, %mul3A_1 : i32
    %mul3A_3 = arith.constant 3328 : i32
    %mul3A_4 = arith.muli %add3A, %mul3A_3 : i32
    "tpu.region"() ({
      %run_scoped3A = tpu.sem_alloc : memref<!tpu.dma_semaphore, #tpu.memory_space<semaphore_mem>>
      %dma_start3A_636 = tpu.memref_slice %arg3[%mul3A_4] : memref<106496xi32, #tpu.memory_space<hbm>> -> memref<3328xi32, #tpu.memory_space<hbm>>
      %dma_start3A_637 = tpu.memref_slice %arg3[%mul3A_4] : memref<106496xi32, #tpu.memory_space<hbm>> -> memref<3328xi32, #tpu.memory_space<hbm>>
      tpu.enqueue_dma source(%dma_start3A_637 : memref<3328xi32, #tpu.memory_space<hbm>>) target(%arg9 : memref<3328xi32, #tpu.memory_space<vmem>>) target_semaphore(%run_scoped3A : memref<!tpu.dma_semaphore, #tpu.memory_space<semaphore_mem>>)
      %dma_wait3A_638 = tpu.memref_slice %arg3[%mul3A_4] : memref<106496xi32, #tpu.memory_space<hbm>> -> memref<3328xi32, #tpu.memory_space<hbm>>
      %dma_wait3A_639 = tpu.memref_slice %arg3[%mul3A_4] : memref<106496xi32, #tpu.memory_space<hbm>> -> memref<3328xi32, #tpu.memory_space<hbm>>
      tpu.wait_dma2 semaphore(%run_scoped3A : memref<!tpu.dma_semaphore, #tpu.memory_space<semaphore_mem>>) src(%dma_wait3A_639 : memref<3328xi32, #tpu.memory_space<hbm>>) dst(%arg9 : memref<3328xi32, #tpu.memory_space<vmem>>)
      tpu.yield
    }) : () -> ()
    %dma_start3A = arith.constant 0 : i32
    %dma_start3A_5 = tpu.memref_slice %arg9[%dma_start3A] : memref<3328xi32, #tpu.memory_space<vmem>> -> memref<128xi32, #tpu.memory_space<vmem>>
    %dma_start3A_6 = arith.constant 0 : i32
    %dma_start3A_7 = arith.constant 0 : i32
    %dma_start3A_8 = tpu.memref_slice %arg2[%dma_start3A_6, %dma_start3A_7] : memref<26000x128xf32, #tpu.memory_space<hbm>> -> memref<26000x128xf32, #tpu.memory_space<hbm>>
    tpu.enqueue_indirect_dma source(%dma_start3A_8 : memref<26000x128xf32, #tpu.memory_space<hbm>>) target(%arg14 : memref<128x128xf32, #tpu.memory_space<vmem>>) offsets(%dma_start3A_5 : memref<128xi32, #tpu.memory_space<vmem>>) semaphore(%arg18 : memref<!tpu.dma_semaphore, #tpu.memory_space<semaphore_mem>>)
    %dma_start3A_9 = arith.constant 128 : i32
    %dma_start3A_10 = tpu.memref_slice %arg9[%dma_start3A_9] : memref<3328xi32, #tpu.memory_space<vmem>> -> memref<128xi32, #tpu.memory_space<vmem>>
    %dma_start3A_11 = arith.constant 0 : i32
    %dma_start3A_12 = arith.constant 0 : i32
    %dma_start3A_13 = tpu.memref_slice %arg2[%dma_start3A_11, %dma_start3A_12] : memref<26000x128xf32, #tpu.memory_space<hbm>> -> memref<26000x128xf32, #tpu.memory_space<hbm>>
    tpu.enqueue_indirect_dma source(%dma_start3A_13 : memref<26000x128xf32, #tpu.memory_space<hbm>>) target(%arg15 : memref<128x128xf32, #tpu.memory_space<vmem>>) offsets(%dma_start3A_10 : memref<128xi32, #tpu.memory_space<vmem>>) semaphore(%arg19 : memref<!tpu.dma_semaphore, #tpu.memory_space<semaphore_mem>>)
    "tpu.region"() ({
      %run_scoped3A = tpu.sem_alloc : memref<!tpu.dma_semaphore, #tpu.memory_space<semaphore_mem>>
      %dma_start3A_636 = tpu.memref_slice %arg6[%mul3A_4] : memref<106496xf32, #tpu.memory_space<hbm>> -> memref<3328xf32, #tpu.memory_space<hbm>>
      %dma_start3A_637 = tpu.memref_slice %arg6[%mul3A_4] : memref<106496xf32, #tpu.memory_space<hbm>> -> memref<3328xf32, #tpu.memory_space<hbm>>
      tpu.enqueue_dma source(%dma_start3A_637 : memref<3328xf32, #tpu.memory_space<hbm>>) target(%arg13 : memref<3328xf32, #tpu.memory_space<vmem>>) target_semaphore(%run_scoped3A : memref<!tpu.dma_semaphore, #tpu.memory_space<semaphore_mem>>)
      %dma_wait3A_638 = tpu.memref_slice %arg6[%mul3A_4] : memref<106496xf32, #tpu.memory_space<hbm>> -> memref<3328xf32, #tpu.memory_space<hbm>>
      %dma_wait3A_639 = tpu.memref_slice %arg6[%mul3A_4] : memref<106496xf32, #tpu.memory_space<hbm>> -> memref<3328xf32, #tpu.memory_space<hbm>>
      tpu.wait_dma2 semaphore(%run_scoped3A : memref<!tpu.dma_semaphore, #tpu.memory_space<semaphore_mem>>) src(%dma_wait3A_639 : memref<3328xf32, #tpu.memory_space<hbm>>) dst(%arg13 : memref<3328xf32, #tpu.memory_space<vmem>>)
      tpu.yield
    }) : () -> ()
    %mul3A_14 = arith.constant 32 : i32
    %mul3A_15 = arith.muli %mul3A_2, %mul3A_14 : i32
    "tpu.region"() ({
      %run_scoped3A = tpu.sem_alloc : memref<!tpu.dma_semaphore, #tpu.memory_space<semaphore_mem>>
      %dma_start3A_636 = tpu.memref_slice %arg4[%mul3A_15] : memref<131072xi32, #tpu.memory_space<hbm>> -> memref<4096xi32, #tpu.memory_space<hbm>>
      %dma_start3A_637 = tpu.memref_slice %arg4[%mul3A_15] : memref<131072xi32, #tpu.memory_space<hbm>> -> memref<4096xi32, #tpu.memory_space<hbm>>
      tpu.enqueue_dma source(%dma_start3A_637 : memref<4096xi32, #tpu.memory_space<hbm>>) target(%arg10 : memref<4096xi32, #tpu.memory_space<vmem>>) target_semaphore(%run_scoped3A : memref<!tpu.dma_semaphore, #tpu.memory_space<semaphore_mem>>)
      %dma_wait3A_638 = tpu.memref_slice %arg4[%mul3A_15] : memref<131072xi32, #tpu.memory_space<hbm>> -> memref<4096xi32, #tpu.memory_space<hbm>>
      %dma_wait3A_639 = tpu.memref_slice %arg4[%mul3A_15] : memref<131072xi32, #tpu.memory_space<hbm>> -> memref<4096xi32, #tpu.memory_space<hbm>>
      tpu.wait_dma2 semaphore(%run_scoped3A : memref<!tpu.dma_semaphore, #tpu.memory_space<semaphore_mem>>) src(%dma_wait3A_639 : memref<4096xi32, #tpu.memory_space<hbm>>) dst(%arg10 : memref<4096xi32, #tpu.memory_space<vmem>>)
      tpu.yield
    }) : () -> ()
    "tpu.region"() ({
      %run_scoped3A = tpu.sem_alloc : memref<!tpu.dma_semaphore, #tpu.memory_space<semaphore_mem>>
      tpu.enqueue_dma source(%arg5 : memref<26008xf32, #tpu.memory_space<hbm>>) target(%arg11 : memref<26008xf32, #tpu.memory_space<vmem>>) target_semaphore(%run_scoped3A : memref<!tpu.dma_semaphore, #tpu.memory_space<semaphore_mem>>)
      tpu.wait_dma2 semaphore(%run_scoped3A : memref<!tpu.dma_semaphore, #tpu.memory_space<semaphore_mem>>) src(%arg5 : memref<26008xf32, #tpu.memory_space<hbm>>) dst(%arg11 : memref<26008xf32, #tpu.memory_space<vmem>>)
      tpu.yield
    }) : () -> ()
    %scan3A = arith.constant 0 : i32
    %scan3A_16 = arith.constant 0 : i32
    %scan3A_17 = arith.constant 256 : i32
    %scan3A_18 = arith.addi %scan3A_16, %scan3A_17 : i32
    %scan3A_19 = arith.constant 1 : i32
    scf.for %scan3A_636 = %scan3A_16 to %scan3A_18 step %scan3A_19  : i32 {
      %mul3A_637 = arith.constant 16 : i32
      %mul3A_638 = arith.muli %scan3A_636, %mul3A_637 : i32
      %get3A = arith.index_cast %mul3A_638 : i32 to index
      %get3A_639 = tpu.vector_load %arg10[%get3A] {strides = array<i32>} : memref<4096xi32, #tpu.memory_space<vmem>>, vector<16xi32>,
      %gather3A = tpu.vector_load_idx %arg11[%get3A_639] : memref<26008xf32, #tpu.memory_space<vmem>>[vector<16xi32>], vector<16xf32>,
      %mul3A_640 = arith.constant 16 : i32
      %mul3A_641 = arith.muli %scan3A_636, %mul3A_640 : i32
      %swap3A = arith.index_cast %mul3A_641 : i32 to index
      %swap3A_642 = tpu.vector_load %arg12[%swap3A] {strides = array<i32>} : memref<4096xf32, #tpu.memory_space<vmem>>, vector<16xf32>,
      tpu.vector_store %arg12[%swap3A], %gather3A {strides = array<i32>} : memref<4096xf32, #tpu.memory_space<vmem>>, vector<16xf32>,
    }
    %scan3A_20 = arith.constant 256 : i32
    %mul3A_21 = arith.constant 32 : i32
    %mul3A_22 = arith.muli %mul3A_2, %mul3A_21 : i32
    "tpu.region"() ({
      %run_scoped3A = tpu.sem_alloc : memref<!tpu.dma_semaphore, #tpu.memory_space<semaphore_mem>>
      %dma_start3A_636 = tpu.memref_slice %arg8[%mul3A_22] : memref<131072xf32, #tpu.memory_space<hbm>> -> memref<4096xf32, #tpu.memory_space<hbm>>
      %dma_start3A_637 = tpu.memref_slice %arg8[%mul3A_22] : memref<131072xf32, #tpu.memory_space<hbm>> -> memref<4096xf32, #tpu.memory_space<hbm>>
      tpu.enqueue_dma source(%arg12 : memref<4096xf32, #tpu.memory_space<vmem>>) target(%dma_start3A_637 : memref<4096xf32, #tpu.memory_space<hbm>>) target_semaphore(%run_scoped3A : memref<!tpu.dma_semaphore, #tpu.memory_space<semaphore_mem>>)
      %dma_wait3A_638 = tpu.memref_slice %arg8[%mul3A_22] : memref<131072xf32, #tpu.memory_space<hbm>> -> memref<4096xf32, #tpu.memory_space<hbm>>
      %dma_wait3A_639 = tpu.memref_slice %arg8[%mul3A_22] : memref<131072xf32, #tpu.memory_space<hbm>> -> memref<4096xf32, #tpu.memory_space<hbm>>
      tpu.wait_dma2 semaphore(%run_scoped3A : memref<!tpu.dma_semaphore, #tpu.memory_space<semaphore_mem>>) src(%arg12 : memref<4096xf32, #tpu.memory_space<vmem>>) dst(%dma_wait3A_639 : memref<4096xf32, #tpu.memory_space<hbm>>)
      tpu.yield
    }) : () -> ()
    %dma_start3A_23 = arith.constant 256 : i32
    %dma_start3A_24 = tpu.memref_slice %arg9[%dma_start3A_23] : memref<3328xi32, #tpu.memory_space<vmem>> -> memref<128xi32, #tpu.memory_space<vmem>>
    %dma_start3A_25 = arith.constant 0 : i32
    %dma_start3A_26 = arith.constant 0 : i32
    %dma_start3A_27 = tpu.memref_slice %arg2[%dma_start3A_25, %dma_start3A_26] : memref<26000x128xf32, #tpu.memory_space<hbm>> -> memref<26000x128xf32, #tpu.memory_space<hbm>>
    tpu.enqueue_indirect_dma source(%dma_start3A_27 : memref<26000x128xf32, #tpu.memory_space<hbm>>) target(%arg16 : memref<128x128xf32, #tpu.memory_space<vmem>>) offsets(%dma_start3A_24 : memref<128xi32, #tpu.memory_space<vmem>>) semaphore(%arg20 : memref<!tpu.dma_semaphore, #tpu.memory_space<semaphore_mem>>)
    %dma_wait3A = arith.constant 0 : i32
    %dma_wait3A_28 = tpu.memref_slice %arg9[%dma_wait3A] : memref<3328xi32, #tpu.memory_space<vmem>> -> memref<128xi32, #tpu.memory_space<vmem>>
    %dma_wait3A_29 = arith.constant 0 : i32
    %dma_wait3A_30 = arith.constant 0 : i32
    %dma_wait3A_31 = tpu.memref_slice %arg2[%dma_wait3A_29, %dma_wait3A_30] : memref<26000x128xf32, #tpu.memory_space<hbm>> -> memref<26000x128xf32, #tpu.memory_space<hbm>>
    tpu.wait_indirect_dma semaphore(%arg18 : memref<!tpu.dma_semaphore, #tpu.memory_space<semaphore_mem>>) src(%dma_wait3A_31 : memref<26000x128xf32, #tpu.memory_space<hbm>>) dst(%arg14 : memref<128x128xf32, #tpu.memory_space<vmem>>)
    %scan3A_32 = arith.constant 0 : i32
    %scan3A_33 = arith.constant 0 : i32
    %scan3A_34 = arith.constant 128 : i32
    %scan3A_35 = arith.addi %scan3A_33, %scan3A_34 : i32
    %scan3A_36 = arith.constant 1 : i32
    scf.for %scan3A_636 = %scan3A_33 to %scan3A_35 step %scan3A_36  : i32 {
      %add3A_637 = arith.constant 0 : i32
      %add3A_638 = arith.addi %add3A_637, %scan3A_636 : i32
      %broadcast_in_dim3A = vector.broadcast %add3A_638 : i32 to vector<16xi32>
      %gather3A = tpu.vector_load_idx %arg13[%broadcast_in_dim3A] : memref<3328xf32, #tpu.memory_space<vmem>>[vector<16xi32>], vector<16xf32>,
      %get3A = arith.index_cast %scan3A_636 : i32 to index
      %get3A_639 = arith.constant 0 : index
      %get3A_640 = tpu.vector_load %arg14[%get3A, %get3A_639] {strides = array<i32>} : memref<128x128xf32, #tpu.memory_space<vmem>>, vector<16xf32>,
      %mul3A_641 = arith.mulf %get3A_640, %gather3A : vector<16xf32>
      %swap3A = arith.index_cast %scan3A_636 : i32 to index
      %swap3A_642 = arith.constant 0 : index
      %swap3A_643 = tpu.vector_load %arg14[%swap3A, %swap3A_642] {strides = array<i32>} : memref<128x128xf32, #tpu.memory_space<vmem>>, vector<16xf32>,
      tpu.vector_store %arg14[%swap3A, %swap3A_642], %mul3A_641 {strides = array<i32>} : memref<128x128xf32, #tpu.memory_space<vmem>>, vector<16xf32>,
      %get3A_644 = arith.index_cast %scan3A_636 : i32 to index
      %get3A_645 = arith.constant 16 : index
      %get3A_646 = tpu.vector_load %arg14[%get3A_644, %get3A_645] {strides = array<i32>} : memref<128x128xf32, #tpu.memory_space<vmem>>, vector<16xf32>,
      %mul3A_647 = arith.mulf %get3A_646, %gather3A : vector<16xf32>
      %swap3A_648 = arith.index_cast %scan3A_636 : i32 to index
      %swap3A_649 = arith.constant 16 : index
      %swap3A_650 = tpu.vector_load %arg14[%swap3A_648, %swap3A_649] {strides = array<i32>} : memref<128x128xf32, #tpu.memory_space<vmem>>, vector<16xf32>,
      tpu.vector_store %arg14[%swap3A_648, %swap3A_649], %mul3A_647 {strides = array<i32>} : memref<128x128xf32, #tpu.memory_space<vmem>>, vector<16xf32>,
      %get3A_651 = arith.index_cast %scan3A_636 : i32 to index
      %get3A_652 = arith.constant 32 : index
      %get3A_653 = tpu.vector_load %arg14[%get3A_651, %get3A_652] {strides = array<i32>} : memref<128x128xf32, #tpu.memory_space<vmem>>, vector<16xf32>,
      %mul3A_654 = arith.mulf %get3A_653, %gather3A : vector<16xf32>
      %swap3A_655 = arith.index_cast %scan3A_636 : i32 to index
      %swap3A_656 = arith.constant 32 : index
      %swap3A_657 = tpu.vector_load %arg14[%swap3A_655, %swap3A_656] {strides = array<i32>} : memref<128x128xf32, #tpu.memory_space<vmem>>, vector<16xf32>,
      tpu.vector_store %arg14[%swap3A_655, %swap3A_656], %mul3A_654 {strides = array<i32>} : memref<128x128xf32, #tpu.memory_space<vmem>>, vector<16xf32>,
      %get3A_658 = arith.index_cast %scan3A_636 : i32 to index
      %get3A_659 = arith.constant 48 : index
      %get3A_660 = tpu.vector_load %arg14[%get3A_658, %get3A_659] {strides = array<i32>} : memref<128x128xf32, #tpu.memory_space<vmem>>, vector<16xf32>,
      %mul3A_661 = arith.mulf %get3A_660, %gather3A : vector<16xf32>
      %swap3A_662 = arith.index_cast %scan3A_636 : i32 to index
      %swap3A_663 = arith.constant 48 : index
      %swap3A_664 = tpu.vector_load %arg14[%swap3A_662, %swap3A_663] {strides = array<i32>} : memref<128x128xf32, #tpu.memory_space<vmem>>, vector<16xf32>,
      tpu.vector_store %arg14[%swap3A_662, %swap3A_663], %mul3A_661 {strides = array<i32>} : memref<128x128xf32, #tpu.memory_space<vmem>>, vector<16xf32>,
      %get3A_665 = arith.index_cast %scan3A_636 : i32 to index
      %get3A_666 = arith.constant 64 : index
      %get3A_667 = tpu.vector_load %arg14[%get3A_665, %get3A_666] {strides = array<i32>} : memref<128x128xf32, #tpu.memory_space<vmem>>, vector<16xf32>,
      %mul3A_668 = arith.mulf %get3A_667, %gather3A : vector<16xf32>
      %swap3A_669 = arith.index_cast %scan3A_636 : i32 to index
      %swap3A_670 = arith.constant 64 : index
      %swap3A_671 = tpu.vector_load %arg14[%swap3A_669, %swap3A_670] {strides = array<i32>} : memref<128x128xf32, #tpu.memory_space<vmem>>, vector<16xf32>,
      tpu.vector_store %arg14[%swap3A_669, %swap3A_670], %mul3A_668 {strides = array<i32>} : memref<128x128xf32, #tpu.memory_space<vmem>>, vector<16xf32>,
      %get3A_672 = arith.index_cast %scan3A_636 : i32 to index
      %get3A_673 = arith.constant 80 : index
      %get3A_674 = tpu.vector_load %arg14[%get3A_672, %get3A_673] {strides = array<i32>} : memref<128x128xf32, #tpu.memory_space<vmem>>, vector<16xf32>,
      %mul3A_675 = arith.mulf %get3A_674, %gather3A : vector<16xf32>
      %swap3A_676 = arith.index_cast %scan3A_636 : i32 to index
      %swap3A_677 = arith.constant 80 : index
      %swap3A_678 = tpu.vector_load %arg14[%swap3A_676, %swap3A_677] {strides = array<i32>} : memref<128x128xf32, #tpu.memory_space<vmem>>, vector<16xf32>,
      tpu.vector_store %arg14[%swap3A_676, %swap3A_677], %mul3A_675 {strides = array<i32>} : memref<128x128xf32, #tpu.memory_space<vmem>>, vector<16xf32>,
      %get3A_679 = arith.index_cast %scan3A_636 : i32 to index
      %get3A_680 = arith.constant 96 : index
      %get3A_681 = tpu.vector_load %arg14[%get3A_679, %get3A_680] {strides = array<i32>} : memref<128x128xf32, #tpu.memory_space<vmem>>, vector<16xf32>,
      %mul3A_682 = arith.mulf %get3A_681, %gather3A : vector<16xf32>
      %swap3A_683 = arith.index_cast %scan3A_636 : i32 to index
      %swap3A_684 = arith.constant 96 : index
      %swap3A_685 = tpu.vector_load %arg14[%swap3A_683, %swap3A_684] {strides = array<i32>} : memref<128x128xf32, #tpu.memory_space<vmem>>, vector<16xf32>,
      tpu.vector_store %arg14[%swap3A_683, %swap3A_684], %mul3A_682 {strides = array<i32>} : memref<128x128xf32, #tpu.memory_space<vmem>>, vector<16xf32>,
      %get3A_686 = arith.index_cast %scan3A_636 : i32 to index
      %get3A_687 = arith.constant 112 : index
      %get3A_688 = tpu.vector_load %arg14[%get3A_686, %get3A_687] {strides = array<i32>} : memref<128x128xf32, #tpu.memory_space<vmem>>, vector<16xf32>,
      %mul3A_689 = arith.mulf %get3A_688, %gather3A : vector<16xf32>
      %swap3A_690 = arith.index_cast %scan3A_636 : i32 to index
      %swap3A_691 = arith.constant 112 : index
      %swap3A_692 = tpu.vector_load %arg14[%swap3A_690, %swap3A_691] {strides = array<i32>} : memref<128x128xf32, #tpu.memory_space<vmem>>, vector<16xf32>,
      tpu.vector_store %arg14[%swap3A_690, %swap3A_691], %mul3A_689 {strides = array<i32>} : memref<128x128xf32, #tpu.memory_space<vmem>>, vector<16xf32>,
    }
    %scan3A_37 = arith.constant 128 : i32
    %dma_start3A_38 = arith.constant 0 : i32
    %dma_start3A_39 = tpu.memref_slice %arg7[%mul3A_2, %dma_start3A_38] : memref<4096x3328xf32, #tpu.memory_space<hbm>> -> memref<128x128xf32, #tpu.memory_space<hbm>>
    %dma_start3A_40 = arith.constant 0 : i32
    %dma_start3A_41 = tpu.memref_slice %arg7[%mul3A_2, %dma_start3A_40] : memref<4096x3328xf32, #tpu.memory_space<hbm>> -> memref<128x128xf32, #tpu.memory_space<hbm>>
    tpu.enqueue_dma source(%arg14 : memref<128x128xf32, #tpu.memory_space<vmem>>) target(%dma_start3A_41 : memref<128x128xf32, #tpu.memory_space<hbm>>) target_semaphore(%arg22 : memref<!tpu.dma_semaphore, #tpu.memory_space<semaphore_mem>>)
    %dma_start3A_42 = arith.constant 384 : i32
    %dma_start3A_43 = tpu.memref_slice %arg9[%dma_start3A_42] : memref<3328xi32, #tpu.memory_space<vmem>> -> memref<128xi32, #tpu.memory_space<vmem>>
    %dma_start3A_44 = arith.constant 0 : i32
    %dma_start3A_45 = arith.constant 0 : i32
    %dma_start3A_46 = tpu.memref_slice %arg2[%dma_start3A_44, %dma_start3A_45] : memref<26000x128xf32, #tpu.memory_space<hbm>> -> memref<26000x128xf32, #tpu.memory_space<hbm>>
    tpu.enqueue_indirect_dma source(%dma_start3A_46 : memref<26000x128xf32, #tpu.memory_space<hbm>>) target(%arg17 : memref<128x128xf32, #tpu.memory_space<vmem>>) offsets(%dma_start3A_43 : memref<128xi32, #tpu.memory_space<vmem>>) semaphore(%arg21 : memref<!tpu.dma_semaphore, #tpu.memory_space<semaphore_mem>>)
    %dma_wait3A_47 = arith.constant 128 : i32
    %dma_wait3A_48 = tpu.memref_slice %arg9[%dma_wait3A_47] : memref<3328xi32, #tpu.memory_space<vmem>> -> memref<128xi32, #tpu.memory_space<vmem>>
    %dma_wait3A_49 = arith.constant 0 : i32
    %dma_wait3A_50 = arith.constant 0 : i32
    %dma_wait3A_51 = tpu.memref_slice %arg2[%dma_wait3A_49, %dma_wait3A_50] : memref<26000x128xf32, #tpu.memory_space<hbm>> -> memref<26000x128xf32, #tpu.memory_space<hbm>>
    tpu.wait_indirect_dma semaphore(%arg19 : memref<!tpu.dma_semaphore, #tpu.memory_space<semaphore_mem>>) src(%dma_wait3A_51 : memref<26000x128xf32, #tpu.memory_space<hbm>>) dst(%arg15 : memref<128x128xf32, #tpu.memory_space<vmem>>)
    %scan3A_52 = arith.constant 0 : i32
    %scan3A_53 = arith.constant 0 : i32
    %scan3A_54 = arith.constant 128 : i32
    %scan3A_55 = arith.addi %scan3A_53, %scan3A_54 : i32
    %scan3A_56 = arith.constant 1 : i32
    scf.for %scan3A_636 = %scan3A_53 to %scan3A_55 step %scan3A_56  : i32 {
      %add3A_637 = arith.constant 128 : i32
      %add3A_638 = arith.addi %add3A_637, %scan3A_636 : i32
      %broadcast_in_dim3A = vector.broadcast %add3A_638 : i32 to vector<16xi32>
      %gather3A = tpu.vector_load_idx %arg13[%broadcast_in_dim3A] : memref<3328xf32, #tpu.memory_space<vmem>>[vector<16xi32>], vector<16xf32>,
      %get3A = arith.index_cast %scan3A_636 : i32 to index
      %get3A_639 = arith.constant 0 : index
      %get3A_640 = tpu.vector_load %arg15[%get3A, %get3A_639] {strides = array<i32>} : memref<128x128xf32, #tpu.memory_space<vmem>>, vector<16xf32>,
      %mul3A_641 = arith.mulf %get3A_640, %gather3A : vector<16xf32>
      %swap3A = arith.index_cast %scan3A_636 : i32 to index
      %swap3A_642 = arith.constant 0 : index
      %swap3A_643 = tpu.vector_load %arg15[%swap3A, %swap3A_642] {strides = array<i32>} : memref<128x128xf32, #tpu.memory_space<vmem>>, vector<16xf32>,
      tpu.vector_store %arg15[%swap3A, %swap3A_642], %mul3A_641 {strides = array<i32>} : memref<128x128xf32, #tpu.memory_space<vmem>>, vector<16xf32>,
      %get3A_644 = arith.index_cast %scan3A_636 : i32 to index
      %get3A_645 = arith.constant 16 : index
      %get3A_646 = tpu.vector_load %arg15[%get3A_644, %get3A_645] {strides = array<i32>} : memref<128x128xf32, #tpu.memory_space<vmem>>, vector<16xf32>,
      %mul3A_647 = arith.mulf %get3A_646, %gather3A : vector<16xf32>
      %swap3A_648 = arith.index_cast %scan3A_636 : i32 to index
      %swap3A_649 = arith.constant 16 : index
      %swap3A_650 = tpu.vector_load %arg15[%swap3A_648, %swap3A_649] {strides = array<i32>} : memref<128x128xf32, #tpu.memory_space<vmem>>, vector<16xf32>,
      tpu.vector_store %arg15[%swap3A_648, %swap3A_649], %mul3A_647 {strides = array<i32>} : memref<128x128xf32, #tpu.memory_space<vmem>>, vector<16xf32>,
      %get3A_651 = arith.index_cast %scan3A_636 : i32 to index
      %get3A_652 = arith.constant 32 : index
      %get3A_653 = tpu.vector_load %arg15[%get3A_651, %get3A_652] {strides = array<i32>} : memref<128x128xf32, #tpu.memory_space<vmem>>, vector<16xf32>,
      %mul3A_654 = arith.mulf %get3A_653, %gather3A : vector<16xf32>
      %swap3A_655 = arith.index_cast %scan3A_636 : i32 to index
      %swap3A_656 = arith.constant 32 : index
      %swap3A_657 = tpu.vector_load %arg15[%swap3A_655, %swap3A_656] {strides = array<i32>} : memref<128x128xf32, #tpu.memory_space<vmem>>, vector<16xf32>,
      tpu.vector_store %arg15[%swap3A_655, %swap3A_656], %mul3A_654 {strides = array<i32>} : memref<128x128xf32, #tpu.memory_space<vmem>>, vector<16xf32>,
      %get3A_658 = arith.index_cast %scan3A_636 : i32 to index
      %get3A_659 = arith.constant 48 : index
      %get3A_660 = tpu.vector_load %arg15[%get3A_658, %get3A_659] {strides = array<i32>} : memref<128x128xf32, #tpu.memory_space<vmem>>, vector<16xf32>,
      %mul3A_661 = arith.mulf %get3A_660, %gather3A : vector<16xf32>
      %swap3A_662 = arith.index_cast %scan3A_636 : i32 to index
      %swap3A_663 = arith.constant 48 : index
      %swap3A_664 = tpu.vector_load %arg15[%swap3A_662, %swap3A_663] {strides = array<i32>} : memref<128x128xf32, #tpu.memory_space<vmem>>, vector<16xf32>,
      tpu.vector_store %arg15[%swap3A_662, %swap3A_663], %mul3A_661 {strides = array<i32>} : memref<128x128xf32, #tpu.memory_space<vmem>>, vector<16xf32>,
      %get3A_665 = arith.index_cast %scan3A_636 : i32 to index
      %get3A_666 = arith.constant 64 : index
      %get3A_667 = tpu.vector_load %arg15[%get3A_665, %get3A_666] {strides = array<i32>} : memref<128x128xf32, #tpu.memory_space<vmem>>, vector<16xf32>,
      %mul3A_668 = arith.mulf %get3A_667, %gather3A : vector<16xf32>
      %swap3A_669 = arith.index_cast %scan3A_636 : i32 to index
      %swap3A_670 = arith.constant 64 : index
      %swap3A_671 = tpu.vector_load %arg15[%swap3A_669, %swap3A_670] {strides = array<i32>} : memref<128x128xf32, #tpu.memory_space<vmem>>, vector<16xf32>,
      tpu.vector_store %arg15[%swap3A_669, %swap3A_670], %mul3A_668 {strides = array<i32>} : memref<128x128xf32, #tpu.memory_space<vmem>>, vector<16xf32>,
      %get3A_672 = arith.index_cast %scan3A_636 : i32 to index
      %get3A_673 = arith.constant 80 : index
      %get3A_674 = tpu.vector_load %arg15[%get3A_672, %get3A_673] {strides = array<i32>} : memref<128x128xf32, #tpu.memory_space<vmem>>, vector<16xf32>,
      %mul3A_675 = arith.mulf %get3A_674, %gather3A : vector<16xf32>
      %swap3A_676 = arith.index_cast %scan3A_636 : i32 to index
      %swap3A_677 = arith.constant 80 : index
      %swap3A_678 = tpu.vector_load %arg15[%swap3A_676, %swap3A_677] {strides = array<i32>} : memref<128x128xf32, #tpu.memory_space<vmem>>, vector<16xf32>,
      tpu.vector_store %arg15[%swap3A_676, %swap3A_677], %mul3A_675 {strides = array<i32>} : memref<128x128xf32, #tpu.memory_space<vmem>>, vector<16xf32>,
      %get3A_679 = arith.index_cast %scan3A_636 : i32 to index
      %get3A_680 = arith.constant 96 : index
      %get3A_681 = tpu.vector_load %arg15[%get3A_679, %get3A_680] {strides = array<i32>} : memref<128x128xf32, #tpu.memory_space<vmem>>, vector<16xf32>,
      %mul3A_682 = arith.mulf %get3A_681, %gather3A : vector<16xf32>
      %swap3A_683 = arith.index_cast %scan3A_636 : i32 to index
      %swap3A_684 = arith.constant 96 : index
      %swap3A_685 = tpu.vector_load %arg15[%swap3A_683, %swap3A_684] {strides = array<i32>} : memref<128x128xf32, #tpu.memory_space<vmem>>, vector<16xf32>,
      tpu.vector_store %arg15[%swap3A_683, %swap3A_684], %mul3A_682 {strides = array<i32>} : memref<128x128xf32, #tpu.memory_space<vmem>>, vector<16xf32>,
      %get3A_686 = arith.index_cast %scan3A_636 : i32 to index
      %get3A_687 = arith.constant 112 : index
      %get3A_688 = tpu.vector_load %arg15[%get3A_686, %get3A_687] {strides = array<i32>} : memref<128x128xf32, #tpu.memory_space<vmem>>, vector<16xf32>,
      %mul3A_689 = arith.mulf %get3A_688, %gather3A : vector<16xf32>
      %swap3A_690 = arith.index_cast %scan3A_636 : i32 to index
      %swap3A_691 = arith.constant 112 : index
      %swap3A_692 = tpu.vector_load %arg15[%swap3A_690, %swap3A_691] {strides = array<i32>} : memref<128x128xf32, #tpu.memory_space<vmem>>, vector<16xf32>,
      tpu.vector_store %arg15[%swap3A_690, %swap3A_691], %mul3A_689 {strides = array<i32>} : memref<128x128xf32, #tpu.memory_space<vmem>>, vector<16xf32>,
    }
    %scan3A_57 = arith.constant 128 : i32
    %dma_start3A_58 = arith.constant 128 : i32
    %dma_start3A_59 = tpu.memref_slice %arg7[%mul3A_2, %dma_start3A_58] : memref<4096x3328xf32, #tpu.memory_space<hbm>> -> memref<128x128xf32, #tpu.memory_space<hbm>>
    %dma_start3A_60 = arith.constant 128 : i32
    %dma_start3A_61 = tpu.memref_slice %arg7[%mul3A_2, %dma_start3A_60] : memref<4096x3328xf32, #tpu.memory_space<hbm>> -> memref<128x128xf32, #tpu.memory_space<hbm>>
    tpu.enqueue_dma source(%arg15 : memref<128x128xf32, #tpu.memory_space<vmem>>) target(%dma_start3A_61 : memref<128x128xf32, #tpu.memory_space<hbm>>) target_semaphore(%arg23 : memref<!tpu.dma_semaphore, #tpu.memory_space<semaphore_mem>>)
    %dma_wait3A_62 = arith.constant 0 : i32
    %dma_wait3A_63 = tpu.memref_slice %arg7[%mul3A_2, %dma_wait3A_62] : memref<4096x3328xf32, #tpu.memory_space<hbm>> -> memref<128x128xf32, #tpu.memory_space<hbm>>
    %dma_wait3A_64 = arith.constant 0 : i32
    %dma_wait3A_65 = tpu.memref_slice %arg7[%mul3A_2, %dma_wait3A_64] : memref<4096x3328xf32, #tpu.memory_space<hbm>> -> memref<128x128xf32, #tpu.memory_space<hbm>>
    tpu.wait_dma2 semaphore(%arg22 : memref<!tpu.dma_semaphore, #tpu.memory_space<semaphore_mem>>) src(%arg14 : memref<128x128xf32, #tpu.memory_space<vmem>>) dst(%dma_wait3A_65 : memref<128x128xf32, #tpu.memory_space<hbm>>)
    %dma_start3A_66 = arith.constant 512 : i32
    %dma_start3A_67 = tpu.memref_slice %arg9[%dma_start3A_66] : memref<3328xi32, #tpu.memory_space<vmem>> -> memref<128xi32, #tpu.memory_space<vmem>>
    %dma_start3A_68 = arith.constant 0 : i32
    %dma_start3A_69 = arith.constant 0 : i32
    %dma_start3A_70 = tpu.memref_slice %arg2[%dma_start3A_68, %dma_start3A_69] : memref<26000x128xf32, #tpu.memory_space<hbm>> -> memref<26000x128xf32, #tpu.memory_space<hbm>>
    tpu.enqueue_indirect_dma source(%dma_start3A_70 : memref<26000x128xf32, #tpu.memory_space<hbm>>) target(%arg14 : memref<128x128xf32, #tpu.memory_space<vmem>>) offsets(%dma_start3A_67 : memref<128xi32, #tpu.memory_space<vmem>>) semaphore(%arg18 : memref<!tpu.dma_semaphore, #tpu.memory_space<semaphore_mem>>)
    %dma_wait3A_71 = arith.constant 256 : i32
    %dma_wait3A_72 = tpu.memref_slice %arg9[%dma_wait3A_71] : memref<3328xi32, #tpu.memory_space<vmem>> -> memref<128xi32, #tpu.memory_space<vmem>>
    %dma_wait3A_73 = arith.constant 0 : i32
    %dma_wait3A_74 = arith.constant 0 : i32
    %dma_wait3A_75 = tpu.memref_slice %arg2[%dma_wait3A_73, %dma_wait3A_74] : memref<26000x128xf32, #tpu.memory_space<hbm>> -> memref<26000x128xf32, #tpu.memory_space<hbm>>
    tpu.wait_indirect_dma semaphore(%arg20 : memref<!tpu.dma_semaphore, #tpu.memory_space<semaphore_mem>>) src(%dma_wait3A_75 : memref<26000x128xf32, #tpu.memory_space<hbm>>) dst(%arg16 : memref<128x128xf32, #tpu.memory_space<vmem>>)
    %scan3A_76 = arith.constant 0 : i32
    %scan3A_77 = arith.constant 0 : i32
    %scan3A_78 = arith.constant 128 : i32
    %scan3A_79 = arith.addi %scan3A_77, %scan3A_78 : i32
    %scan3A_80 = arith.constant 1 : i32
    scf.for %scan3A_636 = %scan3A_77 to %scan3A_79 step %scan3A_80  : i32 {
      %add3A_637 = arith.constant 256 : i32
      %add3A_638 = arith.addi %add3A_637, %scan3A_636 : i32
      %broadcast_in_dim3A = vector.broadcast %add3A_638 : i32 to vector<16xi32>
      %gather3A = tpu.vector_load_idx %arg13[%broadcast_in_dim3A] : memref<3328xf32, #tpu.memory_space<vmem>>[vector<16xi32>], vector<16xf32>,
      %get3A = arith.index_cast %scan3A_636 : i32 to index
      %get3A_639 = arith.constant 0 : index
      %get3A_640 = tpu.vector_load %arg16[%get3A, %get3A_639] {strides = array<i32>} : memref<128x128xf32, #tpu.memory_space<vmem>>, vector<16xf32>,
      %mul3A_641 = arith.mulf %get3A_640, %gather3A : vector<16xf32>
      %swap3A = arith.index_cast %scan3A_636 : i32 to index
      %swap3A_642 = arith.constant 0 : index
      %swap3A_643 = tpu.vector_load %arg16[%swap3A, %swap3A_642] {strides = array<i32>} : memref<128x128xf32, #tpu.memory_space<vmem>>, vector<16xf32>,
      tpu.vector_store %arg16[%swap3A, %swap3A_642], %mul3A_641 {strides = array<i32>} : memref<128x128xf32, #tpu.memory_space<vmem>>, vector<16xf32>,
      %get3A_644 = arith.index_cast %scan3A_636 : i32 to index
      %get3A_645 = arith.constant 16 : index
      %get3A_646 = tpu.vector_load %arg16[%get3A_644, %get3A_645] {strides = array<i32>} : memref<128x128xf32, #tpu.memory_space<vmem>>, vector<16xf32>,
      %mul3A_647 = arith.mulf %get3A_646, %gather3A : vector<16xf32>
      %swap3A_648 = arith.index_cast %scan3A_636 : i32 to index
      %swap3A_649 = arith.constant 16 : index
      %swap3A_650 = tpu.vector_load %arg16[%swap3A_648, %swap3A_649] {strides = array<i32>} : memref<128x128xf32, #tpu.memory_space<vmem>>, vector<16xf32>,
      tpu.vector_store %arg16[%swap3A_648, %swap3A_649], %mul3A_647 {strides = array<i32>} : memref<128x128xf32, #tpu.memory_space<vmem>>, vector<16xf32>,
      %get3A_651 = arith.index_cast %scan3A_636 : i32 to index
      %get3A_652 = arith.constant 32 : index
      %get3A_653 = tpu.vector_load %arg16[%get3A_651, %get3A_652] {strides = array<i32>} : memref<128x128xf32, #tpu.memory_space<vmem>>, vector<16xf32>,
      %mul3A_654 = arith.mulf %get3A_653, %gather3A : vector<16xf32>
      %swap3A_655 = arith.index_cast %scan3A_636 : i32 to index
      %swap3A_656 = arith.constant 32 : index
      %swap3A_657 = tpu.vector_load %arg16[%swap3A_655, %swap3A_656] {strides = array<i32>} : memref<128x128xf32, #tpu.memory_space<vmem>>, vector<16xf32>,
      tpu.vector_store %arg16[%swap3A_655, %swap3A_656], %mul3A_654 {strides = array<i32>} : memref<128x128xf32, #tpu.memory_space<vmem>>, vector<16xf32>,
      %get3A_658 = arith.index_cast %scan3A_636 : i32 to index
      %get3A_659 = arith.constant 48 : index
      %get3A_660 = tpu.vector_load %arg16[%get3A_658, %get3A_659] {strides = array<i32>} : memref<128x128xf32, #tpu.memory_space<vmem>>, vector<16xf32>,
      %mul3A_661 = arith.mulf %get3A_660, %gather3A : vector<16xf32>
      %swap3A_662 = arith.index_cast %scan3A_636 : i32 to index
      %swap3A_663 = arith.constant 48 : index
      %swap3A_664 = tpu.vector_load %arg16[%swap3A_662, %swap3A_663] {strides = array<i32>} : memref<128x128xf32, #tpu.memory_space<vmem>>, vector<16xf32>,
      tpu.vector_store %arg16[%swap3A_662, %swap3A_663], %mul3A_661 {strides = array<i32>} : memref<128x128xf32, #tpu.memory_space<vmem>>, vector<16xf32>,
      %get3A_665 = arith.index_cast %scan3A_636 : i32 to index
      %get3A_666 = arith.constant 64 : index
      %get3A_667 = tpu.vector_load %arg16[%get3A_665, %get3A_666] {strides = array<i32>} : memref<128x128xf32, #tpu.memory_space<vmem>>, vector<16xf32>,
      %mul3A_668 = arith.mulf %get3A_667, %gather3A : vector<16xf32>
      %swap3A_669 = arith.index_cast %scan3A_636 : i32 to index
      %swap3A_670 = arith.constant 64 : index
      %swap3A_671 = tpu.vector_load %arg16[%swap3A_669, %swap3A_670] {strides = array<i32>} : memref<128x128xf32, #tpu.memory_space<vmem>>, vector<16xf32>,
      tpu.vector_store %arg16[%swap3A_669, %swap3A_670], %mul3A_668 {strides = array<i32>} : memref<128x128xf32, #tpu.memory_space<vmem>>, vector<16xf32>,
      %get3A_672 = arith.index_cast %scan3A_636 : i32 to index
      %get3A_673 = arith.constant 80 : index
      %get3A_674 = tpu.vector_load %arg16[%get3A_672, %get3A_673] {strides = array<i32>} : memref<128x128xf32, #tpu.memory_space<vmem>>, vector<16xf32>,
      %mul3A_675 = arith.mulf %get3A_674, %gather3A : vector<16xf32>
      %swap3A_676 = arith.index_cast %scan3A_636 : i32 to index
      %swap3A_677 = arith.constant 80 : index
      %swap3A_678 = tpu.vector_load %arg16[%swap3A_676, %swap3A_677] {strides = array<i32>} : memref<128x128xf32, #tpu.memory_space<vmem>>, vector<16xf32>,
      tpu.vector_store %arg16[%swap3A_676, %swap3A_677], %mul3A_675 {strides = array<i32>} : memref<128x128xf32, #tpu.memory_space<vmem>>, vector<16xf32>,
      %get3A_679 = arith.index_cast %scan3A_636 : i32 to index
      %get3A_680 = arith.constant 96 : index
      %get3A_681 = tpu.vector_load %arg16[%get3A_679, %get3A_680] {strides = array<i32>} : memref<128x128xf32, #tpu.memory_space<vmem>>, vector<16xf32>,
      %mul3A_682 = arith.mulf %get3A_681, %gather3A : vector<16xf32>
      %swap3A_683 = arith.index_cast %scan3A_636 : i32 to index
      %swap3A_684 = arith.constant 96 : index
      %swap3A_685 = tpu.vector_load %arg16[%swap3A_683, %swap3A_684] {strides = array<i32>} : memref<128x128xf32, #tpu.memory_space<vmem>>, vector<16xf32>,
      tpu.vector_store %arg16[%swap3A_683, %swap3A_684], %mul3A_682 {strides = array<i32>} : memref<128x128xf32, #tpu.memory_space<vmem>>, vector<16xf32>,
      %get3A_686 = arith.index_cast %scan3A_636 : i32 to index
      %get3A_687 = arith.constant 112 : index
      %get3A_688 = tpu.vector_load %arg16[%get3A_686, %get3A_687] {strides = array<i32>} : memref<128x128xf32, #tpu.memory_space<vmem>>, vector<16xf32>,
      %mul3A_689 = arith.mulf %get3A_688, %gather3A : vector<16xf32>
      %swap3A_690 = arith.index_cast %scan3A_636 : i32 to index
      %swap3A_691 = arith.constant 112 : index
      %swap3A_692 = tpu.vector_load %arg16[%swap3A_690, %swap3A_691] {strides = array<i32>} : memref<128x128xf32, #tpu.memory_space<vmem>>, vector<16xf32>,
      tpu.vector_store %arg16[%swap3A_690, %swap3A_691], %mul3A_689 {strides = array<i32>} : memref<128x128xf32, #tpu.memory_space<vmem>>, vector<16xf32>,
    }
    %scan3A_81 = arith.constant 128 : i32
    %dma_start3A_82 = arith.constant 256 : i32
    %dma_start3A_83 = tpu.memref_slice %arg7[%mul3A_2, %dma_start3A_82] : memref<4096x3328xf32, #tpu.memory_space<hbm>> -> memref<128x128xf32, #tpu.memory_space<hbm>>
    %dma_start3A_84 = arith.constant 256 : i32
    %dma_start3A_85 = tpu.memref_slice %arg7[%mul3A_2, %dma_start3A_84] : memref<4096x3328xf32, #tpu.memory_space<hbm>> -> memref<128x128xf32, #tpu.memory_space<hbm>>
    tpu.enqueue_dma source(%arg16 : memref<128x128xf32, #tpu.memory_space<vmem>>) target(%dma_start3A_85 : memref<128x128xf32, #tpu.memory_space<hbm>>) target_semaphore(%arg24 : memref<!tpu.dma_semaphore, #tpu.memory_space<semaphore_mem>>)
    %dma_wait3A_86 = arith.constant 128 : i32
    %dma_wait3A_87 = tpu.memref_slice %arg7[%mul3A_2, %dma_wait3A_86] : memref<4096x3328xf32, #tpu.memory_space<hbm>> -> memref<128x128xf32, #tpu.memory_space<hbm>>
    %dma_wait3A_88 = arith.constant 128 : i32
    %dma_wait3A_89 = tpu.memref_slice %arg7[%mul3A_2, %dma_wait3A_88] : memref<4096x3328xf32, #tpu.memory_space<hbm>> -> memref<128x128xf32, #tpu.memory_space<hbm>>
    tpu.wait_dma2 semaphore(%arg23 : memref<!tpu.dma_semaphore, #tpu.memory_space<semaphore_mem>>) src(%arg15 : memref<128x128xf32, #tpu.memory_space<vmem>>) dst(%dma_wait3A_89 : memref<128x128xf32, #tpu.memory_space<hbm>>)
    %dma_start3A_90 = arith.constant 640 : i32
    %dma_start3A_91 = tpu.memref_slice %arg9[%dma_start3A_90] : memref<3328xi32, #tpu.memory_space<vmem>> -> memref<128xi32, #tpu.memory_space<vmem>>
    %dma_start3A_92 = arith.constant 0 : i32
    %dma_start3A_93 = arith.constant 0 : i32
    %dma_start3A_94 = tpu.memref_slice %arg2[%dma_start3A_92, %dma_start3A_93] : memref<26000x128xf32, #tpu.memory_space<hbm>> -> memref<26000x128xf32, #tpu.memory_space<hbm>>
    tpu.enqueue_indirect_dma source(%dma_start3A_94 : memref<26000x128xf32, #tpu.memory_space<hbm>>) target(%arg15 : memref<128x128xf32, #tpu.memory_space<vmem>>) offsets(%dma_start3A_91 : memref<128xi32, #tpu.memory_space<vmem>>) semaphore(%arg19 : memref<!tpu.dma_semaphore, #tpu.memory_space<semaphore_mem>>)
    %dma_wait3A_95 = arith.constant 384 : i32
    %dma_wait3A_96 = tpu.memref_slice %arg9[%dma_wait3A_95] : memref<3328xi32, #tpu.memory_space<vmem>> -> memref<128xi32, #tpu.memory_space<vmem>>
    %dma_wait3A_97 = arith.constant 0 : i32
    %dma_wait3A_98 = arith.constant 0 : i32
    %dma_wait3A_99 = tpu.memref_slice %arg2[%dma_wait3A_97, %dma_wait3A_98] : memref<26000x128xf32, #tpu.memory_space<hbm>> -> memref<26000x128xf32, #tpu.memory_space<hbm>>
    tpu.wait_indirect_dma semaphore(%arg21 : memref<!tpu.dma_semaphore, #tpu.memory_space<semaphore_mem>>) src(%dma_wait3A_99 : memref<26000x128xf32, #tpu.memory_space<hbm>>) dst(%arg17 : memref<128x128xf32, #tpu.memory_space<vmem>>)
    %scan3A_100 = arith.constant 0 : i32
    %scan3A_101 = arith.constant 0 : i32
    %scan3A_102 = arith.constant 128 : i32
    %scan3A_103 = arith.addi %scan3A_101, %scan3A_102 : i32
    %scan3A_104 = arith.constant 1 : i32
    scf.for %scan3A_636 = %scan3A_101 to %scan3A_103 step %scan3A_104  : i32 {
      %add3A_637 = arith.constant 384 : i32
      %add3A_638 = arith.addi %add3A_637, %scan3A_636 : i32
      %broadcast_in_dim3A = vector.broadcast %add3A_638 : i32 to vector<16xi32>
      %gather3A = tpu.vector_load_idx %arg13[%broadcast_in_dim3A] : memref<3328xf32, #tpu.memory_space<vmem>>[vector<16xi32>], vector<16xf32>,
      %get3A = arith.index_cast %scan3A_636 : i32 to index
      %get3A_639 = arith.constant 0 : index
      %get3A_640 = tpu.vector_load %arg17[%get3A, %get3A_639] {strides = array<i32>} : memref<128x128xf32, #tpu.memory_space<vmem>>, vector<16xf32>,
      %mul3A_641 = arith.mulf %get3A_640, %gather3A : vector<16xf32>
      %swap3A = arith.index_cast %scan3A_636 : i32 to index
      %swap3A_642 = arith.constant 0 : index
      %swap3A_643 = tpu.vector_load %arg17[%swap3A, %swap3A_642] {strides = array<i32>} : memref<128x128xf32, #tpu.memory_space<vmem>>, vector<16xf32>,
      tpu.vector_store %arg17[%swap3A, %swap3A_642], %mul3A_641 {strides = array<i32>} : memref<128x128xf32, #tpu.memory_space<vmem>>, vector<16xf32>,
      %get3A_644 = arith.index_cast %scan3A_636 : i32 to index
      %get3A_645 = arith.constant 16 : index
      %get3A_646 = tpu.vector_load %arg17[%get3A_644, %get3A_645] {strides = array<i32>} : memref<128x128xf32, #tpu.memory_space<vmem>>, vector<16xf32>,
      %mul3A_647 = arith.mulf %get3A_646, %gather3A : vector<16xf32>
      %swap3A_648 = arith.index_cast %scan3A_636 : i32 to index
      %swap3A_649 = arith.constant 16 : index
      %swap3A_650 = tpu.vector_load %arg17[%swap3A_648, %swap3A_649] {strides = array<i32>} : memref<128x128xf32, #tpu.memory_space<vmem>>, vector<16xf32>,
      tpu.vector_store %arg17[%swap3A_648, %swap3A_649], %mul3A_647 {strides = array<i32>} : memref<128x128xf32, #tpu.memory_space<vmem>>, vector<16xf32>,
      %get3A_651 = arith.index_cast %scan3A_636 : i32 to index
      %get3A_652 = arith.constant 32 : index
      %get3A_653 = tpu.vector_load %arg17[%get3A_651, %get3A_652] {strides = array<i32>} : memref<128x128xf32, #tpu.memory_space<vmem>>, vector<16xf32>,
      %mul3A_654 = arith.mulf %get3A_653, %gather3A : vector<16xf32>
      %swap3A_655 = arith.index_cast %scan3A_636 : i32 to index
      %swap3A_656 = arith.constant 32 : index
      %swap3A_657 = tpu.vector_load %arg17[%swap3A_655, %swap3A_656] {strides = array<i32>} : memref<128x128xf32, #tpu.memory_space<vmem>>, vector<16xf32>,
      tpu.vector_store %arg17[%swap3A_655, %swap3A_656], %mul3A_654 {strides = array<i32>} : memref<128x128xf32, #tpu.memory_space<vmem>>, vector<16xf32>,
      %get3A_658 = arith.index_cast %scan3A_636 : i32 to index
      %get3A_659 = arith.constant 48 : index
      %get3A_660 = tpu.vector_load %arg17[%get3A_658, %get3A_659] {strides = array<i32>} : memref<128x128xf32, #tpu.memory_space<vmem>>, vector<16xf32>,
      %mul3A_661 = arith.mulf %get3A_660, %gather3A : vector<16xf32>
      %swap3A_662 = arith.index_cast %scan3A_636 : i32 to index
      %swap3A_663 = arith.constant 48 : index
      %swap3A_664 = tpu.vector_load %arg17[%swap3A_662, %swap3A_663] {strides = array<i32>} : memref<128x128xf32, #tpu.memory_space<vmem>>, vector<16xf32>,
      tpu.vector_store %arg17[%swap3A_662, %swap3A_663], %mul3A_661 {strides = array<i32>} : memref<128x128xf32, #tpu.memory_space<vmem>>, vector<16xf32>,
      %get3A_665 = arith.index_cast %scan3A_636 : i32 to index
      %get3A_666 = arith.constant 64 : index
      %get3A_667 = tpu.vector_load %arg17[%get3A_665, %get3A_666] {strides = array<i32>} : memref<128x128xf32, #tpu.memory_space<vmem>>, vector<16xf32>,
      %mul3A_668 = arith.mulf %get3A_667, %gather3A : vector<16xf32>
      %swap3A_669 = arith.index_cast %scan3A_636 : i32 to index
      %swap3A_670 = arith.constant 64 : index
      %swap3A_671 = tpu.vector_load %arg17[%swap3A_669, %swap3A_670] {strides = array<i32>} : memref<128x128xf32, #tpu.memory_space<vmem>>, vector<16xf32>,
      tpu.vector_store %arg17[%swap3A_669, %swap3A_670], %mul3A_668 {strides = array<i32>} : memref<128x128xf32, #tpu.memory_space<vmem>>, vector<16xf32>,
      %get3A_672 = arith.index_cast %scan3A_636 : i32 to index
      %get3A_673 = arith.constant 80 : index
      %get3A_674 = tpu.vector_load %arg17[%get3A_672, %get3A_673] {strides = array<i32>} : memref<128x128xf32, #tpu.memory_space<vmem>>, vector<16xf32>,
      %mul3A_675 = arith.mulf %get3A_674, %gather3A : vector<16xf32>
      %swap3A_676 = arith.index_cast %scan3A_636 : i32 to index
      %swap3A_677 = arith.constant 80 : index
      %swap3A_678 = tpu.vector_load %arg17[%swap3A_676, %swap3A_677] {strides = array<i32>} : memref<128x128xf32, #tpu.memory_space<vmem>>, vector<16xf32>,
      tpu.vector_store %arg17[%swap3A_676, %swap3A_677], %mul3A_675 {strides = array<i32>} : memref<128x128xf32, #tpu.memory_space<vmem>>, vector<16xf32>,
      %get3A_679 = arith.index_cast %scan3A_636 : i32 to index
      %get3A_680 = arith.constant 96 : index
      %get3A_681 = tpu.vector_load %arg17[%get3A_679, %get3A_680] {strides = array<i32>} : memref<128x128xf32, #tpu.memory_space<vmem>>, vector<16xf32>,
      %mul3A_682 = arith.mulf %get3A_681, %gather3A : vector<16xf32>
      %swap3A_683 = arith.index_cast %scan3A_636 : i32 to index
      %swap3A_684 = arith.constant 96 : index
      %swap3A_685 = tpu.vector_load %arg17[%swap3A_683, %swap3A_684] {strides = array<i32>} : memref<128x128xf32, #tpu.memory_space<vmem>>, vector<16xf32>,
      tpu.vector_store %arg17[%swap3A_683, %swap3A_684], %mul3A_682 {strides = array<i32>} : memref<128x128xf32, #tpu.memory_space<vmem>>, vector<16xf32>,
      %get3A_686 = arith.index_cast %scan3A_636 : i32 to index
      %get3A_687 = arith.constant 112 : index
      %get3A_688 = tpu.vector_load %arg17[%get3A_686, %get3A_687] {strides = array<i32>} : memref<128x128xf32, #tpu.memory_space<vmem>>, vector<16xf32>,
      %mul3A_689 = arith.mulf %get3A_688, %gather3A : vector<16xf32>
      %swap3A_690 = arith.index_cast %scan3A_636 : i32 to index
      %swap3A_691 = arith.constant 112 : index
      %swap3A_692 = tpu.vector_load %arg17[%swap3A_690, %swap3A_691] {strides = array<i32>} : memref<128x128xf32, #tpu.memory_space<vmem>>, vector<16xf32>,
      tpu.vector_store %arg17[%swap3A_690, %swap3A_691], %mul3A_689 {strides = array<i32>} : memref<128x128xf32, #tpu.memory_space<vmem>>, vector<16xf32>,
    }
    %scan3A_105 = arith.constant 128 : i32
    %dma_start3A_106 = arith.constant 384 : i32
    %dma_start3A_107 = tpu.memref_slice %arg7[%mul3A_2, %dma_start3A_106] : memref<4096x3328xf32, #tpu.memory_space<hbm>> -> memref<128x128xf32, #tpu.memory_space<hbm>>
    %dma_start3A_108 = arith.constant 384 : i32
    %dma_start3A_109 = tpu.memref_slice %arg7[%mul3A_2, %dma_start3A_108] : memref<4096x3328xf32, #tpu.memory_space<hbm>> -> memref<128x128xf32, #tpu.memory_space<hbm>>
    tpu.enqueue_dma source(%arg17 : memref<128x128xf32, #tpu.memory_space<vmem>>) target(%dma_start3A_109 : memref<128x128xf32, #tpu.memory_space<hbm>>) target_semaphore(%arg25 : memref<!tpu.dma_semaphore, #tpu.memory_space<semaphore_mem>>)
    %dma_wait3A_110 = arith.constant 256 : i32
    %dma_wait3A_111 = tpu.memref_slice %arg7[%mul3A_2, %dma_wait3A_110] : memref<4096x3328xf32, #tpu.memory_space<hbm>> -> memref<128x128xf32, #tpu.memory_space<hbm>>
    %dma_wait3A_112 = arith.constant 256 : i32
    %dma_wait3A_113 = tpu.memref_slice %arg7[%mul3A_2, %dma_wait3A_112] : memref<4096x3328xf32, #tpu.memory_space<hbm>> -> memref<128x128xf32, #tpu.memory_space<hbm>>
    tpu.wait_dma2 semaphore(%arg24 : memref<!tpu.dma_semaphore, #tpu.memory_space<semaphore_mem>>) src(%arg16 : memref<128x128xf32, #tpu.memory_space<vmem>>) dst(%dma_wait3A_113 : memref<128x128xf32, #tpu.memory_space<hbm>>)
    %dma_start3A_114 = arith.constant 768 : i32
    %dma_start3A_115 = tpu.memref_slice %arg9[%dma_start3A_114] : memref<3328xi32, #tpu.memory_space<vmem>> -> memref<128xi32, #tpu.memory_space<vmem>>
    %dma_start3A_116 = arith.constant 0 : i32
    %dma_start3A_117 = arith.constant 0 : i32
    %dma_start3A_118 = tpu.memref_slice %arg2[%dma_start3A_116, %dma_start3A_117] : memref<26000x128xf32, #tpu.memory_space<hbm>> -> memref<26000x128xf32, #tpu.memory_space<hbm>>
    tpu.enqueue_indirect_dma source(%dma_start3A_118 : memref<26000x128xf32, #tpu.memory_space<hbm>>) target(%arg16 : memref<128x128xf32, #tpu.memory_space<vmem>>) offsets(%dma_start3A_115 : memref<128xi32, #tpu.memory_space<vmem>>) semaphore(%arg20 : memref<!tpu.dma_semaphore, #tpu.memory_space<semaphore_mem>>)
    %dma_wait3A_119 = arith.constant 512 : i32
    %dma_wait3A_120 = tpu.memref_slice %arg9[%dma_wait3A_119] : memref<3328xi32, #tpu.memory_space<vmem>> -> memref<128xi32, #tpu.memory_space<vmem>>
    %dma_wait3A_121 = arith.constant 0 : i32
    %dma_wait3A_122 = arith.constant 0 : i32
    %dma_wait3A_123 = tpu.memref_slice %arg2[%dma_wait3A_121, %dma_wait3A_122] : memref<26000x128xf32, #tpu.memory_space<hbm>> -> memref<26000x128xf32, #tpu.memory_space<hbm>>
    tpu.wait_indirect_dma semaphore(%arg18 : memref<!tpu.dma_semaphore, #tpu.memory_space<semaphore_mem>>) src(%dma_wait3A_123 : memref<26000x128xf32, #tpu.memory_space<hbm>>) dst(%arg14 : memref<128x128xf32, #tpu.memory_space<vmem>>)
    %scan3A_124 = arith.constant 0 : i32
    %scan3A_125 = arith.constant 0 : i32
    %scan3A_126 = arith.constant 128 : i32
    %scan3A_127 = arith.addi %scan3A_125, %scan3A_126 : i32
    %scan3A_128 = arith.constant 1 : i32
    scf.for %scan3A_636 = %scan3A_125 to %scan3A_127 step %scan3A_128  : i32 {
      %add3A_637 = arith.constant 512 : i32
      %add3A_638 = arith.addi %add3A_637, %scan3A_636 : i32
      %broadcast_in_dim3A = vector.broadcast %add3A_638 : i32 to vector<16xi32>
      %gather3A = tpu.vector_load_idx %arg13[%broadcast_in_dim3A] : memref<3328xf32, #tpu.memory_space<vmem>>[vector<16xi32>], vector<16xf32>,
      %get3A = arith.index_cast %scan3A_636 : i32 to index
      %get3A_639 = arith.constant 0 : index
      %get3A_640 = tpu.vector_load %arg14[%get3A, %get3A_639] {strides = array<i32>} : memref<128x128xf32, #tpu.memory_space<vmem>>, vector<16xf32>,
      %mul3A_641 = arith.mulf %get3A_640, %gather3A : vector<16xf32>
      %swap3A = arith.index_cast %scan3A_636 : i32 to index
      %swap3A_642 = arith.constant 0 : index
      %swap3A_643 = tpu.vector_load %arg14[%swap3A, %swap3A_642] {strides = array<i32>} : memref<128x128xf32, #tpu.memory_space<vmem>>, vector<16xf32>,
      tpu.vector_store %arg14[%swap3A, %swap3A_642], %mul3A_641 {strides = array<i32>} : memref<128x128xf32, #tpu.memory_space<vmem>>, vector<16xf32>,
      %get3A_644 = arith.index_cast %scan3A_636 : i32 to index
      %get3A_645 = arith.constant 16 : index
      %get3A_646 = tpu.vector_load %arg14[%get3A_644, %get3A_645] {strides = array<i32>} : memref<128x128xf32, #tpu.memory_space<vmem>>, vector<16xf32>,
      %mul3A_647 = arith.mulf %get3A_646, %gather3A : vector<16xf32>
      %swap3A_648 = arith.index_cast %scan3A_636 : i32 to index
      %swap3A_649 = arith.constant 16 : index
      %swap3A_650 = tpu.vector_load %arg14[%swap3A_648, %swap3A_649] {strides = array<i32>} : memref<128x128xf32, #tpu.memory_space<vmem>>, vector<16xf32>,
      tpu.vector_store %arg14[%swap3A_648, %swap3A_649], %mul3A_647 {strides = array<i32>} : memref<128x128xf32, #tpu.memory_space<vmem>>, vector<16xf32>,
      %get3A_651 = arith.index_cast %scan3A_636 : i32 to index
      %get3A_652 = arith.constant 32 : index
      %get3A_653 = tpu.vector_load %arg14[%get3A_651, %get3A_652] {strides = array<i32>} : memref<128x128xf32, #tpu.memory_space<vmem>>, vector<16xf32>,
      %mul3A_654 = arith.mulf %get3A_653, %gather3A : vector<16xf32>
      %swap3A_655 = arith.index_cast %scan3A_636 : i32 to index
      %swap3A_656 = arith.constant 32 : index
      %swap3A_657 = tpu.vector_load %arg14[%swap3A_655, %swap3A_656] {strides = array<i32>} : memref<128x128xf32, #tpu.memory_space<vmem>>, vector<16xf32>,
      tpu.vector_store %arg14[%swap3A_655, %swap3A_656], %mul3A_654 {strides = array<i32>} : memref<128x128xf32, #tpu.memory_space<vmem>>, vector<16xf32>,
      %get3A_658 = arith.index_cast %scan3A_636 : i32 to index
      %get3A_659 = arith.constant 48 : index
      %get3A_660 = tpu.vector_load %arg14[%get3A_658, %get3A_659] {strides = array<i32>} : memref<128x128xf32, #tpu.memory_space<vmem>>, vector<16xf32>,
      %mul3A_661 = arith.mulf %get3A_660, %gather3A : vector<16xf32>
      %swap3A_662 = arith.index_cast %scan3A_636 : i32 to index
      %swap3A_663 = arith.constant 48 : index
      %swap3A_664 = tpu.vector_load %arg14[%swap3A_662, %swap3A_663] {strides = array<i32>} : memref<128x128xf32, #tpu.memory_space<vmem>>, vector<16xf32>,
      tpu.vector_store %arg14[%swap3A_662, %swap3A_663], %mul3A_661 {strides = array<i32>} : memref<128x128xf32, #tpu.memory_space<vmem>>, vector<16xf32>,
      %get3A_665 = arith.index_cast %scan3A_636 : i32 to index
      %get3A_666 = arith.constant 64 : index
      %get3A_667 = tpu.vector_load %arg14[%get3A_665, %get3A_666] {strides = array<i32>} : memref<128x128xf32, #tpu.memory_space<vmem>>, vector<16xf32>,
      %mul3A_668 = arith.mulf %get3A_667, %gather3A : vector<16xf32>
      %swap3A_669 = arith.index_cast %scan3A_636 : i32 to index
      %swap3A_670 = arith.constant 64 : index
      %swap3A_671 = tpu.vector_load %arg14[%swap3A_669, %swap3A_670] {strides = array<i32>} : memref<128x128xf32, #tpu.memory_space<vmem>>, vector<16xf32>,
      tpu.vector_store %arg14[%swap3A_669, %swap3A_670], %mul3A_668 {strides = array<i32>} : memref<128x128xf32, #tpu.memory_space<vmem>>, vector<16xf32>,
      %get3A_672 = arith.index_cast %scan3A_636 : i32 to index
      %get3A_673 = arith.constant 80 : index
      %get3A_674 = tpu.vector_load %arg14[%get3A_672, %get3A_673] {strides = array<i32>} : memref<128x128xf32, #tpu.memory_space<vmem>>, vector<16xf32>,
      %mul3A_675 = arith.mulf %get3A_674, %gather3A : vector<16xf32>
      %swap3A_676 = arith.index_cast %scan3A_636 : i32 to index
      %swap3A_677 = arith.constant 80 : index
      %swap3A_678 = tpu.vector_load %arg14[%swap3A_676, %swap3A_677] {strides = array<i32>} : memref<128x128xf32, #tpu.memory_space<vmem>>, vector<16xf32>,
      tpu.vector_store %arg14[%swap3A_676, %swap3A_677], %mul3A_675 {strides = array<i32>} : memref<128x128xf32, #tpu.memory_space<vmem>>, vector<16xf32>,
      %get3A_679 = arith.index_cast %scan3A_636 : i32 to index
      %get3A_680 = arith.constant 96 : index
      %get3A_681 = tpu.vector_load %arg14[%get3A_679, %get3A_680] {strides = array<i32>} : memref<128x128xf32, #tpu.memory_space<vmem>>, vector<16xf32>,
      %mul3A_682 = arith.mulf %get3A_681, %gather3A : vector<16xf32>
      %swap3A_683 = arith.index_cast %scan3A_636 : i32 to index
      %swap3A_684 = arith.constant 96 : index
      %swap3A_685 = tpu.vector_load %arg14[%swap3A_683, %swap3A_684] {strides = array<i32>} : memref<128x128xf32, #tpu.memory_space<vmem>>, vector<16xf32>,
      tpu.vector_store %arg14[%swap3A_683, %swap3A_684], %mul3A_682 {strides = array<i32>} : memref<128x128xf32, #tpu.memory_space<vmem>>, vector<16xf32>,
      %get3A_686 = arith.index_cast %scan3A_636 : i32 to index
      %get3A_687 = arith.constant 112 : index
      %get3A_688 = tpu.vector_load %arg14[%get3A_686, %get3A_687] {strides = array<i32>} : memref<128x128xf32, #tpu.memory_space<vmem>>, vector<16xf32>,
      %mul3A_689 = arith.mulf %get3A_688, %gather3A : vector<16xf32>
      %swap3A_690 = arith.index_cast %scan3A_636 : i32 to index
      %swap3A_691 = arith.constant 112 : index
      %swap3A_692 = tpu.vector_load %arg14[%swap3A_690, %swap3A_691] {strides = array<i32>} : memref<128x128xf32, #tpu.memory_space<vmem>>, vector<16xf32>,
      tpu.vector_store %arg14[%swap3A_690, %swap3A_691], %mul3A_689 {strides = array<i32>} : memref<128x128xf32, #tpu.memory_space<vmem>>, vector<16xf32>,
    }
    %scan3A_129 = arith.constant 128 : i32
    %dma_start3A_130 = arith.constant 512 : i32
    %dma_start3A_131 = tpu.memref_slice %arg7[%mul3A_2, %dma_start3A_130] : memref<4096x3328xf32, #tpu.memory_space<hbm>> -> memref<128x128xf32, #tpu.memory_space<hbm>>
    %dma_start3A_132 = arith.constant 512 : i32
    %dma_start3A_133 = tpu.memref_slice %arg7[%mul3A_2, %dma_start3A_132] : memref<4096x3328xf32, #tpu.memory_space<hbm>> -> memref<128x128xf32, #tpu.memory_space<hbm>>
    tpu.enqueue_dma source(%arg14 : memref<128x128xf32, #tpu.memory_space<vmem>>) target(%dma_start3A_133 : memref<128x128xf32, #tpu.memory_space<hbm>>) target_semaphore(%arg22 : memref<!tpu.dma_semaphore, #tpu.memory_space<semaphore_mem>>)
    %dma_wait3A_134 = arith.constant 384 : i32
    %dma_wait3A_135 = tpu.memref_slice %arg7[%mul3A_2, %dma_wait3A_134] : memref<4096x3328xf32, #tpu.memory_space<hbm>> -> memref<128x128xf32, #tpu.memory_space<hbm>>
    %dma_wait3A_136 = arith.constant 384 : i32
    %dma_wait3A_137 = tpu.memref_slice %arg7[%mul3A_2, %dma_wait3A_136] : memref<4096x3328xf32, #tpu.memory_space<hbm>> -> memref<128x128xf32, #tpu.memory_space<hbm>>
    tpu.wait_dma2 semaphore(%arg25 : memref<!tpu.dma_semaphore, #tpu.memory_space<semaphore_mem>>) src(%arg17 : memref<128x128xf32, #tpu.memory_space<vmem>>) dst(%dma_wait3A_137 : memref<128x128xf32, #tpu.memory_space<hbm>>)
    %dma_start3A_138 = arith.constant 896 : i32
    %dma_start3A_139 = tpu.memref_slice %arg9[%dma_start3A_138] : memref<3328xi32, #tpu.memory_space<vmem>> -> memref<128xi32, #tpu.memory_space<vmem>>
    %dma_start3A_140 = arith.constant 0 : i32
    %dma_start3A_141 = arith.constant 0 : i32
    %dma_start3A_142 = tpu.memref_slice %arg2[%dma_start3A_140, %dma_start3A_141] : memref<26000x128xf32, #tpu.memory_space<hbm>> -> memref<26000x128xf32, #tpu.memory_space<hbm>>
    tpu.enqueue_indirect_dma source(%dma_start3A_142 : memref<26000x128xf32, #tpu.memory_space<hbm>>) target(%arg17 : memref<128x128xf32, #tpu.memory_space<vmem>>) offsets(%dma_start3A_139 : memref<128xi32, #tpu.memory_space<vmem>>) semaphore(%arg21 : memref<!tpu.dma_semaphore, #tpu.memory_space<semaphore_mem>>)
    %dma_wait3A_143 = arith.constant 640 : i32
    %dma_wait3A_144 = tpu.memref_slice %arg9[%dma_wait3A_143] : memref<3328xi32, #tpu.memory_space<vmem>> -> memref<128xi32, #tpu.memory_space<vmem>>
    %dma_wait3A_145 = arith.constant 0 : i32
    %dma_wait3A_146 = arith.constant 0 : i32
    %dma_wait3A_147 = tpu.memref_slice %arg2[%dma_wait3A_145, %dma_wait3A_146] : memref<26000x128xf32, #tpu.memory_space<hbm>> -> memref<26000x128xf32, #tpu.memory_space<hbm>>
    tpu.wait_indirect_dma semaphore(%arg19 : memref<!tpu.dma_semaphore, #tpu.memory_space<semaphore_mem>>) src(%dma_wait3A_147 : memref<26000x128xf32, #tpu.memory_space<hbm>>) dst(%arg15 : memref<128x128xf32, #tpu.memory_space<vmem>>)
    %scan3A_148 = arith.constant 0 : i32
    %scan3A_149 = arith.constant 0 : i32
    %scan3A_150 = arith.constant 128 : i32
    %scan3A_151 = arith.addi %scan3A_149, %scan3A_150 : i32
    %scan3A_152 = arith.constant 1 : i32
    scf.for %scan3A_636 = %scan3A_149 to %scan3A_151 step %scan3A_152  : i32 {
      %add3A_637 = arith.constant 640 : i32
      %add3A_638 = arith.addi %add3A_637, %scan3A_636 : i32
      %broadcast_in_dim3A = vector.broadcast %add3A_638 : i32 to vector<16xi32>
      %gather3A = tpu.vector_load_idx %arg13[%broadcast_in_dim3A] : memref<3328xf32, #tpu.memory_space<vmem>>[vector<16xi32>], vector<16xf32>,
      %get3A = arith.index_cast %scan3A_636 : i32 to index
      %get3A_639 = arith.constant 0 : index
      %get3A_640 = tpu.vector_load %arg15[%get3A, %get3A_639] {strides = array<i32>} : memref<128x128xf32, #tpu.memory_space<vmem>>, vector<16xf32>,
      %mul3A_641 = arith.mulf %get3A_640, %gather3A : vector<16xf32>
      %swap3A = arith.index_cast %scan3A_636 : i32 to index
      %swap3A_642 = arith.constant 0 : index
      %swap3A_643 = tpu.vector_load %arg15[%swap3A, %swap3A_642] {strides = array<i32>} : memref<128x128xf32, #tpu.memory_space<vmem>>, vector<16xf32>,
      tpu.vector_store %arg15[%swap3A, %swap3A_642], %mul3A_641 {strides = array<i32>} : memref<128x128xf32, #tpu.memory_space<vmem>>, vector<16xf32>,
      %get3A_644 = arith.index_cast %scan3A_636 : i32 to index
      %get3A_645 = arith.constant 16 : index
      %get3A_646 = tpu.vector_load %arg15[%get3A_644, %get3A_645] {strides = array<i32>} : memref<128x128xf32, #tpu.memory_space<vmem>>, vector<16xf32>,
      %mul3A_647 = arith.mulf %get3A_646, %gather3A : vector<16xf32>
      %swap3A_648 = arith.index_cast %scan3A_636 : i32 to index
      %swap3A_649 = arith.constant 16 : index
      %swap3A_650 = tpu.vector_load %arg15[%swap3A_648, %swap3A_649] {strides = array<i32>} : memref<128x128xf32, #tpu.memory_space<vmem>>, vector<16xf32>,
      tpu.vector_store %arg15[%swap3A_648, %swap3A_649], %mul3A_647 {strides = array<i32>} : memref<128x128xf32, #tpu.memory_space<vmem>>, vector<16xf32>,
      %get3A_651 = arith.index_cast %scan3A_636 : i32 to index
      %get3A_652 = arith.constant 32 : index
      %get3A_653 = tpu.vector_load %arg15[%get3A_651, %get3A_652] {strides = array<i32>} : memref<128x128xf32, #tpu.memory_space<vmem>>, vector<16xf32>,
      %mul3A_654 = arith.mulf %get3A_653, %gather3A : vector<16xf32>
      %swap3A_655 = arith.index_cast %scan3A_636 : i32 to index
      %swap3A_656 = arith.constant 32 : index
      %swap3A_657 = tpu.vector_load %arg15[%swap3A_655, %swap3A_656] {strides = array<i32>} : memref<128x128xf32, #tpu.memory_space<vmem>>, vector<16xf32>,
      tpu.vector_store %arg15[%swap3A_655, %swap3A_656], %mul3A_654 {strides = array<i32>} : memref<128x128xf32, #tpu.memory_space<vmem>>, vector<16xf32>,
      %get3A_658 = arith.index_cast %scan3A_636 : i32 to index
      %get3A_659 = arith.constant 48 : index
      %get3A_660 = tpu.vector_load %arg15[%get3A_658, %get3A_659] {strides = array<i32>} : memref<128x128xf32, #tpu.memory_space<vmem>>, vector<16xf32>,
      %mul3A_661 = arith.mulf %get3A_660, %gather3A : vector<16xf32>
      %swap3A_662 = arith.index_cast %scan3A_636 : i32 to index
      %swap3A_663 = arith.constant 48 : index
      %swap3A_664 = tpu.vector_load %arg15[%swap3A_662, %swap3A_663] {strides = array<i32>} : memref<128x128xf32, #tpu.memory_space<vmem>>, vector<16xf32>,
      tpu.vector_store %arg15[%swap3A_662, %swap3A_663], %mul3A_661 {strides = array<i32>} : memref<128x128xf32, #tpu.memory_space<vmem>>, vector<16xf32>,
      %get3A_665 = arith.index_cast %scan3A_636 : i32 to index
      %get3A_666 = arith.constant 64 : index
      %get3A_667 = tpu.vector_load %arg15[%get3A_665, %get3A_666] {strides = array<i32>} : memref<128x128xf32, #tpu.memory_space<vmem>>, vector<16xf32>,
      %mul3A_668 = arith.mulf %get3A_667, %gather3A : vector<16xf32>
      %swap3A_669 = arith.index_cast %scan3A_636 : i32 to index
      %swap3A_670 = arith.constant 64 : index
      %swap3A_671 = tpu.vector_load %arg15[%swap3A_669, %swap3A_670] {strides = array<i32>} : memref<128x128xf32, #tpu.memory_space<vmem>>, vector<16xf32>,
      tpu.vector_store %arg15[%swap3A_669, %swap3A_670], %mul3A_668 {strides = array<i32>} : memref<128x128xf32, #tpu.memory_space<vmem>>, vector<16xf32>,
      %get3A_672 = arith.index_cast %scan3A_636 : i32 to index
      %get3A_673 = arith.constant 80 : index
      %get3A_674 = tpu.vector_load %arg15[%get3A_672, %get3A_673] {strides = array<i32>} : memref<128x128xf32, #tpu.memory_space<vmem>>, vector<16xf32>,
      %mul3A_675 = arith.mulf %get3A_674, %gather3A : vector<16xf32>
      %swap3A_676 = arith.index_cast %scan3A_636 : i32 to index
      %swap3A_677 = arith.constant 80 : index
      %swap3A_678 = tpu.vector_load %arg15[%swap3A_676, %swap3A_677] {strides = array<i32>} : memref<128x128xf32, #tpu.memory_space<vmem>>, vector<16xf32>,
      tpu.vector_store %arg15[%swap3A_676, %swap3A_677], %mul3A_675 {strides = array<i32>} : memref<128x128xf32, #tpu.memory_space<vmem>>, vector<16xf32>,
      %get3A_679 = arith.index_cast %scan3A_636 : i32 to index
      %get3A_680 = arith.constant 96 : index
      %get3A_681 = tpu.vector_load %arg15[%get3A_679, %get3A_680] {strides = array<i32>} : memref<128x128xf32, #tpu.memory_space<vmem>>, vector<16xf32>,
      %mul3A_682 = arith.mulf %get3A_681, %gather3A : vector<16xf32>
      %swap3A_683 = arith.index_cast %scan3A_636 : i32 to index
      %swap3A_684 = arith.constant 96 : index
      %swap3A_685 = tpu.vector_load %arg15[%swap3A_683, %swap3A_684] {strides = array<i32>} : memref<128x128xf32, #tpu.memory_space<vmem>>, vector<16xf32>,
      tpu.vector_store %arg15[%swap3A_683, %swap3A_684], %mul3A_682 {strides = array<i32>} : memref<128x128xf32, #tpu.memory_space<vmem>>, vector<16xf32>,
      %get3A_686 = arith.index_cast %scan3A_636 : i32 to index
      %get3A_687 = arith.constant 112 : index
      %get3A_688 = tpu.vector_load %arg15[%get3A_686, %get3A_687] {strides = array<i32>} : memref<128x128xf32, #tpu.memory_space<vmem>>, vector<16xf32>,
      %mul3A_689 = arith.mulf %get3A_688, %gather3A : vector<16xf32>
      %swap3A_690 = arith.index_cast %scan3A_636 : i32 to index
      %swap3A_691 = arith.constant 112 : index
      %swap3A_692 = tpu.vector_load %arg15[%swap3A_690, %swap3A_691] {strides = array<i32>} : memref<128x128xf32, #tpu.memory_space<vmem>>, vector<16xf32>,
      tpu.vector_store %arg15[%swap3A_690, %swap3A_691], %mul3A_689 {strides = array<i32>} : memref<128x128xf32, #tpu.memory_space<vmem>>, vector<16xf32>,
    }
    %scan3A_153 = arith.constant 128 : i32
    %dma_start3A_154 = arith.constant 640 : i32
    %dma_start3A_155 = tpu.memref_slice %arg7[%mul3A_2, %dma_start3A_154] : memref<4096x3328xf32, #tpu.memory_space<hbm>> -> memref<128x128xf32, #tpu.memory_space<hbm>>
    %dma_start3A_156 = arith.constant 640 : i32
    %dma_start3A_157 = tpu.memref_slice %arg7[%mul3A_2, %dma_start3A_156] : memref<4096x3328xf32, #tpu.memory_space<hbm>> -> memref<128x128xf32, #tpu.memory_space<hbm>>
    tpu.enqueue_dma source(%arg15 : memref<128x128xf32, #tpu.memory_space<vmem>>) target(%dma_start3A_157 : memref<128x128xf32, #tpu.memory_space<hbm>>) target_semaphore(%arg23 : memref<!tpu.dma_semaphore, #tpu.memory_space<semaphore_mem>>)
    %dma_wait3A_158 = arith.constant 512 : i32
    %dma_wait3A_159 = tpu.memref_slice %arg7[%mul3A_2, %dma_wait3A_158] : memref<4096x3328xf32, #tpu.memory_space<hbm>> -> memref<128x128xf32, #tpu.memory_space<hbm>>
    %dma_wait3A_160 = arith.constant 512 : i32
    %dma_wait3A_161 = tpu.memref_slice %arg7[%mul3A_2, %dma_wait3A_160] : memref<4096x3328xf32, #tpu.memory_space<hbm>> -> memref<128x128xf32, #tpu.memory_space<hbm>>
    tpu.wait_dma2 semaphore(%arg22 : memref<!tpu.dma_semaphore, #tpu.memory_space<semaphore_mem>>) src(%arg14 : memref<128x128xf32, #tpu.memory_space<vmem>>) dst(%dma_wait3A_161 : memref<128x128xf32, #tpu.memory_space<hbm>>)
    %dma_start3A_162 = arith.constant 1024 : i32
    %dma_start3A_163 = tpu.memref_slice %arg9[%dma_start3A_162] : memref<3328xi32, #tpu.memory_space<vmem>> -> memref<128xi32, #tpu.memory_space<vmem>>
    %dma_start3A_164 = arith.constant 0 : i32
    %dma_start3A_165 = arith.constant 0 : i32
    %dma_start3A_166 = tpu.memref_slice %arg2[%dma_start3A_164, %dma_start3A_165] : memref<26000x128xf32, #tpu.memory_space<hbm>> -> memref<26000x128xf32, #tpu.memory_space<hbm>>
    tpu.enqueue_indirect_dma source(%dma_start3A_166 : memref<26000x128xf32, #tpu.memory_space<hbm>>) target(%arg14 : memref<128x128xf32, #tpu.memory_space<vmem>>) offsets(%dma_start3A_163 : memref<128xi32, #tpu.memory_space<vmem>>) semaphore(%arg18 : memref<!tpu.dma_semaphore, #tpu.memory_space<semaphore_mem>>)
    %dma_wait3A_167 = arith.constant 768 : i32
    %dma_wait3A_168 = tpu.memref_slice %arg9[%dma_wait3A_167] : memref<3328xi32, #tpu.memory_space<vmem>> -> memref<128xi32, #tpu.memory_space<vmem>>
    %dma_wait3A_169 = arith.constant 0 : i32
    %dma_wait3A_170 = arith.constant 0 : i32
    %dma_wait3A_171 = tpu.memref_slice %arg2[%dma_wait3A_169, %dma_wait3A_170] : memref<26000x128xf32, #tpu.memory_space<hbm>> -> memref<26000x128xf32, #tpu.memory_space<hbm>>
    tpu.wait_indirect_dma semaphore(%arg20 : memref<!tpu.dma_semaphore, #tpu.memory_space<semaphore_mem>>) src(%dma_wait3A_171 : memref<26000x128xf32, #tpu.memory_space<hbm>>) dst(%arg16 : memref<128x128xf32, #tpu.memory_space<vmem>>)
    %scan3A_172 = arith.constant 0 : i32
    %scan3A_173 = arith.constant 0 : i32
    %scan3A_174 = arith.constant 128 : i32
    %scan3A_175 = arith.addi %scan3A_173, %scan3A_174 : i32
    %scan3A_176 = arith.constant 1 : i32
    scf.for %scan3A_636 = %scan3A_173 to %scan3A_175 step %scan3A_176  : i32 {
      %add3A_637 = arith.constant 768 : i32
      %add3A_638 = arith.addi %add3A_637, %scan3A_636 : i32
      %broadcast_in_dim3A = vector.broadcast %add3A_638 : i32 to vector<16xi32>
      %gather3A = tpu.vector_load_idx %arg13[%broadcast_in_dim3A] : memref<3328xf32, #tpu.memory_space<vmem>>[vector<16xi32>], vector<16xf32>,
      %get3A = arith.index_cast %scan3A_636 : i32 to index
      %get3A_639 = arith.constant 0 : index
      %get3A_640 = tpu.vector_load %arg16[%get3A, %get3A_639] {strides = array<i32>} : memref<128x128xf32, #tpu.memory_space<vmem>>, vector<16xf32>,
      %mul3A_641 = arith.mulf %get3A_640, %gather3A : vector<16xf32>
      %swap3A = arith.index_cast %scan3A_636 : i32 to index
      %swap3A_642 = arith.constant 0 : index
      %swap3A_643 = tpu.vector_load %arg16[%swap3A, %swap3A_642] {strides = array<i32>} : memref<128x128xf32, #tpu.memory_space<vmem>>, vector<16xf32>,
      tpu.vector_store %arg16[%swap3A, %swap3A_642], %mul3A_641 {strides = array<i32>} : memref<128x128xf32, #tpu.memory_space<vmem>>, vector<16xf32>,
      %get3A_644 = arith.index_cast %scan3A_636 : i32 to index
      %get3A_645 = arith.constant 16 : index
      %get3A_646 = tpu.vector_load %arg16[%get3A_644, %get3A_645] {strides = array<i32>} : memref<128x128xf32, #tpu.memory_space<vmem>>, vector<16xf32>,
      %mul3A_647 = arith.mulf %get3A_646, %gather3A : vector<16xf32>
      %swap3A_648 = arith.index_cast %scan3A_636 : i32 to index
      %swap3A_649 = arith.constant 16 : index
      %swap3A_650 = tpu.vector_load %arg16[%swap3A_648, %swap3A_649] {strides = array<i32>} : memref<128x128xf32, #tpu.memory_space<vmem>>, vector<16xf32>,
      tpu.vector_store %arg16[%swap3A_648, %swap3A_649], %mul3A_647 {strides = array<i32>} : memref<128x128xf32, #tpu.memory_space<vmem>>, vector<16xf32>,
      %get3A_651 = arith.index_cast %scan3A_636 : i32 to index
      %get3A_652 = arith.constant 32 : index
      %get3A_653 = tpu.vector_load %arg16[%get3A_651, %get3A_652] {strides = array<i32>} : memref<128x128xf32, #tpu.memory_space<vmem>>, vector<16xf32>,
      %mul3A_654 = arith.mulf %get3A_653, %gather3A : vector<16xf32>
      %swap3A_655 = arith.index_cast %scan3A_636 : i32 to index
      %swap3A_656 = arith.constant 32 : index
      %swap3A_657 = tpu.vector_load %arg16[%swap3A_655, %swap3A_656] {strides = array<i32>} : memref<128x128xf32, #tpu.memory_space<vmem>>, vector<16xf32>,
      tpu.vector_store %arg16[%swap3A_655, %swap3A_656], %mul3A_654 {strides = array<i32>} : memref<128x128xf32, #tpu.memory_space<vmem>>, vector<16xf32>,
      %get3A_658 = arith.index_cast %scan3A_636 : i32 to index
      %get3A_659 = arith.constant 48 : index
      %get3A_660 = tpu.vector_load %arg16[%get3A_658, %get3A_659] {strides = array<i32>} : memref<128x128xf32, #tpu.memory_space<vmem>>, vector<16xf32>,
      %mul3A_661 = arith.mulf %get3A_660, %gather3A : vector<16xf32>
      %swap3A_662 = arith.index_cast %scan3A_636 : i32 to index
      %swap3A_663 = arith.constant 48 : index
      %swap3A_664 = tpu.vector_load %arg16[%swap3A_662, %swap3A_663] {strides = array<i32>} : memref<128x128xf32, #tpu.memory_space<vmem>>, vector<16xf32>,
      tpu.vector_store %arg16[%swap3A_662, %swap3A_663], %mul3A_661 {strides = array<i32>} : memref<128x128xf32, #tpu.memory_space<vmem>>, vector<16xf32>,
      %get3A_665 = arith.index_cast %scan3A_636 : i32 to index
      %get3A_666 = arith.constant 64 : index
      %get3A_667 = tpu.vector_load %arg16[%get3A_665, %get3A_666] {strides = array<i32>} : memref<128x128xf32, #tpu.memory_space<vmem>>, vector<16xf32>,
      %mul3A_668 = arith.mulf %get3A_667, %gather3A : vector<16xf32>
      %swap3A_669 = arith.index_cast %scan3A_636 : i32 to index
      %swap3A_670 = arith.constant 64 : index
      %swap3A_671 = tpu.vector_load %arg16[%swap3A_669, %swap3A_670] {strides = array<i32>} : memref<128x128xf32, #tpu.memory_space<vmem>>, vector<16xf32>,
      tpu.vector_store %arg16[%swap3A_669, %swap3A_670], %mul3A_668 {strides = array<i32>} : memref<128x128xf32, #tpu.memory_space<vmem>>, vector<16xf32>,
      %get3A_672 = arith.index_cast %scan3A_636 : i32 to index
      %get3A_673 = arith.constant 80 : index
      %get3A_674 = tpu.vector_load %arg16[%get3A_672, %get3A_673] {strides = array<i32>} : memref<128x128xf32, #tpu.memory_space<vmem>>, vector<16xf32>,
      %mul3A_675 = arith.mulf %get3A_674, %gather3A : vector<16xf32>
      %swap3A_676 = arith.index_cast %scan3A_636 : i32 to index
      %swap3A_677 = arith.constant 80 : index
      %swap3A_678 = tpu.vector_load %arg16[%swap3A_676, %swap3A_677] {strides = array<i32>} : memref<128x128xf32, #tpu.memory_space<vmem>>, vector<16xf32>,
      tpu.vector_store %arg16[%swap3A_676, %swap3A_677], %mul3A_675 {strides = array<i32>} : memref<128x128xf32, #tpu.memory_space<vmem>>, vector<16xf32>,
      %get3A_679 = arith.index_cast %scan3A_636 : i32 to index
      %get3A_680 = arith.constant 96 : index
      %get3A_681 = tpu.vector_load %arg16[%get3A_679, %get3A_680] {strides = array<i32>} : memref<128x128xf32, #tpu.memory_space<vmem>>, vector<16xf32>,
      %mul3A_682 = arith.mulf %get3A_681, %gather3A : vector<16xf32>
      %swap3A_683 = arith.index_cast %scan3A_636 : i32 to index
      %swap3A_684 = arith.constant 96 : index
      %swap3A_685 = tpu.vector_load %arg16[%swap3A_683, %swap3A_684] {strides = array<i32>} : memref<128x128xf32, #tpu.memory_space<vmem>>, vector<16xf32>,
      tpu.vector_store %arg16[%swap3A_683, %swap3A_684], %mul3A_682 {strides = array<i32>} : memref<128x128xf32, #tpu.memory_space<vmem>>, vector<16xf32>,
      %get3A_686 = arith.index_cast %scan3A_636 : i32 to index
      %get3A_687 = arith.constant 112 : index
      %get3A_688 = tpu.vector_load %arg16[%get3A_686, %get3A_687] {strides = array<i32>} : memref<128x128xf32, #tpu.memory_space<vmem>>, vector<16xf32>,
      %mul3A_689 = arith.mulf %get3A_688, %gather3A : vector<16xf32>
      %swap3A_690 = arith.index_cast %scan3A_636 : i32 to index
      %swap3A_691 = arith.constant 112 : index
      %swap3A_692 = tpu.vector_load %arg16[%swap3A_690, %swap3A_691] {strides = array<i32>} : memref<128x128xf32, #tpu.memory_space<vmem>>, vector<16xf32>,
      tpu.vector_store %arg16[%swap3A_690, %swap3A_691], %mul3A_689 {strides = array<i32>} : memref<128x128xf32, #tpu.memory_space<vmem>>, vector<16xf32>,
    }
    %scan3A_177 = arith.constant 128 : i32
    %dma_start3A_178 = arith.constant 768 : i32
    %dma_start3A_179 = tpu.memref_slice %arg7[%mul3A_2, %dma_start3A_178] : memref<4096x3328xf32, #tpu.memory_space<hbm>> -> memref<128x128xf32, #tpu.memory_space<hbm>>
    %dma_start3A_180 = arith.constant 768 : i32
    %dma_start3A_181 = tpu.memref_slice %arg7[%mul3A_2, %dma_start3A_180] : memref<4096x3328xf32, #tpu.memory_space<hbm>> -> memref<128x128xf32, #tpu.memory_space<hbm>>
    tpu.enqueue_dma source(%arg16 : memref<128x128xf32, #tpu.memory_space<vmem>>) target(%dma_start3A_181 : memref<128x128xf32, #tpu.memory_space<hbm>>) target_semaphore(%arg24 : memref<!tpu.dma_semaphore, #tpu.memory_space<semaphore_mem>>)
    %dma_wait3A_182 = arith.constant 640 : i32
    %dma_wait3A_183 = tpu.memref_slice %arg7[%mul3A_2, %dma_wait3A_182] : memref<4096x3328xf32, #tpu.memory_space<hbm>> -> memref<128x128xf32, #tpu.memory_space<hbm>>
    %dma_wait3A_184 = arith.constant 640 : i32
    %dma_wait3A_185 = tpu.memref_slice %arg7[%mul3A_2, %dma_wait3A_184] : memref<4096x3328xf32, #tpu.memory_space<hbm>> -> memref<128x128xf32, #tpu.memory_space<hbm>>
    tpu.wait_dma2 semaphore(%arg23 : memref<!tpu.dma_semaphore, #tpu.memory_space<semaphore_mem>>) src(%arg15 : memref<128x128xf32, #tpu.memory_space<vmem>>) dst(%dma_wait3A_185 : memref<128x128xf32, #tpu.memory_space<hbm>>)
    %dma_start3A_186 = arith.constant 1152 : i32
    %dma_start3A_187 = tpu.memref_slice %arg9[%dma_start3A_186] : memref<3328xi32, #tpu.memory_space<vmem>> -> memref<128xi32, #tpu.memory_space<vmem>>
    %dma_start3A_188 = arith.constant 0 : i32
    %dma_start3A_189 = arith.constant 0 : i32
    %dma_start3A_190 = tpu.memref_slice %arg2[%dma_start3A_188, %dma_start3A_189] : memref<26000x128xf32, #tpu.memory_space<hbm>> -> memref<26000x128xf32, #tpu.memory_space<hbm>>
    tpu.enqueue_indirect_dma source(%dma_start3A_190 : memref<26000x128xf32, #tpu.memory_space<hbm>>) target(%arg15 : memref<128x128xf32, #tpu.memory_space<vmem>>) offsets(%dma_start3A_187 : memref<128xi32, #tpu.memory_space<vmem>>) semaphore(%arg19 : memref<!tpu.dma_semaphore, #tpu.memory_space<semaphore_mem>>)
    %dma_wait3A_191 = arith.constant 896 : i32
    %dma_wait3A_192 = tpu.memref_slice %arg9[%dma_wait3A_191] : memref<3328xi32, #tpu.memory_space<vmem>> -> memref<128xi32, #tpu.memory_space<vmem>>
    %dma_wait3A_193 = arith.constant 0 : i32
    %dma_wait3A_194 = arith.constant 0 : i32
    %dma_wait3A_195 = tpu.memref_slice %arg2[%dma_wait3A_193, %dma_wait3A_194] : memref<26000x128xf32, #tpu.memory_space<hbm>> -> memref<26000x128xf32, #tpu.memory_space<hbm>>
    tpu.wait_indirect_dma semaphore(%arg21 : memref<!tpu.dma_semaphore, #tpu.memory_space<semaphore_mem>>) src(%dma_wait3A_195 : memref<26000x128xf32, #tpu.memory_space<hbm>>) dst(%arg17 : memref<128x128xf32, #tpu.memory_space<vmem>>)
    %scan3A_196 = arith.constant 0 : i32
    %scan3A_197 = arith.constant 0 : i32
    %scan3A_198 = arith.constant 128 : i32
    %scan3A_199 = arith.addi %scan3A_197, %scan3A_198 : i32
    %scan3A_200 = arith.constant 1 : i32
    scf.for %scan3A_636 = %scan3A_197 to %scan3A_199 step %scan3A_200  : i32 {
      %add3A_637 = arith.constant 896 : i32
      %add3A_638 = arith.addi %add3A_637, %scan3A_636 : i32
      %broadcast_in_dim3A = vector.broadcast %add3A_638 : i32 to vector<16xi32>
      %gather3A = tpu.vector_load_idx %arg13[%broadcast_in_dim3A] : memref<3328xf32, #tpu.memory_space<vmem>>[vector<16xi32>], vector<16xf32>,
      %get3A = arith.index_cast %scan3A_636 : i32 to index
      %get3A_639 = arith.constant 0 : index
      %get3A_640 = tpu.vector_load %arg17[%get3A, %get3A_639] {strides = array<i32>} : memref<128x128xf32, #tpu.memory_space<vmem>>, vector<16xf32>,
      %mul3A_641 = arith.mulf %get3A_640, %gather3A : vector<16xf32>
      %swap3A = arith.index_cast %scan3A_636 : i32 to index
      %swap3A_642 = arith.constant 0 : index
      %swap3A_643 = tpu.vector_load %arg17[%swap3A, %swap3A_642] {strides = array<i32>} : memref<128x128xf32, #tpu.memory_space<vmem>>, vector<16xf32>,
      tpu.vector_store %arg17[%swap3A, %swap3A_642], %mul3A_641 {strides = array<i32>} : memref<128x128xf32, #tpu.memory_space<vmem>>, vector<16xf32>,
      %get3A_644 = arith.index_cast %scan3A_636 : i32 to index
      %get3A_645 = arith.constant 16 : index
      %get3A_646 = tpu.vector_load %arg17[%get3A_644, %get3A_645] {strides = array<i32>} : memref<128x128xf32, #tpu.memory_space<vmem>>, vector<16xf32>,
      %mul3A_647 = arith.mulf %get3A_646, %gather3A : vector<16xf32>
      %swap3A_648 = arith.index_cast %scan3A_636 : i32 to index
      %swap3A_649 = arith.constant 16 : index
      %swap3A_650 = tpu.vector_load %arg17[%swap3A_648, %swap3A_649] {strides = array<i32>} : memref<128x128xf32, #tpu.memory_space<vmem>>, vector<16xf32>,
      tpu.vector_store %arg17[%swap3A_648, %swap3A_649], %mul3A_647 {strides = array<i32>} : memref<128x128xf32, #tpu.memory_space<vmem>>, vector<16xf32>,
      %get3A_651 = arith.index_cast %scan3A_636 : i32 to index
      %get3A_652 = arith.constant 32 : index
      %get3A_653 = tpu.vector_load %arg17[%get3A_651, %get3A_652] {strides = array<i32>} : memref<128x128xf32, #tpu.memory_space<vmem>>, vector<16xf32>,
      %mul3A_654 = arith.mulf %get3A_653, %gather3A : vector<16xf32>
      %swap3A_655 = arith.index_cast %scan3A_636 : i32 to index
      %swap3A_656 = arith.constant 32 : index
      %swap3A_657 = tpu.vector_load %arg17[%swap3A_655, %swap3A_656] {strides = array<i32>} : memref<128x128xf32, #tpu.memory_space<vmem>>, vector<16xf32>,
      tpu.vector_store %arg17[%swap3A_655, %swap3A_656], %mul3A_654 {strides = array<i32>} : memref<128x128xf32, #tpu.memory_space<vmem>>, vector<16xf32>,
      %get3A_658 = arith.index_cast %scan3A_636 : i32 to index
      %get3A_659 = arith.constant 48 : index
      %get3A_660 = tpu.vector_load %arg17[%get3A_658, %get3A_659] {strides = array<i32>} : memref<128x128xf32, #tpu.memory_space<vmem>>, vector<16xf32>,
      %mul3A_661 = arith.mulf %get3A_660, %gather3A : vector<16xf32>
      %swap3A_662 = arith.index_cast %scan3A_636 : i32 to index
      %swap3A_663 = arith.constant 48 : index
      %swap3A_664 = tpu.vector_load %arg17[%swap3A_662, %swap3A_663] {strides = array<i32>} : memref<128x128xf32, #tpu.memory_space<vmem>>, vector<16xf32>,
      tpu.vector_store %arg17[%swap3A_662, %swap3A_663], %mul3A_661 {strides = array<i32>} : memref<128x128xf32, #tpu.memory_space<vmem>>, vector<16xf32>,
      %get3A_665 = arith.index_cast %scan3A_636 : i32 to index
      %get3A_666 = arith.constant 64 : index
      %get3A_667 = tpu.vector_load %arg17[%get3A_665, %get3A_666] {strides = array<i32>} : memref<128x128xf32, #tpu.memory_space<vmem>>, vector<16xf32>,
      %mul3A_668 = arith.mulf %get3A_667, %gather3A : vector<16xf32>
      %swap3A_669 = arith.index_cast %scan3A_636 : i32 to index
      %swap3A_670 = arith.constant 64 : index
      %swap3A_671 = tpu.vector_load %arg17[%swap3A_669, %swap3A_670] {strides = array<i32>} : memref<128x128xf32, #tpu.memory_space<vmem>>, vector<16xf32>,
      tpu.vector_store %arg17[%swap3A_669, %swap3A_670], %mul3A_668 {strides = array<i32>} : memref<128x128xf32, #tpu.memory_space<vmem>>, vector<16xf32>,
      %get3A_672 = arith.index_cast %scan3A_636 : i32 to index
      %get3A_673 = arith.constant 80 : index
      %get3A_674 = tpu.vector_load %arg17[%get3A_672, %get3A_673] {strides = array<i32>} : memref<128x128xf32, #tpu.memory_space<vmem>>, vector<16xf32>,
      %mul3A_675 = arith.mulf %get3A_674, %gather3A : vector<16xf32>
      %swap3A_676 = arith.index_cast %scan3A_636 : i32 to index
      %swap3A_677 = arith.constant 80 : index
      %swap3A_678 = tpu.vector_load %arg17[%swap3A_676, %swap3A_677] {strides = array<i32>} : memref<128x128xf32, #tpu.memory_space<vmem>>, vector<16xf32>,
      tpu.vector_store %arg17[%swap3A_676, %swap3A_677], %mul3A_675 {strides = array<i32>} : memref<128x128xf32, #tpu.memory_space<vmem>>, vector<16xf32>,
      %get3A_679 = arith.index_cast %scan3A_636 : i32 to index
      %get3A_680 = arith.constant 96 : index
      %get3A_681 = tpu.vector_load %arg17[%get3A_679, %get3A_680] {strides = array<i32>} : memref<128x128xf32, #tpu.memory_space<vmem>>, vector<16xf32>,
      %mul3A_682 = arith.mulf %get3A_681, %gather3A : vector<16xf32>
      %swap3A_683 = arith.index_cast %scan3A_636 : i32 to index
      %swap3A_684 = arith.constant 96 : index
      %swap3A_685 = tpu.vector_load %arg17[%swap3A_683, %swap3A_684] {strides = array<i32>} : memref<128x128xf32, #tpu.memory_space<vmem>>, vector<16xf32>,
      tpu.vector_store %arg17[%swap3A_683, %swap3A_684], %mul3A_682 {strides = array<i32>} : memref<128x128xf32, #tpu.memory_space<vmem>>, vector<16xf32>,
      %get3A_686 = arith.index_cast %scan3A_636 : i32 to index
      %get3A_687 = arith.constant 112 : index
      %get3A_688 = tpu.vector_load %arg17[%get3A_686, %get3A_687] {strides = array<i32>} : memref<128x128xf32, #tpu.memory_space<vmem>>, vector<16xf32>,
      %mul3A_689 = arith.mulf %get3A_688, %gather3A : vector<16xf32>
      %swap3A_690 = arith.index_cast %scan3A_636 : i32 to index
      %swap3A_691 = arith.constant 112 : index
      %swap3A_692 = tpu.vector_load %arg17[%swap3A_690, %swap3A_691] {strides = array<i32>} : memref<128x128xf32, #tpu.memory_space<vmem>>, vector<16xf32>,
      tpu.vector_store %arg17[%swap3A_690, %swap3A_691], %mul3A_689 {strides = array<i32>} : memref<128x128xf32, #tpu.memory_space<vmem>>, vector<16xf32>,
    }
    %scan3A_201 = arith.constant 128 : i32
    %dma_start3A_202 = arith.constant 896 : i32
    %dma_start3A_203 = tpu.memref_slice %arg7[%mul3A_2, %dma_start3A_202] : memref<4096x3328xf32, #tpu.memory_space<hbm>> -> memref<128x128xf32, #tpu.memory_space<hbm>>
    %dma_start3A_204 = arith.constant 896 : i32
    %dma_start3A_205 = tpu.memref_slice %arg7[%mul3A_2, %dma_start3A_204] : memref<4096x3328xf32, #tpu.memory_space<hbm>> -> memref<128x128xf32, #tpu.memory_space<hbm>>
    tpu.enqueue_dma source(%arg17 : memref<128x128xf32, #tpu.memory_space<vmem>>) target(%dma_start3A_205 : memref<128x128xf32, #tpu.memory_space<hbm>>) target_semaphore(%arg25 : memref<!tpu.dma_semaphore, #tpu.memory_space<semaphore_mem>>)
    %dma_wait3A_206 = arith.constant 768 : i32
    %dma_wait3A_207 = tpu.memref_slice %arg7[%mul3A_2, %dma_wait3A_206] : memref<4096x3328xf32, #tpu.memory_space<hbm>> -> memref<128x128xf32, #tpu.memory_space<hbm>>
    %dma_wait3A_208 = arith.constant 768 : i32
    %dma_wait3A_209 = tpu.memref_slice %arg7[%mul3A_2, %dma_wait3A_208] : memref<4096x3328xf32, #tpu.memory_space<hbm>> -> memref<128x128xf32, #tpu.memory_space<hbm>>
    tpu.wait_dma2 semaphore(%arg24 : memref<!tpu.dma_semaphore, #tpu.memory_space<semaphore_mem>>) src(%arg16 : memref<128x128xf32, #tpu.memory_space<vmem>>) dst(%dma_wait3A_209 : memref<128x128xf32, #tpu.memory_space<hbm>>)
    %dma_start3A_210 = arith.constant 1280 : i32
    %dma_start3A_211 = tpu.memref_slice %arg9[%dma_start3A_210] : memref<3328xi32, #tpu.memory_space<vmem>> -> memref<128xi32, #tpu.memory_space<vmem>>
    %dma_start3A_212 = arith.constant 0 : i32
    %dma_start3A_213 = arith.constant 0 : i32
    %dma_start3A_214 = tpu.memref_slice %arg2[%dma_start3A_212, %dma_start3A_213] : memref<26000x128xf32, #tpu.memory_space<hbm>> -> memref<26000x128xf32, #tpu.memory_space<hbm>>
    tpu.enqueue_indirect_dma source(%dma_start3A_214 : memref<26000x128xf32, #tpu.memory_space<hbm>>) target(%arg16 : memref<128x128xf32, #tpu.memory_space<vmem>>) offsets(%dma_start3A_211 : memref<128xi32, #tpu.memory_space<vmem>>) semaphore(%arg20 : memref<!tpu.dma_semaphore, #tpu.memory_space<semaphore_mem>>)
    %dma_wait3A_215 = arith.constant 1024 : i32
    %dma_wait3A_216 = tpu.memref_slice %arg9[%dma_wait3A_215] : memref<3328xi32, #tpu.memory_space<vmem>> -> memref<128xi32, #tpu.memory_space<vmem>>
    %dma_wait3A_217 = arith.constant 0 : i32
    %dma_wait3A_218 = arith.constant 0 : i32
    %dma_wait3A_219 = tpu.memref_slice %arg2[%dma_wait3A_217, %dma_wait3A_218] : memref<26000x128xf32, #tpu.memory_space<hbm>> -> memref<26000x128xf32, #tpu.memory_space<hbm>>
    tpu.wait_indirect_dma semaphore(%arg18 : memref<!tpu.dma_semaphore, #tpu.memory_space<semaphore_mem>>) src(%dma_wait3A_219 : memref<26000x128xf32, #tpu.memory_space<hbm>>) dst(%arg14 : memref<128x128xf32, #tpu.memory_space<vmem>>)
    %scan3A_220 = arith.constant 0 : i32
    %scan3A_221 = arith.constant 0 : i32
    %scan3A_222 = arith.constant 128 : i32
    %scan3A_223 = arith.addi %scan3A_221, %scan3A_222 : i32
    %scan3A_224 = arith.constant 1 : i32
    scf.for %scan3A_636 = %scan3A_221 to %scan3A_223 step %scan3A_224  : i32 {
      %add3A_637 = arith.constant 1024 : i32
      %add3A_638 = arith.addi %add3A_637, %scan3A_636 : i32
      %broadcast_in_dim3A = vector.broadcast %add3A_638 : i32 to vector<16xi32>
      %gather3A = tpu.vector_load_idx %arg13[%broadcast_in_dim3A] : memref<3328xf32, #tpu.memory_space<vmem>>[vector<16xi32>], vector<16xf32>,
      %get3A = arith.index_cast %scan3A_636 : i32 to index
      %get3A_639 = arith.constant 0 : index
      %get3A_640 = tpu.vector_load %arg14[%get3A, %get3A_639] {strides = array<i32>} : memref<128x128xf32, #tpu.memory_space<vmem>>, vector<16xf32>,
      %mul3A_641 = arith.mulf %get3A_640, %gather3A : vector<16xf32>
      %swap3A = arith.index_cast %scan3A_636 : i32 to index
      %swap3A_642 = arith.constant 0 : index
      %swap3A_643 = tpu.vector_load %arg14[%swap3A, %swap3A_642] {strides = array<i32>} : memref<128x128xf32, #tpu.memory_space<vmem>>, vector<16xf32>,
      tpu.vector_store %arg14[%swap3A, %swap3A_642], %mul3A_641 {strides = array<i32>} : memref<128x128xf32, #tpu.memory_space<vmem>>, vector<16xf32>,
      %get3A_644 = arith.index_cast %scan3A_636 : i32 to index
      %get3A_645 = arith.constant 16 : index
      %get3A_646 = tpu.vector_load %arg14[%get3A_644, %get3A_645] {strides = array<i32>} : memref<128x128xf32, #tpu.memory_space<vmem>>, vector<16xf32>,
      %mul3A_647 = arith.mulf %get3A_646, %gather3A : vector<16xf32>
      %swap3A_648 = arith.index_cast %scan3A_636 : i32 to index
      %swap3A_649 = arith.constant 16 : index
      %swap3A_650 = tpu.vector_load %arg14[%swap3A_648, %swap3A_649] {strides = array<i32>} : memref<128x128xf32, #tpu.memory_space<vmem>>, vector<16xf32>,
      tpu.vector_store %arg14[%swap3A_648, %swap3A_649], %mul3A_647 {strides = array<i32>} : memref<128x128xf32, #tpu.memory_space<vmem>>, vector<16xf32>,
      %get3A_651 = arith.index_cast %scan3A_636 : i32 to index
      %get3A_652 = arith.constant 32 : index
      %get3A_653 = tpu.vector_load %arg14[%get3A_651, %get3A_652] {strides = array<i32>} : memref<128x128xf32, #tpu.memory_space<vmem>>, vector<16xf32>,
      %mul3A_654 = arith.mulf %get3A_653, %gather3A : vector<16xf32>
      %swap3A_655 = arith.index_cast %scan3A_636 : i32 to index
      %swap3A_656 = arith.constant 32 : index
      %swap3A_657 = tpu.vector_load %arg14[%swap3A_655, %swap3A_656] {strides = array<i32>} : memref<128x128xf32, #tpu.memory_space<vmem>>, vector<16xf32>,
      tpu.vector_store %arg14[%swap3A_655, %swap3A_656], %mul3A_654 {strides = array<i32>} : memref<128x128xf32, #tpu.memory_space<vmem>>, vector<16xf32>,
      %get3A_658 = arith.index_cast %scan3A_636 : i32 to index
      %get3A_659 = arith.constant 48 : index
      %get3A_660 = tpu.vector_load %arg14[%get3A_658, %get3A_659] {strides = array<i32>} : memref<128x128xf32, #tpu.memory_space<vmem>>, vector<16xf32>,
      %mul3A_661 = arith.mulf %get3A_660, %gather3A : vector<16xf32>
      %swap3A_662 = arith.index_cast %scan3A_636 : i32 to index
      %swap3A_663 = arith.constant 48 : index
      %swap3A_664 = tpu.vector_load %arg14[%swap3A_662, %swap3A_663] {strides = array<i32>} : memref<128x128xf32, #tpu.memory_space<vmem>>, vector<16xf32>,
      tpu.vector_store %arg14[%swap3A_662, %swap3A_663], %mul3A_661 {strides = array<i32>} : memref<128x128xf32, #tpu.memory_space<vmem>>, vector<16xf32>,
      %get3A_665 = arith.index_cast %scan3A_636 : i32 to index
      %get3A_666 = arith.constant 64 : index
      %get3A_667 = tpu.vector_load %arg14[%get3A_665, %get3A_666] {strides = array<i32>} : memref<128x128xf32, #tpu.memory_space<vmem>>, vector<16xf32>,
      %mul3A_668 = arith.mulf %get3A_667, %gather3A : vector<16xf32>
      %swap3A_669 = arith.index_cast %scan3A_636 : i32 to index
      %swap3A_670 = arith.constant 64 : index
      %swap3A_671 = tpu.vector_load %arg14[%swap3A_669, %swap3A_670] {strides = array<i32>} : memref<128x128xf32, #tpu.memory_space<vmem>>, vector<16xf32>,
      tpu.vector_store %arg14[%swap3A_669, %swap3A_670], %mul3A_668 {strides = array<i32>} : memref<128x128xf32, #tpu.memory_space<vmem>>, vector<16xf32>,
      %get3A_672 = arith.index_cast %scan3A_636 : i32 to index
      %get3A_673 = arith.constant 80 : index
      %get3A_674 = tpu.vector_load %arg14[%get3A_672, %get3A_673] {strides = array<i32>} : memref<128x128xf32, #tpu.memory_space<vmem>>, vector<16xf32>,
      %mul3A_675 = arith.mulf %get3A_674, %gather3A : vector<16xf32>
      %swap3A_676 = arith.index_cast %scan3A_636 : i32 to index
      %swap3A_677 = arith.constant 80 : index
      %swap3A_678 = tpu.vector_load %arg14[%swap3A_676, %swap3A_677] {strides = array<i32>} : memref<128x128xf32, #tpu.memory_space<vmem>>, vector<16xf32>,
      tpu.vector_store %arg14[%swap3A_676, %swap3A_677], %mul3A_675 {strides = array<i32>} : memref<128x128xf32, #tpu.memory_space<vmem>>, vector<16xf32>,
      %get3A_679 = arith.index_cast %scan3A_636 : i32 to index
      %get3A_680 = arith.constant 96 : index
      %get3A_681 = tpu.vector_load %arg14[%get3A_679, %get3A_680] {strides = array<i32>} : memref<128x128xf32, #tpu.memory_space<vmem>>, vector<16xf32>,
      %mul3A_682 = arith.mulf %get3A_681, %gather3A : vector<16xf32>
      %swap3A_683 = arith.index_cast %scan3A_636 : i32 to index
      %swap3A_684 = arith.constant 96 : index
      %swap3A_685 = tpu.vector_load %arg14[%swap3A_683, %swap3A_684] {strides = array<i32>} : memref<128x128xf32, #tpu.memory_space<vmem>>, vector<16xf32>,
      tpu.vector_store %arg14[%swap3A_683, %swap3A_684], %mul3A_682 {strides = array<i32>} : memref<128x128xf32, #tpu.memory_space<vmem>>, vector<16xf32>,
      %get3A_686 = arith.index_cast %scan3A_636 : i32 to index
      %get3A_687 = arith.constant 112 : index
      %get3A_688 = tpu.vector_load %arg14[%get3A_686, %get3A_687] {strides = array<i32>} : memref<128x128xf32, #tpu.memory_space<vmem>>, vector<16xf32>,
      %mul3A_689 = arith.mulf %get3A_688, %gather3A : vector<16xf32>
      %swap3A_690 = arith.index_cast %scan3A_636 : i32 to index
      %swap3A_691 = arith.constant 112 : index
      %swap3A_692 = tpu.vector_load %arg14[%swap3A_690, %swap3A_691] {strides = array<i32>} : memref<128x128xf32, #tpu.memory_space<vmem>>, vector<16xf32>,
      tpu.vector_store %arg14[%swap3A_690, %swap3A_691], %mul3A_689 {strides = array<i32>} : memref<128x128xf32, #tpu.memory_space<vmem>>, vector<16xf32>,
    }
    %scan3A_225 = arith.constant 128 : i32
    %dma_start3A_226 = arith.constant 1024 : i32
    %dma_start3A_227 = tpu.memref_slice %arg7[%mul3A_2, %dma_start3A_226] : memref<4096x3328xf32, #tpu.memory_space<hbm>> -> memref<128x128xf32, #tpu.memory_space<hbm>>
    %dma_start3A_228 = arith.constant 1024 : i32
    %dma_start3A_229 = tpu.memref_slice %arg7[%mul3A_2, %dma_start3A_228] : memref<4096x3328xf32, #tpu.memory_space<hbm>> -> memref<128x128xf32, #tpu.memory_space<hbm>>
    tpu.enqueue_dma source(%arg14 : memref<128x128xf32, #tpu.memory_space<vmem>>) target(%dma_start3A_229 : memref<128x128xf32, #tpu.memory_space<hbm>>) target_semaphore(%arg22 : memref<!tpu.dma_semaphore, #tpu.memory_space<semaphore_mem>>)
    %dma_wait3A_230 = arith.constant 896 : i32
    %dma_wait3A_231 = tpu.memref_slice %arg7[%mul3A_2, %dma_wait3A_230] : memref<4096x3328xf32, #tpu.memory_space<hbm>> -> memref<128x128xf32, #tpu.memory_space<hbm>>
    %dma_wait3A_232 = arith.constant 896 : i32
    %dma_wait3A_233 = tpu.memref_slice %arg7[%mul3A_2, %dma_wait3A_232] : memref<4096x3328xf32, #tpu.memory_space<hbm>> -> memref<128x128xf32, #tpu.memory_space<hbm>>
    tpu.wait_dma2 semaphore(%arg25 : memref<!tpu.dma_semaphore, #tpu.memory_space<semaphore_mem>>) src(%arg17 : memref<128x128xf32, #tpu.memory_space<vmem>>) dst(%dma_wait3A_233 : memref<128x128xf32, #tpu.memory_space<hbm>>)
    %dma_start3A_234 = arith.constant 1408 : i32
    %dma_start3A_235 = tpu.memref_slice %arg9[%dma_start3A_234] : memref<3328xi32, #tpu.memory_space<vmem>> -> memref<128xi32, #tpu.memory_space<vmem>>
    %dma_start3A_236 = arith.constant 0 : i32
    %dma_start3A_237 = arith.constant 0 : i32
    %dma_start3A_238 = tpu.memref_slice %arg2[%dma_start3A_236, %dma_start3A_237] : memref<26000x128xf32, #tpu.memory_space<hbm>> -> memref<26000x128xf32, #tpu.memory_space<hbm>>
    tpu.enqueue_indirect_dma source(%dma_start3A_238 : memref<26000x128xf32, #tpu.memory_space<hbm>>) target(%arg17 : memref<128x128xf32, #tpu.memory_space<vmem>>) offsets(%dma_start3A_235 : memref<128xi32, #tpu.memory_space<vmem>>) semaphore(%arg21 : memref<!tpu.dma_semaphore, #tpu.memory_space<semaphore_mem>>)
    %dma_wait3A_239 = arith.constant 1152 : i32
    %dma_wait3A_240 = tpu.memref_slice %arg9[%dma_wait3A_239] : memref<3328xi32, #tpu.memory_space<vmem>> -> memref<128xi32, #tpu.memory_space<vmem>>
    %dma_wait3A_241 = arith.constant 0 : i32
    %dma_wait3A_242 = arith.constant 0 : i32
    %dma_wait3A_243 = tpu.memref_slice %arg2[%dma_wait3A_241, %dma_wait3A_242] : memref<26000x128xf32, #tpu.memory_space<hbm>> -> memref<26000x128xf32, #tpu.memory_space<hbm>>
    tpu.wait_indirect_dma semaphore(%arg19 : memref<!tpu.dma_semaphore, #tpu.memory_space<semaphore_mem>>) src(%dma_wait3A_243 : memref<26000x128xf32, #tpu.memory_space<hbm>>) dst(%arg15 : memref<128x128xf32, #tpu.memory_space<vmem>>)
    %scan3A_244 = arith.constant 0 : i32
    %scan3A_245 = arith.constant 0 : i32
    %scan3A_246 = arith.constant 128 : i32
    %scan3A_247 = arith.addi %scan3A_245, %scan3A_246 : i32
    %scan3A_248 = arith.constant 1 : i32
    scf.for %scan3A_636 = %scan3A_245 to %scan3A_247 step %scan3A_248  : i32 {
      %add3A_637 = arith.constant 1152 : i32
      %add3A_638 = arith.addi %add3A_637, %scan3A_636 : i32
      %broadcast_in_dim3A = vector.broadcast %add3A_638 : i32 to vector<16xi32>
      %gather3A = tpu.vector_load_idx %arg13[%broadcast_in_dim3A] : memref<3328xf32, #tpu.memory_space<vmem>>[vector<16xi32>], vector<16xf32>,
      %get3A = arith.index_cast %scan3A_636 : i32 to index
      %get3A_639 = arith.constant 0 : index
      %get3A_640 = tpu.vector_load %arg15[%get3A, %get3A_639] {strides = array<i32>} : memref<128x128xf32, #tpu.memory_space<vmem>>, vector<16xf32>,
      %mul3A_641 = arith.mulf %get3A_640, %gather3A : vector<16xf32>
      %swap3A = arith.index_cast %scan3A_636 : i32 to index
      %swap3A_642 = arith.constant 0 : index
      %swap3A_643 = tpu.vector_load %arg15[%swap3A, %swap3A_642] {strides = array<i32>} : memref<128x128xf32, #tpu.memory_space<vmem>>, vector<16xf32>,
      tpu.vector_store %arg15[%swap3A, %swap3A_642], %mul3A_641 {strides = array<i32>} : memref<128x128xf32, #tpu.memory_space<vmem>>, vector<16xf32>,
      %get3A_644 = arith.index_cast %scan3A_636 : i32 to index
      %get3A_645 = arith.constant 16 : index
      %get3A_646 = tpu.vector_load %arg15[%get3A_644, %get3A_645] {strides = array<i32>} : memref<128x128xf32, #tpu.memory_space<vmem>>, vector<16xf32>,
      %mul3A_647 = arith.mulf %get3A_646, %gather3A : vector<16xf32>
      %swap3A_648 = arith.index_cast %scan3A_636 : i32 to index
      %swap3A_649 = arith.constant 16 : index
      %swap3A_650 = tpu.vector_load %arg15[%swap3A_648, %swap3A_649] {strides = array<i32>} : memref<128x128xf32, #tpu.memory_space<vmem>>, vector<16xf32>,
      tpu.vector_store %arg15[%swap3A_648, %swap3A_649], %mul3A_647 {strides = array<i32>} : memref<128x128xf32, #tpu.memory_space<vmem>>, vector<16xf32>,
      %get3A_651 = arith.index_cast %scan3A_636 : i32 to index
      %get3A_652 = arith.constant 32 : index
      %get3A_653 = tpu.vector_load %arg15[%get3A_651, %get3A_652] {strides = array<i32>} : memref<128x128xf32, #tpu.memory_space<vmem>>, vector<16xf32>,
      %mul3A_654 = arith.mulf %get3A_653, %gather3A : vector<16xf32>
      %swap3A_655 = arith.index_cast %scan3A_636 : i32 to index
      %swap3A_656 = arith.constant 32 : index
      %swap3A_657 = tpu.vector_load %arg15[%swap3A_655, %swap3A_656] {strides = array<i32>} : memref<128x128xf32, #tpu.memory_space<vmem>>, vector<16xf32>,
      tpu.vector_store %arg15[%swap3A_655, %swap3A_656], %mul3A_654 {strides = array<i32>} : memref<128x128xf32, #tpu.memory_space<vmem>>, vector<16xf32>,
      %get3A_658 = arith.index_cast %scan3A_636 : i32 to index
      %get3A_659 = arith.constant 48 : index
      %get3A_660 = tpu.vector_load %arg15[%get3A_658, %get3A_659] {strides = array<i32>} : memref<128x128xf32, #tpu.memory_space<vmem>>, vector<16xf32>,
      %mul3A_661 = arith.mulf %get3A_660, %gather3A : vector<16xf32>
      %swap3A_662 = arith.index_cast %scan3A_636 : i32 to index
      %swap3A_663 = arith.constant 48 : index
      %swap3A_664 = tpu.vector_load %arg15[%swap3A_662, %swap3A_663] {strides = array<i32>} : memref<128x128xf32, #tpu.memory_space<vmem>>, vector<16xf32>,
      tpu.vector_store %arg15[%swap3A_662, %swap3A_663], %mul3A_661 {strides = array<i32>} : memref<128x128xf32, #tpu.memory_space<vmem>>, vector<16xf32>,
      %get3A_665 = arith.index_cast %scan3A_636 : i32 to index
      %get3A_666 = arith.constant 64 : index
      %get3A_667 = tpu.vector_load %arg15[%get3A_665, %get3A_666] {strides = array<i32>} : memref<128x128xf32, #tpu.memory_space<vmem>>, vector<16xf32>,
      %mul3A_668 = arith.mulf %get3A_667, %gather3A : vector<16xf32>
      %swap3A_669 = arith.index_cast %scan3A_636 : i32 to index
      %swap3A_670 = arith.constant 64 : index
      %swap3A_671 = tpu.vector_load %arg15[%swap3A_669, %swap3A_670] {strides = array<i32>} : memref<128x128xf32, #tpu.memory_space<vmem>>, vector<16xf32>,
      tpu.vector_store %arg15[%swap3A_669, %swap3A_670], %mul3A_668 {strides = array<i32>} : memref<128x128xf32, #tpu.memory_space<vmem>>, vector<16xf32>,
      %get3A_672 = arith.index_cast %scan3A_636 : i32 to index
      %get3A_673 = arith.constant 80 : index
      %get3A_674 = tpu.vector_load %arg15[%get3A_672, %get3A_673] {strides = array<i32>} : memref<128x128xf32, #tpu.memory_space<vmem>>, vector<16xf32>,
      %mul3A_675 = arith.mulf %get3A_674, %gather3A : vector<16xf32>
      %swap3A_676 = arith.index_cast %scan3A_636 : i32 to index
      %swap3A_677 = arith.constant 80 : index
      %swap3A_678 = tpu.vector_load %arg15[%swap3A_676, %swap3A_677] {strides = array<i32>} : memref<128x128xf32, #tpu.memory_space<vmem>>, vector<16xf32>,
      tpu.vector_store %arg15[%swap3A_676, %swap3A_677], %mul3A_675 {strides = array<i32>} : memref<128x128xf32, #tpu.memory_space<vmem>>, vector<16xf32>,
      %get3A_679 = arith.index_cast %scan3A_636 : i32 to index
      %get3A_680 = arith.constant 96 : index
      %get3A_681 = tpu.vector_load %arg15[%get3A_679, %get3A_680] {strides = array<i32>} : memref<128x128xf32, #tpu.memory_space<vmem>>, vector<16xf32>,
      %mul3A_682 = arith.mulf %get3A_681, %gather3A : vector<16xf32>
      %swap3A_683 = arith.index_cast %scan3A_636 : i32 to index
      %swap3A_684 = arith.constant 96 : index
      %swap3A_685 = tpu.vector_load %arg15[%swap3A_683, %swap3A_684] {strides = array<i32>} : memref<128x128xf32, #tpu.memory_space<vmem>>, vector<16xf32>,
      tpu.vector_store %arg15[%swap3A_683, %swap3A_684], %mul3A_682 {strides = array<i32>} : memref<128x128xf32, #tpu.memory_space<vmem>>, vector<16xf32>,
      %get3A_686 = arith.index_cast %scan3A_636 : i32 to index
      %get3A_687 = arith.constant 112 : index
      %get3A_688 = tpu.vector_load %arg15[%get3A_686, %get3A_687] {strides = array<i32>} : memref<128x128xf32, #tpu.memory_space<vmem>>, vector<16xf32>,
      %mul3A_689 = arith.mulf %get3A_688, %gather3A : vector<16xf32>
      %swap3A_690 = arith.index_cast %scan3A_636 : i32 to index
      %swap3A_691 = arith.constant 112 : index
      %swap3A_692 = tpu.vector_load %arg15[%swap3A_690, %swap3A_691] {strides = array<i32>} : memref<128x128xf32, #tpu.memory_space<vmem>>, vector<16xf32>,
      tpu.vector_store %arg15[%swap3A_690, %swap3A_691], %mul3A_689 {strides = array<i32>} : memref<128x128xf32, #tpu.memory_space<vmem>>, vector<16xf32>,
    }
    %scan3A_249 = arith.constant 128 : i32
    %dma_start3A_250 = arith.constant 1152 : i32
    %dma_start3A_251 = tpu.memref_slice %arg7[%mul3A_2, %dma_start3A_250] : memref<4096x3328xf32, #tpu.memory_space<hbm>> -> memref<128x128xf32, #tpu.memory_space<hbm>>
    %dma_start3A_252 = arith.constant 1152 : i32
    %dma_start3A_253 = tpu.memref_slice %arg7[%mul3A_2, %dma_start3A_252] : memref<4096x3328xf32, #tpu.memory_space<hbm>> -> memref<128x128xf32, #tpu.memory_space<hbm>>
    tpu.enqueue_dma source(%arg15 : memref<128x128xf32, #tpu.memory_space<vmem>>) target(%dma_start3A_253 : memref<128x128xf32, #tpu.memory_space<hbm>>) target_semaphore(%arg23 : memref<!tpu.dma_semaphore, #tpu.memory_space<semaphore_mem>>)
    %dma_wait3A_254 = arith.constant 1024 : i32
    %dma_wait3A_255 = tpu.memref_slice %arg7[%mul3A_2, %dma_wait3A_254] : memref<4096x3328xf32, #tpu.memory_space<hbm>> -> memref<128x128xf32, #tpu.memory_space<hbm>>
    %dma_wait3A_256 = arith.constant 1024 : i32
    %dma_wait3A_257 = tpu.memref_slice %arg7[%mul3A_2, %dma_wait3A_256] : memref<4096x3328xf32, #tpu.memory_space<hbm>> -> memref<128x128xf32, #tpu.memory_space<hbm>>
    tpu.wait_dma2 semaphore(%arg22 : memref<!tpu.dma_semaphore, #tpu.memory_space<semaphore_mem>>) src(%arg14 : memref<128x128xf32, #tpu.memory_space<vmem>>) dst(%dma_wait3A_257 : memref<128x128xf32, #tpu.memory_space<hbm>>)
    %dma_start3A_258 = arith.constant 1536 : i32
    %dma_start3A_259 = tpu.memref_slice %arg9[%dma_start3A_258] : memref<3328xi32, #tpu.memory_space<vmem>> -> memref<128xi32, #tpu.memory_space<vmem>>
    %dma_start3A_260 = arith.constant 0 : i32
    %dma_start3A_261 = arith.constant 0 : i32
    %dma_start3A_262 = tpu.memref_slice %arg2[%dma_start3A_260, %dma_start3A_261] : memref<26000x128xf32, #tpu.memory_space<hbm>> -> memref<26000x128xf32, #tpu.memory_space<hbm>>
    tpu.enqueue_indirect_dma source(%dma_start3A_262 : memref<26000x128xf32, #tpu.memory_space<hbm>>) target(%arg14 : memref<128x128xf32, #tpu.memory_space<vmem>>) offsets(%dma_start3A_259 : memref<128xi32, #tpu.memory_space<vmem>>) semaphore(%arg18 : memref<!tpu.dma_semaphore, #tpu.memory_space<semaphore_mem>>)
    %dma_wait3A_263 = arith.constant 1280 : i32
    %dma_wait3A_264 = tpu.memref_slice %arg9[%dma_wait3A_263] : memref<3328xi32, #tpu.memory_space<vmem>> -> memref<128xi32, #tpu.memory_space<vmem>>
    %dma_wait3A_265 = arith.constant 0 : i32
    %dma_wait3A_266 = arith.constant 0 : i32
    %dma_wait3A_267 = tpu.memref_slice %arg2[%dma_wait3A_265, %dma_wait3A_266] : memref<26000x128xf32, #tpu.memory_space<hbm>> -> memref<26000x128xf32, #tpu.memory_space<hbm>>
    tpu.wait_indirect_dma semaphore(%arg20 : memref<!tpu.dma_semaphore, #tpu.memory_space<semaphore_mem>>) src(%dma_wait3A_267 : memref<26000x128xf32, #tpu.memory_space<hbm>>) dst(%arg16 : memref<128x128xf32, #tpu.memory_space<vmem>>)
    %scan3A_268 = arith.constant 0 : i32
    %scan3A_269 = arith.constant 0 : i32
    %scan3A_270 = arith.constant 128 : i32
    %scan3A_271 = arith.addi %scan3A_269, %scan3A_270 : i32
    %scan3A_272 = arith.constant 1 : i32
    scf.for %scan3A_636 = %scan3A_269 to %scan3A_271 step %scan3A_272  : i32 {
      %add3A_637 = arith.constant 1280 : i32
      %add3A_638 = arith.addi %add3A_637, %scan3A_636 : i32
      %broadcast_in_dim3A = vector.broadcast %add3A_638 : i32 to vector<16xi32>
      %gather3A = tpu.vector_load_idx %arg13[%broadcast_in_dim3A] : memref<3328xf32, #tpu.memory_space<vmem>>[vector<16xi32>], vector<16xf32>,
      %get3A = arith.index_cast %scan3A_636 : i32 to index
      %get3A_639 = arith.constant 0 : index
      %get3A_640 = tpu.vector_load %arg16[%get3A, %get3A_639] {strides = array<i32>} : memref<128x128xf32, #tpu.memory_space<vmem>>, vector<16xf32>,
      %mul3A_641 = arith.mulf %get3A_640, %gather3A : vector<16xf32>
      %swap3A = arith.index_cast %scan3A_636 : i32 to index
      %swap3A_642 = arith.constant 0 : index
      %swap3A_643 = tpu.vector_load %arg16[%swap3A, %swap3A_642] {strides = array<i32>} : memref<128x128xf32, #tpu.memory_space<vmem>>, vector<16xf32>,
      tpu.vector_store %arg16[%swap3A, %swap3A_642], %mul3A_641 {strides = array<i32>} : memref<128x128xf32, #tpu.memory_space<vmem>>, vector<16xf32>,
      %get3A_644 = arith.index_cast %scan3A_636 : i32 to index
      %get3A_645 = arith.constant 16 : index
      %get3A_646 = tpu.vector_load %arg16[%get3A_644, %get3A_645] {strides = array<i32>} : memref<128x128xf32, #tpu.memory_space<vmem>>, vector<16xf32>,
      %mul3A_647 = arith.mulf %get3A_646, %gather3A : vector<16xf32>
      %swap3A_648 = arith.index_cast %scan3A_636 : i32 to index
      %swap3A_649 = arith.constant 16 : index
      %swap3A_650 = tpu.vector_load %arg16[%swap3A_648, %swap3A_649] {strides = array<i32>} : memref<128x128xf32, #tpu.memory_space<vmem>>, vector<16xf32>,
      tpu.vector_store %arg16[%swap3A_648, %swap3A_649], %mul3A_647 {strides = array<i32>} : memref<128x128xf32, #tpu.memory_space<vmem>>, vector<16xf32>,
      %get3A_651 = arith.index_cast %scan3A_636 : i32 to index
      %get3A_652 = arith.constant 32 : index
      %get3A_653 = tpu.vector_load %arg16[%get3A_651, %get3A_652] {strides = array<i32>} : memref<128x128xf32, #tpu.memory_space<vmem>>, vector<16xf32>,
      %mul3A_654 = arith.mulf %get3A_653, %gather3A : vector<16xf32>
      %swap3A_655 = arith.index_cast %scan3A_636 : i32 to index
      %swap3A_656 = arith.constant 32 : index
      %swap3A_657 = tpu.vector_load %arg16[%swap3A_655, %swap3A_656] {strides = array<i32>} : memref<128x128xf32, #tpu.memory_space<vmem>>, vector<16xf32>,
      tpu.vector_store %arg16[%swap3A_655, %swap3A_656], %mul3A_654 {strides = array<i32>} : memref<128x128xf32, #tpu.memory_space<vmem>>, vector<16xf32>,
      %get3A_658 = arith.index_cast %scan3A_636 : i32 to index
      %get3A_659 = arith.constant 48 : index
      %get3A_660 = tpu.vector_load %arg16[%get3A_658, %get3A_659] {strides = array<i32>} : memref<128x128xf32, #tpu.memory_space<vmem>>, vector<16xf32>,
      %mul3A_661 = arith.mulf %get3A_660, %gather3A : vector<16xf32>
      %swap3A_662 = arith.index_cast %scan3A_636 : i32 to index
      %swap3A_663 = arith.constant 48 : index
      %swap3A_664 = tpu.vector_load %arg16[%swap3A_662, %swap3A_663] {strides = array<i32>} : memref<128x128xf32, #tpu.memory_space<vmem>>, vector<16xf32>,
      tpu.vector_store %arg16[%swap3A_662, %swap3A_663], %mul3A_661 {strides = array<i32>} : memref<128x128xf32, #tpu.memory_space<vmem>>, vector<16xf32>,
      %get3A_665 = arith.index_cast %scan3A_636 : i32 to index
      %get3A_666 = arith.constant 64 : index
      %get3A_667 = tpu.vector_load %arg16[%get3A_665, %get3A_666] {strides = array<i32>} : memref<128x128xf32, #tpu.memory_space<vmem>>, vector<16xf32>,
      %mul3A_668 = arith.mulf %get3A_667, %gather3A : vector<16xf32>
      %swap3A_669 = arith.index_cast %scan3A_636 : i32 to index
      %swap3A_670 = arith.constant 64 : index
      %swap3A_671 = tpu.vector_load %arg16[%swap3A_669, %swap3A_670] {strides = array<i32>} : memref<128x128xf32, #tpu.memory_space<vmem>>, vector<16xf32>,
      tpu.vector_store %arg16[%swap3A_669, %swap3A_670], %mul3A_668 {strides = array<i32>} : memref<128x128xf32, #tpu.memory_space<vmem>>, vector<16xf32>,
      %get3A_672 = arith.index_cast %scan3A_636 : i32 to index
      %get3A_673 = arith.constant 80 : index
      %get3A_674 = tpu.vector_load %arg16[%get3A_672, %get3A_673] {strides = array<i32>} : memref<128x128xf32, #tpu.memory_space<vmem>>, vector<16xf32>,
      %mul3A_675 = arith.mulf %get3A_674, %gather3A : vector<16xf32>
      %swap3A_676 = arith.index_cast %scan3A_636 : i32 to index
      %swap3A_677 = arith.constant 80 : index
      %swap3A_678 = tpu.vector_load %arg16[%swap3A_676, %swap3A_677] {strides = array<i32>} : memref<128x128xf32, #tpu.memory_space<vmem>>, vector<16xf32>,
      tpu.vector_store %arg16[%swap3A_676, %swap3A_677], %mul3A_675 {strides = array<i32>} : memref<128x128xf32, #tpu.memory_space<vmem>>, vector<16xf32>,
      %get3A_679 = arith.index_cast %scan3A_636 : i32 to index
      %get3A_680 = arith.constant 96 : index
      %get3A_681 = tpu.vector_load %arg16[%get3A_679, %get3A_680] {strides = array<i32>} : memref<128x128xf32, #tpu.memory_space<vmem>>, vector<16xf32>,
      %mul3A_682 = arith.mulf %get3A_681, %gather3A : vector<16xf32>
      %swap3A_683 = arith.index_cast %scan3A_636 : i32 to index
      %swap3A_684 = arith.constant 96 : index
      %swap3A_685 = tpu.vector_load %arg16[%swap3A_683, %swap3A_684] {strides = array<i32>} : memref<128x128xf32, #tpu.memory_space<vmem>>, vector<16xf32>,
      tpu.vector_store %arg16[%swap3A_683, %swap3A_684], %mul3A_682 {strides = array<i32>} : memref<128x128xf32, #tpu.memory_space<vmem>>, vector<16xf32>,
      %get3A_686 = arith.index_cast %scan3A_636 : i32 to index
      %get3A_687 = arith.constant 112 : index
      %get3A_688 = tpu.vector_load %arg16[%get3A_686, %get3A_687] {strides = array<i32>} : memref<128x128xf32, #tpu.memory_space<vmem>>, vector<16xf32>,
      %mul3A_689 = arith.mulf %get3A_688, %gather3A : vector<16xf32>
      %swap3A_690 = arith.index_cast %scan3A_636 : i32 to index
      %swap3A_691 = arith.constant 112 : index
      %swap3A_692 = tpu.vector_load %arg16[%swap3A_690, %swap3A_691] {strides = array<i32>} : memref<128x128xf32, #tpu.memory_space<vmem>>, vector<16xf32>,
      tpu.vector_store %arg16[%swap3A_690, %swap3A_691], %mul3A_689 {strides = array<i32>} : memref<128x128xf32, #tpu.memory_space<vmem>>, vector<16xf32>,
    }
    %scan3A_273 = arith.constant 128 : i32
    %dma_start3A_274 = arith.constant 1280 : i32
    %dma_start3A_275 = tpu.memref_slice %arg7[%mul3A_2, %dma_start3A_274] : memref<4096x3328xf32, #tpu.memory_space<hbm>> -> memref<128x128xf32, #tpu.memory_space<hbm>>
    %dma_start3A_276 = arith.constant 1280 : i32
    %dma_start3A_277 = tpu.memref_slice %arg7[%mul3A_2, %dma_start3A_276] : memref<4096x3328xf32, #tpu.memory_space<hbm>> -> memref<128x128xf32, #tpu.memory_space<hbm>>
    tpu.enqueue_dma source(%arg16 : memref<128x128xf32, #tpu.memory_space<vmem>>) target(%dma_start3A_277 : memref<128x128xf32, #tpu.memory_space<hbm>>) target_semaphore(%arg24 : memref<!tpu.dma_semaphore, #tpu.memory_space<semaphore_mem>>)
    %dma_wait3A_278 = arith.constant 1152 : i32
    %dma_wait3A_279 = tpu.memref_slice %arg7[%mul3A_2, %dma_wait3A_278] : memref<4096x3328xf32, #tpu.memory_space<hbm>> -> memref<128x128xf32, #tpu.memory_space<hbm>>
    %dma_wait3A_280 = arith.constant 1152 : i32
    %dma_wait3A_281 = tpu.memref_slice %arg7[%mul3A_2, %dma_wait3A_280] : memref<4096x3328xf32, #tpu.memory_space<hbm>> -> memref<128x128xf32, #tpu.memory_space<hbm>>
    tpu.wait_dma2 semaphore(%arg23 : memref<!tpu.dma_semaphore, #tpu.memory_space<semaphore_mem>>) src(%arg15 : memref<128x128xf32, #tpu.memory_space<vmem>>) dst(%dma_wait3A_281 : memref<128x128xf32, #tpu.memory_space<hbm>>)
    %dma_start3A_282 = arith.constant 1664 : i32
    %dma_start3A_283 = tpu.memref_slice %arg9[%dma_start3A_282] : memref<3328xi32, #tpu.memory_space<vmem>> -> memref<128xi32, #tpu.memory_space<vmem>>
    %dma_start3A_284 = arith.constant 0 : i32
    %dma_start3A_285 = arith.constant 0 : i32
    %dma_start3A_286 = tpu.memref_slice %arg2[%dma_start3A_284, %dma_start3A_285] : memref<26000x128xf32, #tpu.memory_space<hbm>> -> memref<26000x128xf32, #tpu.memory_space<hbm>>
    tpu.enqueue_indirect_dma source(%dma_start3A_286 : memref<26000x128xf32, #tpu.memory_space<hbm>>) target(%arg15 : memref<128x128xf32, #tpu.memory_space<vmem>>) offsets(%dma_start3A_283 : memref<128xi32, #tpu.memory_space<vmem>>) semaphore(%arg19 : memref<!tpu.dma_semaphore, #tpu.memory_space<semaphore_mem>>)
    %dma_wait3A_287 = arith.constant 1408 : i32
    %dma_wait3A_288 = tpu.memref_slice %arg9[%dma_wait3A_287] : memref<3328xi32, #tpu.memory_space<vmem>> -> memref<128xi32, #tpu.memory_space<vmem>>
    %dma_wait3A_289 = arith.constant 0 : i32
    %dma_wait3A_290 = arith.constant 0 : i32
    %dma_wait3A_291 = tpu.memref_slice %arg2[%dma_wait3A_289, %dma_wait3A_290] : memref<26000x128xf32, #tpu.memory_space<hbm>> -> memref<26000x128xf32, #tpu.memory_space<hbm>>
    tpu.wait_indirect_dma semaphore(%arg21 : memref<!tpu.dma_semaphore, #tpu.memory_space<semaphore_mem>>) src(%dma_wait3A_291 : memref<26000x128xf32, #tpu.memory_space<hbm>>) dst(%arg17 : memref<128x128xf32, #tpu.memory_space<vmem>>)
    %scan3A_292 = arith.constant 0 : i32
    %scan3A_293 = arith.constant 0 : i32
    %scan3A_294 = arith.constant 128 : i32
    %scan3A_295 = arith.addi %scan3A_293, %scan3A_294 : i32
    %scan3A_296 = arith.constant 1 : i32
    scf.for %scan3A_636 = %scan3A_293 to %scan3A_295 step %scan3A_296  : i32 {
      %add3A_637 = arith.constant 1408 : i32
      %add3A_638 = arith.addi %add3A_637, %scan3A_636 : i32
      %broadcast_in_dim3A = vector.broadcast %add3A_638 : i32 to vector<16xi32>
      %gather3A = tpu.vector_load_idx %arg13[%broadcast_in_dim3A] : memref<3328xf32, #tpu.memory_space<vmem>>[vector<16xi32>], vector<16xf32>,
      %get3A = arith.index_cast %scan3A_636 : i32 to index
      %get3A_639 = arith.constant 0 : index
      %get3A_640 = tpu.vector_load %arg17[%get3A, %get3A_639] {strides = array<i32>} : memref<128x128xf32, #tpu.memory_space<vmem>>, vector<16xf32>,
      %mul3A_641 = arith.mulf %get3A_640, %gather3A : vector<16xf32>
      %swap3A = arith.index_cast %scan3A_636 : i32 to index
      %swap3A_642 = arith.constant 0 : index
      %swap3A_643 = tpu.vector_load %arg17[%swap3A, %swap3A_642] {strides = array<i32>} : memref<128x128xf32, #tpu.memory_space<vmem>>, vector<16xf32>,
      tpu.vector_store %arg17[%swap3A, %swap3A_642], %mul3A_641 {strides = array<i32>} : memref<128x128xf32, #tpu.memory_space<vmem>>, vector<16xf32>,
      %get3A_644 = arith.index_cast %scan3A_636 : i32 to index
      %get3A_645 = arith.constant 16 : index
      %get3A_646 = tpu.vector_load %arg17[%get3A_644, %get3A_645] {strides = array<i32>} : memref<128x128xf32, #tpu.memory_space<vmem>>, vector<16xf32>,
      %mul3A_647 = arith.mulf %get3A_646, %gather3A : vector<16xf32>
      %swap3A_648 = arith.index_cast %scan3A_636 : i32 to index
      %swap3A_649 = arith.constant 16 : index
      %swap3A_650 = tpu.vector_load %arg17[%swap3A_648, %swap3A_649] {strides = array<i32>} : memref<128x128xf32, #tpu.memory_space<vmem>>, vector<16xf32>,
      tpu.vector_store %arg17[%swap3A_648, %swap3A_649], %mul3A_647 {strides = array<i32>} : memref<128x128xf32, #tpu.memory_space<vmem>>, vector<16xf32>,
      %get3A_651 = arith.index_cast %scan3A_636 : i32 to index
      %get3A_652 = arith.constant 32 : index
      %get3A_653 = tpu.vector_load %arg17[%get3A_651, %get3A_652] {strides = array<i32>} : memref<128x128xf32, #tpu.memory_space<vmem>>, vector<16xf32>,
      %mul3A_654 = arith.mulf %get3A_653, %gather3A : vector<16xf32>
      %swap3A_655 = arith.index_cast %scan3A_636 : i32 to index
      %swap3A_656 = arith.constant 32 : index
      %swap3A_657 = tpu.vector_load %arg17[%swap3A_655, %swap3A_656] {strides = array<i32>} : memref<128x128xf32, #tpu.memory_space<vmem>>, vector<16xf32>,
      tpu.vector_store %arg17[%swap3A_655, %swap3A_656], %mul3A_654 {strides = array<i32>} : memref<128x128xf32, #tpu.memory_space<vmem>>, vector<16xf32>,
      %get3A_658 = arith.index_cast %scan3A_636 : i32 to index
      %get3A_659 = arith.constant 48 : index
      %get3A_660 = tpu.vector_load %arg17[%get3A_658, %get3A_659] {strides = array<i32>} : memref<128x128xf32, #tpu.memory_space<vmem>>, vector<16xf32>,
      %mul3A_661 = arith.mulf %get3A_660, %gather3A : vector<16xf32>
      %swap3A_662 = arith.index_cast %scan3A_636 : i32 to index
      %swap3A_663 = arith.constant 48 : index
      %swap3A_664 = tpu.vector_load %arg17[%swap3A_662, %swap3A_663] {strides = array<i32>} : memref<128x128xf32, #tpu.memory_space<vmem>>, vector<16xf32>,
      tpu.vector_store %arg17[%swap3A_662, %swap3A_663], %mul3A_661 {strides = array<i32>} : memref<128x128xf32, #tpu.memory_space<vmem>>, vector<16xf32>,
      %get3A_665 = arith.index_cast %scan3A_636 : i32 to index
      %get3A_666 = arith.constant 64 : index
      %get3A_667 = tpu.vector_load %arg17[%get3A_665, %get3A_666] {strides = array<i32>} : memref<128x128xf32, #tpu.memory_space<vmem>>, vector<16xf32>,
      %mul3A_668 = arith.mulf %get3A_667, %gather3A : vector<16xf32>
      %swap3A_669 = arith.index_cast %scan3A_636 : i32 to index
      %swap3A_670 = arith.constant 64 : index
      %swap3A_671 = tpu.vector_load %arg17[%swap3A_669, %swap3A_670] {strides = array<i32>} : memref<128x128xf32, #tpu.memory_space<vmem>>, vector<16xf32>,
      tpu.vector_store %arg17[%swap3A_669, %swap3A_670], %mul3A_668 {strides = array<i32>} : memref<128x128xf32, #tpu.memory_space<vmem>>, vector<16xf32>,
      %get3A_672 = arith.index_cast %scan3A_636 : i32 to index
      %get3A_673 = arith.constant 80 : index
      %get3A_674 = tpu.vector_load %arg17[%get3A_672, %get3A_673] {strides = array<i32>} : memref<128x128xf32, #tpu.memory_space<vmem>>, vector<16xf32>,
      %mul3A_675 = arith.mulf %get3A_674, %gather3A : vector<16xf32>
      %swap3A_676 = arith.index_cast %scan3A_636 : i32 to index
      %swap3A_677 = arith.constant 80 : index
      %swap3A_678 = tpu.vector_load %arg17[%swap3A_676, %swap3A_677] {strides = array<i32>} : memref<128x128xf32, #tpu.memory_space<vmem>>, vector<16xf32>,
      tpu.vector_store %arg17[%swap3A_676, %swap3A_677], %mul3A_675 {strides = array<i32>} : memref<128x128xf32, #tpu.memory_space<vmem>>, vector<16xf32>,
      %get3A_679 = arith.index_cast %scan3A_636 : i32 to index
      %get3A_680 = arith.constant 96 : index
      %get3A_681 = tpu.vector_load %arg17[%get3A_679, %get3A_680] {strides = array<i32>} : memref<128x128xf32, #tpu.memory_space<vmem>>, vector<16xf32>,
      %mul3A_682 = arith.mulf %get3A_681, %gather3A : vector<16xf32>
      %swap3A_683 = arith.index_cast %scan3A_636 : i32 to index
      %swap3A_684 = arith.constant 96 : index
      %swap3A_685 = tpu.vector_load %arg17[%swap3A_683, %swap3A_684] {strides = array<i32>} : memref<128x128xf32, #tpu.memory_space<vmem>>, vector<16xf32>,
      tpu.vector_store %arg17[%swap3A_683, %swap3A_684], %mul3A_682 {strides = array<i32>} : memref<128x128xf32, #tpu.memory_space<vmem>>, vector<16xf32>,
      %get3A_686 = arith.index_cast %scan3A_636 : i32 to index
      %get3A_687 = arith.constant 112 : index
      %get3A_688 = tpu.vector_load %arg17[%get3A_686, %get3A_687] {strides = array<i32>} : memref<128x128xf32, #tpu.memory_space<vmem>>, vector<16xf32>,
      %mul3A_689 = arith.mulf %get3A_688, %gather3A : vector<16xf32>
      %swap3A_690 = arith.index_cast %scan3A_636 : i32 to index
      %swap3A_691 = arith.constant 112 : index
      %swap3A_692 = tpu.vector_load %arg17[%swap3A_690, %swap3A_691] {strides = array<i32>} : memref<128x128xf32, #tpu.memory_space<vmem>>, vector<16xf32>,
      tpu.vector_store %arg17[%swap3A_690, %swap3A_691], %mul3A_689 {strides = array<i32>} : memref<128x128xf32, #tpu.memory_space<vmem>>, vector<16xf32>,
    }
    %scan3A_297 = arith.constant 128 : i32
    %dma_start3A_298 = arith.constant 1408 : i32
    %dma_start3A_299 = tpu.memref_slice %arg7[%mul3A_2, %dma_start3A_298] : memref<4096x3328xf32, #tpu.memory_space<hbm>> -> memref<128x128xf32, #tpu.memory_space<hbm>>
    %dma_start3A_300 = arith.constant 1408 : i32
    %dma_start3A_301 = tpu.memref_slice %arg7[%mul3A_2, %dma_start3A_300] : memref<4096x3328xf32, #tpu.memory_space<hbm>> -> memref<128x128xf32, #tpu.memory_space<hbm>>
    tpu.enqueue_dma source(%arg17 : memref<128x128xf32, #tpu.memory_space<vmem>>) target(%dma_start3A_301 : memref<128x128xf32, #tpu.memory_space<hbm>>) target_semaphore(%arg25 : memref<!tpu.dma_semaphore, #tpu.memory_space<semaphore_mem>>)
    %dma_wait3A_302 = arith.constant 1280 : i32
    %dma_wait3A_303 = tpu.memref_slice %arg7[%mul3A_2, %dma_wait3A_302] : memref<4096x3328xf32, #tpu.memory_space<hbm>> -> memref<128x128xf32, #tpu.memory_space<hbm>>
    %dma_wait3A_304 = arith.constant 1280 : i32
    %dma_wait3A_305 = tpu.memref_slice %arg7[%mul3A_2, %dma_wait3A_304] : memref<4096x3328xf32, #tpu.memory_space<hbm>> -> memref<128x128xf32, #tpu.memory_space<hbm>>
    tpu.wait_dma2 semaphore(%arg24 : memref<!tpu.dma_semaphore, #tpu.memory_space<semaphore_mem>>) src(%arg16 : memref<128x128xf32, #tpu.memory_space<vmem>>) dst(%dma_wait3A_305 : memref<128x128xf32, #tpu.memory_space<hbm>>)
    %dma_start3A_306 = arith.constant 1792 : i32
    %dma_start3A_307 = tpu.memref_slice %arg9[%dma_start3A_306] : memref<3328xi32, #tpu.memory_space<vmem>> -> memref<128xi32, #tpu.memory_space<vmem>>
    %dma_start3A_308 = arith.constant 0 : i32
    %dma_start3A_309 = arith.constant 0 : i32
    %dma_start3A_310 = tpu.memref_slice %arg2[%dma_start3A_308, %dma_start3A_309] : memref<26000x128xf32, #tpu.memory_space<hbm>> -> memref<26000x128xf32, #tpu.memory_space<hbm>>
    tpu.enqueue_indirect_dma source(%dma_start3A_310 : memref<26000x128xf32, #tpu.memory_space<hbm>>) target(%arg16 : memref<128x128xf32, #tpu.memory_space<vmem>>) offsets(%dma_start3A_307 : memref<128xi32, #tpu.memory_space<vmem>>) semaphore(%arg20 : memref<!tpu.dma_semaphore, #tpu.memory_space<semaphore_mem>>)
    %dma_wait3A_311 = arith.constant 1536 : i32
    %dma_wait3A_312 = tpu.memref_slice %arg9[%dma_wait3A_311] : memref<3328xi32, #tpu.memory_space<vmem>> -> memref<128xi32, #tpu.memory_space<vmem>>
    %dma_wait3A_313 = arith.constant 0 : i32
    %dma_wait3A_314 = arith.constant 0 : i32
    %dma_wait3A_315 = tpu.memref_slice %arg2[%dma_wait3A_313, %dma_wait3A_314] : memref<26000x128xf32, #tpu.memory_space<hbm>> -> memref<26000x128xf32, #tpu.memory_space<hbm>>
    tpu.wait_indirect_dma semaphore(%arg18 : memref<!tpu.dma_semaphore, #tpu.memory_space<semaphore_mem>>) src(%dma_wait3A_315 : memref<26000x128xf32, #tpu.memory_space<hbm>>) dst(%arg14 : memref<128x128xf32, #tpu.memory_space<vmem>>)
    %scan3A_316 = arith.constant 0 : i32
    %scan3A_317 = arith.constant 0 : i32
    %scan3A_318 = arith.constant 128 : i32
    %scan3A_319 = arith.addi %scan3A_317, %scan3A_318 : i32
    %scan3A_320 = arith.constant 1 : i32
    scf.for %scan3A_636 = %scan3A_317 to %scan3A_319 step %scan3A_320  : i32 {
      %add3A_637 = arith.constant 1536 : i32
      %add3A_638 = arith.addi %add3A_637, %scan3A_636 : i32
      %broadcast_in_dim3A = vector.broadcast %add3A_638 : i32 to vector<16xi32>
      %gather3A = tpu.vector_load_idx %arg13[%broadcast_in_dim3A] : memref<3328xf32, #tpu.memory_space<vmem>>[vector<16xi32>], vector<16xf32>,
      %get3A = arith.index_cast %scan3A_636 : i32 to index
      %get3A_639 = arith.constant 0 : index
      %get3A_640 = tpu.vector_load %arg14[%get3A, %get3A_639] {strides = array<i32>} : memref<128x128xf32, #tpu.memory_space<vmem>>, vector<16xf32>,
      %mul3A_641 = arith.mulf %get3A_640, %gather3A : vector<16xf32>
      %swap3A = arith.index_cast %scan3A_636 : i32 to index
      %swap3A_642 = arith.constant 0 : index
      %swap3A_643 = tpu.vector_load %arg14[%swap3A, %swap3A_642] {strides = array<i32>} : memref<128x128xf32, #tpu.memory_space<vmem>>, vector<16xf32>,
      tpu.vector_store %arg14[%swap3A, %swap3A_642], %mul3A_641 {strides = array<i32>} : memref<128x128xf32, #tpu.memory_space<vmem>>, vector<16xf32>,
      %get3A_644 = arith.index_cast %scan3A_636 : i32 to index
      %get3A_645 = arith.constant 16 : index
      %get3A_646 = tpu.vector_load %arg14[%get3A_644, %get3A_645] {strides = array<i32>} : memref<128x128xf32, #tpu.memory_space<vmem>>, vector<16xf32>,
      %mul3A_647 = arith.mulf %get3A_646, %gather3A : vector<16xf32>
      %swap3A_648 = arith.index_cast %scan3A_636 : i32 to index
      %swap3A_649 = arith.constant 16 : index
      %swap3A_650 = tpu.vector_load %arg14[%swap3A_648, %swap3A_649] {strides = array<i32>} : memref<128x128xf32, #tpu.memory_space<vmem>>, vector<16xf32>,
      tpu.vector_store %arg14[%swap3A_648, %swap3A_649], %mul3A_647 {strides = array<i32>} : memref<128x128xf32, #tpu.memory_space<vmem>>, vector<16xf32>,
      %get3A_651 = arith.index_cast %scan3A_636 : i32 to index
      %get3A_652 = arith.constant 32 : index
      %get3A_653 = tpu.vector_load %arg14[%get3A_651, %get3A_652] {strides = array<i32>} : memref<128x128xf32, #tpu.memory_space<vmem>>, vector<16xf32>,
      %mul3A_654 = arith.mulf %get3A_653, %gather3A : vector<16xf32>
      %swap3A_655 = arith.index_cast %scan3A_636 : i32 to index
      %swap3A_656 = arith.constant 32 : index
      %swap3A_657 = tpu.vector_load %arg14[%swap3A_655, %swap3A_656] {strides = array<i32>} : memref<128x128xf32, #tpu.memory_space<vmem>>, vector<16xf32>,
      tpu.vector_store %arg14[%swap3A_655, %swap3A_656], %mul3A_654 {strides = array<i32>} : memref<128x128xf32, #tpu.memory_space<vmem>>, vector<16xf32>,
      %get3A_658 = arith.index_cast %scan3A_636 : i32 to index
      %get3A_659 = arith.constant 48 : index
      %get3A_660 = tpu.vector_load %arg14[%get3A_658, %get3A_659] {strides = array<i32>} : memref<128x128xf32, #tpu.memory_space<vmem>>, vector<16xf32>,
      %mul3A_661 = arith.mulf %get3A_660, %gather3A : vector<16xf32>
      %swap3A_662 = arith.index_cast %scan3A_636 : i32 to index
      %swap3A_663 = arith.constant 48 : index
      %swap3A_664 = tpu.vector_load %arg14[%swap3A_662, %swap3A_663] {strides = array<i32>} : memref<128x128xf32, #tpu.memory_space<vmem>>, vector<16xf32>,
      tpu.vector_store %arg14[%swap3A_662, %swap3A_663], %mul3A_661 {strides = array<i32>} : memref<128x128xf32, #tpu.memory_space<vmem>>, vector<16xf32>,
      %get3A_665 = arith.index_cast %scan3A_636 : i32 to index
      %get3A_666 = arith.constant 64 : index
      %get3A_667 = tpu.vector_load %arg14[%get3A_665, %get3A_666] {strides = array<i32>} : memref<128x128xf32, #tpu.memory_space<vmem>>, vector<16xf32>,
      %mul3A_668 = arith.mulf %get3A_667, %gather3A : vector<16xf32>
      %swap3A_669 = arith.index_cast %scan3A_636 : i32 to index
      %swap3A_670 = arith.constant 64 : index
      %swap3A_671 = tpu.vector_load %arg14[%swap3A_669, %swap3A_670] {strides = array<i32>} : memref<128x128xf32, #tpu.memory_space<vmem>>, vector<16xf32>,
      tpu.vector_store %arg14[%swap3A_669, %swap3A_670], %mul3A_668 {strides = array<i32>} : memref<128x128xf32, #tpu.memory_space<vmem>>, vector<16xf32>,
      %get3A_672 = arith.index_cast %scan3A_636 : i32 to index
      %get3A_673 = arith.constant 80 : index
      %get3A_674 = tpu.vector_load %arg14[%get3A_672, %get3A_673] {strides = array<i32>} : memref<128x128xf32, #tpu.memory_space<vmem>>, vector<16xf32>,
      %mul3A_675 = arith.mulf %get3A_674, %gather3A : vector<16xf32>
      %swap3A_676 = arith.index_cast %scan3A_636 : i32 to index
      %swap3A_677 = arith.constant 80 : index
      %swap3A_678 = tpu.vector_load %arg14[%swap3A_676, %swap3A_677] {strides = array<i32>} : memref<128x128xf32, #tpu.memory_space<vmem>>, vector<16xf32>,
      tpu.vector_store %arg14[%swap3A_676, %swap3A_677], %mul3A_675 {strides = array<i32>} : memref<128x128xf32, #tpu.memory_space<vmem>>, vector<16xf32>,
      %get3A_679 = arith.index_cast %scan3A_636 : i32 to index
      %get3A_680 = arith.constant 96 : index
      %get3A_681 = tpu.vector_load %arg14[%get3A_679, %get3A_680] {strides = array<i32>} : memref<128x128xf32, #tpu.memory_space<vmem>>, vector<16xf32>,
      %mul3A_682 = arith.mulf %get3A_681, %gather3A : vector<16xf32>
      %swap3A_683 = arith.index_cast %scan3A_636 : i32 to index
      %swap3A_684 = arith.constant 96 : index
      %swap3A_685 = tpu.vector_load %arg14[%swap3A_683, %swap3A_684] {strides = array<i32>} : memref<128x128xf32, #tpu.memory_space<vmem>>, vector<16xf32>,
      tpu.vector_store %arg14[%swap3A_683, %swap3A_684], %mul3A_682 {strides = array<i32>} : memref<128x128xf32, #tpu.memory_space<vmem>>, vector<16xf32>,
      %get3A_686 = arith.index_cast %scan3A_636 : i32 to index
      %get3A_687 = arith.constant 112 : index
      %get3A_688 = tpu.vector_load %arg14[%get3A_686, %get3A_687] {strides = array<i32>} : memref<128x128xf32, #tpu.memory_space<vmem>>, vector<16xf32>,
      %mul3A_689 = arith.mulf %get3A_688, %gather3A : vector<16xf32>
      %swap3A_690 = arith.index_cast %scan3A_636 : i32 to index
      %swap3A_691 = arith.constant 112 : index
      %swap3A_692 = tpu.vector_load %arg14[%swap3A_690, %swap3A_691] {strides = array<i32>} : memref<128x128xf32, #tpu.memory_space<vmem>>, vector<16xf32>,
      tpu.vector_store %arg14[%swap3A_690, %swap3A_691], %mul3A_689 {strides = array<i32>} : memref<128x128xf32, #tpu.memory_space<vmem>>, vector<16xf32>,
    }
    %scan3A_321 = arith.constant 128 : i32
    %dma_start3A_322 = arith.constant 1536 : i32
    %dma_start3A_323 = tpu.memref_slice %arg7[%mul3A_2, %dma_start3A_322] : memref<4096x3328xf32, #tpu.memory_space<hbm>> -> memref<128x128xf32, #tpu.memory_space<hbm>>
    %dma_start3A_324 = arith.constant 1536 : i32
    %dma_start3A_325 = tpu.memref_slice %arg7[%mul3A_2, %dma_start3A_324] : memref<4096x3328xf32, #tpu.memory_space<hbm>> -> memref<128x128xf32, #tpu.memory_space<hbm>>
    tpu.enqueue_dma source(%arg14 : memref<128x128xf32, #tpu.memory_space<vmem>>) target(%dma_start3A_325 : memref<128x128xf32, #tpu.memory_space<hbm>>) target_semaphore(%arg22 : memref<!tpu.dma_semaphore, #tpu.memory_space<semaphore_mem>>)
    %dma_wait3A_326 = arith.constant 1408 : i32
    %dma_wait3A_327 = tpu.memref_slice %arg7[%mul3A_2, %dma_wait3A_326] : memref<4096x3328xf32, #tpu.memory_space<hbm>> -> memref<128x128xf32, #tpu.memory_space<hbm>>
    %dma_wait3A_328 = arith.constant 1408 : i32
    %dma_wait3A_329 = tpu.memref_slice %arg7[%mul3A_2, %dma_wait3A_328] : memref<4096x3328xf32, #tpu.memory_space<hbm>> -> memref<128x128xf32, #tpu.memory_space<hbm>>
    tpu.wait_dma2 semaphore(%arg25 : memref<!tpu.dma_semaphore, #tpu.memory_space<semaphore_mem>>) src(%arg17 : memref<128x128xf32, #tpu.memory_space<vmem>>) dst(%dma_wait3A_329 : memref<128x128xf32, #tpu.memory_space<hbm>>)
    %dma_start3A_330 = arith.constant 1920 : i32
    %dma_start3A_331 = tpu.memref_slice %arg9[%dma_start3A_330] : memref<3328xi32, #tpu.memory_space<vmem>> -> memref<128xi32, #tpu.memory_space<vmem>>
    %dma_start3A_332 = arith.constant 0 : i32
    %dma_start3A_333 = arith.constant 0 : i32
    %dma_start3A_334 = tpu.memref_slice %arg2[%dma_start3A_332, %dma_start3A_333] : memref<26000x128xf32, #tpu.memory_space<hbm>> -> memref<26000x128xf32, #tpu.memory_space<hbm>>
    tpu.enqueue_indirect_dma source(%dma_start3A_334 : memref<26000x128xf32, #tpu.memory_space<hbm>>) target(%arg17 : memref<128x128xf32, #tpu.memory_space<vmem>>) offsets(%dma_start3A_331 : memref<128xi32, #tpu.memory_space<vmem>>) semaphore(%arg21 : memref<!tpu.dma_semaphore, #tpu.memory_space<semaphore_mem>>)
    %dma_wait3A_335 = arith.constant 1664 : i32
    %dma_wait3A_336 = tpu.memref_slice %arg9[%dma_wait3A_335] : memref<3328xi32, #tpu.memory_space<vmem>> -> memref<128xi32, #tpu.memory_space<vmem>>
    %dma_wait3A_337 = arith.constant 0 : i32
    %dma_wait3A_338 = arith.constant 0 : i32
    %dma_wait3A_339 = tpu.memref_slice %arg2[%dma_wait3A_337, %dma_wait3A_338] : memref<26000x128xf32, #tpu.memory_space<hbm>> -> memref<26000x128xf32, #tpu.memory_space<hbm>>
    tpu.wait_indirect_dma semaphore(%arg19 : memref<!tpu.dma_semaphore, #tpu.memory_space<semaphore_mem>>) src(%dma_wait3A_339 : memref<26000x128xf32, #tpu.memory_space<hbm>>) dst(%arg15 : memref<128x128xf32, #tpu.memory_space<vmem>>)
    %scan3A_340 = arith.constant 0 : i32
    %scan3A_341 = arith.constant 0 : i32
    %scan3A_342 = arith.constant 128 : i32
    %scan3A_343 = arith.addi %scan3A_341, %scan3A_342 : i32
    %scan3A_344 = arith.constant 1 : i32
    scf.for %scan3A_636 = %scan3A_341 to %scan3A_343 step %scan3A_344  : i32 {
      %add3A_637 = arith.constant 1664 : i32
      %add3A_638 = arith.addi %add3A_637, %scan3A_636 : i32
      %broadcast_in_dim3A = vector.broadcast %add3A_638 : i32 to vector<16xi32>
      %gather3A = tpu.vector_load_idx %arg13[%broadcast_in_dim3A] : memref<3328xf32, #tpu.memory_space<vmem>>[vector<16xi32>], vector<16xf32>,
      %get3A = arith.index_cast %scan3A_636 : i32 to index
      %get3A_639 = arith.constant 0 : index
      %get3A_640 = tpu.vector_load %arg15[%get3A, %get3A_639] {strides = array<i32>} : memref<128x128xf32, #tpu.memory_space<vmem>>, vector<16xf32>,
      %mul3A_641 = arith.mulf %get3A_640, %gather3A : vector<16xf32>
      %swap3A = arith.index_cast %scan3A_636 : i32 to index
      %swap3A_642 = arith.constant 0 : index
      %swap3A_643 = tpu.vector_load %arg15[%swap3A, %swap3A_642] {strides = array<i32>} : memref<128x128xf32, #tpu.memory_space<vmem>>, vector<16xf32>,
      tpu.vector_store %arg15[%swap3A, %swap3A_642], %mul3A_641 {strides = array<i32>} : memref<128x128xf32, #tpu.memory_space<vmem>>, vector<16xf32>,
      %get3A_644 = arith.index_cast %scan3A_636 : i32 to index
      %get3A_645 = arith.constant 16 : index
      %get3A_646 = tpu.vector_load %arg15[%get3A_644, %get3A_645] {strides = array<i32>} : memref<128x128xf32, #tpu.memory_space<vmem>>, vector<16xf32>,
      %mul3A_647 = arith.mulf %get3A_646, %gather3A : vector<16xf32>
      %swap3A_648 = arith.index_cast %scan3A_636 : i32 to index
      %swap3A_649 = arith.constant 16 : index
      %swap3A_650 = tpu.vector_load %arg15[%swap3A_648, %swap3A_649] {strides = array<i32>} : memref<128x128xf32, #tpu.memory_space<vmem>>, vector<16xf32>,
      tpu.vector_store %arg15[%swap3A_648, %swap3A_649], %mul3A_647 {strides = array<i32>} : memref<128x128xf32, #tpu.memory_space<vmem>>, vector<16xf32>,
      %get3A_651 = arith.index_cast %scan3A_636 : i32 to index
      %get3A_652 = arith.constant 32 : index
      %get3A_653 = tpu.vector_load %arg15[%get3A_651, %get3A_652] {strides = array<i32>} : memref<128x128xf32, #tpu.memory_space<vmem>>, vector<16xf32>,
      %mul3A_654 = arith.mulf %get3A_653, %gather3A : vector<16xf32>
      %swap3A_655 = arith.index_cast %scan3A_636 : i32 to index
      %swap3A_656 = arith.constant 32 : index
      %swap3A_657 = tpu.vector_load %arg15[%swap3A_655, %swap3A_656] {strides = array<i32>} : memref<128x128xf32, #tpu.memory_space<vmem>>, vector<16xf32>,
      tpu.vector_store %arg15[%swap3A_655, %swap3A_656], %mul3A_654 {strides = array<i32>} : memref<128x128xf32, #tpu.memory_space<vmem>>, vector<16xf32>,
      %get3A_658 = arith.index_cast %scan3A_636 : i32 to index
      %get3A_659 = arith.constant 48 : index
      %get3A_660 = tpu.vector_load %arg15[%get3A_658, %get3A_659] {strides = array<i32>} : memref<128x128xf32, #tpu.memory_space<vmem>>, vector<16xf32>,
      %mul3A_661 = arith.mulf %get3A_660, %gather3A : vector<16xf32>
      %swap3A_662 = arith.index_cast %scan3A_636 : i32 to index
      %swap3A_663 = arith.constant 48 : index
      %swap3A_664 = tpu.vector_load %arg15[%swap3A_662, %swap3A_663] {strides = array<i32>} : memref<128x128xf32, #tpu.memory_space<vmem>>, vector<16xf32>,
      tpu.vector_store %arg15[%swap3A_662, %swap3A_663], %mul3A_661 {strides = array<i32>} : memref<128x128xf32, #tpu.memory_space<vmem>>, vector<16xf32>,
      %get3A_665 = arith.index_cast %scan3A_636 : i32 to index
      %get3A_666 = arith.constant 64 : index
      %get3A_667 = tpu.vector_load %arg15[%get3A_665, %get3A_666] {strides = array<i32>} : memref<128x128xf32, #tpu.memory_space<vmem>>, vector<16xf32>,
      %mul3A_668 = arith.mulf %get3A_667, %gather3A : vector<16xf32>
      %swap3A_669 = arith.index_cast %scan3A_636 : i32 to index
      %swap3A_670 = arith.constant 64 : index
      %swap3A_671 = tpu.vector_load %arg15[%swap3A_669, %swap3A_670] {strides = array<i32>} : memref<128x128xf32, #tpu.memory_space<vmem>>, vector<16xf32>,
      tpu.vector_store %arg15[%swap3A_669, %swap3A_670], %mul3A_668 {strides = array<i32>} : memref<128x128xf32, #tpu.memory_space<vmem>>, vector<16xf32>,
      %get3A_672 = arith.index_cast %scan3A_636 : i32 to index
      %get3A_673 = arith.constant 80 : index
      %get3A_674 = tpu.vector_load %arg15[%get3A_672, %get3A_673] {strides = array<i32>} : memref<128x128xf32, #tpu.memory_space<vmem>>, vector<16xf32>,
      %mul3A_675 = arith.mulf %get3A_674, %gather3A : vector<16xf32>
      %swap3A_676 = arith.index_cast %scan3A_636 : i32 to index
      %swap3A_677 = arith.constant 80 : index
      %swap3A_678 = tpu.vector_load %arg15[%swap3A_676, %swap3A_677] {strides = array<i32>} : memref<128x128xf32, #tpu.memory_space<vmem>>, vector<16xf32>,
      tpu.vector_store %arg15[%swap3A_676, %swap3A_677], %mul3A_675 {strides = array<i32>} : memref<128x128xf32, #tpu.memory_space<vmem>>, vector<16xf32>,
      %get3A_679 = arith.index_cast %scan3A_636 : i32 to index
      %get3A_680 = arith.constant 96 : index
      %get3A_681 = tpu.vector_load %arg15[%get3A_679, %get3A_680] {strides = array<i32>} : memref<128x128xf32, #tpu.memory_space<vmem>>, vector<16xf32>,
      %mul3A_682 = arith.mulf %get3A_681, %gather3A : vector<16xf32>
      %swap3A_683 = arith.index_cast %scan3A_636 : i32 to index
      %swap3A_684 = arith.constant 96 : index
      %swap3A_685 = tpu.vector_load %arg15[%swap3A_683, %swap3A_684] {strides = array<i32>} : memref<128x128xf32, #tpu.memory_space<vmem>>, vector<16xf32>,
      tpu.vector_store %arg15[%swap3A_683, %swap3A_684], %mul3A_682 {strides = array<i32>} : memref<128x128xf32, #tpu.memory_space<vmem>>, vector<16xf32>,
      %get3A_686 = arith.index_cast %scan3A_636 : i32 to index
      %get3A_687 = arith.constant 112 : index
      %get3A_688 = tpu.vector_load %arg15[%get3A_686, %get3A_687] {strides = array<i32>} : memref<128x128xf32, #tpu.memory_space<vmem>>, vector<16xf32>,
      %mul3A_689 = arith.mulf %get3A_688, %gather3A : vector<16xf32>
      %swap3A_690 = arith.index_cast %scan3A_636 : i32 to index
      %swap3A_691 = arith.constant 112 : index
      %swap3A_692 = tpu.vector_load %arg15[%swap3A_690, %swap3A_691] {strides = array<i32>} : memref<128x128xf32, #tpu.memory_space<vmem>>, vector<16xf32>,
      tpu.vector_store %arg15[%swap3A_690, %swap3A_691], %mul3A_689 {strides = array<i32>} : memref<128x128xf32, #tpu.memory_space<vmem>>, vector<16xf32>,
    }
    %scan3A_345 = arith.constant 128 : i32
    %dma_start3A_346 = arith.constant 1664 : i32
    %dma_start3A_347 = tpu.memref_slice %arg7[%mul3A_2, %dma_start3A_346] : memref<4096x3328xf32, #tpu.memory_space<hbm>> -> memref<128x128xf32, #tpu.memory_space<hbm>>
    %dma_start3A_348 = arith.constant 1664 : i32
    %dma_start3A_349 = tpu.memref_slice %arg7[%mul3A_2, %dma_start3A_348] : memref<4096x3328xf32, #tpu.memory_space<hbm>> -> memref<128x128xf32, #tpu.memory_space<hbm>>
    tpu.enqueue_dma source(%arg15 : memref<128x128xf32, #tpu.memory_space<vmem>>) target(%dma_start3A_349 : memref<128x128xf32, #tpu.memory_space<hbm>>) target_semaphore(%arg23 : memref<!tpu.dma_semaphore, #tpu.memory_space<semaphore_mem>>)
    %dma_wait3A_350 = arith.constant 1536 : i32
    %dma_wait3A_351 = tpu.memref_slice %arg7[%mul3A_2, %dma_wait3A_350] : memref<4096x3328xf32, #tpu.memory_space<hbm>> -> memref<128x128xf32, #tpu.memory_space<hbm>>
    %dma_wait3A_352 = arith.constant 1536 : i32
    %dma_wait3A_353 = tpu.memref_slice %arg7[%mul3A_2, %dma_wait3A_352] : memref<4096x3328xf32, #tpu.memory_space<hbm>> -> memref<128x128xf32, #tpu.memory_space<hbm>>
    tpu.wait_dma2 semaphore(%arg22 : memref<!tpu.dma_semaphore, #tpu.memory_space<semaphore_mem>>) src(%arg14 : memref<128x128xf32, #tpu.memory_space<vmem>>) dst(%dma_wait3A_353 : memref<128x128xf32, #tpu.memory_space<hbm>>)
    %dma_start3A_354 = arith.constant 2048 : i32
    %dma_start3A_355 = tpu.memref_slice %arg9[%dma_start3A_354] : memref<3328xi32, #tpu.memory_space<vmem>> -> memref<128xi32, #tpu.memory_space<vmem>>
    %dma_start3A_356 = arith.constant 0 : i32
    %dma_start3A_357 = arith.constant 0 : i32
    %dma_start3A_358 = tpu.memref_slice %arg2[%dma_start3A_356, %dma_start3A_357] : memref<26000x128xf32, #tpu.memory_space<hbm>> -> memref<26000x128xf32, #tpu.memory_space<hbm>>
    tpu.enqueue_indirect_dma source(%dma_start3A_358 : memref<26000x128xf32, #tpu.memory_space<hbm>>) target(%arg14 : memref<128x128xf32, #tpu.memory_space<vmem>>) offsets(%dma_start3A_355 : memref<128xi32, #tpu.memory_space<vmem>>) semaphore(%arg18 : memref<!tpu.dma_semaphore, #tpu.memory_space<semaphore_mem>>)
    %dma_wait3A_359 = arith.constant 1792 : i32
    %dma_wait3A_360 = tpu.memref_slice %arg9[%dma_wait3A_359] : memref<3328xi32, #tpu.memory_space<vmem>> -> memref<128xi32, #tpu.memory_space<vmem>>
    %dma_wait3A_361 = arith.constant 0 : i32
    %dma_wait3A_362 = arith.constant 0 : i32
    %dma_wait3A_363 = tpu.memref_slice %arg2[%dma_wait3A_361, %dma_wait3A_362] : memref<26000x128xf32, #tpu.memory_space<hbm>> -> memref<26000x128xf32, #tpu.memory_space<hbm>>
    tpu.wait_indirect_dma semaphore(%arg20 : memref<!tpu.dma_semaphore, #tpu.memory_space<semaphore_mem>>) src(%dma_wait3A_363 : memref<26000x128xf32, #tpu.memory_space<hbm>>) dst(%arg16 : memref<128x128xf32, #tpu.memory_space<vmem>>)
    %scan3A_364 = arith.constant 0 : i32
    %scan3A_365 = arith.constant 0 : i32
    %scan3A_366 = arith.constant 128 : i32
    %scan3A_367 = arith.addi %scan3A_365, %scan3A_366 : i32
    %scan3A_368 = arith.constant 1 : i32
    scf.for %scan3A_636 = %scan3A_365 to %scan3A_367 step %scan3A_368  : i32 {
      %add3A_637 = arith.constant 1792 : i32
      %add3A_638 = arith.addi %add3A_637, %scan3A_636 : i32
      %broadcast_in_dim3A = vector.broadcast %add3A_638 : i32 to vector<16xi32>
      %gather3A = tpu.vector_load_idx %arg13[%broadcast_in_dim3A] : memref<3328xf32, #tpu.memory_space<vmem>>[vector<16xi32>], vector<16xf32>,
      %get3A = arith.index_cast %scan3A_636 : i32 to index
      %get3A_639 = arith.constant 0 : index
      %get3A_640 = tpu.vector_load %arg16[%get3A, %get3A_639] {strides = array<i32>} : memref<128x128xf32, #tpu.memory_space<vmem>>, vector<16xf32>,
      %mul3A_641 = arith.mulf %get3A_640, %gather3A : vector<16xf32>
      %swap3A = arith.index_cast %scan3A_636 : i32 to index
      %swap3A_642 = arith.constant 0 : index
      %swap3A_643 = tpu.vector_load %arg16[%swap3A, %swap3A_642] {strides = array<i32>} : memref<128x128xf32, #tpu.memory_space<vmem>>, vector<16xf32>,
      tpu.vector_store %arg16[%swap3A, %swap3A_642], %mul3A_641 {strides = array<i32>} : memref<128x128xf32, #tpu.memory_space<vmem>>, vector<16xf32>,
      %get3A_644 = arith.index_cast %scan3A_636 : i32 to index
      %get3A_645 = arith.constant 16 : index
      %get3A_646 = tpu.vector_load %arg16[%get3A_644, %get3A_645] {strides = array<i32>} : memref<128x128xf32, #tpu.memory_space<vmem>>, vector<16xf32>,
      %mul3A_647 = arith.mulf %get3A_646, %gather3A : vector<16xf32>
      %swap3A_648 = arith.index_cast %scan3A_636 : i32 to index
      %swap3A_649 = arith.constant 16 : index
      %swap3A_650 = tpu.vector_load %arg16[%swap3A_648, %swap3A_649] {strides = array<i32>} : memref<128x128xf32, #tpu.memory_space<vmem>>, vector<16xf32>,
      tpu.vector_store %arg16[%swap3A_648, %swap3A_649], %mul3A_647 {strides = array<i32>} : memref<128x128xf32, #tpu.memory_space<vmem>>, vector<16xf32>,
      %get3A_651 = arith.index_cast %scan3A_636 : i32 to index
      %get3A_652 = arith.constant 32 : index
      %get3A_653 = tpu.vector_load %arg16[%get3A_651, %get3A_652] {strides = array<i32>} : memref<128x128xf32, #tpu.memory_space<vmem>>, vector<16xf32>,
      %mul3A_654 = arith.mulf %get3A_653, %gather3A : vector<16xf32>
      %swap3A_655 = arith.index_cast %scan3A_636 : i32 to index
      %swap3A_656 = arith.constant 32 : index
      %swap3A_657 = tpu.vector_load %arg16[%swap3A_655, %swap3A_656] {strides = array<i32>} : memref<128x128xf32, #tpu.memory_space<vmem>>, vector<16xf32>,
      tpu.vector_store %arg16[%swap3A_655, %swap3A_656], %mul3A_654 {strides = array<i32>} : memref<128x128xf32, #tpu.memory_space<vmem>>, vector<16xf32>,
      %get3A_658 = arith.index_cast %scan3A_636 : i32 to index
      %get3A_659 = arith.constant 48 : index
      %get3A_660 = tpu.vector_load %arg16[%get3A_658, %get3A_659] {strides = array<i32>} : memref<128x128xf32, #tpu.memory_space<vmem>>, vector<16xf32>,
      %mul3A_661 = arith.mulf %get3A_660, %gather3A : vector<16xf32>
      %swap3A_662 = arith.index_cast %scan3A_636 : i32 to index
      %swap3A_663 = arith.constant 48 : index
      %swap3A_664 = tpu.vector_load %arg16[%swap3A_662, %swap3A_663] {strides = array<i32>} : memref<128x128xf32, #tpu.memory_space<vmem>>, vector<16xf32>,
      tpu.vector_store %arg16[%swap3A_662, %swap3A_663], %mul3A_661 {strides = array<i32>} : memref<128x128xf32, #tpu.memory_space<vmem>>, vector<16xf32>,
      %get3A_665 = arith.index_cast %scan3A_636 : i32 to index
      %get3A_666 = arith.constant 64 : index
      %get3A_667 = tpu.vector_load %arg16[%get3A_665, %get3A_666] {strides = array<i32>} : memref<128x128xf32, #tpu.memory_space<vmem>>, vector<16xf32>,
      %mul3A_668 = arith.mulf %get3A_667, %gather3A : vector<16xf32>
      %swap3A_669 = arith.index_cast %scan3A_636 : i32 to index
      %swap3A_670 = arith.constant 64 : index
      %swap3A_671 = tpu.vector_load %arg16[%swap3A_669, %swap3A_670] {strides = array<i32>} : memref<128x128xf32, #tpu.memory_space<vmem>>, vector<16xf32>,
      tpu.vector_store %arg16[%swap3A_669, %swap3A_670], %mul3A_668 {strides = array<i32>} : memref<128x128xf32, #tpu.memory_space<vmem>>, vector<16xf32>,
      %get3A_672 = arith.index_cast %scan3A_636 : i32 to index
      %get3A_673 = arith.constant 80 : index
      %get3A_674 = tpu.vector_load %arg16[%get3A_672, %get3A_673] {strides = array<i32>} : memref<128x128xf32, #tpu.memory_space<vmem>>, vector<16xf32>,
      %mul3A_675 = arith.mulf %get3A_674, %gather3A : vector<16xf32>
      %swap3A_676 = arith.index_cast %scan3A_636 : i32 to index
      %swap3A_677 = arith.constant 80 : index
      %swap3A_678 = tpu.vector_load %arg16[%swap3A_676, %swap3A_677] {strides = array<i32>} : memref<128x128xf32, #tpu.memory_space<vmem>>, vector<16xf32>,
      tpu.vector_store %arg16[%swap3A_676, %swap3A_677], %mul3A_675 {strides = array<i32>} : memref<128x128xf32, #tpu.memory_space<vmem>>, vector<16xf32>,
      %get3A_679 = arith.index_cast %scan3A_636 : i32 to index
      %get3A_680 = arith.constant 96 : index
      %get3A_681 = tpu.vector_load %arg16[%get3A_679, %get3A_680] {strides = array<i32>} : memref<128x128xf32, #tpu.memory_space<vmem>>, vector<16xf32>,
      %mul3A_682 = arith.mulf %get3A_681, %gather3A : vector<16xf32>
      %swap3A_683 = arith.index_cast %scan3A_636 : i32 to index
      %swap3A_684 = arith.constant 96 : index
      %swap3A_685 = tpu.vector_load %arg16[%swap3A_683, %swap3A_684] {strides = array<i32>} : memref<128x128xf32, #tpu.memory_space<vmem>>, vector<16xf32>,
      tpu.vector_store %arg16[%swap3A_683, %swap3A_684], %mul3A_682 {strides = array<i32>} : memref<128x128xf32, #tpu.memory_space<vmem>>, vector<16xf32>,
      %get3A_686 = arith.index_cast %scan3A_636 : i32 to index
      %get3A_687 = arith.constant 112 : index
      %get3A_688 = tpu.vector_load %arg16[%get3A_686, %get3A_687] {strides = array<i32>} : memref<128x128xf32, #tpu.memory_space<vmem>>, vector<16xf32>,
      %mul3A_689 = arith.mulf %get3A_688, %gather3A : vector<16xf32>
      %swap3A_690 = arith.index_cast %scan3A_636 : i32 to index
      %swap3A_691 = arith.constant 112 : index
      %swap3A_692 = tpu.vector_load %arg16[%swap3A_690, %swap3A_691] {strides = array<i32>} : memref<128x128xf32, #tpu.memory_space<vmem>>, vector<16xf32>,
      tpu.vector_store %arg16[%swap3A_690, %swap3A_691], %mul3A_689 {strides = array<i32>} : memref<128x128xf32, #tpu.memory_space<vmem>>, vector<16xf32>,
    }
    %scan3A_369 = arith.constant 128 : i32
    %dma_start3A_370 = arith.constant 1792 : i32
    %dma_start3A_371 = tpu.memref_slice %arg7[%mul3A_2, %dma_start3A_370] : memref<4096x3328xf32, #tpu.memory_space<hbm>> -> memref<128x128xf32, #tpu.memory_space<hbm>>
    %dma_start3A_372 = arith.constant 1792 : i32
    %dma_start3A_373 = tpu.memref_slice %arg7[%mul3A_2, %dma_start3A_372] : memref<4096x3328xf32, #tpu.memory_space<hbm>> -> memref<128x128xf32, #tpu.memory_space<hbm>>
    tpu.enqueue_dma source(%arg16 : memref<128x128xf32, #tpu.memory_space<vmem>>) target(%dma_start3A_373 : memref<128x128xf32, #tpu.memory_space<hbm>>) target_semaphore(%arg24 : memref<!tpu.dma_semaphore, #tpu.memory_space<semaphore_mem>>)
    %dma_wait3A_374 = arith.constant 1664 : i32
    %dma_wait3A_375 = tpu.memref_slice %arg7[%mul3A_2, %dma_wait3A_374] : memref<4096x3328xf32, #tpu.memory_space<hbm>> -> memref<128x128xf32, #tpu.memory_space<hbm>>
    %dma_wait3A_376 = arith.constant 1664 : i32
    %dma_wait3A_377 = tpu.memref_slice %arg7[%mul3A_2, %dma_wait3A_376] : memref<4096x3328xf32, #tpu.memory_space<hbm>> -> memref<128x128xf32, #tpu.memory_space<hbm>>
    tpu.wait_dma2 semaphore(%arg23 : memref<!tpu.dma_semaphore, #tpu.memory_space<semaphore_mem>>) src(%arg15 : memref<128x128xf32, #tpu.memory_space<vmem>>) dst(%dma_wait3A_377 : memref<128x128xf32, #tpu.memory_space<hbm>>)
    %dma_start3A_378 = arith.constant 2176 : i32
    %dma_start3A_379 = tpu.memref_slice %arg9[%dma_start3A_378] : memref<3328xi32, #tpu.memory_space<vmem>> -> memref<128xi32, #tpu.memory_space<vmem>>
    %dma_start3A_380 = arith.constant 0 : i32
    %dma_start3A_381 = arith.constant 0 : i32
    %dma_start3A_382 = tpu.memref_slice %arg2[%dma_start3A_380, %dma_start3A_381] : memref<26000x128xf32, #tpu.memory_space<hbm>> -> memref<26000x128xf32, #tpu.memory_space<hbm>>
    tpu.enqueue_indirect_dma source(%dma_start3A_382 : memref<26000x128xf32, #tpu.memory_space<hbm>>) target(%arg15 : memref<128x128xf32, #tpu.memory_space<vmem>>) offsets(%dma_start3A_379 : memref<128xi32, #tpu.memory_space<vmem>>) semaphore(%arg19 : memref<!tpu.dma_semaphore, #tpu.memory_space<semaphore_mem>>)
    %dma_wait3A_383 = arith.constant 1920 : i32
    %dma_wait3A_384 = tpu.memref_slice %arg9[%dma_wait3A_383] : memref<3328xi32, #tpu.memory_space<vmem>> -> memref<128xi32, #tpu.memory_space<vmem>>
    %dma_wait3A_385 = arith.constant 0 : i32
    %dma_wait3A_386 = arith.constant 0 : i32
    %dma_wait3A_387 = tpu.memref_slice %arg2[%dma_wait3A_385, %dma_wait3A_386] : memref<26000x128xf32, #tpu.memory_space<hbm>> -> memref<26000x128xf32, #tpu.memory_space<hbm>>
    tpu.wait_indirect_dma semaphore(%arg21 : memref<!tpu.dma_semaphore, #tpu.memory_space<semaphore_mem>>) src(%dma_wait3A_387 : memref<26000x128xf32, #tpu.memory_space<hbm>>) dst(%arg17 : memref<128x128xf32, #tpu.memory_space<vmem>>)
    %scan3A_388 = arith.constant 0 : i32
    %scan3A_389 = arith.constant 0 : i32
    %scan3A_390 = arith.constant 128 : i32
    %scan3A_391 = arith.addi %scan3A_389, %scan3A_390 : i32
    %scan3A_392 = arith.constant 1 : i32
    scf.for %scan3A_636 = %scan3A_389 to %scan3A_391 step %scan3A_392  : i32 {
      %add3A_637 = arith.constant 1920 : i32
      %add3A_638 = arith.addi %add3A_637, %scan3A_636 : i32
      %broadcast_in_dim3A = vector.broadcast %add3A_638 : i32 to vector<16xi32>
      %gather3A = tpu.vector_load_idx %arg13[%broadcast_in_dim3A] : memref<3328xf32, #tpu.memory_space<vmem>>[vector<16xi32>], vector<16xf32>,
      %get3A = arith.index_cast %scan3A_636 : i32 to index
      %get3A_639 = arith.constant 0 : index
      %get3A_640 = tpu.vector_load %arg17[%get3A, %get3A_639] {strides = array<i32>} : memref<128x128xf32, #tpu.memory_space<vmem>>, vector<16xf32>,
      %mul3A_641 = arith.mulf %get3A_640, %gather3A : vector<16xf32>
      %swap3A = arith.index_cast %scan3A_636 : i32 to index
      %swap3A_642 = arith.constant 0 : index
      %swap3A_643 = tpu.vector_load %arg17[%swap3A, %swap3A_642] {strides = array<i32>} : memref<128x128xf32, #tpu.memory_space<vmem>>, vector<16xf32>,
      tpu.vector_store %arg17[%swap3A, %swap3A_642], %mul3A_641 {strides = array<i32>} : memref<128x128xf32, #tpu.memory_space<vmem>>, vector<16xf32>,
      %get3A_644 = arith.index_cast %scan3A_636 : i32 to index
      %get3A_645 = arith.constant 16 : index
      %get3A_646 = tpu.vector_load %arg17[%get3A_644, %get3A_645] {strides = array<i32>} : memref<128x128xf32, #tpu.memory_space<vmem>>, vector<16xf32>,
      %mul3A_647 = arith.mulf %get3A_646, %gather3A : vector<16xf32>
      %swap3A_648 = arith.index_cast %scan3A_636 : i32 to index
      %swap3A_649 = arith.constant 16 : index
      %swap3A_650 = tpu.vector_load %arg17[%swap3A_648, %swap3A_649] {strides = array<i32>} : memref<128x128xf32, #tpu.memory_space<vmem>>, vector<16xf32>,
      tpu.vector_store %arg17[%swap3A_648, %swap3A_649], %mul3A_647 {strides = array<i32>} : memref<128x128xf32, #tpu.memory_space<vmem>>, vector<16xf32>,
      %get3A_651 = arith.index_cast %scan3A_636 : i32 to index
      %get3A_652 = arith.constant 32 : index
      %get3A_653 = tpu.vector_load %arg17[%get3A_651, %get3A_652] {strides = array<i32>} : memref<128x128xf32, #tpu.memory_space<vmem>>, vector<16xf32>,
      %mul3A_654 = arith.mulf %get3A_653, %gather3A : vector<16xf32>
      %swap3A_655 = arith.index_cast %scan3A_636 : i32 to index
      %swap3A_656 = arith.constant 32 : index
      %swap3A_657 = tpu.vector_load %arg17[%swap3A_655, %swap3A_656] {strides = array<i32>} : memref<128x128xf32, #tpu.memory_space<vmem>>, vector<16xf32>,
      tpu.vector_store %arg17[%swap3A_655, %swap3A_656], %mul3A_654 {strides = array<i32>} : memref<128x128xf32, #tpu.memory_space<vmem>>, vector<16xf32>,
      %get3A_658 = arith.index_cast %scan3A_636 : i32 to index
      %get3A_659 = arith.constant 48 : index
      %get3A_660 = tpu.vector_load %arg17[%get3A_658, %get3A_659] {strides = array<i32>} : memref<128x128xf32, #tpu.memory_space<vmem>>, vector<16xf32>,
      %mul3A_661 = arith.mulf %get3A_660, %gather3A : vector<16xf32>
      %swap3A_662 = arith.index_cast %scan3A_636 : i32 to index
      %swap3A_663 = arith.constant 48 : index
      %swap3A_664 = tpu.vector_load %arg17[%swap3A_662, %swap3A_663] {strides = array<i32>} : memref<128x128xf32, #tpu.memory_space<vmem>>, vector<16xf32>,
      tpu.vector_store %arg17[%swap3A_662, %swap3A_663], %mul3A_661 {strides = array<i32>} : memref<128x128xf32, #tpu.memory_space<vmem>>, vector<16xf32>,
      %get3A_665 = arith.index_cast %scan3A_636 : i32 to index
      %get3A_666 = arith.constant 64 : index
      %get3A_667 = tpu.vector_load %arg17[%get3A_665, %get3A_666] {strides = array<i32>} : memref<128x128xf32, #tpu.memory_space<vmem>>, vector<16xf32>,
      %mul3A_668 = arith.mulf %get3A_667, %gather3A : vector<16xf32>
      %swap3A_669 = arith.index_cast %scan3A_636 : i32 to index
      %swap3A_670 = arith.constant 64 : index
      %swap3A_671 = tpu.vector_load %arg17[%swap3A_669, %swap3A_670] {strides = array<i32>} : memref<128x128xf32, #tpu.memory_space<vmem>>, vector<16xf32>,
      tpu.vector_store %arg17[%swap3A_669, %swap3A_670], %mul3A_668 {strides = array<i32>} : memref<128x128xf32, #tpu.memory_space<vmem>>, vector<16xf32>,
      %get3A_672 = arith.index_cast %scan3A_636 : i32 to index
      %get3A_673 = arith.constant 80 : index
      %get3A_674 = tpu.vector_load %arg17[%get3A_672, %get3A_673] {strides = array<i32>} : memref<128x128xf32, #tpu.memory_space<vmem>>, vector<16xf32>,
      %mul3A_675 = arith.mulf %get3A_674, %gather3A : vector<16xf32>
      %swap3A_676 = arith.index_cast %scan3A_636 : i32 to index
      %swap3A_677 = arith.constant 80 : index
      %swap3A_678 = tpu.vector_load %arg17[%swap3A_676, %swap3A_677] {strides = array<i32>} : memref<128x128xf32, #tpu.memory_space<vmem>>, vector<16xf32>,
      tpu.vector_store %arg17[%swap3A_676, %swap3A_677], %mul3A_675 {strides = array<i32>} : memref<128x128xf32, #tpu.memory_space<vmem>>, vector<16xf32>,
      %get3A_679 = arith.index_cast %scan3A_636 : i32 to index
      %get3A_680 = arith.constant 96 : index
      %get3A_681 = tpu.vector_load %arg17[%get3A_679, %get3A_680] {strides = array<i32>} : memref<128x128xf32, #tpu.memory_space<vmem>>, vector<16xf32>,
      %mul3A_682 = arith.mulf %get3A_681, %gather3A : vector<16xf32>
      %swap3A_683 = arith.index_cast %scan3A_636 : i32 to index
      %swap3A_684 = arith.constant 96 : index
      %swap3A_685 = tpu.vector_load %arg17[%swap3A_683, %swap3A_684] {strides = array<i32>} : memref<128x128xf32, #tpu.memory_space<vmem>>, vector<16xf32>,
      tpu.vector_store %arg17[%swap3A_683, %swap3A_684], %mul3A_682 {strides = array<i32>} : memref<128x128xf32, #tpu.memory_space<vmem>>, vector<16xf32>,
      %get3A_686 = arith.index_cast %scan3A_636 : i32 to index
      %get3A_687 = arith.constant 112 : index
      %get3A_688 = tpu.vector_load %arg17[%get3A_686, %get3A_687] {strides = array<i32>} : memref<128x128xf32, #tpu.memory_space<vmem>>, vector<16xf32>,
      %mul3A_689 = arith.mulf %get3A_688, %gather3A : vector<16xf32>
      %swap3A_690 = arith.index_cast %scan3A_636 : i32 to index
      %swap3A_691 = arith.constant 112 : index
      %swap3A_692 = tpu.vector_load %arg17[%swap3A_690, %swap3A_691] {strides = array<i32>} : memref<128x128xf32, #tpu.memory_space<vmem>>, vector<16xf32>,
      tpu.vector_store %arg17[%swap3A_690, %swap3A_691], %mul3A_689 {strides = array<i32>} : memref<128x128xf32, #tpu.memory_space<vmem>>, vector<16xf32>,
    }
    %scan3A_393 = arith.constant 128 : i32
    %dma_start3A_394 = arith.constant 1920 : i32
    %dma_start3A_395 = tpu.memref_slice %arg7[%mul3A_2, %dma_start3A_394] : memref<4096x3328xf32, #tpu.memory_space<hbm>> -> memref<128x128xf32, #tpu.memory_space<hbm>>
    %dma_start3A_396 = arith.constant 1920 : i32
    %dma_start3A_397 = tpu.memref_slice %arg7[%mul3A_2, %dma_start3A_396] : memref<4096x3328xf32, #tpu.memory_space<hbm>> -> memref<128x128xf32, #tpu.memory_space<hbm>>
    tpu.enqueue_dma source(%arg17 : memref<128x128xf32, #tpu.memory_space<vmem>>) target(%dma_start3A_397 : memref<128x128xf32, #tpu.memory_space<hbm>>) target_semaphore(%arg25 : memref<!tpu.dma_semaphore, #tpu.memory_space<semaphore_mem>>)
    %dma_wait3A_398 = arith.constant 1792 : i32
    %dma_wait3A_399 = tpu.memref_slice %arg7[%mul3A_2, %dma_wait3A_398] : memref<4096x3328xf32, #tpu.memory_space<hbm>> -> memref<128x128xf32, #tpu.memory_space<hbm>>
    %dma_wait3A_400 = arith.constant 1792 : i32
    %dma_wait3A_401 = tpu.memref_slice %arg7[%mul3A_2, %dma_wait3A_400] : memref<4096x3328xf32, #tpu.memory_space<hbm>> -> memref<128x128xf32, #tpu.memory_space<hbm>>
    tpu.wait_dma2 semaphore(%arg24 : memref<!tpu.dma_semaphore, #tpu.memory_space<semaphore_mem>>) src(%arg16 : memref<128x128xf32, #tpu.memory_space<vmem>>) dst(%dma_wait3A_401 : memref<128x128xf32, #tpu.memory_space<hbm>>)
    %dma_start3A_402 = arith.constant 2304 : i32
    %dma_start3A_403 = tpu.memref_slice %arg9[%dma_start3A_402] : memref<3328xi32, #tpu.memory_space<vmem>> -> memref<128xi32, #tpu.memory_space<vmem>>
    %dma_start3A_404 = arith.constant 0 : i32
    %dma_start3A_405 = arith.constant 0 : i32
    %dma_start3A_406 = tpu.memref_slice %arg2[%dma_start3A_404, %dma_start3A_405] : memref<26000x128xf32, #tpu.memory_space<hbm>> -> memref<26000x128xf32, #tpu.memory_space<hbm>>
    tpu.enqueue_indirect_dma source(%dma_start3A_406 : memref<26000x128xf32, #tpu.memory_space<hbm>>) target(%arg16 : memref<128x128xf32, #tpu.memory_space<vmem>>) offsets(%dma_start3A_403 : memref<128xi32, #tpu.memory_space<vmem>>) semaphore(%arg20 : memref<!tpu.dma_semaphore, #tpu.memory_space<semaphore_mem>>)
    %dma_wait3A_407 = arith.constant 2048 : i32
    %dma_wait3A_408 = tpu.memref_slice %arg9[%dma_wait3A_407] : memref<3328xi32, #tpu.memory_space<vmem>> -> memref<128xi32, #tpu.memory_space<vmem>>
    %dma_wait3A_409 = arith.constant 0 : i32
    %dma_wait3A_410 = arith.constant 0 : i32
    %dma_wait3A_411 = tpu.memref_slice %arg2[%dma_wait3A_409, %dma_wait3A_410] : memref<26000x128xf32, #tpu.memory_space<hbm>> -> memref<26000x128xf32, #tpu.memory_space<hbm>>
    tpu.wait_indirect_dma semaphore(%arg18 : memref<!tpu.dma_semaphore, #tpu.memory_space<semaphore_mem>>) src(%dma_wait3A_411 : memref<26000x128xf32, #tpu.memory_space<hbm>>) dst(%arg14 : memref<128x128xf32, #tpu.memory_space<vmem>>)
    %scan3A_412 = arith.constant 0 : i32
    %scan3A_413 = arith.constant 0 : i32
    %scan3A_414 = arith.constant 128 : i32
    %scan3A_415 = arith.addi %scan3A_413, %scan3A_414 : i32
    %scan3A_416 = arith.constant 1 : i32
    scf.for %scan3A_636 = %scan3A_413 to %scan3A_415 step %scan3A_416  : i32 {
      %add3A_637 = arith.constant 2048 : i32
      %add3A_638 = arith.addi %add3A_637, %scan3A_636 : i32
      %broadcast_in_dim3A = vector.broadcast %add3A_638 : i32 to vector<16xi32>
      %gather3A = tpu.vector_load_idx %arg13[%broadcast_in_dim3A] : memref<3328xf32, #tpu.memory_space<vmem>>[vector<16xi32>], vector<16xf32>,
      %get3A = arith.index_cast %scan3A_636 : i32 to index
      %get3A_639 = arith.constant 0 : index
      %get3A_640 = tpu.vector_load %arg14[%get3A, %get3A_639] {strides = array<i32>} : memref<128x128xf32, #tpu.memory_space<vmem>>, vector<16xf32>,
      %mul3A_641 = arith.mulf %get3A_640, %gather3A : vector<16xf32>
      %swap3A = arith.index_cast %scan3A_636 : i32 to index
      %swap3A_642 = arith.constant 0 : index
      %swap3A_643 = tpu.vector_load %arg14[%swap3A, %swap3A_642] {strides = array<i32>} : memref<128x128xf32, #tpu.memory_space<vmem>>, vector<16xf32>,
      tpu.vector_store %arg14[%swap3A, %swap3A_642], %mul3A_641 {strides = array<i32>} : memref<128x128xf32, #tpu.memory_space<vmem>>, vector<16xf32>,
      %get3A_644 = arith.index_cast %scan3A_636 : i32 to index
      %get3A_645 = arith.constant 16 : index
      %get3A_646 = tpu.vector_load %arg14[%get3A_644, %get3A_645] {strides = array<i32>} : memref<128x128xf32, #tpu.memory_space<vmem>>, vector<16xf32>,
      %mul3A_647 = arith.mulf %get3A_646, %gather3A : vector<16xf32>
      %swap3A_648 = arith.index_cast %scan3A_636 : i32 to index
      %swap3A_649 = arith.constant 16 : index
      %swap3A_650 = tpu.vector_load %arg14[%swap3A_648, %swap3A_649] {strides = array<i32>} : memref<128x128xf32, #tpu.memory_space<vmem>>, vector<16xf32>,
      tpu.vector_store %arg14[%swap3A_648, %swap3A_649], %mul3A_647 {strides = array<i32>} : memref<128x128xf32, #tpu.memory_space<vmem>>, vector<16xf32>,
      %get3A_651 = arith.index_cast %scan3A_636 : i32 to index
      %get3A_652 = arith.constant 32 : index
      %get3A_653 = tpu.vector_load %arg14[%get3A_651, %get3A_652] {strides = array<i32>} : memref<128x128xf32, #tpu.memory_space<vmem>>, vector<16xf32>,
      %mul3A_654 = arith.mulf %get3A_653, %gather3A : vector<16xf32>
      %swap3A_655 = arith.index_cast %scan3A_636 : i32 to index
      %swap3A_656 = arith.constant 32 : index
      %swap3A_657 = tpu.vector_load %arg14[%swap3A_655, %swap3A_656] {strides = array<i32>} : memref<128x128xf32, #tpu.memory_space<vmem>>, vector<16xf32>,
      tpu.vector_store %arg14[%swap3A_655, %swap3A_656], %mul3A_654 {strides = array<i32>} : memref<128x128xf32, #tpu.memory_space<vmem>>, vector<16xf32>,
      %get3A_658 = arith.index_cast %scan3A_636 : i32 to index
      %get3A_659 = arith.constant 48 : index
      %get3A_660 = tpu.vector_load %arg14[%get3A_658, %get3A_659] {strides = array<i32>} : memref<128x128xf32, #tpu.memory_space<vmem>>, vector<16xf32>,
      %mul3A_661 = arith.mulf %get3A_660, %gather3A : vector<16xf32>
      %swap3A_662 = arith.index_cast %scan3A_636 : i32 to index
      %swap3A_663 = arith.constant 48 : index
      %swap3A_664 = tpu.vector_load %arg14[%swap3A_662, %swap3A_663] {strides = array<i32>} : memref<128x128xf32, #tpu.memory_space<vmem>>, vector<16xf32>,
      tpu.vector_store %arg14[%swap3A_662, %swap3A_663], %mul3A_661 {strides = array<i32>} : memref<128x128xf32, #tpu.memory_space<vmem>>, vector<16xf32>,
      %get3A_665 = arith.index_cast %scan3A_636 : i32 to index
      %get3A_666 = arith.constant 64 : index
      %get3A_667 = tpu.vector_load %arg14[%get3A_665, %get3A_666] {strides = array<i32>} : memref<128x128xf32, #tpu.memory_space<vmem>>, vector<16xf32>,
      %mul3A_668 = arith.mulf %get3A_667, %gather3A : vector<16xf32>
      %swap3A_669 = arith.index_cast %scan3A_636 : i32 to index
      %swap3A_670 = arith.constant 64 : index
      %swap3A_671 = tpu.vector_load %arg14[%swap3A_669, %swap3A_670] {strides = array<i32>} : memref<128x128xf32, #tpu.memory_space<vmem>>, vector<16xf32>,
      tpu.vector_store %arg14[%swap3A_669, %swap3A_670], %mul3A_668 {strides = array<i32>} : memref<128x128xf32, #tpu.memory_space<vmem>>, vector<16xf32>,
      %get3A_672 = arith.index_cast %scan3A_636 : i32 to index
      %get3A_673 = arith.constant 80 : index
      %get3A_674 = tpu.vector_load %arg14[%get3A_672, %get3A_673] {strides = array<i32>} : memref<128x128xf32, #tpu.memory_space<vmem>>, vector<16xf32>,
      %mul3A_675 = arith.mulf %get3A_674, %gather3A : vector<16xf32>
      %swap3A_676 = arith.index_cast %scan3A_636 : i32 to index
      %swap3A_677 = arith.constant 80 : index
      %swap3A_678 = tpu.vector_load %arg14[%swap3A_676, %swap3A_677] {strides = array<i32>} : memref<128x128xf32, #tpu.memory_space<vmem>>, vector<16xf32>,
      tpu.vector_store %arg14[%swap3A_676, %swap3A_677], %mul3A_675 {strides = array<i32>} : memref<128x128xf32, #tpu.memory_space<vmem>>, vector<16xf32>,
      %get3A_679 = arith.index_cast %scan3A_636 : i32 to index
      %get3A_680 = arith.constant 96 : index
      %get3A_681 = tpu.vector_load %arg14[%get3A_679, %get3A_680] {strides = array<i32>} : memref<128x128xf32, #tpu.memory_space<vmem>>, vector<16xf32>,
      %mul3A_682 = arith.mulf %get3A_681, %gather3A : vector<16xf32>
      %swap3A_683 = arith.index_cast %scan3A_636 : i32 to index
      %swap3A_684 = arith.constant 96 : index
      %swap3A_685 = tpu.vector_load %arg14[%swap3A_683, %swap3A_684] {strides = array<i32>} : memref<128x128xf32, #tpu.memory_space<vmem>>, vector<16xf32>,
      tpu.vector_store %arg14[%swap3A_683, %swap3A_684], %mul3A_682 {strides = array<i32>} : memref<128x128xf32, #tpu.memory_space<vmem>>, vector<16xf32>,
      %get3A_686 = arith.index_cast %scan3A_636 : i32 to index
      %get3A_687 = arith.constant 112 : index
      %get3A_688 = tpu.vector_load %arg14[%get3A_686, %get3A_687] {strides = array<i32>} : memref<128x128xf32, #tpu.memory_space<vmem>>, vector<16xf32>,
      %mul3A_689 = arith.mulf %get3A_688, %gather3A : vector<16xf32>
      %swap3A_690 = arith.index_cast %scan3A_636 : i32 to index
      %swap3A_691 = arith.constant 112 : index
      %swap3A_692 = tpu.vector_load %arg14[%swap3A_690, %swap3A_691] {strides = array<i32>} : memref<128x128xf32, #tpu.memory_space<vmem>>, vector<16xf32>,
      tpu.vector_store %arg14[%swap3A_690, %swap3A_691], %mul3A_689 {strides = array<i32>} : memref<128x128xf32, #tpu.memory_space<vmem>>, vector<16xf32>,
    }
    %scan3A_417 = arith.constant 128 : i32
    %dma_start3A_418 = arith.constant 2048 : i32
    %dma_start3A_419 = tpu.memref_slice %arg7[%mul3A_2, %dma_start3A_418] : memref<4096x3328xf32, #tpu.memory_space<hbm>> -> memref<128x128xf32, #tpu.memory_space<hbm>>
    %dma_start3A_420 = arith.constant 2048 : i32
    %dma_start3A_421 = tpu.memref_slice %arg7[%mul3A_2, %dma_start3A_420] : memref<4096x3328xf32, #tpu.memory_space<hbm>> -> memref<128x128xf32, #tpu.memory_space<hbm>>
    tpu.enqueue_dma source(%arg14 : memref<128x128xf32, #tpu.memory_space<vmem>>) target(%dma_start3A_421 : memref<128x128xf32, #tpu.memory_space<hbm>>) target_semaphore(%arg22 : memref<!tpu.dma_semaphore, #tpu.memory_space<semaphore_mem>>)
    %dma_wait3A_422 = arith.constant 1920 : i32
    %dma_wait3A_423 = tpu.memref_slice %arg7[%mul3A_2, %dma_wait3A_422] : memref<4096x3328xf32, #tpu.memory_space<hbm>> -> memref<128x128xf32, #tpu.memory_space<hbm>>
    %dma_wait3A_424 = arith.constant 1920 : i32
    %dma_wait3A_425 = tpu.memref_slice %arg7[%mul3A_2, %dma_wait3A_424] : memref<4096x3328xf32, #tpu.memory_space<hbm>> -> memref<128x128xf32, #tpu.memory_space<hbm>>
    tpu.wait_dma2 semaphore(%arg25 : memref<!tpu.dma_semaphore, #tpu.memory_space<semaphore_mem>>) src(%arg17 : memref<128x128xf32, #tpu.memory_space<vmem>>) dst(%dma_wait3A_425 : memref<128x128xf32, #tpu.memory_space<hbm>>)
    %dma_start3A_426 = arith.constant 2432 : i32
    %dma_start3A_427 = tpu.memref_slice %arg9[%dma_start3A_426] : memref<3328xi32, #tpu.memory_space<vmem>> -> memref<128xi32, #tpu.memory_space<vmem>>
    %dma_start3A_428 = arith.constant 0 : i32
    %dma_start3A_429 = arith.constant 0 : i32
    %dma_start3A_430 = tpu.memref_slice %arg2[%dma_start3A_428, %dma_start3A_429] : memref<26000x128xf32, #tpu.memory_space<hbm>> -> memref<26000x128xf32, #tpu.memory_space<hbm>>
    tpu.enqueue_indirect_dma source(%dma_start3A_430 : memref<26000x128xf32, #tpu.memory_space<hbm>>) target(%arg17 : memref<128x128xf32, #tpu.memory_space<vmem>>) offsets(%dma_start3A_427 : memref<128xi32, #tpu.memory_space<vmem>>) semaphore(%arg21 : memref<!tpu.dma_semaphore, #tpu.memory_space<semaphore_mem>>)
    %dma_wait3A_431 = arith.constant 2176 : i32
    %dma_wait3A_432 = tpu.memref_slice %arg9[%dma_wait3A_431] : memref<3328xi32, #tpu.memory_space<vmem>> -> memref<128xi32, #tpu.memory_space<vmem>>
    %dma_wait3A_433 = arith.constant 0 : i32
    %dma_wait3A_434 = arith.constant 0 : i32
    %dma_wait3A_435 = tpu.memref_slice %arg2[%dma_wait3A_433, %dma_wait3A_434] : memref<26000x128xf32, #tpu.memory_space<hbm>> -> memref<26000x128xf32, #tpu.memory_space<hbm>>
    tpu.wait_indirect_dma semaphore(%arg19 : memref<!tpu.dma_semaphore, #tpu.memory_space<semaphore_mem>>) src(%dma_wait3A_435 : memref<26000x128xf32, #tpu.memory_space<hbm>>) dst(%arg15 : memref<128x128xf32, #tpu.memory_space<vmem>>)
    %scan3A_436 = arith.constant 0 : i32
    %scan3A_437 = arith.constant 0 : i32
    %scan3A_438 = arith.constant 128 : i32
    %scan3A_439 = arith.addi %scan3A_437, %scan3A_438 : i32
    %scan3A_440 = arith.constant 1 : i32
    scf.for %scan3A_636 = %scan3A_437 to %scan3A_439 step %scan3A_440  : i32 {
      %add3A_637 = arith.constant 2176 : i32
      %add3A_638 = arith.addi %add3A_637, %scan3A_636 : i32
      %broadcast_in_dim3A = vector.broadcast %add3A_638 : i32 to vector<16xi32>
      %gather3A = tpu.vector_load_idx %arg13[%broadcast_in_dim3A] : memref<3328xf32, #tpu.memory_space<vmem>>[vector<16xi32>], vector<16xf32>,
      %get3A = arith.index_cast %scan3A_636 : i32 to index
      %get3A_639 = arith.constant 0 : index
      %get3A_640 = tpu.vector_load %arg15[%get3A, %get3A_639] {strides = array<i32>} : memref<128x128xf32, #tpu.memory_space<vmem>>, vector<16xf32>,
      %mul3A_641 = arith.mulf %get3A_640, %gather3A : vector<16xf32>
      %swap3A = arith.index_cast %scan3A_636 : i32 to index
      %swap3A_642 = arith.constant 0 : index
      %swap3A_643 = tpu.vector_load %arg15[%swap3A, %swap3A_642] {strides = array<i32>} : memref<128x128xf32, #tpu.memory_space<vmem>>, vector<16xf32>,
      tpu.vector_store %arg15[%swap3A, %swap3A_642], %mul3A_641 {strides = array<i32>} : memref<128x128xf32, #tpu.memory_space<vmem>>, vector<16xf32>,
      %get3A_644 = arith.index_cast %scan3A_636 : i32 to index
      %get3A_645 = arith.constant 16 : index
      %get3A_646 = tpu.vector_load %arg15[%get3A_644, %get3A_645] {strides = array<i32>} : memref<128x128xf32, #tpu.memory_space<vmem>>, vector<16xf32>,
      %mul3A_647 = arith.mulf %get3A_646, %gather3A : vector<16xf32>
      %swap3A_648 = arith.index_cast %scan3A_636 : i32 to index
      %swap3A_649 = arith.constant 16 : index
      %swap3A_650 = tpu.vector_load %arg15[%swap3A_648, %swap3A_649] {strides = array<i32>} : memref<128x128xf32, #tpu.memory_space<vmem>>, vector<16xf32>,
      tpu.vector_store %arg15[%swap3A_648, %swap3A_649], %mul3A_647 {strides = array<i32>} : memref<128x128xf32, #tpu.memory_space<vmem>>, vector<16xf32>,
      %get3A_651 = arith.index_cast %scan3A_636 : i32 to index
      %get3A_652 = arith.constant 32 : index
      %get3A_653 = tpu.vector_load %arg15[%get3A_651, %get3A_652] {strides = array<i32>} : memref<128x128xf32, #tpu.memory_space<vmem>>, vector<16xf32>,
      %mul3A_654 = arith.mulf %get3A_653, %gather3A : vector<16xf32>
      %swap3A_655 = arith.index_cast %scan3A_636 : i32 to index
      %swap3A_656 = arith.constant 32 : index
      %swap3A_657 = tpu.vector_load %arg15[%swap3A_655, %swap3A_656] {strides = array<i32>} : memref<128x128xf32, #tpu.memory_space<vmem>>, vector<16xf32>,
      tpu.vector_store %arg15[%swap3A_655, %swap3A_656], %mul3A_654 {strides = array<i32>} : memref<128x128xf32, #tpu.memory_space<vmem>>, vector<16xf32>,
      %get3A_658 = arith.index_cast %scan3A_636 : i32 to index
      %get3A_659 = arith.constant 48 : index
      %get3A_660 = tpu.vector_load %arg15[%get3A_658, %get3A_659] {strides = array<i32>} : memref<128x128xf32, #tpu.memory_space<vmem>>, vector<16xf32>,
      %mul3A_661 = arith.mulf %get3A_660, %gather3A : vector<16xf32>
      %swap3A_662 = arith.index_cast %scan3A_636 : i32 to index
      %swap3A_663 = arith.constant 48 : index
      %swap3A_664 = tpu.vector_load %arg15[%swap3A_662, %swap3A_663] {strides = array<i32>} : memref<128x128xf32, #tpu.memory_space<vmem>>, vector<16xf32>,
      tpu.vector_store %arg15[%swap3A_662, %swap3A_663], %mul3A_661 {strides = array<i32>} : memref<128x128xf32, #tpu.memory_space<vmem>>, vector<16xf32>,
      %get3A_665 = arith.index_cast %scan3A_636 : i32 to index
      %get3A_666 = arith.constant 64 : index
      %get3A_667 = tpu.vector_load %arg15[%get3A_665, %get3A_666] {strides = array<i32>} : memref<128x128xf32, #tpu.memory_space<vmem>>, vector<16xf32>,
      %mul3A_668 = arith.mulf %get3A_667, %gather3A : vector<16xf32>
      %swap3A_669 = arith.index_cast %scan3A_636 : i32 to index
      %swap3A_670 = arith.constant 64 : index
      %swap3A_671 = tpu.vector_load %arg15[%swap3A_669, %swap3A_670] {strides = array<i32>} : memref<128x128xf32, #tpu.memory_space<vmem>>, vector<16xf32>,
      tpu.vector_store %arg15[%swap3A_669, %swap3A_670], %mul3A_668 {strides = array<i32>} : memref<128x128xf32, #tpu.memory_space<vmem>>, vector<16xf32>,
      %get3A_672 = arith.index_cast %scan3A_636 : i32 to index
      %get3A_673 = arith.constant 80 : index
      %get3A_674 = tpu.vector_load %arg15[%get3A_672, %get3A_673] {strides = array<i32>} : memref<128x128xf32, #tpu.memory_space<vmem>>, vector<16xf32>,
      %mul3A_675 = arith.mulf %get3A_674, %gather3A : vector<16xf32>
      %swap3A_676 = arith.index_cast %scan3A_636 : i32 to index
      %swap3A_677 = arith.constant 80 : index
      %swap3A_678 = tpu.vector_load %arg15[%swap3A_676, %swap3A_677] {strides = array<i32>} : memref<128x128xf32, #tpu.memory_space<vmem>>, vector<16xf32>,
      tpu.vector_store %arg15[%swap3A_676, %swap3A_677], %mul3A_675 {strides = array<i32>} : memref<128x128xf32, #tpu.memory_space<vmem>>, vector<16xf32>,
      %get3A_679 = arith.index_cast %scan3A_636 : i32 to index
      %get3A_680 = arith.constant 96 : index
      %get3A_681 = tpu.vector_load %arg15[%get3A_679, %get3A_680] {strides = array<i32>} : memref<128x128xf32, #tpu.memory_space<vmem>>, vector<16xf32>,
      %mul3A_682 = arith.mulf %get3A_681, %gather3A : vector<16xf32>
      %swap3A_683 = arith.index_cast %scan3A_636 : i32 to index
      %swap3A_684 = arith.constant 96 : index
      %swap3A_685 = tpu.vector_load %arg15[%swap3A_683, %swap3A_684] {strides = array<i32>} : memref<128x128xf32, #tpu.memory_space<vmem>>, vector<16xf32>,
      tpu.vector_store %arg15[%swap3A_683, %swap3A_684], %mul3A_682 {strides = array<i32>} : memref<128x128xf32, #tpu.memory_space<vmem>>, vector<16xf32>,
      %get3A_686 = arith.index_cast %scan3A_636 : i32 to index
      %get3A_687 = arith.constant 112 : index
      %get3A_688 = tpu.vector_load %arg15[%get3A_686, %get3A_687] {strides = array<i32>} : memref<128x128xf32, #tpu.memory_space<vmem>>, vector<16xf32>,
      %mul3A_689 = arith.mulf %get3A_688, %gather3A : vector<16xf32>
      %swap3A_690 = arith.index_cast %scan3A_636 : i32 to index
      %swap3A_691 = arith.constant 112 : index
      %swap3A_692 = tpu.vector_load %arg15[%swap3A_690, %swap3A_691] {strides = array<i32>} : memref<128x128xf32, #tpu.memory_space<vmem>>, vector<16xf32>,
      tpu.vector_store %arg15[%swap3A_690, %swap3A_691], %mul3A_689 {strides = array<i32>} : memref<128x128xf32, #tpu.memory_space<vmem>>, vector<16xf32>,
    }
    %scan3A_441 = arith.constant 128 : i32
    %dma_start3A_442 = arith.constant 2176 : i32
    %dma_start3A_443 = tpu.memref_slice %arg7[%mul3A_2, %dma_start3A_442] : memref<4096x3328xf32, #tpu.memory_space<hbm>> -> memref<128x128xf32, #tpu.memory_space<hbm>>
    %dma_start3A_444 = arith.constant 2176 : i32
    %dma_start3A_445 = tpu.memref_slice %arg7[%mul3A_2, %dma_start3A_444] : memref<4096x3328xf32, #tpu.memory_space<hbm>> -> memref<128x128xf32, #tpu.memory_space<hbm>>
    tpu.enqueue_dma source(%arg15 : memref<128x128xf32, #tpu.memory_space<vmem>>) target(%dma_start3A_445 : memref<128x128xf32, #tpu.memory_space<hbm>>) target_semaphore(%arg23 : memref<!tpu.dma_semaphore, #tpu.memory_space<semaphore_mem>>)
    %dma_wait3A_446 = arith.constant 2048 : i32
    %dma_wait3A_447 = tpu.memref_slice %arg7[%mul3A_2, %dma_wait3A_446] : memref<4096x3328xf32, #tpu.memory_space<hbm>> -> memref<128x128xf32, #tpu.memory_space<hbm>>
    %dma_wait3A_448 = arith.constant 2048 : i32
    %dma_wait3A_449 = tpu.memref_slice %arg7[%mul3A_2, %dma_wait3A_448] : memref<4096x3328xf32, #tpu.memory_space<hbm>> -> memref<128x128xf32, #tpu.memory_space<hbm>>
    tpu.wait_dma2 semaphore(%arg22 : memref<!tpu.dma_semaphore, #tpu.memory_space<semaphore_mem>>) src(%arg14 : memref<128x128xf32, #tpu.memory_space<vmem>>) dst(%dma_wait3A_449 : memref<128x128xf32, #tpu.memory_space<hbm>>)
    %dma_start3A_450 = arith.constant 2560 : i32
    %dma_start3A_451 = tpu.memref_slice %arg9[%dma_start3A_450] : memref<3328xi32, #tpu.memory_space<vmem>> -> memref<128xi32, #tpu.memory_space<vmem>>
    %dma_start3A_452 = arith.constant 0 : i32
    %dma_start3A_453 = arith.constant 0 : i32
    %dma_start3A_454 = tpu.memref_slice %arg2[%dma_start3A_452, %dma_start3A_453] : memref<26000x128xf32, #tpu.memory_space<hbm>> -> memref<26000x128xf32, #tpu.memory_space<hbm>>
    tpu.enqueue_indirect_dma source(%dma_start3A_454 : memref<26000x128xf32, #tpu.memory_space<hbm>>) target(%arg14 : memref<128x128xf32, #tpu.memory_space<vmem>>) offsets(%dma_start3A_451 : memref<128xi32, #tpu.memory_space<vmem>>) semaphore(%arg18 : memref<!tpu.dma_semaphore, #tpu.memory_space<semaphore_mem>>)
    %dma_wait3A_455 = arith.constant 2304 : i32
    %dma_wait3A_456 = tpu.memref_slice %arg9[%dma_wait3A_455] : memref<3328xi32, #tpu.memory_space<vmem>> -> memref<128xi32, #tpu.memory_space<vmem>>
    %dma_wait3A_457 = arith.constant 0 : i32
    %dma_wait3A_458 = arith.constant 0 : i32
    %dma_wait3A_459 = tpu.memref_slice %arg2[%dma_wait3A_457, %dma_wait3A_458] : memref<26000x128xf32, #tpu.memory_space<hbm>> -> memref<26000x128xf32, #tpu.memory_space<hbm>>
    tpu.wait_indirect_dma semaphore(%arg20 : memref<!tpu.dma_semaphore, #tpu.memory_space<semaphore_mem>>) src(%dma_wait3A_459 : memref<26000x128xf32, #tpu.memory_space<hbm>>) dst(%arg16 : memref<128x128xf32, #tpu.memory_space<vmem>>)
    %scan3A_460 = arith.constant 0 : i32
    %scan3A_461 = arith.constant 0 : i32
    %scan3A_462 = arith.constant 128 : i32
    %scan3A_463 = arith.addi %scan3A_461, %scan3A_462 : i32
    %scan3A_464 = arith.constant 1 : i32
    scf.for %scan3A_636 = %scan3A_461 to %scan3A_463 step %scan3A_464  : i32 {
      %add3A_637 = arith.constant 2304 : i32
      %add3A_638 = arith.addi %add3A_637, %scan3A_636 : i32
      %broadcast_in_dim3A = vector.broadcast %add3A_638 : i32 to vector<16xi32>
      %gather3A = tpu.vector_load_idx %arg13[%broadcast_in_dim3A] : memref<3328xf32, #tpu.memory_space<vmem>>[vector<16xi32>], vector<16xf32>,
      %get3A = arith.index_cast %scan3A_636 : i32 to index
      %get3A_639 = arith.constant 0 : index
      %get3A_640 = tpu.vector_load %arg16[%get3A, %get3A_639] {strides = array<i32>} : memref<128x128xf32, #tpu.memory_space<vmem>>, vector<16xf32>,
      %mul3A_641 = arith.mulf %get3A_640, %gather3A : vector<16xf32>
      %swap3A = arith.index_cast %scan3A_636 : i32 to index
      %swap3A_642 = arith.constant 0 : index
      %swap3A_643 = tpu.vector_load %arg16[%swap3A, %swap3A_642] {strides = array<i32>} : memref<128x128xf32, #tpu.memory_space<vmem>>, vector<16xf32>,
      tpu.vector_store %arg16[%swap3A, %swap3A_642], %mul3A_641 {strides = array<i32>} : memref<128x128xf32, #tpu.memory_space<vmem>>, vector<16xf32>,
      %get3A_644 = arith.index_cast %scan3A_636 : i32 to index
      %get3A_645 = arith.constant 16 : index
      %get3A_646 = tpu.vector_load %arg16[%get3A_644, %get3A_645] {strides = array<i32>} : memref<128x128xf32, #tpu.memory_space<vmem>>, vector<16xf32>,
      %mul3A_647 = arith.mulf %get3A_646, %gather3A : vector<16xf32>
      %swap3A_648 = arith.index_cast %scan3A_636 : i32 to index
      %swap3A_649 = arith.constant 16 : index
      %swap3A_650 = tpu.vector_load %arg16[%swap3A_648, %swap3A_649] {strides = array<i32>} : memref<128x128xf32, #tpu.memory_space<vmem>>, vector<16xf32>,
      tpu.vector_store %arg16[%swap3A_648, %swap3A_649], %mul3A_647 {strides = array<i32>} : memref<128x128xf32, #tpu.memory_space<vmem>>, vector<16xf32>,
      %get3A_651 = arith.index_cast %scan3A_636 : i32 to index
      %get3A_652 = arith.constant 32 : index
      %get3A_653 = tpu.vector_load %arg16[%get3A_651, %get3A_652] {strides = array<i32>} : memref<128x128xf32, #tpu.memory_space<vmem>>, vector<16xf32>,
      %mul3A_654 = arith.mulf %get3A_653, %gather3A : vector<16xf32>
      %swap3A_655 = arith.index_cast %scan3A_636 : i32 to index
      %swap3A_656 = arith.constant 32 : index
      %swap3A_657 = tpu.vector_load %arg16[%swap3A_655, %swap3A_656] {strides = array<i32>} : memref<128x128xf32, #tpu.memory_space<vmem>>, vector<16xf32>,
      tpu.vector_store %arg16[%swap3A_655, %swap3A_656], %mul3A_654 {strides = array<i32>} : memref<128x128xf32, #tpu.memory_space<vmem>>, vector<16xf32>,
      %get3A_658 = arith.index_cast %scan3A_636 : i32 to index
      %get3A_659 = arith.constant 48 : index
      %get3A_660 = tpu.vector_load %arg16[%get3A_658, %get3A_659] {strides = array<i32>} : memref<128x128xf32, #tpu.memory_space<vmem>>, vector<16xf32>,
      %mul3A_661 = arith.mulf %get3A_660, %gather3A : vector<16xf32>
      %swap3A_662 = arith.index_cast %scan3A_636 : i32 to index
      %swap3A_663 = arith.constant 48 : index
      %swap3A_664 = tpu.vector_load %arg16[%swap3A_662, %swap3A_663] {strides = array<i32>} : memref<128x128xf32, #tpu.memory_space<vmem>>, vector<16xf32>,
      tpu.vector_store %arg16[%swap3A_662, %swap3A_663], %mul3A_661 {strides = array<i32>} : memref<128x128xf32, #tpu.memory_space<vmem>>, vector<16xf32>,
      %get3A_665 = arith.index_cast %scan3A_636 : i32 to index
      %get3A_666 = arith.constant 64 : index
      %get3A_667 = tpu.vector_load %arg16[%get3A_665, %get3A_666] {strides = array<i32>} : memref<128x128xf32, #tpu.memory_space<vmem>>, vector<16xf32>,
      %mul3A_668 = arith.mulf %get3A_667, %gather3A : vector<16xf32>
      %swap3A_669 = arith.index_cast %scan3A_636 : i32 to index
      %swap3A_670 = arith.constant 64 : index
      %swap3A_671 = tpu.vector_load %arg16[%swap3A_669, %swap3A_670] {strides = array<i32>} : memref<128x128xf32, #tpu.memory_space<vmem>>, vector<16xf32>,
      tpu.vector_store %arg16[%swap3A_669, %swap3A_670], %mul3A_668 {strides = array<i32>} : memref<128x128xf32, #tpu.memory_space<vmem>>, vector<16xf32>,
      %get3A_672 = arith.index_cast %scan3A_636 : i32 to index
      %get3A_673 = arith.constant 80 : index
      %get3A_674 = tpu.vector_load %arg16[%get3A_672, %get3A_673] {strides = array<i32>} : memref<128x128xf32, #tpu.memory_space<vmem>>, vector<16xf32>,
      %mul3A_675 = arith.mulf %get3A_674, %gather3A : vector<16xf32>
      %swap3A_676 = arith.index_cast %scan3A_636 : i32 to index
      %swap3A_677 = arith.constant 80 : index
      %swap3A_678 = tpu.vector_load %arg16[%swap3A_676, %swap3A_677] {strides = array<i32>} : memref<128x128xf32, #tpu.memory_space<vmem>>, vector<16xf32>,
      tpu.vector_store %arg16[%swap3A_676, %swap3A_677], %mul3A_675 {strides = array<i32>} : memref<128x128xf32, #tpu.memory_space<vmem>>, vector<16xf32>,
      %get3A_679 = arith.index_cast %scan3A_636 : i32 to index
      %get3A_680 = arith.constant 96 : index
      %get3A_681 = tpu.vector_load %arg16[%get3A_679, %get3A_680] {strides = array<i32>} : memref<128x128xf32, #tpu.memory_space<vmem>>, vector<16xf32>,
      %mul3A_682 = arith.mulf %get3A_681, %gather3A : vector<16xf32>
      %swap3A_683 = arith.index_cast %scan3A_636 : i32 to index
      %swap3A_684 = arith.constant 96 : index
      %swap3A_685 = tpu.vector_load %arg16[%swap3A_683, %swap3A_684] {strides = array<i32>} : memref<128x128xf32, #tpu.memory_space<vmem>>, vector<16xf32>,
      tpu.vector_store %arg16[%swap3A_683, %swap3A_684], %mul3A_682 {strides = array<i32>} : memref<128x128xf32, #tpu.memory_space<vmem>>, vector<16xf32>,
      %get3A_686 = arith.index_cast %scan3A_636 : i32 to index
      %get3A_687 = arith.constant 112 : index
      %get3A_688 = tpu.vector_load %arg16[%get3A_686, %get3A_687] {strides = array<i32>} : memref<128x128xf32, #tpu.memory_space<vmem>>, vector<16xf32>,
      %mul3A_689 = arith.mulf %get3A_688, %gather3A : vector<16xf32>
      %swap3A_690 = arith.index_cast %scan3A_636 : i32 to index
      %swap3A_691 = arith.constant 112 : index
      %swap3A_692 = tpu.vector_load %arg16[%swap3A_690, %swap3A_691] {strides = array<i32>} : memref<128x128xf32, #tpu.memory_space<vmem>>, vector<16xf32>,
      tpu.vector_store %arg16[%swap3A_690, %swap3A_691], %mul3A_689 {strides = array<i32>} : memref<128x128xf32, #tpu.memory_space<vmem>>, vector<16xf32>,
    }
    %scan3A_465 = arith.constant 128 : i32
    %dma_start3A_466 = arith.constant 2304 : i32
    %dma_start3A_467 = tpu.memref_slice %arg7[%mul3A_2, %dma_start3A_466] : memref<4096x3328xf32, #tpu.memory_space<hbm>> -> memref<128x128xf32, #tpu.memory_space<hbm>>
    %dma_start3A_468 = arith.constant 2304 : i32
    %dma_start3A_469 = tpu.memref_slice %arg7[%mul3A_2, %dma_start3A_468] : memref<4096x3328xf32, #tpu.memory_space<hbm>> -> memref<128x128xf32, #tpu.memory_space<hbm>>
    tpu.enqueue_dma source(%arg16 : memref<128x128xf32, #tpu.memory_space<vmem>>) target(%dma_start3A_469 : memref<128x128xf32, #tpu.memory_space<hbm>>) target_semaphore(%arg24 : memref<!tpu.dma_semaphore, #tpu.memory_space<semaphore_mem>>)
    %dma_wait3A_470 = arith.constant 2176 : i32
    %dma_wait3A_471 = tpu.memref_slice %arg7[%mul3A_2, %dma_wait3A_470] : memref<4096x3328xf32, #tpu.memory_space<hbm>> -> memref<128x128xf32, #tpu.memory_space<hbm>>
    %dma_wait3A_472 = arith.constant 2176 : i32
    %dma_wait3A_473 = tpu.memref_slice %arg7[%mul3A_2, %dma_wait3A_472] : memref<4096x3328xf32, #tpu.memory_space<hbm>> -> memref<128x128xf32, #tpu.memory_space<hbm>>
    tpu.wait_dma2 semaphore(%arg23 : memref<!tpu.dma_semaphore, #tpu.memory_space<semaphore_mem>>) src(%arg15 : memref<128x128xf32, #tpu.memory_space<vmem>>) dst(%dma_wait3A_473 : memref<128x128xf32, #tpu.memory_space<hbm>>)
    %dma_start3A_474 = arith.constant 2688 : i32
    %dma_start3A_475 = tpu.memref_slice %arg9[%dma_start3A_474] : memref<3328xi32, #tpu.memory_space<vmem>> -> memref<128xi32, #tpu.memory_space<vmem>>
    %dma_start3A_476 = arith.constant 0 : i32
    %dma_start3A_477 = arith.constant 0 : i32
    %dma_start3A_478 = tpu.memref_slice %arg2[%dma_start3A_476, %dma_start3A_477] : memref<26000x128xf32, #tpu.memory_space<hbm>> -> memref<26000x128xf32, #tpu.memory_space<hbm>>
    tpu.enqueue_indirect_dma source(%dma_start3A_478 : memref<26000x128xf32, #tpu.memory_space<hbm>>) target(%arg15 : memref<128x128xf32, #tpu.memory_space<vmem>>) offsets(%dma_start3A_475 : memref<128xi32, #tpu.memory_space<vmem>>) semaphore(%arg19 : memref<!tpu.dma_semaphore, #tpu.memory_space<semaphore_mem>>)
    %dma_wait3A_479 = arith.constant 2432 : i32
    %dma_wait3A_480 = tpu.memref_slice %arg9[%dma_wait3A_479] : memref<3328xi32, #tpu.memory_space<vmem>> -> memref<128xi32, #tpu.memory_space<vmem>>
    %dma_wait3A_481 = arith.constant 0 : i32
    %dma_wait3A_482 = arith.constant 0 : i32
    %dma_wait3A_483 = tpu.memref_slice %arg2[%dma_wait3A_481, %dma_wait3A_482] : memref<26000x128xf32, #tpu.memory_space<hbm>> -> memref<26000x128xf32, #tpu.memory_space<hbm>>
    tpu.wait_indirect_dma semaphore(%arg21 : memref<!tpu.dma_semaphore, #tpu.memory_space<semaphore_mem>>) src(%dma_wait3A_483 : memref<26000x128xf32, #tpu.memory_space<hbm>>) dst(%arg17 : memref<128x128xf32, #tpu.memory_space<vmem>>)
    %scan3A_484 = arith.constant 0 : i32
    %scan3A_485 = arith.constant 0 : i32
    %scan3A_486 = arith.constant 128 : i32
    %scan3A_487 = arith.addi %scan3A_485, %scan3A_486 : i32
    %scan3A_488 = arith.constant 1 : i32
    scf.for %scan3A_636 = %scan3A_485 to %scan3A_487 step %scan3A_488  : i32 {
      %add3A_637 = arith.constant 2432 : i32
      %add3A_638 = arith.addi %add3A_637, %scan3A_636 : i32
      %broadcast_in_dim3A = vector.broadcast %add3A_638 : i32 to vector<16xi32>
      %gather3A = tpu.vector_load_idx %arg13[%broadcast_in_dim3A] : memref<3328xf32, #tpu.memory_space<vmem>>[vector<16xi32>], vector<16xf32>,
      %get3A = arith.index_cast %scan3A_636 : i32 to index
      %get3A_639 = arith.constant 0 : index
      %get3A_640 = tpu.vector_load %arg17[%get3A, %get3A_639] {strides = array<i32>} : memref<128x128xf32, #tpu.memory_space<vmem>>, vector<16xf32>,
      %mul3A_641 = arith.mulf %get3A_640, %gather3A : vector<16xf32>
      %swap3A = arith.index_cast %scan3A_636 : i32 to index
      %swap3A_642 = arith.constant 0 : index
      %swap3A_643 = tpu.vector_load %arg17[%swap3A, %swap3A_642] {strides = array<i32>} : memref<128x128xf32, #tpu.memory_space<vmem>>, vector<16xf32>,
      tpu.vector_store %arg17[%swap3A, %swap3A_642], %mul3A_641 {strides = array<i32>} : memref<128x128xf32, #tpu.memory_space<vmem>>, vector<16xf32>,
      %get3A_644 = arith.index_cast %scan3A_636 : i32 to index
      %get3A_645 = arith.constant 16 : index
      %get3A_646 = tpu.vector_load %arg17[%get3A_644, %get3A_645] {strides = array<i32>} : memref<128x128xf32, #tpu.memory_space<vmem>>, vector<16xf32>,
      %mul3A_647 = arith.mulf %get3A_646, %gather3A : vector<16xf32>
      %swap3A_648 = arith.index_cast %scan3A_636 : i32 to index
      %swap3A_649 = arith.constant 16 : index
      %swap3A_650 = tpu.vector_load %arg17[%swap3A_648, %swap3A_649] {strides = array<i32>} : memref<128x128xf32, #tpu.memory_space<vmem>>, vector<16xf32>,
      tpu.vector_store %arg17[%swap3A_648, %swap3A_649], %mul3A_647 {strides = array<i32>} : memref<128x128xf32, #tpu.memory_space<vmem>>, vector<16xf32>,
      %get3A_651 = arith.index_cast %scan3A_636 : i32 to index
      %get3A_652 = arith.constant 32 : index
      %get3A_653 = tpu.vector_load %arg17[%get3A_651, %get3A_652] {strides = array<i32>} : memref<128x128xf32, #tpu.memory_space<vmem>>, vector<16xf32>,
      %mul3A_654 = arith.mulf %get3A_653, %gather3A : vector<16xf32>
      %swap3A_655 = arith.index_cast %scan3A_636 : i32 to index
      %swap3A_656 = arith.constant 32 : index
      %swap3A_657 = tpu.vector_load %arg17[%swap3A_655, %swap3A_656] {strides = array<i32>} : memref<128x128xf32, #tpu.memory_space<vmem>>, vector<16xf32>,
      tpu.vector_store %arg17[%swap3A_655, %swap3A_656], %mul3A_654 {strides = array<i32>} : memref<128x128xf32, #tpu.memory_space<vmem>>, vector<16xf32>,
      %get3A_658 = arith.index_cast %scan3A_636 : i32 to index
      %get3A_659 = arith.constant 48 : index
      %get3A_660 = tpu.vector_load %arg17[%get3A_658, %get3A_659] {strides = array<i32>} : memref<128x128xf32, #tpu.memory_space<vmem>>, vector<16xf32>,
      %mul3A_661 = arith.mulf %get3A_660, %gather3A : vector<16xf32>
      %swap3A_662 = arith.index_cast %scan3A_636 : i32 to index
      %swap3A_663 = arith.constant 48 : index
      %swap3A_664 = tpu.vector_load %arg17[%swap3A_662, %swap3A_663] {strides = array<i32>} : memref<128x128xf32, #tpu.memory_space<vmem>>, vector<16xf32>,
      tpu.vector_store %arg17[%swap3A_662, %swap3A_663], %mul3A_661 {strides = array<i32>} : memref<128x128xf32, #tpu.memory_space<vmem>>, vector<16xf32>,
      %get3A_665 = arith.index_cast %scan3A_636 : i32 to index
      %get3A_666 = arith.constant 64 : index
      %get3A_667 = tpu.vector_load %arg17[%get3A_665, %get3A_666] {strides = array<i32>} : memref<128x128xf32, #tpu.memory_space<vmem>>, vector<16xf32>,
      %mul3A_668 = arith.mulf %get3A_667, %gather3A : vector<16xf32>
      %swap3A_669 = arith.index_cast %scan3A_636 : i32 to index
      %swap3A_670 = arith.constant 64 : index
      %swap3A_671 = tpu.vector_load %arg17[%swap3A_669, %swap3A_670] {strides = array<i32>} : memref<128x128xf32, #tpu.memory_space<vmem>>, vector<16xf32>,
      tpu.vector_store %arg17[%swap3A_669, %swap3A_670], %mul3A_668 {strides = array<i32>} : memref<128x128xf32, #tpu.memory_space<vmem>>, vector<16xf32>,
      %get3A_672 = arith.index_cast %scan3A_636 : i32 to index
      %get3A_673 = arith.constant 80 : index
      %get3A_674 = tpu.vector_load %arg17[%get3A_672, %get3A_673] {strides = array<i32>} : memref<128x128xf32, #tpu.memory_space<vmem>>, vector<16xf32>,
      %mul3A_675 = arith.mulf %get3A_674, %gather3A : vector<16xf32>
      %swap3A_676 = arith.index_cast %scan3A_636 : i32 to index
      %swap3A_677 = arith.constant 80 : index
      %swap3A_678 = tpu.vector_load %arg17[%swap3A_676, %swap3A_677] {strides = array<i32>} : memref<128x128xf32, #tpu.memory_space<vmem>>, vector<16xf32>,
      tpu.vector_store %arg17[%swap3A_676, %swap3A_677], %mul3A_675 {strides = array<i32>} : memref<128x128xf32, #tpu.memory_space<vmem>>, vector<16xf32>,
      %get3A_679 = arith.index_cast %scan3A_636 : i32 to index
      %get3A_680 = arith.constant 96 : index
      %get3A_681 = tpu.vector_load %arg17[%get3A_679, %get3A_680] {strides = array<i32>} : memref<128x128xf32, #tpu.memory_space<vmem>>, vector<16xf32>,
      %mul3A_682 = arith.mulf %get3A_681, %gather3A : vector<16xf32>
      %swap3A_683 = arith.index_cast %scan3A_636 : i32 to index
      %swap3A_684 = arith.constant 96 : index
      %swap3A_685 = tpu.vector_load %arg17[%swap3A_683, %swap3A_684] {strides = array<i32>} : memref<128x128xf32, #tpu.memory_space<vmem>>, vector<16xf32>,
      tpu.vector_store %arg17[%swap3A_683, %swap3A_684], %mul3A_682 {strides = array<i32>} : memref<128x128xf32, #tpu.memory_space<vmem>>, vector<16xf32>,
      %get3A_686 = arith.index_cast %scan3A_636 : i32 to index
      %get3A_687 = arith.constant 112 : index
      %get3A_688 = tpu.vector_load %arg17[%get3A_686, %get3A_687] {strides = array<i32>} : memref<128x128xf32, #tpu.memory_space<vmem>>, vector<16xf32>,
      %mul3A_689 = arith.mulf %get3A_688, %gather3A : vector<16xf32>
      %swap3A_690 = arith.index_cast %scan3A_636 : i32 to index
      %swap3A_691 = arith.constant 112 : index
      %swap3A_692 = tpu.vector_load %arg17[%swap3A_690, %swap3A_691] {strides = array<i32>} : memref<128x128xf32, #tpu.memory_space<vmem>>, vector<16xf32>,
      tpu.vector_store %arg17[%swap3A_690, %swap3A_691], %mul3A_689 {strides = array<i32>} : memref<128x128xf32, #tpu.memory_space<vmem>>, vector<16xf32>,
    }
    %scan3A_489 = arith.constant 128 : i32
    %dma_start3A_490 = arith.constant 2432 : i32
    %dma_start3A_491 = tpu.memref_slice %arg7[%mul3A_2, %dma_start3A_490] : memref<4096x3328xf32, #tpu.memory_space<hbm>> -> memref<128x128xf32, #tpu.memory_space<hbm>>
    %dma_start3A_492 = arith.constant 2432 : i32
    %dma_start3A_493 = tpu.memref_slice %arg7[%mul3A_2, %dma_start3A_492] : memref<4096x3328xf32, #tpu.memory_space<hbm>> -> memref<128x128xf32, #tpu.memory_space<hbm>>
    tpu.enqueue_dma source(%arg17 : memref<128x128xf32, #tpu.memory_space<vmem>>) target(%dma_start3A_493 : memref<128x128xf32, #tpu.memory_space<hbm>>) target_semaphore(%arg25 : memref<!tpu.dma_semaphore, #tpu.memory_space<semaphore_mem>>)
    %dma_wait3A_494 = arith.constant 2304 : i32
    %dma_wait3A_495 = tpu.memref_slice %arg7[%mul3A_2, %dma_wait3A_494] : memref<4096x3328xf32, #tpu.memory_space<hbm>> -> memref<128x128xf32, #tpu.memory_space<hbm>>
    %dma_wait3A_496 = arith.constant 2304 : i32
    %dma_wait3A_497 = tpu.memref_slice %arg7[%mul3A_2, %dma_wait3A_496] : memref<4096x3328xf32, #tpu.memory_space<hbm>> -> memref<128x128xf32, #tpu.memory_space<hbm>>
    tpu.wait_dma2 semaphore(%arg24 : memref<!tpu.dma_semaphore, #tpu.memory_space<semaphore_mem>>) src(%arg16 : memref<128x128xf32, #tpu.memory_space<vmem>>) dst(%dma_wait3A_497 : memref<128x128xf32, #tpu.memory_space<hbm>>)
    %dma_start3A_498 = arith.constant 2816 : i32
    %dma_start3A_499 = tpu.memref_slice %arg9[%dma_start3A_498] : memref<3328xi32, #tpu.memory_space<vmem>> -> memref<128xi32, #tpu.memory_space<vmem>>
    %dma_start3A_500 = arith.constant 0 : i32
    %dma_start3A_501 = arith.constant 0 : i32
    %dma_start3A_502 = tpu.memref_slice %arg2[%dma_start3A_500, %dma_start3A_501] : memref<26000x128xf32, #tpu.memory_space<hbm>> -> memref<26000x128xf32, #tpu.memory_space<hbm>>
    tpu.enqueue_indirect_dma source(%dma_start3A_502 : memref<26000x128xf32, #tpu.memory_space<hbm>>) target(%arg16 : memref<128x128xf32, #tpu.memory_space<vmem>>) offsets(%dma_start3A_499 : memref<128xi32, #tpu.memory_space<vmem>>) semaphore(%arg20 : memref<!tpu.dma_semaphore, #tpu.memory_space<semaphore_mem>>)
    %dma_wait3A_503 = arith.constant 2560 : i32
    %dma_wait3A_504 = tpu.memref_slice %arg9[%dma_wait3A_503] : memref<3328xi32, #tpu.memory_space<vmem>> -> memref<128xi32, #tpu.memory_space<vmem>>
    %dma_wait3A_505 = arith.constant 0 : i32
    %dma_wait3A_506 = arith.constant 0 : i32
    %dma_wait3A_507 = tpu.memref_slice %arg2[%dma_wait3A_505, %dma_wait3A_506] : memref<26000x128xf32, #tpu.memory_space<hbm>> -> memref<26000x128xf32, #tpu.memory_space<hbm>>
    tpu.wait_indirect_dma semaphore(%arg18 : memref<!tpu.dma_semaphore, #tpu.memory_space<semaphore_mem>>) src(%dma_wait3A_507 : memref<26000x128xf32, #tpu.memory_space<hbm>>) dst(%arg14 : memref<128x128xf32, #tpu.memory_space<vmem>>)
    %scan3A_508 = arith.constant 0 : i32
    %scan3A_509 = arith.constant 0 : i32
    %scan3A_510 = arith.constant 128 : i32
    %scan3A_511 = arith.addi %scan3A_509, %scan3A_510 : i32
    %scan3A_512 = arith.constant 1 : i32
    scf.for %scan3A_636 = %scan3A_509 to %scan3A_511 step %scan3A_512  : i32 {
      %add3A_637 = arith.constant 2560 : i32
      %add3A_638 = arith.addi %add3A_637, %scan3A_636 : i32
      %broadcast_in_dim3A = vector.broadcast %add3A_638 : i32 to vector<16xi32>
      %gather3A = tpu.vector_load_idx %arg13[%broadcast_in_dim3A] : memref<3328xf32, #tpu.memory_space<vmem>>[vector<16xi32>], vector<16xf32>,
      %get3A = arith.index_cast %scan3A_636 : i32 to index
      %get3A_639 = arith.constant 0 : index
      %get3A_640 = tpu.vector_load %arg14[%get3A, %get3A_639] {strides = array<i32>} : memref<128x128xf32, #tpu.memory_space<vmem>>, vector<16xf32>,
      %mul3A_641 = arith.mulf %get3A_640, %gather3A : vector<16xf32>
      %swap3A = arith.index_cast %scan3A_636 : i32 to index
      %swap3A_642 = arith.constant 0 : index
      %swap3A_643 = tpu.vector_load %arg14[%swap3A, %swap3A_642] {strides = array<i32>} : memref<128x128xf32, #tpu.memory_space<vmem>>, vector<16xf32>,
      tpu.vector_store %arg14[%swap3A, %swap3A_642], %mul3A_641 {strides = array<i32>} : memref<128x128xf32, #tpu.memory_space<vmem>>, vector<16xf32>,
      %get3A_644 = arith.index_cast %scan3A_636 : i32 to index
      %get3A_645 = arith.constant 16 : index
      %get3A_646 = tpu.vector_load %arg14[%get3A_644, %get3A_645] {strides = array<i32>} : memref<128x128xf32, #tpu.memory_space<vmem>>, vector<16xf32>,
      %mul3A_647 = arith.mulf %get3A_646, %gather3A : vector<16xf32>
      %swap3A_648 = arith.index_cast %scan3A_636 : i32 to index
      %swap3A_649 = arith.constant 16 : index
      %swap3A_650 = tpu.vector_load %arg14[%swap3A_648, %swap3A_649] {strides = array<i32>} : memref<128x128xf32, #tpu.memory_space<vmem>>, vector<16xf32>,
      tpu.vector_store %arg14[%swap3A_648, %swap3A_649], %mul3A_647 {strides = array<i32>} : memref<128x128xf32, #tpu.memory_space<vmem>>, vector<16xf32>,
      %get3A_651 = arith.index_cast %scan3A_636 : i32 to index
      %get3A_652 = arith.constant 32 : index
      %get3A_653 = tpu.vector_load %arg14[%get3A_651, %get3A_652] {strides = array<i32>} : memref<128x128xf32, #tpu.memory_space<vmem>>, vector<16xf32>,
      %mul3A_654 = arith.mulf %get3A_653, %gather3A : vector<16xf32>
      %swap3A_655 = arith.index_cast %scan3A_636 : i32 to index
      %swap3A_656 = arith.constant 32 : index
      %swap3A_657 = tpu.vector_load %arg14[%swap3A_655, %swap3A_656] {strides = array<i32>} : memref<128x128xf32, #tpu.memory_space<vmem>>, vector<16xf32>,
      tpu.vector_store %arg14[%swap3A_655, %swap3A_656], %mul3A_654 {strides = array<i32>} : memref<128x128xf32, #tpu.memory_space<vmem>>, vector<16xf32>,
      %get3A_658 = arith.index_cast %scan3A_636 : i32 to index
      %get3A_659 = arith.constant 48 : index
      %get3A_660 = tpu.vector_load %arg14[%get3A_658, %get3A_659] {strides = array<i32>} : memref<128x128xf32, #tpu.memory_space<vmem>>, vector<16xf32>,
      %mul3A_661 = arith.mulf %get3A_660, %gather3A : vector<16xf32>
      %swap3A_662 = arith.index_cast %scan3A_636 : i32 to index
      %swap3A_663 = arith.constant 48 : index
      %swap3A_664 = tpu.vector_load %arg14[%swap3A_662, %swap3A_663] {strides = array<i32>} : memref<128x128xf32, #tpu.memory_space<vmem>>, vector<16xf32>,
      tpu.vector_store %arg14[%swap3A_662, %swap3A_663], %mul3A_661 {strides = array<i32>} : memref<128x128xf32, #tpu.memory_space<vmem>>, vector<16xf32>,
      %get3A_665 = arith.index_cast %scan3A_636 : i32 to index
      %get3A_666 = arith.constant 64 : index
      %get3A_667 = tpu.vector_load %arg14[%get3A_665, %get3A_666] {strides = array<i32>} : memref<128x128xf32, #tpu.memory_space<vmem>>, vector<16xf32>,
      %mul3A_668 = arith.mulf %get3A_667, %gather3A : vector<16xf32>
      %swap3A_669 = arith.index_cast %scan3A_636 : i32 to index
      %swap3A_670 = arith.constant 64 : index
      %swap3A_671 = tpu.vector_load %arg14[%swap3A_669, %swap3A_670] {strides = array<i32>} : memref<128x128xf32, #tpu.memory_space<vmem>>, vector<16xf32>,
      tpu.vector_store %arg14[%swap3A_669, %swap3A_670], %mul3A_668 {strides = array<i32>} : memref<128x128xf32, #tpu.memory_space<vmem>>, vector<16xf32>,
      %get3A_672 = arith.index_cast %scan3A_636 : i32 to index
      %get3A_673 = arith.constant 80 : index
      %get3A_674 = tpu.vector_load %arg14[%get3A_672, %get3A_673] {strides = array<i32>} : memref<128x128xf32, #tpu.memory_space<vmem>>, vector<16xf32>,
      %mul3A_675 = arith.mulf %get3A_674, %gather3A : vector<16xf32>
      %swap3A_676 = arith.index_cast %scan3A_636 : i32 to index
      %swap3A_677 = arith.constant 80 : index
      %swap3A_678 = tpu.vector_load %arg14[%swap3A_676, %swap3A_677] {strides = array<i32>} : memref<128x128xf32, #tpu.memory_space<vmem>>, vector<16xf32>,
      tpu.vector_store %arg14[%swap3A_676, %swap3A_677], %mul3A_675 {strides = array<i32>} : memref<128x128xf32, #tpu.memory_space<vmem>>, vector<16xf32>,
      %get3A_679 = arith.index_cast %scan3A_636 : i32 to index
      %get3A_680 = arith.constant 96 : index
      %get3A_681 = tpu.vector_load %arg14[%get3A_679, %get3A_680] {strides = array<i32>} : memref<128x128xf32, #tpu.memory_space<vmem>>, vector<16xf32>,
      %mul3A_682 = arith.mulf %get3A_681, %gather3A : vector<16xf32>
      %swap3A_683 = arith.index_cast %scan3A_636 : i32 to index
      %swap3A_684 = arith.constant 96 : index
      %swap3A_685 = tpu.vector_load %arg14[%swap3A_683, %swap3A_684] {strides = array<i32>} : memref<128x128xf32, #tpu.memory_space<vmem>>, vector<16xf32>,
      tpu.vector_store %arg14[%swap3A_683, %swap3A_684], %mul3A_682 {strides = array<i32>} : memref<128x128xf32, #tpu.memory_space<vmem>>, vector<16xf32>,
      %get3A_686 = arith.index_cast %scan3A_636 : i32 to index
      %get3A_687 = arith.constant 112 : index
      %get3A_688 = tpu.vector_load %arg14[%get3A_686, %get3A_687] {strides = array<i32>} : memref<128x128xf32, #tpu.memory_space<vmem>>, vector<16xf32>,
      %mul3A_689 = arith.mulf %get3A_688, %gather3A : vector<16xf32>
      %swap3A_690 = arith.index_cast %scan3A_636 : i32 to index
      %swap3A_691 = arith.constant 112 : index
      %swap3A_692 = tpu.vector_load %arg14[%swap3A_690, %swap3A_691] {strides = array<i32>} : memref<128x128xf32, #tpu.memory_space<vmem>>, vector<16xf32>,
      tpu.vector_store %arg14[%swap3A_690, %swap3A_691], %mul3A_689 {strides = array<i32>} : memref<128x128xf32, #tpu.memory_space<vmem>>, vector<16xf32>,
    }
    %scan3A_513 = arith.constant 128 : i32
    %dma_start3A_514 = arith.constant 2560 : i32
    %dma_start3A_515 = tpu.memref_slice %arg7[%mul3A_2, %dma_start3A_514] : memref<4096x3328xf32, #tpu.memory_space<hbm>> -> memref<128x128xf32, #tpu.memory_space<hbm>>
    %dma_start3A_516 = arith.constant 2560 : i32
    %dma_start3A_517 = tpu.memref_slice %arg7[%mul3A_2, %dma_start3A_516] : memref<4096x3328xf32, #tpu.memory_space<hbm>> -> memref<128x128xf32, #tpu.memory_space<hbm>>
    tpu.enqueue_dma source(%arg14 : memref<128x128xf32, #tpu.memory_space<vmem>>) target(%dma_start3A_517 : memref<128x128xf32, #tpu.memory_space<hbm>>) target_semaphore(%arg22 : memref<!tpu.dma_semaphore, #tpu.memory_space<semaphore_mem>>)
    %dma_wait3A_518 = arith.constant 2432 : i32
    %dma_wait3A_519 = tpu.memref_slice %arg7[%mul3A_2, %dma_wait3A_518] : memref<4096x3328xf32, #tpu.memory_space<hbm>> -> memref<128x128xf32, #tpu.memory_space<hbm>>
    %dma_wait3A_520 = arith.constant 2432 : i32
    %dma_wait3A_521 = tpu.memref_slice %arg7[%mul3A_2, %dma_wait3A_520] : memref<4096x3328xf32, #tpu.memory_space<hbm>> -> memref<128x128xf32, #tpu.memory_space<hbm>>
    tpu.wait_dma2 semaphore(%arg25 : memref<!tpu.dma_semaphore, #tpu.memory_space<semaphore_mem>>) src(%arg17 : memref<128x128xf32, #tpu.memory_space<vmem>>) dst(%dma_wait3A_521 : memref<128x128xf32, #tpu.memory_space<hbm>>)
    %dma_start3A_522 = arith.constant 2944 : i32
    %dma_start3A_523 = tpu.memref_slice %arg9[%dma_start3A_522] : memref<3328xi32, #tpu.memory_space<vmem>> -> memref<128xi32, #tpu.memory_space<vmem>>
    %dma_start3A_524 = arith.constant 0 : i32
    %dma_start3A_525 = arith.constant 0 : i32
    %dma_start3A_526 = tpu.memref_slice %arg2[%dma_start3A_524, %dma_start3A_525] : memref<26000x128xf32, #tpu.memory_space<hbm>> -> memref<26000x128xf32, #tpu.memory_space<hbm>>
    tpu.enqueue_indirect_dma source(%dma_start3A_526 : memref<26000x128xf32, #tpu.memory_space<hbm>>) target(%arg17 : memref<128x128xf32, #tpu.memory_space<vmem>>) offsets(%dma_start3A_523 : memref<128xi32, #tpu.memory_space<vmem>>) semaphore(%arg21 : memref<!tpu.dma_semaphore, #tpu.memory_space<semaphore_mem>>)
    %dma_wait3A_527 = arith.constant 2688 : i32
    %dma_wait3A_528 = tpu.memref_slice %arg9[%dma_wait3A_527] : memref<3328xi32, #tpu.memory_space<vmem>> -> memref<128xi32, #tpu.memory_space<vmem>>
    %dma_wait3A_529 = arith.constant 0 : i32
    %dma_wait3A_530 = arith.constant 0 : i32
    %dma_wait3A_531 = tpu.memref_slice %arg2[%dma_wait3A_529, %dma_wait3A_530] : memref<26000x128xf32, #tpu.memory_space<hbm>> -> memref<26000x128xf32, #tpu.memory_space<hbm>>
    tpu.wait_indirect_dma semaphore(%arg19 : memref<!tpu.dma_semaphore, #tpu.memory_space<semaphore_mem>>) src(%dma_wait3A_531 : memref<26000x128xf32, #tpu.memory_space<hbm>>) dst(%arg15 : memref<128x128xf32, #tpu.memory_space<vmem>>)
    %scan3A_532 = arith.constant 0 : i32
    %scan3A_533 = arith.constant 0 : i32
    %scan3A_534 = arith.constant 128 : i32
    %scan3A_535 = arith.addi %scan3A_533, %scan3A_534 : i32
    %scan3A_536 = arith.constant 1 : i32
    scf.for %scan3A_636 = %scan3A_533 to %scan3A_535 step %scan3A_536  : i32 {
      %add3A_637 = arith.constant 2688 : i32
      %add3A_638 = arith.addi %add3A_637, %scan3A_636 : i32
      %broadcast_in_dim3A = vector.broadcast %add3A_638 : i32 to vector<16xi32>
      %gather3A = tpu.vector_load_idx %arg13[%broadcast_in_dim3A] : memref<3328xf32, #tpu.memory_space<vmem>>[vector<16xi32>], vector<16xf32>,
      %get3A = arith.index_cast %scan3A_636 : i32 to index
      %get3A_639 = arith.constant 0 : index
      %get3A_640 = tpu.vector_load %arg15[%get3A, %get3A_639] {strides = array<i32>} : memref<128x128xf32, #tpu.memory_space<vmem>>, vector<16xf32>,
      %mul3A_641 = arith.mulf %get3A_640, %gather3A : vector<16xf32>
      %swap3A = arith.index_cast %scan3A_636 : i32 to index
      %swap3A_642 = arith.constant 0 : index
      %swap3A_643 = tpu.vector_load %arg15[%swap3A, %swap3A_642] {strides = array<i32>} : memref<128x128xf32, #tpu.memory_space<vmem>>, vector<16xf32>,
      tpu.vector_store %arg15[%swap3A, %swap3A_642], %mul3A_641 {strides = array<i32>} : memref<128x128xf32, #tpu.memory_space<vmem>>, vector<16xf32>,
      %get3A_644 = arith.index_cast %scan3A_636 : i32 to index
      %get3A_645 = arith.constant 16 : index
      %get3A_646 = tpu.vector_load %arg15[%get3A_644, %get3A_645] {strides = array<i32>} : memref<128x128xf32, #tpu.memory_space<vmem>>, vector<16xf32>,
      %mul3A_647 = arith.mulf %get3A_646, %gather3A : vector<16xf32>
      %swap3A_648 = arith.index_cast %scan3A_636 : i32 to index
      %swap3A_649 = arith.constant 16 : index
      %swap3A_650 = tpu.vector_load %arg15[%swap3A_648, %swap3A_649] {strides = array<i32>} : memref<128x128xf32, #tpu.memory_space<vmem>>, vector<16xf32>,
      tpu.vector_store %arg15[%swap3A_648, %swap3A_649], %mul3A_647 {strides = array<i32>} : memref<128x128xf32, #tpu.memory_space<vmem>>, vector<16xf32>,
      %get3A_651 = arith.index_cast %scan3A_636 : i32 to index
      %get3A_652 = arith.constant 32 : index
      %get3A_653 = tpu.vector_load %arg15[%get3A_651, %get3A_652] {strides = array<i32>} : memref<128x128xf32, #tpu.memory_space<vmem>>, vector<16xf32>,
      %mul3A_654 = arith.mulf %get3A_653, %gather3A : vector<16xf32>
      %swap3A_655 = arith.index_cast %scan3A_636 : i32 to index
      %swap3A_656 = arith.constant 32 : index
      %swap3A_657 = tpu.vector_load %arg15[%swap3A_655, %swap3A_656] {strides = array<i32>} : memref<128x128xf32, #tpu.memory_space<vmem>>, vector<16xf32>,
      tpu.vector_store %arg15[%swap3A_655, %swap3A_656], %mul3A_654 {strides = array<i32>} : memref<128x128xf32, #tpu.memory_space<vmem>>, vector<16xf32>,
      %get3A_658 = arith.index_cast %scan3A_636 : i32 to index
      %get3A_659 = arith.constant 48 : index
      %get3A_660 = tpu.vector_load %arg15[%get3A_658, %get3A_659] {strides = array<i32>} : memref<128x128xf32, #tpu.memory_space<vmem>>, vector<16xf32>,
      %mul3A_661 = arith.mulf %get3A_660, %gather3A : vector<16xf32>
      %swap3A_662 = arith.index_cast %scan3A_636 : i32 to index
      %swap3A_663 = arith.constant 48 : index
      %swap3A_664 = tpu.vector_load %arg15[%swap3A_662, %swap3A_663] {strides = array<i32>} : memref<128x128xf32, #tpu.memory_space<vmem>>, vector<16xf32>,
      tpu.vector_store %arg15[%swap3A_662, %swap3A_663], %mul3A_661 {strides = array<i32>} : memref<128x128xf32, #tpu.memory_space<vmem>>, vector<16xf32>,
      %get3A_665 = arith.index_cast %scan3A_636 : i32 to index
      %get3A_666 = arith.constant 64 : index
      %get3A_667 = tpu.vector_load %arg15[%get3A_665, %get3A_666] {strides = array<i32>} : memref<128x128xf32, #tpu.memory_space<vmem>>, vector<16xf32>,
      %mul3A_668 = arith.mulf %get3A_667, %gather3A : vector<16xf32>
      %swap3A_669 = arith.index_cast %scan3A_636 : i32 to index
      %swap3A_670 = arith.constant 64 : index
      %swap3A_671 = tpu.vector_load %arg15[%swap3A_669, %swap3A_670] {strides = array<i32>} : memref<128x128xf32, #tpu.memory_space<vmem>>, vector<16xf32>,
      tpu.vector_store %arg15[%swap3A_669, %swap3A_670], %mul3A_668 {strides = array<i32>} : memref<128x128xf32, #tpu.memory_space<vmem>>, vector<16xf32>,
      %get3A_672 = arith.index_cast %scan3A_636 : i32 to index
      %get3A_673 = arith.constant 80 : index
      %get3A_674 = tpu.vector_load %arg15[%get3A_672, %get3A_673] {strides = array<i32>} : memref<128x128xf32, #tpu.memory_space<vmem>>, vector<16xf32>,
      %mul3A_675 = arith.mulf %get3A_674, %gather3A : vector<16xf32>
      %swap3A_676 = arith.index_cast %scan3A_636 : i32 to index
      %swap3A_677 = arith.constant 80 : index
      %swap3A_678 = tpu.vector_load %arg15[%swap3A_676, %swap3A_677] {strides = array<i32>} : memref<128x128xf32, #tpu.memory_space<vmem>>, vector<16xf32>,
      tpu.vector_store %arg15[%swap3A_676, %swap3A_677], %mul3A_675 {strides = array<i32>} : memref<128x128xf32, #tpu.memory_space<vmem>>, vector<16xf32>,
      %get3A_679 = arith.index_cast %scan3A_636 : i32 to index
      %get3A_680 = arith.constant 96 : index
      %get3A_681 = tpu.vector_load %arg15[%get3A_679, %get3A_680] {strides = array<i32>} : memref<128x128xf32, #tpu.memory_space<vmem>>, vector<16xf32>,
      %mul3A_682 = arith.mulf %get3A_681, %gather3A : vector<16xf32>
      %swap3A_683 = arith.index_cast %scan3A_636 : i32 to index
      %swap3A_684 = arith.constant 96 : index
      %swap3A_685 = tpu.vector_load %arg15[%swap3A_683, %swap3A_684] {strides = array<i32>} : memref<128x128xf32, #tpu.memory_space<vmem>>, vector<16xf32>,
      tpu.vector_store %arg15[%swap3A_683, %swap3A_684], %mul3A_682 {strides = array<i32>} : memref<128x128xf32, #tpu.memory_space<vmem>>, vector<16xf32>,
      %get3A_686 = arith.index_cast %scan3A_636 : i32 to index
      %get3A_687 = arith.constant 112 : index
      %get3A_688 = tpu.vector_load %arg15[%get3A_686, %get3A_687] {strides = array<i32>} : memref<128x128xf32, #tpu.memory_space<vmem>>, vector<16xf32>,
      %mul3A_689 = arith.mulf %get3A_688, %gather3A : vector<16xf32>
      %swap3A_690 = arith.index_cast %scan3A_636 : i32 to index
      %swap3A_691 = arith.constant 112 : index
      %swap3A_692 = tpu.vector_load %arg15[%swap3A_690, %swap3A_691] {strides = array<i32>} : memref<128x128xf32, #tpu.memory_space<vmem>>, vector<16xf32>,
      tpu.vector_store %arg15[%swap3A_690, %swap3A_691], %mul3A_689 {strides = array<i32>} : memref<128x128xf32, #tpu.memory_space<vmem>>, vector<16xf32>,
    }
    %scan3A_537 = arith.constant 128 : i32
    %dma_start3A_538 = arith.constant 2688 : i32
    %dma_start3A_539 = tpu.memref_slice %arg7[%mul3A_2, %dma_start3A_538] : memref<4096x3328xf32, #tpu.memory_space<hbm>> -> memref<128x128xf32, #tpu.memory_space<hbm>>
    %dma_start3A_540 = arith.constant 2688 : i32
    %dma_start3A_541 = tpu.memref_slice %arg7[%mul3A_2, %dma_start3A_540] : memref<4096x3328xf32, #tpu.memory_space<hbm>> -> memref<128x128xf32, #tpu.memory_space<hbm>>
    tpu.enqueue_dma source(%arg15 : memref<128x128xf32, #tpu.memory_space<vmem>>) target(%dma_start3A_541 : memref<128x128xf32, #tpu.memory_space<hbm>>) target_semaphore(%arg23 : memref<!tpu.dma_semaphore, #tpu.memory_space<semaphore_mem>>)
    %dma_wait3A_542 = arith.constant 2560 : i32
    %dma_wait3A_543 = tpu.memref_slice %arg7[%mul3A_2, %dma_wait3A_542] : memref<4096x3328xf32, #tpu.memory_space<hbm>> -> memref<128x128xf32, #tpu.memory_space<hbm>>
    %dma_wait3A_544 = arith.constant 2560 : i32
    %dma_wait3A_545 = tpu.memref_slice %arg7[%mul3A_2, %dma_wait3A_544] : memref<4096x3328xf32, #tpu.memory_space<hbm>> -> memref<128x128xf32, #tpu.memory_space<hbm>>
    tpu.wait_dma2 semaphore(%arg22 : memref<!tpu.dma_semaphore, #tpu.memory_space<semaphore_mem>>) src(%arg14 : memref<128x128xf32, #tpu.memory_space<vmem>>) dst(%dma_wait3A_545 : memref<128x128xf32, #tpu.memory_space<hbm>>)
    %dma_start3A_546 = arith.constant 3072 : i32
    %dma_start3A_547 = tpu.memref_slice %arg9[%dma_start3A_546] : memref<3328xi32, #tpu.memory_space<vmem>> -> memref<128xi32, #tpu.memory_space<vmem>>
    %dma_start3A_548 = arith.constant 0 : i32
    %dma_start3A_549 = arith.constant 0 : i32
    %dma_start3A_550 = tpu.memref_slice %arg2[%dma_start3A_548, %dma_start3A_549] : memref<26000x128xf32, #tpu.memory_space<hbm>> -> memref<26000x128xf32, #tpu.memory_space<hbm>>
    tpu.enqueue_indirect_dma source(%dma_start3A_550 : memref<26000x128xf32, #tpu.memory_space<hbm>>) target(%arg14 : memref<128x128xf32, #tpu.memory_space<vmem>>) offsets(%dma_start3A_547 : memref<128xi32, #tpu.memory_space<vmem>>) semaphore(%arg18 : memref<!tpu.dma_semaphore, #tpu.memory_space<semaphore_mem>>)
    %dma_wait3A_551 = arith.constant 2816 : i32
    %dma_wait3A_552 = tpu.memref_slice %arg9[%dma_wait3A_551] : memref<3328xi32, #tpu.memory_space<vmem>> -> memref<128xi32, #tpu.memory_space<vmem>>
    %dma_wait3A_553 = arith.constant 0 : i32
    %dma_wait3A_554 = arith.constant 0 : i32
    %dma_wait3A_555 = tpu.memref_slice %arg2[%dma_wait3A_553, %dma_wait3A_554] : memref<26000x128xf32, #tpu.memory_space<hbm>> -> memref<26000x128xf32, #tpu.memory_space<hbm>>
    tpu.wait_indirect_dma semaphore(%arg20 : memref<!tpu.dma_semaphore, #tpu.memory_space<semaphore_mem>>) src(%dma_wait3A_555 : memref<26000x128xf32, #tpu.memory_space<hbm>>) dst(%arg16 : memref<128x128xf32, #tpu.memory_space<vmem>>)
    %scan3A_556 = arith.constant 0 : i32
    %scan3A_557 = arith.constant 0 : i32
    %scan3A_558 = arith.constant 128 : i32
    %scan3A_559 = arith.addi %scan3A_557, %scan3A_558 : i32
    %scan3A_560 = arith.constant 1 : i32
    scf.for %scan3A_636 = %scan3A_557 to %scan3A_559 step %scan3A_560  : i32 {
      %add3A_637 = arith.constant 2816 : i32
      %add3A_638 = arith.addi %add3A_637, %scan3A_636 : i32
      %broadcast_in_dim3A = vector.broadcast %add3A_638 : i32 to vector<16xi32>
      %gather3A = tpu.vector_load_idx %arg13[%broadcast_in_dim3A] : memref<3328xf32, #tpu.memory_space<vmem>>[vector<16xi32>], vector<16xf32>,
      %get3A = arith.index_cast %scan3A_636 : i32 to index
      %get3A_639 = arith.constant 0 : index
      %get3A_640 = tpu.vector_load %arg16[%get3A, %get3A_639] {strides = array<i32>} : memref<128x128xf32, #tpu.memory_space<vmem>>, vector<16xf32>,
      %mul3A_641 = arith.mulf %get3A_640, %gather3A : vector<16xf32>
      %swap3A = arith.index_cast %scan3A_636 : i32 to index
      %swap3A_642 = arith.constant 0 : index
      %swap3A_643 = tpu.vector_load %arg16[%swap3A, %swap3A_642] {strides = array<i32>} : memref<128x128xf32, #tpu.memory_space<vmem>>, vector<16xf32>,
      tpu.vector_store %arg16[%swap3A, %swap3A_642], %mul3A_641 {strides = array<i32>} : memref<128x128xf32, #tpu.memory_space<vmem>>, vector<16xf32>,
      %get3A_644 = arith.index_cast %scan3A_636 : i32 to index
      %get3A_645 = arith.constant 16 : index
      %get3A_646 = tpu.vector_load %arg16[%get3A_644, %get3A_645] {strides = array<i32>} : memref<128x128xf32, #tpu.memory_space<vmem>>, vector<16xf32>,
      %mul3A_647 = arith.mulf %get3A_646, %gather3A : vector<16xf32>
      %swap3A_648 = arith.index_cast %scan3A_636 : i32 to index
      %swap3A_649 = arith.constant 16 : index
      %swap3A_650 = tpu.vector_load %arg16[%swap3A_648, %swap3A_649] {strides = array<i32>} : memref<128x128xf32, #tpu.memory_space<vmem>>, vector<16xf32>,
      tpu.vector_store %arg16[%swap3A_648, %swap3A_649], %mul3A_647 {strides = array<i32>} : memref<128x128xf32, #tpu.memory_space<vmem>>, vector<16xf32>,
      %get3A_651 = arith.index_cast %scan3A_636 : i32 to index
      %get3A_652 = arith.constant 32 : index
      %get3A_653 = tpu.vector_load %arg16[%get3A_651, %get3A_652] {strides = array<i32>} : memref<128x128xf32, #tpu.memory_space<vmem>>, vector<16xf32>,
      %mul3A_654 = arith.mulf %get3A_653, %gather3A : vector<16xf32>
      %swap3A_655 = arith.index_cast %scan3A_636 : i32 to index
      %swap3A_656 = arith.constant 32 : index
      %swap3A_657 = tpu.vector_load %arg16[%swap3A_655, %swap3A_656] {strides = array<i32>} : memref<128x128xf32, #tpu.memory_space<vmem>>, vector<16xf32>,
      tpu.vector_store %arg16[%swap3A_655, %swap3A_656], %mul3A_654 {strides = array<i32>} : memref<128x128xf32, #tpu.memory_space<vmem>>, vector<16xf32>,
      %get3A_658 = arith.index_cast %scan3A_636 : i32 to index
      %get3A_659 = arith.constant 48 : index
      %get3A_660 = tpu.vector_load %arg16[%get3A_658, %get3A_659] {strides = array<i32>} : memref<128x128xf32, #tpu.memory_space<vmem>>, vector<16xf32>,
      %mul3A_661 = arith.mulf %get3A_660, %gather3A : vector<16xf32>
      %swap3A_662 = arith.index_cast %scan3A_636 : i32 to index
      %swap3A_663 = arith.constant 48 : index
      %swap3A_664 = tpu.vector_load %arg16[%swap3A_662, %swap3A_663] {strides = array<i32>} : memref<128x128xf32, #tpu.memory_space<vmem>>, vector<16xf32>,
      tpu.vector_store %arg16[%swap3A_662, %swap3A_663], %mul3A_661 {strides = array<i32>} : memref<128x128xf32, #tpu.memory_space<vmem>>, vector<16xf32>,
      %get3A_665 = arith.index_cast %scan3A_636 : i32 to index
      %get3A_666 = arith.constant 64 : index
      %get3A_667 = tpu.vector_load %arg16[%get3A_665, %get3A_666] {strides = array<i32>} : memref<128x128xf32, #tpu.memory_space<vmem>>, vector<16xf32>,
      %mul3A_668 = arith.mulf %get3A_667, %gather3A : vector<16xf32>
      %swap3A_669 = arith.index_cast %scan3A_636 : i32 to index
      %swap3A_670 = arith.constant 64 : index
      %swap3A_671 = tpu.vector_load %arg16[%swap3A_669, %swap3A_670] {strides = array<i32>} : memref<128x128xf32, #tpu.memory_space<vmem>>, vector<16xf32>,
      tpu.vector_store %arg16[%swap3A_669, %swap3A_670], %mul3A_668 {strides = array<i32>} : memref<128x128xf32, #tpu.memory_space<vmem>>, vector<16xf32>,
      %get3A_672 = arith.index_cast %scan3A_636 : i32 to index
      %get3A_673 = arith.constant 80 : index
      %get3A_674 = tpu.vector_load %arg16[%get3A_672, %get3A_673] {strides = array<i32>} : memref<128x128xf32, #tpu.memory_space<vmem>>, vector<16xf32>,
      %mul3A_675 = arith.mulf %get3A_674, %gather3A : vector<16xf32>
      %swap3A_676 = arith.index_cast %scan3A_636 : i32 to index
      %swap3A_677 = arith.constant 80 : index
      %swap3A_678 = tpu.vector_load %arg16[%swap3A_676, %swap3A_677] {strides = array<i32>} : memref<128x128xf32, #tpu.memory_space<vmem>>, vector<16xf32>,
      tpu.vector_store %arg16[%swap3A_676, %swap3A_677], %mul3A_675 {strides = array<i32>} : memref<128x128xf32, #tpu.memory_space<vmem>>, vector<16xf32>,
      %get3A_679 = arith.index_cast %scan3A_636 : i32 to index
      %get3A_680 = arith.constant 96 : index
      %get3A_681 = tpu.vector_load %arg16[%get3A_679, %get3A_680] {strides = array<i32>} : memref<128x128xf32, #tpu.memory_space<vmem>>, vector<16xf32>,
      %mul3A_682 = arith.mulf %get3A_681, %gather3A : vector<16xf32>
      %swap3A_683 = arith.index_cast %scan3A_636 : i32 to index
      %swap3A_684 = arith.constant 96 : index
      %swap3A_685 = tpu.vector_load %arg16[%swap3A_683, %swap3A_684] {strides = array<i32>} : memref<128x128xf32, #tpu.memory_space<vmem>>, vector<16xf32>,
      tpu.vector_store %arg16[%swap3A_683, %swap3A_684], %mul3A_682 {strides = array<i32>} : memref<128x128xf32, #tpu.memory_space<vmem>>, vector<16xf32>,
      %get3A_686 = arith.index_cast %scan3A_636 : i32 to index
      %get3A_687 = arith.constant 112 : index
      %get3A_688 = tpu.vector_load %arg16[%get3A_686, %get3A_687] {strides = array<i32>} : memref<128x128xf32, #tpu.memory_space<vmem>>, vector<16xf32>,
      %mul3A_689 = arith.mulf %get3A_688, %gather3A : vector<16xf32>
      %swap3A_690 = arith.index_cast %scan3A_636 : i32 to index
      %swap3A_691 = arith.constant 112 : index
      %swap3A_692 = tpu.vector_load %arg16[%swap3A_690, %swap3A_691] {strides = array<i32>} : memref<128x128xf32, #tpu.memory_space<vmem>>, vector<16xf32>,
      tpu.vector_store %arg16[%swap3A_690, %swap3A_691], %mul3A_689 {strides = array<i32>} : memref<128x128xf32, #tpu.memory_space<vmem>>, vector<16xf32>,
    }
    %scan3A_561 = arith.constant 128 : i32
    %dma_start3A_562 = arith.constant 2816 : i32
    %dma_start3A_563 = tpu.memref_slice %arg7[%mul3A_2, %dma_start3A_562] : memref<4096x3328xf32, #tpu.memory_space<hbm>> -> memref<128x128xf32, #tpu.memory_space<hbm>>
    %dma_start3A_564 = arith.constant 2816 : i32
    %dma_start3A_565 = tpu.memref_slice %arg7[%mul3A_2, %dma_start3A_564] : memref<4096x3328xf32, #tpu.memory_space<hbm>> -> memref<128x128xf32, #tpu.memory_space<hbm>>
    tpu.enqueue_dma source(%arg16 : memref<128x128xf32, #tpu.memory_space<vmem>>) target(%dma_start3A_565 : memref<128x128xf32, #tpu.memory_space<hbm>>) target_semaphore(%arg24 : memref<!tpu.dma_semaphore, #tpu.memory_space<semaphore_mem>>)
    %dma_wait3A_566 = arith.constant 2688 : i32
    %dma_wait3A_567 = tpu.memref_slice %arg7[%mul3A_2, %dma_wait3A_566] : memref<4096x3328xf32, #tpu.memory_space<hbm>> -> memref<128x128xf32, #tpu.memory_space<hbm>>
    %dma_wait3A_568 = arith.constant 2688 : i32
    %dma_wait3A_569 = tpu.memref_slice %arg7[%mul3A_2, %dma_wait3A_568] : memref<4096x3328xf32, #tpu.memory_space<hbm>> -> memref<128x128xf32, #tpu.memory_space<hbm>>
    tpu.wait_dma2 semaphore(%arg23 : memref<!tpu.dma_semaphore, #tpu.memory_space<semaphore_mem>>) src(%arg15 : memref<128x128xf32, #tpu.memory_space<vmem>>) dst(%dma_wait3A_569 : memref<128x128xf32, #tpu.memory_space<hbm>>)
    %dma_start3A_570 = arith.constant 3200 : i32
    %dma_start3A_571 = tpu.memref_slice %arg9[%dma_start3A_570] : memref<3328xi32, #tpu.memory_space<vmem>> -> memref<128xi32, #tpu.memory_space<vmem>>
    %dma_start3A_572 = arith.constant 0 : i32
    %dma_start3A_573 = arith.constant 0 : i32
    %dma_start3A_574 = tpu.memref_slice %arg2[%dma_start3A_572, %dma_start3A_573] : memref<26000x128xf32, #tpu.memory_space<hbm>> -> memref<26000x128xf32, #tpu.memory_space<hbm>>
    tpu.enqueue_indirect_dma source(%dma_start3A_574 : memref<26000x128xf32, #tpu.memory_space<hbm>>) target(%arg15 : memref<128x128xf32, #tpu.memory_space<vmem>>) offsets(%dma_start3A_571 : memref<128xi32, #tpu.memory_space<vmem>>) semaphore(%arg19 : memref<!tpu.dma_semaphore, #tpu.memory_space<semaphore_mem>>)
    %dma_wait3A_575 = arith.constant 2944 : i32
    %dma_wait3A_576 = tpu.memref_slice %arg9[%dma_wait3A_575] : memref<3328xi32, #tpu.memory_space<vmem>> -> memref<128xi32, #tpu.memory_space<vmem>>
    %dma_wait3A_577 = arith.constant 0 : i32
    %dma_wait3A_578 = arith.constant 0 : i32
    %dma_wait3A_579 = tpu.memref_slice %arg2[%dma_wait3A_577, %dma_wait3A_578] : memref<26000x128xf32, #tpu.memory_space<hbm>> -> memref<26000x128xf32, #tpu.memory_space<hbm>>
    tpu.wait_indirect_dma semaphore(%arg21 : memref<!tpu.dma_semaphore, #tpu.memory_space<semaphore_mem>>) src(%dma_wait3A_579 : memref<26000x128xf32, #tpu.memory_space<hbm>>) dst(%arg17 : memref<128x128xf32, #tpu.memory_space<vmem>>)
    %scan3A_580 = arith.constant 0 : i32
    %scan3A_581 = arith.constant 0 : i32
    %scan3A_582 = arith.constant 128 : i32
    %scan3A_583 = arith.addi %scan3A_581, %scan3A_582 : i32
    %scan3A_584 = arith.constant 1 : i32
    scf.for %scan3A_636 = %scan3A_581 to %scan3A_583 step %scan3A_584  : i32 {
      %add3A_637 = arith.constant 2944 : i32
      %add3A_638 = arith.addi %add3A_637, %scan3A_636 : i32
      %broadcast_in_dim3A = vector.broadcast %add3A_638 : i32 to vector<16xi32>
      %gather3A = tpu.vector_load_idx %arg13[%broadcast_in_dim3A] : memref<3328xf32, #tpu.memory_space<vmem>>[vector<16xi32>], vector<16xf32>,
      %get3A = arith.index_cast %scan3A_636 : i32 to index
      %get3A_639 = arith.constant 0 : index
      %get3A_640 = tpu.vector_load %arg17[%get3A, %get3A_639] {strides = array<i32>} : memref<128x128xf32, #tpu.memory_space<vmem>>, vector<16xf32>,
      %mul3A_641 = arith.mulf %get3A_640, %gather3A : vector<16xf32>
      %swap3A = arith.index_cast %scan3A_636 : i32 to index
      %swap3A_642 = arith.constant 0 : index
      %swap3A_643 = tpu.vector_load %arg17[%swap3A, %swap3A_642] {strides = array<i32>} : memref<128x128xf32, #tpu.memory_space<vmem>>, vector<16xf32>,
      tpu.vector_store %arg17[%swap3A, %swap3A_642], %mul3A_641 {strides = array<i32>} : memref<128x128xf32, #tpu.memory_space<vmem>>, vector<16xf32>,
      %get3A_644 = arith.index_cast %scan3A_636 : i32 to index
      %get3A_645 = arith.constant 16 : index
      %get3A_646 = tpu.vector_load %arg17[%get3A_644, %get3A_645] {strides = array<i32>} : memref<128x128xf32, #tpu.memory_space<vmem>>, vector<16xf32>,
      %mul3A_647 = arith.mulf %get3A_646, %gather3A : vector<16xf32>
      %swap3A_648 = arith.index_cast %scan3A_636 : i32 to index
      %swap3A_649 = arith.constant 16 : index
      %swap3A_650 = tpu.vector_load %arg17[%swap3A_648, %swap3A_649] {strides = array<i32>} : memref<128x128xf32, #tpu.memory_space<vmem>>, vector<16xf32>,
      tpu.vector_store %arg17[%swap3A_648, %swap3A_649], %mul3A_647 {strides = array<i32>} : memref<128x128xf32, #tpu.memory_space<vmem>>, vector<16xf32>,
      %get3A_651 = arith.index_cast %scan3A_636 : i32 to index
      %get3A_652 = arith.constant 32 : index
      %get3A_653 = tpu.vector_load %arg17[%get3A_651, %get3A_652] {strides = array<i32>} : memref<128x128xf32, #tpu.memory_space<vmem>>, vector<16xf32>,
      %mul3A_654 = arith.mulf %get3A_653, %gather3A : vector<16xf32>
      %swap3A_655 = arith.index_cast %scan3A_636 : i32 to index
      %swap3A_656 = arith.constant 32 : index
      %swap3A_657 = tpu.vector_load %arg17[%swap3A_655, %swap3A_656] {strides = array<i32>} : memref<128x128xf32, #tpu.memory_space<vmem>>, vector<16xf32>,
      tpu.vector_store %arg17[%swap3A_655, %swap3A_656], %mul3A_654 {strides = array<i32>} : memref<128x128xf32, #tpu.memory_space<vmem>>, vector<16xf32>,
      %get3A_658 = arith.index_cast %scan3A_636 : i32 to index
      %get3A_659 = arith.constant 48 : index
      %get3A_660 = tpu.vector_load %arg17[%get3A_658, %get3A_659] {strides = array<i32>} : memref<128x128xf32, #tpu.memory_space<vmem>>, vector<16xf32>,
      %mul3A_661 = arith.mulf %get3A_660, %gather3A : vector<16xf32>
      %swap3A_662 = arith.index_cast %scan3A_636 : i32 to index
      %swap3A_663 = arith.constant 48 : index
      %swap3A_664 = tpu.vector_load %arg17[%swap3A_662, %swap3A_663] {strides = array<i32>} : memref<128x128xf32, #tpu.memory_space<vmem>>, vector<16xf32>,
      tpu.vector_store %arg17[%swap3A_662, %swap3A_663], %mul3A_661 {strides = array<i32>} : memref<128x128xf32, #tpu.memory_space<vmem>>, vector<16xf32>,
      %get3A_665 = arith.index_cast %scan3A_636 : i32 to index
      %get3A_666 = arith.constant 64 : index
      %get3A_667 = tpu.vector_load %arg17[%get3A_665, %get3A_666] {strides = array<i32>} : memref<128x128xf32, #tpu.memory_space<vmem>>, vector<16xf32>,
      %mul3A_668 = arith.mulf %get3A_667, %gather3A : vector<16xf32>
      %swap3A_669 = arith.index_cast %scan3A_636 : i32 to index
      %swap3A_670 = arith.constant 64 : index
      %swap3A_671 = tpu.vector_load %arg17[%swap3A_669, %swap3A_670] {strides = array<i32>} : memref<128x128xf32, #tpu.memory_space<vmem>>, vector<16xf32>,
      tpu.vector_store %arg17[%swap3A_669, %swap3A_670], %mul3A_668 {strides = array<i32>} : memref<128x128xf32, #tpu.memory_space<vmem>>, vector<16xf32>,
      %get3A_672 = arith.index_cast %scan3A_636 : i32 to index
      %get3A_673 = arith.constant 80 : index
      %get3A_674 = tpu.vector_load %arg17[%get3A_672, %get3A_673] {strides = array<i32>} : memref<128x128xf32, #tpu.memory_space<vmem>>, vector<16xf32>,
      %mul3A_675 = arith.mulf %get3A_674, %gather3A : vector<16xf32>
      %swap3A_676 = arith.index_cast %scan3A_636 : i32 to index
      %swap3A_677 = arith.constant 80 : index
      %swap3A_678 = tpu.vector_load %arg17[%swap3A_676, %swap3A_677] {strides = array<i32>} : memref<128x128xf32, #tpu.memory_space<vmem>>, vector<16xf32>,
      tpu.vector_store %arg17[%swap3A_676, %swap3A_677], %mul3A_675 {strides = array<i32>} : memref<128x128xf32, #tpu.memory_space<vmem>>, vector<16xf32>,
      %get3A_679 = arith.index_cast %scan3A_636 : i32 to index
      %get3A_680 = arith.constant 96 : index
      %get3A_681 = tpu.vector_load %arg17[%get3A_679, %get3A_680] {strides = array<i32>} : memref<128x128xf32, #tpu.memory_space<vmem>>, vector<16xf32>,
      %mul3A_682 = arith.mulf %get3A_681, %gather3A : vector<16xf32>
      %swap3A_683 = arith.index_cast %scan3A_636 : i32 to index
      %swap3A_684 = arith.constant 96 : index
      %swap3A_685 = tpu.vector_load %arg17[%swap3A_683, %swap3A_684] {strides = array<i32>} : memref<128x128xf32, #tpu.memory_space<vmem>>, vector<16xf32>,
      tpu.vector_store %arg17[%swap3A_683, %swap3A_684], %mul3A_682 {strides = array<i32>} : memref<128x128xf32, #tpu.memory_space<vmem>>, vector<16xf32>,
      %get3A_686 = arith.index_cast %scan3A_636 : i32 to index
      %get3A_687 = arith.constant 112 : index
      %get3A_688 = tpu.vector_load %arg17[%get3A_686, %get3A_687] {strides = array<i32>} : memref<128x128xf32, #tpu.memory_space<vmem>>, vector<16xf32>,
      %mul3A_689 = arith.mulf %get3A_688, %gather3A : vector<16xf32>
      %swap3A_690 = arith.index_cast %scan3A_636 : i32 to index
      %swap3A_691 = arith.constant 112 : index
      %swap3A_692 = tpu.vector_load %arg17[%swap3A_690, %swap3A_691] {strides = array<i32>} : memref<128x128xf32, #tpu.memory_space<vmem>>, vector<16xf32>,
      tpu.vector_store %arg17[%swap3A_690, %swap3A_691], %mul3A_689 {strides = array<i32>} : memref<128x128xf32, #tpu.memory_space<vmem>>, vector<16xf32>,
    }
    %scan3A_585 = arith.constant 128 : i32
    %dma_start3A_586 = arith.constant 2944 : i32
    %dma_start3A_587 = tpu.memref_slice %arg7[%mul3A_2, %dma_start3A_586] : memref<4096x3328xf32, #tpu.memory_space<hbm>> -> memref<128x128xf32, #tpu.memory_space<hbm>>
    %dma_start3A_588 = arith.constant 2944 : i32
    %dma_start3A_589 = tpu.memref_slice %arg7[%mul3A_2, %dma_start3A_588] : memref<4096x3328xf32, #tpu.memory_space<hbm>> -> memref<128x128xf32, #tpu.memory_space<hbm>>
    tpu.enqueue_dma source(%arg17 : memref<128x128xf32, #tpu.memory_space<vmem>>) target(%dma_start3A_589 : memref<128x128xf32, #tpu.memory_space<hbm>>) target_semaphore(%arg25 : memref<!tpu.dma_semaphore, #tpu.memory_space<semaphore_mem>>)
    %dma_wait3A_590 = arith.constant 3072 : i32
    %dma_wait3A_591 = tpu.memref_slice %arg9[%dma_wait3A_590] : memref<3328xi32, #tpu.memory_space<vmem>> -> memref<128xi32, #tpu.memory_space<vmem>>
    %dma_wait3A_592 = arith.constant 0 : i32
    %dma_wait3A_593 = arith.constant 0 : i32
    %dma_wait3A_594 = tpu.memref_slice %arg2[%dma_wait3A_592, %dma_wait3A_593] : memref<26000x128xf32, #tpu.memory_space<hbm>> -> memref<26000x128xf32, #tpu.memory_space<hbm>>
    tpu.wait_indirect_dma semaphore(%arg18 : memref<!tpu.dma_semaphore, #tpu.memory_space<semaphore_mem>>) src(%dma_wait3A_594 : memref<26000x128xf32, #tpu.memory_space<hbm>>) dst(%arg14 : memref<128x128xf32, #tpu.memory_space<vmem>>)
    %scan3A_595 = arith.constant 0 : i32
    %scan3A_596 = arith.constant 0 : i32
    %scan3A_597 = arith.constant 128 : i32
    %scan3A_598 = arith.addi %scan3A_596, %scan3A_597 : i32
    %scan3A_599 = arith.constant 1 : i32
    scf.for %scan3A_636 = %scan3A_596 to %scan3A_598 step %scan3A_599  : i32 {
      %add3A_637 = arith.constant 3072 : i32
      %add3A_638 = arith.addi %add3A_637, %scan3A_636 : i32
      %broadcast_in_dim3A = vector.broadcast %add3A_638 : i32 to vector<16xi32>
      %gather3A = tpu.vector_load_idx %arg13[%broadcast_in_dim3A] : memref<3328xf32, #tpu.memory_space<vmem>>[vector<16xi32>], vector<16xf32>,
      %get3A = arith.index_cast %scan3A_636 : i32 to index
      %get3A_639 = arith.constant 0 : index
      %get3A_640 = tpu.vector_load %arg14[%get3A, %get3A_639] {strides = array<i32>} : memref<128x128xf32, #tpu.memory_space<vmem>>, vector<16xf32>,
      %mul3A_641 = arith.mulf %get3A_640, %gather3A : vector<16xf32>
      %swap3A = arith.index_cast %scan3A_636 : i32 to index
      %swap3A_642 = arith.constant 0 : index
      %swap3A_643 = tpu.vector_load %arg14[%swap3A, %swap3A_642] {strides = array<i32>} : memref<128x128xf32, #tpu.memory_space<vmem>>, vector<16xf32>,
      tpu.vector_store %arg14[%swap3A, %swap3A_642], %mul3A_641 {strides = array<i32>} : memref<128x128xf32, #tpu.memory_space<vmem>>, vector<16xf32>,
      %get3A_644 = arith.index_cast %scan3A_636 : i32 to index
      %get3A_645 = arith.constant 16 : index
      %get3A_646 = tpu.vector_load %arg14[%get3A_644, %get3A_645] {strides = array<i32>} : memref<128x128xf32, #tpu.memory_space<vmem>>, vector<16xf32>,
      %mul3A_647 = arith.mulf %get3A_646, %gather3A : vector<16xf32>
      %swap3A_648 = arith.index_cast %scan3A_636 : i32 to index
      %swap3A_649 = arith.constant 16 : index
      %swap3A_650 = tpu.vector_load %arg14[%swap3A_648, %swap3A_649] {strides = array<i32>} : memref<128x128xf32, #tpu.memory_space<vmem>>, vector<16xf32>,
      tpu.vector_store %arg14[%swap3A_648, %swap3A_649], %mul3A_647 {strides = array<i32>} : memref<128x128xf32, #tpu.memory_space<vmem>>, vector<16xf32>,
      %get3A_651 = arith.index_cast %scan3A_636 : i32 to index
      %get3A_652 = arith.constant 32 : index
      %get3A_653 = tpu.vector_load %arg14[%get3A_651, %get3A_652] {strides = array<i32>} : memref<128x128xf32, #tpu.memory_space<vmem>>, vector<16xf32>,
      %mul3A_654 = arith.mulf %get3A_653, %gather3A : vector<16xf32>
      %swap3A_655 = arith.index_cast %scan3A_636 : i32 to index
      %swap3A_656 = arith.constant 32 : index
      %swap3A_657 = tpu.vector_load %arg14[%swap3A_655, %swap3A_656] {strides = array<i32>} : memref<128x128xf32, #tpu.memory_space<vmem>>, vector<16xf32>,
      tpu.vector_store %arg14[%swap3A_655, %swap3A_656], %mul3A_654 {strides = array<i32>} : memref<128x128xf32, #tpu.memory_space<vmem>>, vector<16xf32>,
      %get3A_658 = arith.index_cast %scan3A_636 : i32 to index
      %get3A_659 = arith.constant 48 : index
      %get3A_660 = tpu.vector_load %arg14[%get3A_658, %get3A_659] {strides = array<i32>} : memref<128x128xf32, #tpu.memory_space<vmem>>, vector<16xf32>,
      %mul3A_661 = arith.mulf %get3A_660, %gather3A : vector<16xf32>
      %swap3A_662 = arith.index_cast %scan3A_636 : i32 to index
      %swap3A_663 = arith.constant 48 : index
      %swap3A_664 = tpu.vector_load %arg14[%swap3A_662, %swap3A_663] {strides = array<i32>} : memref<128x128xf32, #tpu.memory_space<vmem>>, vector<16xf32>,
      tpu.vector_store %arg14[%swap3A_662, %swap3A_663], %mul3A_661 {strides = array<i32>} : memref<128x128xf32, #tpu.memory_space<vmem>>, vector<16xf32>,
      %get3A_665 = arith.index_cast %scan3A_636 : i32 to index
      %get3A_666 = arith.constant 64 : index
      %get3A_667 = tpu.vector_load %arg14[%get3A_665, %get3A_666] {strides = array<i32>} : memref<128x128xf32, #tpu.memory_space<vmem>>, vector<16xf32>,
      %mul3A_668 = arith.mulf %get3A_667, %gather3A : vector<16xf32>
      %swap3A_669 = arith.index_cast %scan3A_636 : i32 to index
      %swap3A_670 = arith.constant 64 : index
      %swap3A_671 = tpu.vector_load %arg14[%swap3A_669, %swap3A_670] {strides = array<i32>} : memref<128x128xf32, #tpu.memory_space<vmem>>, vector<16xf32>,
      tpu.vector_store %arg14[%swap3A_669, %swap3A_670], %mul3A_668 {strides = array<i32>} : memref<128x128xf32, #tpu.memory_space<vmem>>, vector<16xf32>,
      %get3A_672 = arith.index_cast %scan3A_636 : i32 to index
      %get3A_673 = arith.constant 80 : index
      %get3A_674 = tpu.vector_load %arg14[%get3A_672, %get3A_673] {strides = array<i32>} : memref<128x128xf32, #tpu.memory_space<vmem>>, vector<16xf32>,
      %mul3A_675 = arith.mulf %get3A_674, %gather3A : vector<16xf32>
      %swap3A_676 = arith.index_cast %scan3A_636 : i32 to index
      %swap3A_677 = arith.constant 80 : index
      %swap3A_678 = tpu.vector_load %arg14[%swap3A_676, %swap3A_677] {strides = array<i32>} : memref<128x128xf32, #tpu.memory_space<vmem>>, vector<16xf32>,
      tpu.vector_store %arg14[%swap3A_676, %swap3A_677], %mul3A_675 {strides = array<i32>} : memref<128x128xf32, #tpu.memory_space<vmem>>, vector<16xf32>,
      %get3A_679 = arith.index_cast %scan3A_636 : i32 to index
      %get3A_680 = arith.constant 96 : index
      %get3A_681 = tpu.vector_load %arg14[%get3A_679, %get3A_680] {strides = array<i32>} : memref<128x128xf32, #tpu.memory_space<vmem>>, vector<16xf32>,
      %mul3A_682 = arith.mulf %get3A_681, %gather3A : vector<16xf32>
      %swap3A_683 = arith.index_cast %scan3A_636 : i32 to index
      %swap3A_684 = arith.constant 96 : index
      %swap3A_685 = tpu.vector_load %arg14[%swap3A_683, %swap3A_684] {strides = array<i32>} : memref<128x128xf32, #tpu.memory_space<vmem>>, vector<16xf32>,
      tpu.vector_store %arg14[%swap3A_683, %swap3A_684], %mul3A_682 {strides = array<i32>} : memref<128x128xf32, #tpu.memory_space<vmem>>, vector<16xf32>,
      %get3A_686 = arith.index_cast %scan3A_636 : i32 to index
      %get3A_687 = arith.constant 112 : index
      %get3A_688 = tpu.vector_load %arg14[%get3A_686, %get3A_687] {strides = array<i32>} : memref<128x128xf32, #tpu.memory_space<vmem>>, vector<16xf32>,
      %mul3A_689 = arith.mulf %get3A_688, %gather3A : vector<16xf32>
      %swap3A_690 = arith.index_cast %scan3A_636 : i32 to index
      %swap3A_691 = arith.constant 112 : index
      %swap3A_692 = tpu.vector_load %arg14[%swap3A_690, %swap3A_691] {strides = array<i32>} : memref<128x128xf32, #tpu.memory_space<vmem>>, vector<16xf32>,
      tpu.vector_store %arg14[%swap3A_690, %swap3A_691], %mul3A_689 {strides = array<i32>} : memref<128x128xf32, #tpu.memory_space<vmem>>, vector<16xf32>,
    }
    %scan3A_600 = arith.constant 128 : i32
    %dma_start3A_601 = arith.constant 3072 : i32
    %dma_start3A_602 = tpu.memref_slice %arg7[%mul3A_2, %dma_start3A_601] : memref<4096x3328xf32, #tpu.memory_space<hbm>> -> memref<128x128xf32, #tpu.memory_space<hbm>>
    %dma_start3A_603 = arith.constant 3072 : i32
    %dma_start3A_604 = tpu.memref_slice %arg7[%mul3A_2, %dma_start3A_603] : memref<4096x3328xf32, #tpu.memory_space<hbm>> -> memref<128x128xf32, #tpu.memory_space<hbm>>
    tpu.enqueue_dma source(%arg14 : memref<128x128xf32, #tpu.memory_space<vmem>>) target(%dma_start3A_604 : memref<128x128xf32, #tpu.memory_space<hbm>>) target_semaphore(%arg22 : memref<!tpu.dma_semaphore, #tpu.memory_space<semaphore_mem>>)
    %dma_wait3A_605 = arith.constant 3200 : i32
    %dma_wait3A_606 = tpu.memref_slice %arg9[%dma_wait3A_605] : memref<3328xi32, #tpu.memory_space<vmem>> -> memref<128xi32, #tpu.memory_space<vmem>>
    %dma_wait3A_607 = arith.constant 0 : i32
    %dma_wait3A_608 = arith.constant 0 : i32
    %dma_wait3A_609 = tpu.memref_slice %arg2[%dma_wait3A_607, %dma_wait3A_608] : memref<26000x128xf32, #tpu.memory_space<hbm>> -> memref<26000x128xf32, #tpu.memory_space<hbm>>
    tpu.wait_indirect_dma semaphore(%arg19 : memref<!tpu.dma_semaphore, #tpu.memory_space<semaphore_mem>>) src(%dma_wait3A_609 : memref<26000x128xf32, #tpu.memory_space<hbm>>) dst(%arg15 : memref<128x128xf32, #tpu.memory_space<vmem>>)
    %scan3A_610 = arith.constant 0 : i32
    %scan3A_611 = arith.constant 0 : i32
    %scan3A_612 = arith.constant 128 : i32
    %scan3A_613 = arith.addi %scan3A_611, %scan3A_612 : i32
    %scan3A_614 = arith.constant 1 : i32
    scf.for %scan3A_636 = %scan3A_611 to %scan3A_613 step %scan3A_614  : i32 {
      %add3A_637 = arith.constant 3200 : i32
      %add3A_638 = arith.addi %add3A_637, %scan3A_636 : i32
      %broadcast_in_dim3A = vector.broadcast %add3A_638 : i32 to vector<16xi32>
      %gather3A = tpu.vector_load_idx %arg13[%broadcast_in_dim3A] : memref<3328xf32, #tpu.memory_space<vmem>>[vector<16xi32>], vector<16xf32>,
      %get3A = arith.index_cast %scan3A_636 : i32 to index
      %get3A_639 = arith.constant 0 : index
      %get3A_640 = tpu.vector_load %arg15[%get3A, %get3A_639] {strides = array<i32>} : memref<128x128xf32, #tpu.memory_space<vmem>>, vector<16xf32>,
      %mul3A_641 = arith.mulf %get3A_640, %gather3A : vector<16xf32>
      %swap3A = arith.index_cast %scan3A_636 : i32 to index
      %swap3A_642 = arith.constant 0 : index
      %swap3A_643 = tpu.vector_load %arg15[%swap3A, %swap3A_642] {strides = array<i32>} : memref<128x128xf32, #tpu.memory_space<vmem>>, vector<16xf32>,
      tpu.vector_store %arg15[%swap3A, %swap3A_642], %mul3A_641 {strides = array<i32>} : memref<128x128xf32, #tpu.memory_space<vmem>>, vector<16xf32>,
      %get3A_644 = arith.index_cast %scan3A_636 : i32 to index
      %get3A_645 = arith.constant 16 : index
      %get3A_646 = tpu.vector_load %arg15[%get3A_644, %get3A_645] {strides = array<i32>} : memref<128x128xf32, #tpu.memory_space<vmem>>, vector<16xf32>,
      %mul3A_647 = arith.mulf %get3A_646, %gather3A : vector<16xf32>
      %swap3A_648 = arith.index_cast %scan3A_636 : i32 to index
      %swap3A_649 = arith.constant 16 : index
      %swap3A_650 = tpu.vector_load %arg15[%swap3A_648, %swap3A_649] {strides = array<i32>} : memref<128x128xf32, #tpu.memory_space<vmem>>, vector<16xf32>,
      tpu.vector_store %arg15[%swap3A_648, %swap3A_649], %mul3A_647 {strides = array<i32>} : memref<128x128xf32, #tpu.memory_space<vmem>>, vector<16xf32>,
      %get3A_651 = arith.index_cast %scan3A_636 : i32 to index
      %get3A_652 = arith.constant 32 : index
      %get3A_653 = tpu.vector_load %arg15[%get3A_651, %get3A_652] {strides = array<i32>} : memref<128x128xf32, #tpu.memory_space<vmem>>, vector<16xf32>,
      %mul3A_654 = arith.mulf %get3A_653, %gather3A : vector<16xf32>
      %swap3A_655 = arith.index_cast %scan3A_636 : i32 to index
      %swap3A_656 = arith.constant 32 : index
      %swap3A_657 = tpu.vector_load %arg15[%swap3A_655, %swap3A_656] {strides = array<i32>} : memref<128x128xf32, #tpu.memory_space<vmem>>, vector<16xf32>,
      tpu.vector_store %arg15[%swap3A_655, %swap3A_656], %mul3A_654 {strides = array<i32>} : memref<128x128xf32, #tpu.memory_space<vmem>>, vector<16xf32>,
      %get3A_658 = arith.index_cast %scan3A_636 : i32 to index
      %get3A_659 = arith.constant 48 : index
      %get3A_660 = tpu.vector_load %arg15[%get3A_658, %get3A_659] {strides = array<i32>} : memref<128x128xf32, #tpu.memory_space<vmem>>, vector<16xf32>,
      %mul3A_661 = arith.mulf %get3A_660, %gather3A : vector<16xf32>
      %swap3A_662 = arith.index_cast %scan3A_636 : i32 to index
      %swap3A_663 = arith.constant 48 : index
      %swap3A_664 = tpu.vector_load %arg15[%swap3A_662, %swap3A_663] {strides = array<i32>} : memref<128x128xf32, #tpu.memory_space<vmem>>, vector<16xf32>,
      tpu.vector_store %arg15[%swap3A_662, %swap3A_663], %mul3A_661 {strides = array<i32>} : memref<128x128xf32, #tpu.memory_space<vmem>>, vector<16xf32>,
      %get3A_665 = arith.index_cast %scan3A_636 : i32 to index
      %get3A_666 = arith.constant 64 : index
      %get3A_667 = tpu.vector_load %arg15[%get3A_665, %get3A_666] {strides = array<i32>} : memref<128x128xf32, #tpu.memory_space<vmem>>, vector<16xf32>,
      %mul3A_668 = arith.mulf %get3A_667, %gather3A : vector<16xf32>
      %swap3A_669 = arith.index_cast %scan3A_636 : i32 to index
      %swap3A_670 = arith.constant 64 : index
      %swap3A_671 = tpu.vector_load %arg15[%swap3A_669, %swap3A_670] {strides = array<i32>} : memref<128x128xf32, #tpu.memory_space<vmem>>, vector<16xf32>,
      tpu.vector_store %arg15[%swap3A_669, %swap3A_670], %mul3A_668 {strides = array<i32>} : memref<128x128xf32, #tpu.memory_space<vmem>>, vector<16xf32>,
      %get3A_672 = arith.index_cast %scan3A_636 : i32 to index
      %get3A_673 = arith.constant 80 : index
      %get3A_674 = tpu.vector_load %arg15[%get3A_672, %get3A_673] {strides = array<i32>} : memref<128x128xf32, #tpu.memory_space<vmem>>, vector<16xf32>,
      %mul3A_675 = arith.mulf %get3A_674, %gather3A : vector<16xf32>
      %swap3A_676 = arith.index_cast %scan3A_636 : i32 to index
      %swap3A_677 = arith.constant 80 : index
      %swap3A_678 = tpu.vector_load %arg15[%swap3A_676, %swap3A_677] {strides = array<i32>} : memref<128x128xf32, #tpu.memory_space<vmem>>, vector<16xf32>,
      tpu.vector_store %arg15[%swap3A_676, %swap3A_677], %mul3A_675 {strides = array<i32>} : memref<128x128xf32, #tpu.memory_space<vmem>>, vector<16xf32>,
      %get3A_679 = arith.index_cast %scan3A_636 : i32 to index
      %get3A_680 = arith.constant 96 : index
      %get3A_681 = tpu.vector_load %arg15[%get3A_679, %get3A_680] {strides = array<i32>} : memref<128x128xf32, #tpu.memory_space<vmem>>, vector<16xf32>,
      %mul3A_682 = arith.mulf %get3A_681, %gather3A : vector<16xf32>
      %swap3A_683 = arith.index_cast %scan3A_636 : i32 to index
      %swap3A_684 = arith.constant 96 : index
      %swap3A_685 = tpu.vector_load %arg15[%swap3A_683, %swap3A_684] {strides = array<i32>} : memref<128x128xf32, #tpu.memory_space<vmem>>, vector<16xf32>,
      tpu.vector_store %arg15[%swap3A_683, %swap3A_684], %mul3A_682 {strides = array<i32>} : memref<128x128xf32, #tpu.memory_space<vmem>>, vector<16xf32>,
      %get3A_686 = arith.index_cast %scan3A_636 : i32 to index
      %get3A_687 = arith.constant 112 : index
      %get3A_688 = tpu.vector_load %arg15[%get3A_686, %get3A_687] {strides = array<i32>} : memref<128x128xf32, #tpu.memory_space<vmem>>, vector<16xf32>,
      %mul3A_689 = arith.mulf %get3A_688, %gather3A : vector<16xf32>
      %swap3A_690 = arith.index_cast %scan3A_636 : i32 to index
      %swap3A_691 = arith.constant 112 : index
      %swap3A_692 = tpu.vector_load %arg15[%swap3A_690, %swap3A_691] {strides = array<i32>} : memref<128x128xf32, #tpu.memory_space<vmem>>, vector<16xf32>,
      tpu.vector_store %arg15[%swap3A_690, %swap3A_691], %mul3A_689 {strides = array<i32>} : memref<128x128xf32, #tpu.memory_space<vmem>>, vector<16xf32>,
    }
    %scan3A_615 = arith.constant 128 : i32
    %dma_start3A_616 = arith.constant 3200 : i32
    %dma_start3A_617 = tpu.memref_slice %arg7[%mul3A_2, %dma_start3A_616] : memref<4096x3328xf32, #tpu.memory_space<hbm>> -> memref<128x128xf32, #tpu.memory_space<hbm>>
    %dma_start3A_618 = arith.constant 3200 : i32
    %dma_start3A_619 = tpu.memref_slice %arg7[%mul3A_2, %dma_start3A_618] : memref<4096x3328xf32, #tpu.memory_space<hbm>> -> memref<128x128xf32, #tpu.memory_space<hbm>>
    tpu.enqueue_dma source(%arg15 : memref<128x128xf32, #tpu.memory_space<vmem>>) target(%dma_start3A_619 : memref<128x128xf32, #tpu.memory_space<hbm>>) target_semaphore(%arg23 : memref<!tpu.dma_semaphore, #tpu.memory_space<semaphore_mem>>)
    %dma_wait3A_620 = arith.constant 3072 : i32
    %dma_wait3A_621 = tpu.memref_slice %arg7[%mul3A_2, %dma_wait3A_620] : memref<4096x3328xf32, #tpu.memory_space<hbm>> -> memref<128x128xf32, #tpu.memory_space<hbm>>
    %dma_wait3A_622 = arith.constant 3072 : i32
    %dma_wait3A_623 = tpu.memref_slice %arg7[%mul3A_2, %dma_wait3A_622] : memref<4096x3328xf32, #tpu.memory_space<hbm>> -> memref<128x128xf32, #tpu.memory_space<hbm>>
    tpu.wait_dma2 semaphore(%arg22 : memref<!tpu.dma_semaphore, #tpu.memory_space<semaphore_mem>>) src(%arg14 : memref<128x128xf32, #tpu.memory_space<vmem>>) dst(%dma_wait3A_623 : memref<128x128xf32, #tpu.memory_space<hbm>>)
    %dma_wait3A_624 = arith.constant 3200 : i32
    %dma_wait3A_625 = tpu.memref_slice %arg7[%mul3A_2, %dma_wait3A_624] : memref<4096x3328xf32, #tpu.memory_space<hbm>> -> memref<128x128xf32, #tpu.memory_space<hbm>>
    %dma_wait3A_626 = arith.constant 3200 : i32
    %dma_wait3A_627 = tpu.memref_slice %arg7[%mul3A_2, %dma_wait3A_626] : memref<4096x3328xf32, #tpu.memory_space<hbm>> -> memref<128x128xf32, #tpu.memory_space<hbm>>
    tpu.wait_dma2 semaphore(%arg23 : memref<!tpu.dma_semaphore, #tpu.memory_space<semaphore_mem>>) src(%arg15 : memref<128x128xf32, #tpu.memory_space<vmem>>) dst(%dma_wait3A_627 : memref<128x128xf32, #tpu.memory_space<hbm>>)
    %dma_wait3A_628 = arith.constant 2816 : i32
    %dma_wait3A_629 = tpu.memref_slice %arg7[%mul3A_2, %dma_wait3A_628] : memref<4096x3328xf32, #tpu.memory_space<hbm>> -> memref<128x128xf32, #tpu.memory_space<hbm>>
    %dma_wait3A_630 = arith.constant 2816 : i32
    %dma_wait3A_631 = tpu.memref_slice %arg7[%mul3A_2, %dma_wait3A_630] : memref<4096x3328xf32, #tpu.memory_space<hbm>> -> memref<128x128xf32, #tpu.memory_space<hbm>>
    tpu.wait_dma2 semaphore(%arg24 : memref<!tpu.dma_semaphore, #tpu.memory_space<semaphore_mem>>) src(%arg16 : memref<128x128xf32, #tpu.memory_space<vmem>>) dst(%dma_wait3A_631 : memref<128x128xf32, #tpu.memory_space<hbm>>)
    %dma_wait3A_632 = arith.constant 2944 : i32
    %dma_wait3A_633 = tpu.memref_slice %arg7[%mul3A_2, %dma_wait3A_632] : memref<4096x3328xf32, #tpu.memory_space<hbm>> -> memref<128x128xf32, #tpu.memory_space<hbm>>
    %dma_wait3A_634 = arith.constant 2944 : i32
    %dma_wait3A_635 = tpu.memref_slice %arg7[%mul3A_2, %dma_wait3A_634] : memref<4096x3328xf32, #tpu.memory_space<hbm>> -> memref<128x128xf32, #tpu.memory_space<hbm>>
    tpu.wait_dma2 semaphore(%arg25 : memref<!tpu.dma_semaphore, #tpu.memory_space<semaphore_mem>>) src(%arg17 : memref<128x128xf32, #tpu.memory_space<vmem>>) dst(%dma_wait3A_635 : memref<128x128xf32, #tpu.memory_space<hbm>>)
    return
  }
}

module attributes {stable_mosaic.version = 14 : i64} {
  func.func @_mlp_body(%arg0: i32, %arg1: memref<512x3328xf32, #tpu.memory_space<vmem>>, %arg2: memref<512x32xf32, #tpu.memory_space<vmem>>, %arg3: memref<512x32xf32, #tpu.memory_space<vmem>>, %arg4: memref<3328x1024xbf16, #tpu.memory_space<vmem>>, %arg5: memref<32x1024xbf16, #tpu.memory_space<vmem>>, %arg6: memref<1x1024xf32, #tpu.memory_space<vmem>>, %arg7: memref<1024x512xbf16, #tpu.memory_space<vmem>>, %arg8: memref<1x512xf32, #tpu.memory_space<vmem>>, %arg9: memref<512x1xbf16, #tpu.memory_space<vmem>>, %arg10: memref<1x1xf32, #tpu.memory_space<smem>>, %arg11: memref<512x1xf32, #tpu.memory_space<vmem>>) attributes {dimension_semantics = [#tpu.dimension_semantics<arbitrary>], iteration_bounds = array<i64: 8>, scalar_prefetch = 0 : i64, scratch_operands = 0 : i64, tpu.core_type = #tpu.core_type<tc>, window_params = [{transform_indices = @transform_0, window_bounds = array<i64: 512, 3328>}, {transform_indices = @transform_1, window_bounds = array<i64: 512, 32>}, {transform_indices = @transform_2, window_bounds = array<i64: 512, 32>}, {pipeline_mode = #tpu.pipeline_mode<synchronous>, transform_indices = @transform_3, window_bounds = array<i64: 3328, 1024>}, {pipeline_mode = #tpu.pipeline_mode<synchronous>, transform_indices = @transform_4, window_bounds = array<i64: 32, 1024>}, {pipeline_mode = #tpu.pipeline_mode<synchronous>, transform_indices = @transform_5, window_bounds = array<i64: 1, 1024>}, {pipeline_mode = #tpu.pipeline_mode<synchronous>, transform_indices = @transform_6, window_bounds = array<i64: 1024, 512>}, {pipeline_mode = #tpu.pipeline_mode<synchronous>, transform_indices = @transform_7, window_bounds = array<i64: 1, 512>}, {pipeline_mode = #tpu.pipeline_mode<synchronous>, transform_indices = @transform_8, window_bounds = array<i64: 512, 1>}, {transform_indices = @transform_9, window_bounds = array<i64: 1, 1>}, {transform_indices = @transform_10, window_bounds = array<i64: 512, 1>}]} {
    %get3A = arith.constant 0 : index
    %get3A_0 = arith.constant 0 : index
    %get3A_1 = vector.load %arg1[%get3A, %get3A_0] : memref<512x3328xf32, #tpu.memory_space<vmem>>, vector<512x3328xf32>
    %convert_element_type3A = arith.truncf %get3A_1 : vector<512x3328xf32> to vector<512x3328xbf16>
    %get3A_2 = arith.constant 0 : index
    %get3A_3 = arith.constant 0 : index
    %get3A_4 = vector.load %arg4[%get3A_2, %get3A_3] : memref<3328x1024xbf16, #tpu.memory_space<vmem>>, vector<3328x1024xbf16>
    %dot_general3A = arith.constant dense<0.000000e+00> : vector<512x1024xf32>
    %dot_general3A_5 = tpu.matmul %convert_element_type3A, %get3A_4, %dot_general3A {dimension_numbers = #tpu.dot_dimension_numbers<[1], [0], [0], [1], [0, 0, 1, 1], [], []>, transpose_lhs_hint = false} : vector<512x3328xbf16>, vector<3328x1024xbf16>, vector<512x1024xf32> -> vector<512x1024xf32>
    %get3A_6 = arith.constant 0 : index
    %get3A_7 = arith.constant 0 : index
    %get3A_8 = vector.load %arg3[%get3A_6, %get3A_7] : memref<512x32xf32, #tpu.memory_space<vmem>>, vector<512x32xf32>
    %get3A_9 = arith.constant 0 : index
    %get3A_10 = arith.constant 0 : index
    %get3A_11 = vector.load %arg2[%get3A_9, %get3A_10] : memref<512x32xf32, #tpu.memory_space<vmem>>, vector<512x32xf32>
    %mul3A = arith.mulf %get3A_8, %get3A_11 : vector<512x32xf32>
    %convert_element_type3A_12 = arith.truncf %mul3A : vector<512x32xf32> to vector<512x32xbf16>
    %get3A_13 = arith.constant 0 : index
    %get3A_14 = arith.constant 0 : index
    %get3A_15 = vector.load %arg5[%get3A_13, %get3A_14] : memref<32x1024xbf16, #tpu.memory_space<vmem>>, vector<32x1024xbf16>
    %dot_general3A_16 = arith.constant dense<0.000000e+00> : vector<512x1024xf32>
    %dot_general3A_17 = tpu.matmul %convert_element_type3A_12, %get3A_15, %dot_general3A_16 {dimension_numbers = #tpu.dot_dimension_numbers<[1], [0], [0], [1], [0, 0, 1, 1], [], []>, transpose_lhs_hint = false} : vector<512x32xbf16>, vector<32x1024xbf16>, vector<512x1024xf32> -> vector<512x1024xf32>
    %add3A = arith.addf %dot_general3A_5, %dot_general3A_17 : vector<512x1024xf32>
    %get3A_18 = arith.constant 0 : index
    %get3A_19 = arith.constant 0 : index
    %get3A_20 = vector.load %arg6[%get3A_18, %get3A_19] : memref<1x1024xf32, #tpu.memory_space<vmem>>, vector<1x1024xf32>
    %add3A_21 = vector.broadcast %get3A_20 : vector<1x1024xf32> to vector<512x1024xf32>
    %add3A_22 = arith.addf %add3A, %add3A_21 : vector<512x1024xf32>
    %tanh3A = math.tanh %add3A_22 : vector<512x1024xf32>
    %convert_element_type3A_23 = arith.truncf %tanh3A : vector<512x1024xf32> to vector<512x1024xbf16>
    %get3A_24 = arith.constant 0 : index
    %get3A_25 = arith.constant 0 : index
    %get3A_26 = vector.load %arg7[%get3A_24, %get3A_25] : memref<1024x512xbf16, #tpu.memory_space<vmem>>, vector<1024x512xbf16>
    %dot_general3A_27 = arith.constant dense<0.000000e+00> : vector<512x512xf32>
    %dot_general3A_28 = tpu.matmul %convert_element_type3A_23, %get3A_26, %dot_general3A_27 {dimension_numbers = #tpu.dot_dimension_numbers<[1], [0], [0], [1], [0, 0, 1, 1], [], []>, transpose_lhs_hint = false} : vector<512x1024xbf16>, vector<1024x512xbf16>, vector<512x512xf32> -> vector<512x512xf32>
    %get3A_29 = arith.constant 0 : index
    %get3A_30 = arith.constant 0 : index
    %get3A_31 = vector.load %arg8[%get3A_29, %get3A_30] : memref<1x512xf32, #tpu.memory_space<vmem>>, vector<1x512xf32>
    %add3A_32 = vector.broadcast %get3A_31 : vector<1x512xf32> to vector<512x512xf32>
    %add3A_33 = arith.addf %dot_general3A_28, %add3A_32 : vector<512x512xf32>
    %tanh3A_34 = math.tanh %add3A_33 : vector<512x512xf32>
    %convert_element_type3A_35 = arith.truncf %tanh3A_34 : vector<512x512xf32> to vector<512x512xbf16>
    %get3A_36 = arith.constant 0 : index
    %get3A_37 = arith.constant 0 : index
    %get3A_38 = vector.load %arg9[%get3A_36, %get3A_37] : memref<512x1xbf16, #tpu.memory_space<vmem>>, vector<512x1xbf16>
    %dot_general3A_39 = arith.constant dense<0.000000e+00> : vector<512x1xf32>
    %dot_general3A_40 = tpu.matmul %convert_element_type3A_35, %get3A_38, %dot_general3A_39 {dimension_numbers = #tpu.dot_dimension_numbers<[1], [0], [0], [1], [0, 0, 1, 1], [], []>, transpose_lhs_hint = false} : vector<512x512xbf16>, vector<512x1xbf16>, vector<512x1xf32> -> vector<512x1xf32>
    %get3A_41 = arith.constant 0 : index
    %get3A_42 = arith.constant 0 : index
    %get3A_43 = memref.load %arg10[%get3A_41, %get3A_42] : memref<1x1xf32, #tpu.memory_space<smem>>
    %add3A_44 = vector.broadcast %get3A_43 : f32 to vector<512x1xf32>
    %add3A_45 = arith.addf %dot_general3A_40, %add3A_44 : vector<512x1xf32>
    %swap3A = arith.constant 0 : index
    %swap3A_46 = arith.constant 0 : index
    %swap3A_47 = vector.load %arg11[%swap3A, %swap3A_46] : memref<512x1xf32, #tpu.memory_space<vmem>>, vector<512x1xf32>
    tpu.vector_store %arg11[%swap3A, %swap3A_46], %add3A_45 {strides = array<i32>} : memref<512x1xf32, #tpu.memory_space<vmem>>, vector<512x1xf32>,
    return
  }
  func.func @transform_0(%arg0: i32) -> (i32, i32) {
    %c0_i32 = arith.constant 0 : i32
    %c0_i32_0 = arith.constant 0 : i32
    return %arg0, %c0_i32 : i32, i32
  }
  func.func @transform_1(%arg0: i32) -> (i32, i32) {
    %c0_i32 = arith.constant 0 : i32
    %c0_i32_0 = arith.constant 0 : i32
    return %arg0, %c0_i32 : i32, i32
  }
  func.func @transform_2(%arg0: i32) -> (i32, i32) {
    %c0_i32 = arith.constant 0 : i32
    %c0_i32_0 = arith.constant 0 : i32
    return %arg0, %c0_i32 : i32, i32
  }
  func.func @transform_3(%arg0: i32) -> (i32, i32) {
    %c0_i32 = arith.constant 0 : i32
    %c0_i32_0 = arith.constant 0 : i32
    %c0_i32_1 = arith.constant 0 : i32
    return %c0_i32, %c0_i32_0 : i32, i32
  }
  func.func @transform_4(%arg0: i32) -> (i32, i32) {
    %c0_i32 = arith.constant 0 : i32
    %c0_i32_0 = arith.constant 0 : i32
    %c0_i32_1 = arith.constant 0 : i32
    return %c0_i32, %c0_i32_0 : i32, i32
  }
  func.func @transform_5(%arg0: i32) -> (i32, i32) {
    %c0_i32 = arith.constant 0 : i32
    %c0_i32_0 = arith.constant 0 : i32
    %c0_i32_1 = arith.constant 0 : i32
    return %c0_i32, %c0_i32_0 : i32, i32
  }
  func.func @transform_6(%arg0: i32) -> (i32, i32) {
    %c0_i32 = arith.constant 0 : i32
    %c0_i32_0 = arith.constant 0 : i32
    %c0_i32_1 = arith.constant 0 : i32
    return %c0_i32, %c0_i32_0 : i32, i32
  }
  func.func @transform_7(%arg0: i32) -> (i32, i32) {
    %c0_i32 = arith.constant 0 : i32
    %c0_i32_0 = arith.constant 0 : i32
    %c0_i32_1 = arith.constant 0 : i32
    return %c0_i32, %c0_i32_0 : i32, i32
  }
  func.func @transform_8(%arg0: i32) -> (i32, i32) {
    %c0_i32 = arith.constant 0 : i32
    %c0_i32_0 = arith.constant 0 : i32
    %c0_i32_1 = arith.constant 0 : i32
    return %c0_i32, %c0_i32_0 : i32, i32
  }
  func.func @transform_9(%arg0: i32) -> (i32, i32) {
    %c0_i32 = arith.constant 0 : i32
    %c0_i32_0 = arith.constant 0 : i32
    %c0_i32_1 = arith.constant 0 : i32
    return %c0_i32, %c0_i32_0 : i32, i32
  }
  func.func @transform_10(%arg0: i32) -> (i32, i32) {
    %c0_i32 = arith.constant 0 : i32
    %c0_i32_0 = arith.constant 0 : i32
    return %arg0, %c0_i32 : i32, i32
  }
}

</mosaic_0001>

<sc_bundles>
// kernel: kernel.4.cloned.1.call-start
scs
__scs_entry_jumppad:
0x0: {  	(pc) =	sbr.rel $0x88, $3  }
0x1: {  	(tag) =	ssettag $0x0;
	lr =	simm.s32 $0x1  }
0x2: {  	[smem:$0x3F96] =	sst lr;
	_ =	strace $0xD0000000  }
0x3: {  	_ = 	snop  }
0x4: {  	_ = 	snop  }
0x5: {  	_ = 	snop  }
0x6: {  	_ = 	snop  }
0x7: {  	_ = 	snop  }
__scs_overlays_trampoline_lowered:
0x8: {  	[smem:$0x3FA5] =	sst s0  }
0x9: {  	[smem:$0x3FA6] =	sst s1  }
0xa: {  	[smem:$0x3FA7] =	sst s2  }
0xb: {  	[smem:$0x3FA8] =	sst s3  }
0xc: {  	[smem:$0x3FA9] =	sst s4  }
0xd: {  	[smem:$0x3FAA] =	sst s5  }
0xe: {  	[smem:$0x3FAB] =	sst s6  }
0xf: {  	[smem:$0x3FAC] =	sst s7  }
0x10: {  	[smem:$0x3FAD] =	sst s8  }
0x11: {  	[smem:$0x3FAE] =	sst s9;
	s0 =	simm.s32 @!p0 $0x0  }
0x12: {  	s1 =	sld [smem:$0x3F94];
	s0 =	simm.s32 @p0 $0x1  }
0x13: {  	[smem:$0x3FAF] =	sst s0;
	s0 =	simm.s32 @!p1 $0x0  }
0x14: {  	s2 =	sld [smem:$0x3F93];
	s0 =	simm.s32 @p1 $0x1  }
0x15: {  	[smem:$0x3FB0] =	sst s0;
	s0 =	simm.s32 @!p2 $0x0  }
0x16: {  	s3 =	sld [smem:$0x3FDB];
	s0 =	simm.s32 @p2 $0x1  }
0x17: {  	s4 =	simm.s32 $0x1BF5;
	[smem:$0x3FB2] =	sst s0  }
0x18: {  	s0 =	sld [smem:$0x3F95];
	_ =	swait.ge [sflag:s4], $0x0  }
0x19: {  	s7 =	sld [smem:$0x3F96]  }
0x1a: {  	s8 =	sadd.s32 $0xFFFFE003, lr  }
0x1b: {  	s9 =	sadd.s32 $0xFFFFFEF7, lr;
	s5 =	simm.s32 $0xFFFFFFFF;
	p2 =	slt.u32 s8, $0xFFFFF086  }
0x1c: {  	p1 =	slt.u32 s9, $0xF7A;
	s5 =	simm.s32 @!p2 $0x0  }
0x1d: {  	s5 =	simm.s32 @p1 $0x1;
	p0 =	seq.s32 s7, s2  }
0x1e: {  	s7 =	smul.u32 @!p0 $0xF7A, s2;
	p2 =	seq.s32 @!p0 s5, $0x0  }
0x1f: {  	s9 =	smul.u32 $0xF7A, s1;
	s8 =	simm.s32 @!p0 $0x1BF5;
	p2 =	por !p2, p0  }
0x20: {  	[sflag:s8] =	ssyncset.s32 @!p0 $0xFFFFF086;
	s6 =	sadd.s32 @!p0 s3, s7;
	s7 =	simm.s32 @!p0 $0x108  }
0x21: {  	s3 =	sadd.s32 s3, s9;
	s6 =	sadd.s32 @!p0 $0x88, s6;
	s7 =	simm.s32 @p2 $0x1082  }
0x22: {  	[simem:s7], [sflag:s8] =	dma.local @!p0 [hbm:s6], $0xF7A  }
0x23: {  	s9 =	sor.u32 $0xD0000000, s2;
	s6 =	simm.s32 $0x108;
	_ =	swait.ge @!p0 [sflag:s8], $0x0  }
0x24: {  	s3 =	sadd.s32 $0x88, s3;
	s6 =	simm.s32 @!p1 $0x1082;
	[sflag:s4] =	ssyncset.s32 $0xFFFFF086  }
0x25: {  	[simem:s6], [sflag:s4] =	dma.local [hbm:s3], $0xF7A  }
0x26: {  	[smem:$0x3F96] =	sst s1;
	(tag) =	ssettag s2;
	_ =	strace s9  }
0x27: {  	s1 =	sld [smem:$0x3FA6]  }
0x28: {  	s2 =	sld [smem:$0x3FA7]  }
0x29: {  	s4 =	sld [smem:$0x3FA9]  }
0x2a: {  	p0 =	seq.s32 s5, $0x0;
	s5 =	sld [smem:$0x3FAA]  }
0x2b: {  	s6 =	sld [smem:$0x3FAB]  }
0x2c: {  	s7 =	sld [smem:$0x3FAC]  }
0x2d: {  	s3 =	simm.s32 $0x108;
	s8 =	sld [smem:$0x3FAD]  }
0x2e: {  	s3 =	simm.s32 @!p0 $0x1082;
	s9 =	sld [smem:$0x3FAE]  }
0x2f: {  	lr =	sadd.s32 s0, s3;
	s0 =	sld [smem:$0x3FA5]  }
0x30: {  	s3 =	sld [smem:$0x3FA8]  }
0x31: {  	[smem:$0x3FB1] =	sst s10  }
0x32: {  	s10 =	sld [smem:$0x3FAF];
	_ =	sdelay $0x3  }
0x33: {  	p0 =	seq.s32 s10, $0x1;
	s10 =	sld [smem:$0x3FB1];
	_ =	sdelay $0x3  }
0x34: {  	[smem:$0x3FB1] =	sst s10  }
0x35: {  	s10 =	sld [smem:$0x3FB0];
	_ =	sdelay $0x3  }
0x36: {  	p1 =	seq.s32 s10, $0x1;
	s10 =	sld [smem:$0x3FB1];
	_ =	sdelay $0x3  }
0x37: {  	[smem:$0x3FB1] =	sst s10  }
0x38: {  	s10 =	sld [smem:$0x3FB2]  }
0x39: {  	_ = 	snop;
	(pc) =	sbr.ind lr, $3  }
0x3a: {  	_ = 	snop  }
0x3b: {  	_ = 	snop  }
0x3c: {  	p2 =	seq.s32 s10, $0x1;
	s10 =	sld [smem:$0x3FB1]  }
0x3d: {  	_ =	shalt  }
0x3e: {  	_ =	shalt  }
0x3f: {  	_ =	shalt  }
0x40: {  	_ =	shalt  }
0x41: {  	_ =	shalt  }
0x42: {  	_ =	shalt  }
0x43: {  	_ =	shalt  }
0x44: {  	_ =	shalt  }
0x45: {  	_ =	shalt  }
0x46: {  	_ =	shalt  }
0x47: {  	_ =	shalt  }
0x48: {  	_ =	shalt  }
0x49: {  	_ =	shalt  }
0x4a: {  	_ =	shalt  }
0x4b: {  	_ =	shalt  }
0x4c: {  	_ =	shalt  }
0x4d: {  	_ =	shalt  }
0x4e: {  	_ =	shalt  }
0x4f: {  	_ =	shalt  }
0x50: {  	_ =	shalt  }
0x51: {  	_ =	shalt  }
0x52: {  	_ =	shalt  }
0x53: {  	_ =	shalt  }
0x54: {  	_ =	shalt  }
0x55: {  	_ =	shalt  }
0x56: {  	_ =	shalt  }
0x57: {  	_ =	shalt  }
0x58: {  	_ =	shalt  }
0x59: {  	_ =	shalt  }
0x5a: {  	_ =	shalt  }
0x5b: {  	_ =	shalt  }
0x5c: {  	_ =	shalt  }
0x5d: {  	_ =	shalt  }
0x5e: {  	_ =	shalt  }
0x5f: {  	_ =	shalt  }
0x60: {  	_ =	shalt  }
0x61: {  	_ =	shalt  }
0x62: {  	_ =	shalt  }
0x63: {  	_ =	shalt  }
0x64: {  	_ =	shalt  }
0x65: {  	_ =	shalt  }
0x66: {  	_ =	shalt  }
0x67: {  	_ =	shalt  }
0x68: {  	_ =	shalt  }
0x69: {  	_ =	shalt  }
0x6a: {  	_ =	shalt  }
0x6b: {  	_ =	shalt  }
0x6c: {  	_ =	shalt  }
0x6d: {  	_ =	shalt  }
0x6e: {  	_ =	shalt  }
0x6f: {  	_ =	shalt  }
0x70: {  	_ =	shalt  }
0x71: {  	_ =	shalt  }
0x72: {  	_ =	shalt  }
0x73: {  	_ =	shalt  }
0x74: {  	_ =	shalt  }
0x75: {  	_ =	shalt  }
0x76: {  	_ =	shalt  }
0x77: {  	_ =	shalt  }
0x78: {  	_ =	shalt  }
0x79: {  	_ =	shalt  }
0x7a: {  	_ =	shalt  }
0x7b: {  	_ =	shalt  }
0x7c: {  	_ =	shalt  }
0x7d: {  	_ =	shalt  }
0x7e: {  	_ =	shalt  }
0x7f: {  	_ =	shalt  }
0x80: {  	_ =	shalt  }
0x81: {  	_ =	shalt  }
0x82: {  	_ =	shalt  }
0x83: {  	_ =	shalt  }
0x84: {  	_ =	shalt  }
0x85: {  	_ =	shalt  }
0x86: {  	_ =	shalt  }
0x87: {  	_ =	shalt  }
.Lfunc_end0:
.L_simem_size_0:
called_computation_lowered:
.L_overlay_start_0:
0x88: {  	s2 =	sld [smem:$0x3FD9]  }
0x89: {  	s3 =	sld [smem:$0x3FFE];
	_ =	sdelay $0x1  }
0x8a: {  	s1 =	srdreg.scid  }
0x8b: {  	s0 =	sand.u32 $0x1, s1  }
0x8c: {  	s17 =	sshll.u32 s0, $0xA;
	s2 =	sadd.s32 s3, s2  }
0x8d: {  	s2 =	sadd.s32 s2, s17  }
0x8e: {  	[smem:$0x3FBD] =	sst s2  }
0x8f: {  	_ = 	snop  }
0x90: {  	s2 =	sld [smem:$0x3FC5];
	(tm) =	ssettm $0x1  }
0x91: {  	s18 =	sld [smem:$0x3FFB];
	_ =	sdelay $0x3  }
0x92: {  	_ =	strace s18  }
0x93: {  	s3 =	sld [smem:$0x3FFC];
	_ =	sdelay $0x3  }
0x94: {  	_ =	strace s3  }
0x95: {  	s3 =	sld [smem:$0x3FFD];
	_ =	sdelay $0x3  }
0x96: {  	_ =	strace s3  }
0x97: {  	_ =	strace $0x8FFFFFFF  }
0x98: {  	s19 =	sld [smem:$0x3FDB];
	_ =	sdelay $0x1  }
0x99: {  	s4 =	simm.s32 $_scs_section_size  }
0x9a: {  	s5 =	simm.s32 $_size__tile_overlayer_lowered;
	s6 =	simm.s32 $_tile_overlayer_lowered  }
0x9b: {  	s22 =	simm.s32 $0x1BFF;
	s21 =	sshll.u32 s6, $0x1;
	s3 =	sadd.s32 s4, s19  }
0x9c: {  	s7 =	simm.s32 $0x0;
	s20 =	sshll.u32 s5, $0x1;
	s5 =	sadd.s32 s21, s3  }
0x9d: {  	[timem:s7], [sflag:s22] =	dma.local [hbm:s5], s20  }
0x9e: {  	_ =	swait.ge [sflag:s22], s20  }
0x9f: {  	s4 =	ssub.s32 $0x0, s20;
	[sflag:s22] =	ssyncset.done $0x0  }
0xa0: {  	[sflag:s22] =	ssyncadd.s32 s4;
	_ =	sdelay $0x1  }
0xa1: {  	s23 =	simm.s32 $0x1B8B  }
0xa2: {  	_ =	swait.ge [sflag:s23], $0x1  }
0xa3: {  	[sflag:s23] =	ssyncset.done $0x0  }
0xa4: {  	s25 =	simm.s32 $0x1B8E;
	s24 =	sld [smem:$0x3FFE];
	[sflag:s23] =	ssyncadd.s32 $0xFFFFFFFF  }
0xa5: {  	s26 =	simm.s32 $execute0_lowered;
	[smem:$0x3FD2] =	sst s25  }
0xa6: {  	s5 =	sshll.u32 s26, $0x1;
	_ =	strace $0x80000046;
	[dreg:$0x1] =	wrdreg $0xFFFFFFFF  }
0xa7: {  	s28 =	simm.s32 $_size_execute0_lowered;
	s3 =	sadd.s32 s3, s5;
	[dreg:$0x0] =	wrdreg $0x0  }
0xa8: {  	s5 =	sshll.u32 s28, $0x1;
	[dreg:$0x2] =	wrdreg s3  }
0xa9: {  	[dreg:$0x3] =	wrdreg s5  }
0xaa: {  	[dreg:$0x4] =	wrdreg $0xC0  }
0xab: {  	_ =	task [dreg:s7], $0x5FFFF  }
0xac: {  	[dreg:$0x1] =	wrdreg $0xFFFFFFFF  }
0xad: {  	[dreg:$0x0] =	wrdreg $0x60  }
0xae: {  	[dreg:$0x2] =	wrdreg s2  }
0xaf: {  	[dreg:$0x3] =	wrdreg s24  }
0xb0: {  	[dreg:$0x4] =	wrdreg $0x9  }
0xb1: {  	_ =	task.clear_ibuf [dreg:s7], $0x5FFFF;
	_ =	strace $0x90000046  }
0xb2: {  	s29 =	simm.s32 $0x9;
	_ =	strace $0x80000048  }
0xb3: {  	_ =	swait.ge [sflag:s29], $0x1  }
0xb4: {  	[sflag:s29] =	ssyncadd.s32 $0xFFFFFFFF  }
0xb5: {  	_ =	strace $0x90000048  }
0xb6: {  	_ =	sfence  }
0xb7: {  	s30 =	sld [smem:$0x0];
	_ =	sdelay $0x2  }
0xb8: {  	s31 =	sshll.u32 s1, $0xD;
	s1 =	sshrl.u32 s1, $0x2  }
0xb9: {  	s3 =	sand.u32 $0x4000, s31;
	s1 =	sadd.s32 s1, s30  }
0xba: {  	s0 =	sor.u32 s3, s0;
	s1 =	sshll.u32 s1, $0x11  }
0xbb: {  	s0 =	sor.u32 s1, s0  }
0xbc: {  	s0 =	sadd.s32 $0x8F2B, s0  }
0xbd: {  	[sflag:s0] =	ssyncadd.remote.s32 $0x1  }
0xbe: {  	_ =	sfence.sel $0xFFFF  }
0xbf: {  	[dreg:$0x0] =	wrdreg $0xFFFFFFFF;
	(pc) =	sbr.abs _section_cstart, $3  }
0xc0: {  	[dreg:$0x1] =	wrdreg $0xFFFFFFFF  }
0xc1: {  	_ =	task.clear_ibuf [dreg:s7], $0x2FFFF;
	_ =	strace $0x9FFFFFFF  }
0xc2: {  	(tm) =	ssettm $0x7FFFFFFF  }
0xc3: {  	_ =	shalt  }
tec
execute0_lowered:
.L_overlay_start_1:
0x0: {  	(tag) =	ssettag $0x1  }
0x1: {  	s1 =	srdreg.scid;
	s4 =	stileid.u32  }
0x2: {  	s2 =	rddreg [dreg:$0x0];
	s1 =	sand.u32 $0x1, s1;
	s4 =	sshll.u32 s4, $0x1  }
0x3: {  	s0 =	rddreg [dreg:$0x1];
	s3 =	simm.s32 $0x0;
	s4 =	sor.u32 s1, s4  }
0x4: {  	[smem:$0x7FF] =	sst s3;
	s5 =	smul.u32 $0x1A0, s4  }
0x5: {  	s6 =	sadd.s32 $0xC600, s0;
	_ =	strace $0x80000047;
	s30 =	smul.u32 $0xD000, s4  }
0x6: {  	[dreg:$0x3] =	wrdreg s6;
	s4 =	sshll.u32 s4, $0x9;
	s5 =	sadd.s32 s5, s0  }
0x7: {  	s6 =	sadd.s32 s30, s0;
	s0 =	sadd.s32 s4, s0;
	s4 =	sadd.s32 $0x1E00, s5  }
0x8: {  	s5 =	sadd.s32 $0x5200, s5;
	[dreg:$0x4] =	wrdreg s4  }
0x9: {  	s8 =	sadd.s32 $0x8600, s0;
	[dreg:$0x5] =	wrdreg s5  }
0xa: {  	s0 =	sadd.s32 $0xD400, s0;
	[dreg:$0x6] =	wrdreg s8  }
0xb: {  	s9 =	sadd.s32 $0x11400, s6;
	[dreg:$0x7] =	wrdreg s0  }
0xc: {  	s10 =	sadd.s32 $0x11480, s6;
	[dreg:$0x8] =	wrdreg s9  }
0xd: {  	s11 =	sadd.s32 $0x11500, s6;
	[dreg:$0x9] =	wrdreg s10  }
0xe: {  	s12 =	sadd.s32 $0x11580, s6;
	[dreg:$0xa] =	wrdreg s11  }
0xf: {  	s13 =	sadd.s32 $0x11600, s6;
	[dreg:$0xb] =	wrdreg s12  }
0x10: {  	s14 =	sadd.s32 $0x11680, s6;
	[dreg:$0xc] =	wrdreg s13  }
0x11: {  	s15 =	sadd.s32 $0x11700, s6;
	[dreg:$0xd] =	wrdreg s14  }
0x12: {  	s16 =	sadd.s32 $0x11780, s6;
	[dreg:$0xe] =	wrdreg s15  }
0x13: {  	s17 =	sadd.s32 $0x11800, s6;
	[dreg:$0xf] =	wrdreg s16  }
0x14: {  	s18 =	sadd.s32 $0x11880, s6;
	[dreg:$0x10] =	wrdreg s17  }
0x15: {  	s19 =	sadd.s32 $0x11900, s6;
	[dreg:$0x11] =	wrdreg s18  }
0x16: {  	s20 =	sadd.s32 $0x11980, s6;
	[dreg:$0x12] =	wrdreg s19  }
0x17: {  	s21 =	sadd.s32 $0x11A00, s6;
	[dreg:$0x13] =	wrdreg s20  }
0x18: {  	s22 =	sadd.s32 $0x11A80, s6;
	[dreg:$0x14] =	wrdreg s21  }
0x19: {  	s23 =	sadd.s32 $0x11B00, s6;
	[dreg:$0x15] =	wrdreg s22  }
0x1a: {  	s24 =	sadd.s32 $0x11B80, s6;
	[dreg:$0x16] =	wrdreg s23  }
0x1b: {  	s1 =	ssub.s32 $0x2, s1;
	s25 =	sadd.s32 $0x11C00, s6;
	[dreg:$0x17] =	wrdreg s24  }
0x1c: {  	s7 =	sshrl.u32 s1, $0x1;
	s26 =	sadd.s32 $0x11C80, s6;
	[dreg:$0x18] =	wrdreg s25  }
0x1d: {  	s7 =	ssub.s32 s1, s7;
	s28 =	sadd.s32 $0x11D00, s6;
	[dreg:$0x19] =	wrdreg s26  }
0x1e: {  	s29 =	sadd.s32 $0x11D80, s6;
	s30 =	sadd.s32 $0x11E00, s6;
	[dreg:$0x1a] =	wrdreg s28  }
0x1f: {  	s31 =	sadd.s32 $0x11E80, s6;
	s1 =	sadd.s32 $0x11F80, s6;
	[dreg:$0x1b] =	wrdreg s29  }
0x20: {  	[dreg:$0x1c] =	wrdreg s30;
	s0 =	sadd.s32 $0x11F00, s6;
	s4 =	sadd.s32 $0x12000, s6  }
0x21: {  	s5 =	sadd.s32 $0x12080, s6;
	s6 =	smax.u32 s7, $0x1;
	s7 =	simm.s32 $0x9  }
0x22: {  	s8 =	simm.s32 $0x80;
	s9 =	simm.s32 $0xA000;
	s10 =	simm.s32 $0xE000  }
0x23: {  	s11 =	simm.s32 $0x9300;
	s12 =	simm.s32 $0x1D00;
	s13 =	simm.s32 $0x12000  }
0x24: {  	s14 =	simm.s32 $0x1;
	s15 =	simm.s32 $0x400;
	s16 =	simm.s32 $0x6800  }
0x25: {  	s17 =	simm.s32 $0x16000;
	s18 =	simm.s32 $0x2;
	s19 =	simm.s32 $0x5  }
0x26: {  	s20 =	simm.s32 $0x3;
	s21 =	simm.s32 $0x6;
	s22 =	simm.s32 $0x4  }
0x27: {  	s23 =	simm.s32 $0x7;
	s24 =	simm.s32 $0x8;
	s25 =	simm.s32 $0x0  }
.LBB2_1:
0x28: {  	s26 =	rddreg [dreg:$0x4]  }
0x29: {  	[tilespmem:s3], [sflag:$0x9] =	stream.linear.gather [hbm4b:s26+s3], $0xD00, $0x38;
	[tilespmem:$0x1A000] =	vst v63  }
0x2a: {  	_ =	swait.ge [sflag:s7], $0xD00  }
0x2b: {  	[sflag:s7] =	ssyncset.done $0x0  }
0x2c: {  	[sflag:s7] =	ssyncadd.s32 $0xFFFFF300  }
0x2d: {  	[tilespmem:s9], [sflag:$0x1] =	stream.indirect.gather [hbm4b:s2+s8], $0x80, s3, s8, $0xb8;
	[tilespmem:$0x1A000] =	vst v63  }
0x2e: {  	_ = 	snop  }
0x2f: {  	[tilespmem:s10], [sflag:$0x2] =	stream.indirect.gather [hbm4b:s2+s8], $0x80, s8, s8, $0xb8;
	[tilespmem:$0x1A000] =	vst v63  }
0x30: {  	s30 =	rddreg [dreg:$0x5]  }
0x31: {  	[tilespmem:s11], [sflag:$0x9] =	stream.linear.gather [hbm4b:s30+s3], $0xD00, $0x38;
	[tilespmem:$0x1A000] =	vst v63  }
0x32: {  	_ =	swait.ge [sflag:s7], $0xD00  }
0x33: {  	[sflag:s7] =	ssyncset.done $0x0  }
0x34: {  	s28 =	simm.s32 $0xD00;
	s30 =	rddreg [dreg:$0x6];
	[sflag:s7] =	ssyncadd.s32 $0xFFFFF300  }
0x35: {  	[tilespmem:s28], [sflag:$0x9] =	stream.linear.gather [hbm4b:s30+s3], $0x1000, $0x38;
	[tilespmem:$0x1A000] =	vst v63  }
0x36: {  	_ =	swait.ge [sflag:s7], $0x1000  }
0x37: {  	[sflag:s7] =	ssyncset.done $0x0  }
0x38: {  	s30 =	rddreg [dreg:$0x3];
	[sflag:s7] =	ssyncadd.s32 $0xFFFFF000  }
0x39: {  	[tilespmem:s12], [sflag:$0x9] =	stream.linear.gather [hbm4b:s30+s3], $0x6600, $0x38;
	[tilespmem:$0x1A000] =	vst v63  }
0x3a: {  	_ =	swait.ge [sflag:s7], $0x6600  }
0x3b: {  	[sflag:s7] =	ssyncset.done $0x0  }
0x3c: {  	s26 =	simm.s32 $0x0;
	[sflag:s7] =	ssyncadd.s32 $0xFFFF9A00  }
0x3d: {  	v0 =	vld [tilespmem:s26+$0xD00];
	_ =	sdelay $0x7  }
0x3e: {  	s29 =	simm.s32 $0x80;
	s28 =	simm.s32 $0x10;
	v0 =	vld.idx.msk [tilespmem:v0+s12+$0x0], $0xffff  }
.LBB2_2:
0x3f: {  	p0 =	sne.s32 s29, $0x3FC0;
	v1 =	vld [tilespmem:s28+$0xD00];
	_ =	sdelay $0x3  }
.Ltmp0:
0x40: {  	(pc) =	sbr.rel @p0 .LBB2_2-.Ltmp0, $2  }
0x41: {  	[tilespmem:s26+$0x8300] =	vst v0;
	s26 =	smov.u32 s28;
	_ =	sdelay $0x2  }
0x42: {  	s28 =	sshra.s32 s29, $0x2;
	s29 =	sadd.s32 $0x40, s29;
	v0 =	vld.idx.msk [tilespmem:v1+s12+$0x0], $0xffff  }
0x43: {  	v1 =	vld [tilespmem:s28+$0xD00];
	_ =	sdelay $0x6  }
0x44: {  	[tilespmem:s26+$0x8300] =	vst v0  }
0x45: {  	v0 =	vld.idx.msk [tilespmem:v1+s12+$0x0], $0xffff;
	_ =	sdelay $0x4  }
0x46: {  	s30 =	simm.s32 $0x0;
	s29 =	simm.s32 $0x8300;
	[tilespmem:s28+$0x8300] =	vst v0;
	s28 =	rddreg [dreg:$0x7]  }
0x47: {  	[hbm4b:s28+s30] =	stream.linear.scatter [tilespmem:s29], [sflag:$0x9], $0x1000, $0x38;
	[tilespmem:$0x1A000] =	vst v63  }
0x48: {  	_ =	swait.ge [sflag:s7], $0x1000  }
0x49: {  	[sflag:s7] =	ssyncset.done $0x0  }
0x4a: {  	s28 =	simm.s32 $0x100;
	[sflag:s7] =	ssyncadd.s32 $0xFFFFF000  }
0x4b: {  	[tilespmem:s13], [sflag:$0x3] =	stream.indirect.gather [hbm4b:s2+s8], $0x80, s28, s8, $0xb8;
	[tilespmem:$0x1A000] =	vst v63  }
0x4c: {  	_ =	swait.ge [sflag:s14], $0x4000  }
0x4d: {  	v0 =	vmov s30;
	[sflag:s14] =	ssyncset.done $0x0  }
0x4e: {  	s26 =	simm.s32 $0xA040;
	[sflag:s14] =	ssyncadd.s32 $0xFFFFC000  }
0x4f: {  	v4 =	vld [tilespmem:s26+$0x30]  }
0x50: {  	v7 =	vld [tilespmem:s26+$0x10]  }
0x51: {  	v5 =	vld [tilespmem:s26+$0xFFFFFFC0]  }
0x52: {  	v1 =	vld.idx.msk [tilespmem:v0+s11+$0x0], $0xffff  }
0x53: {  	v9 =	vld [tilespmem:s26+$0xFFFFFFE0]  }
0x54: {  	v0 =	vld [tilespmem:s26+$0xFFFFFFF0]  }
0x55: {  	v2 =	vld [tilespmem:s26+$0x20]  }
0x56: {  	v3 =	vld [tilespmem:s26+$0xFFFFFFD0]  }
0x57: {  	v8 =	vmul.f32 v4, v1;
	v4 =	vld [tilespmem:s26+$0x0]  }
0x58: {  	v6 =	vmul.f32 v5, v1  }
0x59: {  	s29 =	simm.s32 $0xA040;
	s28 =	simm.s32 $0x1;
	v5 =	vmul.f32 v9, v1;
	v7 =	vmul.f32 v7, v1  }
.LBB2_4:
0x5a: {  	p0 =	sne.s32 s28, $0x7F  }
0x5b: {  	v3 =	vmul.f32 v3, v1;
	v2 =	vmul.f32 v2, v1;
	[tilespmem:s26+$0x30] =	vst v8;
	s29 =	sadd.s32 $0x80, s29;
	s30 =	smov.u32 s28;
	s28 =	sadd.s32 $0x1, s28  }
0x5c: {  	[tilespmem:s26+$0xFFFFFFC0] =	vst v6;
	v6 =	vmul.f32 v0, v1;
	v1 =	vmul.f32 v4, v1  }
0x5d: {  	[tilespmem:s26+$0x10] =	vst v7  }
0x5e: {  	v4 =	vmov s30;
	[tilespmem:s26+$0xFFFFFFE0] =	vst v5  }
0x5f: {  	v0 =	vld [tilespmem:s29+$0xFFFFFFF0];
	[tilespmem:s26+$0xFFFFFFF0] =	vst v6  }
0x60: {  	v5 =	vld [tilespmem:s29+$0x30];
	[tilespmem:s26+$0x0] =	vst v1  }
0x61: {  	v7 =	vld [tilespmem:s29+$0x10];
	[tilespmem:s26+$0x20] =	vst v2  }
0x62: {  	v6 =	vld [tilespmem:s29+$0xFFFFFFC0];
	[tilespmem:s26+$0xFFFFFFD0] =	vst v3;
	s26 =	smov.u32 s29  }
0x63: {  	v1 =	vld.idx.msk [tilespmem:v4+s11+$0x0], $0xffff  }
0x64: {  	v9 =	vld [tilespmem:s29+$0xFFFFFFE0]  }
0x65: {  	v2 =	vld [tilespmem:s29+$0x20]  }
.Ltmp1:
0x66: {  	v3 =	vld [tilespmem:s29+$0xFFFFFFD0];
	(pc) =	sbr.rel @p0 .LBB2_4-.Ltmp1, $3  }
0x67: {  	v4 =	vld [tilespmem:s29+$0x0];
	_ =	sdelay $0x1  }
0x68: {  	v6 =	vmul.f32 v6, v1;
	v8 =	vmul.f32 v5, v1  }
0x69: {  	v7 =	vmul.f32 v7, v1;
	v5 =	vmul.f32 v9, v1  }
0x6a: {  	[tilespmem:s26+$0x30] =	vst v8  }
0x6b: {  	[tilespmem:s26+$0xFFFFFFC0] =	vst v6  }
0x6c: {  	v0 =	vmul.f32 v0, v1;
	[tilespmem:s26+$0x10] =	vst v7  }
0x6d: {  	v2 =	vmul.f32 v2, v1;
	[tilespmem:s26+$0xFFFFFFE0] =	vst v5  }
0x6e: {  	v4 =	vmul.f32 v4, v1;
	[tilespmem:s26+$0xFFFFFFF0] =	vst v0  }
0x6f: {  	v0 =	vmul.f32 v3, v1;
	[tilespmem:s26+$0x20] =	vst v2  }
0x70: {  	[tilespmem:s26+$0x0] =	vst v4  }
0x71: {  	s30 =	rddreg [dreg:$0x8];
	[tilespmem:s26+$0xFFFFFFD0] =	vst v0  }
0x72: {  	[hbm4b:s30+s15] =	stream.strided.scatter [tilespmem:s9], [sflag:$0x5], $0x4000, s16, s15, $0x38;
	[tilespmem:$0x1A000] =	vst v63  }
0x73: {  	s28 =	simm.s32 $0x180;
	s30 =	simm.s32 $0x80  }
0x74: {  	[tilespmem:s17], [sflag:$0x4] =	stream.indirect.gather [hbm4b:s2+s30], $0x80, s28, s30, $0xb8;
	[tilespmem:$0x1A000] =	vst v63  }
0x75: {  	_ =	swait.ge [sflag:s18], $0x4000  }
0x76: {  	v0 =	vmov s30;
	[sflag:s18] =	ssyncset.done $0x0  }
0x77: {  	s26 =	simm.s32 $0xE040;
	[sflag:s18] =	ssyncadd.s32 $0xFFFFC000  }
0x78: {  	v4 =	vld [tilespmem:s26+$0x30]  }
0x79: {  	v7 =	vld [tilespmem:s26+$0x10]  }
0x7a: {  	v5 =	vld [tilespmem:s26+$0xFFFFFFC0]  }
0x7b: {  	v1 =	vld.idx.msk [tilespmem:v0+s11+$0x0], $0xffff  }
0x7c: {  	v9 =	vld [tilespmem:s26+$0xFFFFFFE0]  }
0x7d: {  	v0 =	vld [tilespmem:s26+$0xFFFFFFF0]  }
0x7e: {  	v2 =	vld [tilespmem:s26+$0x20]  }
0x7f: {  	v3 =	vld [tilespmem:s26+$0xFFFFFFD0]  }
0x80: {  	v8 =	vmul.f32 v4, v1;
	v4 =	vld [tilespmem:s26+$0x0]  }
0x81: {  	v6 =	vmul.f32 v5, v1  }
0x82: {  	s29 =	simm.s32 $0xE040;
	s28 =	simm.s32 $0x81;
	v5 =	vmul.f32 v9, v1;
	v7 =	vmul.f32 v7, v1  }
.LBB2_6:
0x83: {  	p0 =	sne.s32 s28, $0xFF  }
0x84: {  	v3 =	vmul.f32 v3, v1;
	v2 =	vmul.f32 v2, v1;
	[tilespmem:s26+$0x30] =	vst v8;
	s29 =	sadd.s32 $0x80, s29;
	s30 =	smov.u32 s28;
	s28 =	sadd.s32 $0x1, s28  }
0x85: {  	[tilespmem:s26+$0xFFFFFFC0] =	vst v6;
	v6 =	vmul.f32 v0, v1;
	v1 =	vmul.f32 v4, v1  }
0x86: {  	[tilespmem:s26+$0x10] =	vst v7  }
0x87: {  	v4 =	vmov s30;
	[tilespmem:s26+$0xFFFFFFE0] =	vst v5  }
0x88: {  	v0 =	vld [tilespmem:s29+$0xFFFFFFF0];
	[tilespmem:s26+$0xFFFFFFF0] =	vst v6  }
0x89: {  	v5 =	vld [tilespmem:s29+$0x30];
	[tilespmem:s26+$0x0] =	vst v1  }
0x8a: {  	v7 =	vld [tilespmem:s29+$0x10];
	[tilespmem:s26+$0x20] =	vst v2  }
0x8b: {  	v6 =	vld [tilespmem:s29+$0xFFFFFFC0];
	[tilespmem:s26+$0xFFFFFFD0] =	vst v3;
	s26 =	smov.u32 s29  }
0x8c: {  	v1 =	vld.idx.msk [tilespmem:v4+s11+$0x0], $0xffff  }
0x8d: {  	v9 =	vld [tilespmem:s29+$0xFFFFFFE0]  }
0x8e: {  	v2 =	vld [tilespmem:s29+$0x20]  }
.Ltmp2:
0x8f: {  	v3 =	vld [tilespmem:s29+$0xFFFFFFD0];
	(pc) =	sbr.rel @p0 .LBB2_6-.Ltmp2, $3  }
0x90: {  	v4 =	vld [tilespmem:s29+$0x0];
	_ =	sdelay $0x1  }
0x91: {  	v6 =	vmul.f32 v6, v1;
	v8 =	vmul.f32 v5, v1  }
0x92: {  	v7 =	vmul.f32 v7, v1;
	v5 =	vmul.f32 v9, v1  }
0x93: {  	[tilespmem:s26+$0x30] =	vst v8  }
0x94: {  	[tilespmem:s26+$0xFFFFFFC0] =	vst v6  }
0x95: {  	v0 =	vmul.f32 v0, v1;
	[tilespmem:s26+$0x10] =	vst v7  }
0x96: {  	v2 =	vmul.f32 v2, v1;
	[tilespmem:s26+$0xFFFFFFE0] =	vst v5  }
0x97: {  	v4 =	vmul.f32 v4, v1;
	[tilespmem:s26+$0xFFFFFFF0] =	vst v0  }
0x98: {  	v0 =	vmul.f32 v3, v1;
	[tilespmem:s26+$0x20] =	vst v2  }
0x99: {  	[tilespmem:s26+$0x0] =	vst v4  }
0x9a: {  	s30 =	rddreg [dreg:$0x9];
	[tilespmem:s26+$0xFFFFFFD0] =	vst v0  }
0x9b: {  	[hbm4b:s30+s15] =	stream.strided.scatter [tilespmem:s10], [sflag:$0x6], $0x4000, s16, s15, $0x38;
	[tilespmem:$0x1A000] =	vst v63  }
0x9c: {  	_ =	swait.ge [sflag:s19], $0x4000  }
0x9d: {  	[sflag:s19] =	ssyncset.done $0x0  }
0x9e: {  	s30 =	simm.s32 $0x200;
	[sflag:s19] =	ssyncadd.s32 $0xFFFFC000  }
0x9f: {  	[tilespmem:s9], [sflag:$0x1] =	stream.indirect.gather [hbm4b:s2+s8], $0x80, s30, s8, $0xb8;
	[tilespmem:$0x1A000] =	vst v63  }
0xa0: {  	s30 =	simm.s32 $0x100;
	_ =	swait.ge [sflag:s20], $0x4000  }
0xa1: {  	v0 =	vmov s30;
	[sflag:s20] =	ssyncset.done $0x0  }
0xa2: {  	s26 =	simm.s32 $0x12040;
	[sflag:s20] =	ssyncadd.s32 $0xFFFFC000  }
0xa3: {  	v4 =	vld [tilespmem:s26+$0x30]  }
0xa4: {  	v7 =	vld [tilespmem:s26+$0x10]  }
0xa5: {  	v5 =	vld [tilespmem:s26+$0xFFFFFFC0]  }
0xa6: {  	v1 =	vld.idx.msk [tilespmem:v0+s11+$0x0], $0xffff  }
0xa7: {  	v9 =	vld [tilespmem:s26+$0xFFFFFFE0]  }
0xa8: {  	v2 =	vld [tilespmem:s26+$0x20]  }
0xa9: {  	v3 =	vld [tilespmem:s26+$0xFFFFFFD0]  }
0xaa: {  	v0 =	vld [tilespmem:s26+$0xFFFFFFF0]  }
0xab: {  	v8 =	vmul.f32 v4, v1;
	v4 =	vld [tilespmem:s26+$0x0]  }
0xac: {  	v6 =	vmul.f32 v5, v1  }
0xad: {  	s28 =	simm.s32 $0x101;
	s29 =	simm.s32 $0x12040;
	v5 =	vmul.f32 v9, v1;
	v7 =	vmul.f32 v7, v1  }
.LBB2_8:
0xae: {  	p0 =	sne.s32 s28, $0x17F  }
0xaf: {  	v3 =	vmul.f32 v3, v1;
	v2 =	vmul.f32 v2, v1;
	[tilespmem:s26+$0x30] =	vst v8;
	s29 =	sadd.s32 $0x80, s29;
	s30 =	smov.u32 s28;
	s28 =	sadd.s32 $0x1, s28  }
0xb0: {  	[tilespmem:s26+$0xFFFFFFC0] =	vst v6;
	v6 =	vmul.f32 v0, v1;
	v1 =	vmul.f32 v4, v1  }
0xb1: {  	[tilespmem:s26+$0x10] =	vst v7  }
0xb2: {  	v4 =	vmov s30;
	[tilespmem:s26+$0xFFFFFFE0] =	vst v5  }
0xb3: {  	v0 =	vld [tilespmem:s29+$0xFFFFFFF0];
	[tilespmem:s26+$0xFFFFFFF0] =	vst v6  }
0xb4: {  	v5 =	vld [tilespmem:s29+$0x30];
	[tilespmem:s26+$0x0] =	vst v1  }
0xb5: {  	v7 =	vld [tilespmem:s29+$0x10];
	[tilespmem:s26+$0x20] =	vst v2  }
0xb6: {  	v6 =	vld [tilespmem:s29+$0xFFFFFFC0];
	[tilespmem:s26+$0xFFFFFFD0] =	vst v3;
	s26 =	smov.u32 s29  }
0xb7: {  	v1 =	vld.idx.msk [tilespmem:v4+s11+$0x0], $0xffff  }
0xb8: {  	v9 =	vld [tilespmem:s29+$0xFFFFFFE0]  }
0xb9: {  	v2 =	vld [tilespmem:s29+$0x20]  }
.Ltmp3:
0xba: {  	v3 =	vld [tilespmem:s29+$0xFFFFFFD0];
	(pc) =	sbr.rel @p0 .LBB2_8-.Ltmp3, $3  }
0xbb: {  	v4 =	vld [tilespmem:s29+$0x0];
	_ =	sdelay $0x1  }
0xbc: {  	v6 =	vmul.f32 v6, v1;
	v8 =	vmul.f32 v5, v1  }
0xbd: {  	v7 =	vmul.f32 v7, v1;
	v5 =	vmul.f32 v9, v1  }
0xbe: {  	[tilespmem:s26+$0x30] =	vst v8  }
0xbf: {  	[tilespmem:s26+$0xFFFFFFC0] =	vst v6  }
0xc0: {  	v0 =	vmul.f32 v0, v1;
	[tilespmem:s26+$0x10] =	vst v7  }
0xc1: {  	v2 =	vmul.f32 v2, v1;
	[tilespmem:s26+$0xFFFFFFE0] =	vst v5  }
0xc2: {  	v4 =	vmul.f32 v4, v1;
	[tilespmem:s26+$0xFFFFFFF0] =	vst v0  }
0xc3: {  	v0 =	vmul.f32 v3, v1;
	[tilespmem:s26+$0x20] =	vst v2  }
0xc4: {  	[tilespmem:s26+$0x0] =	vst v4  }
0xc5: {  	s30 =	rddreg [dreg:$0xa];
	[tilespmem:s26+$0xFFFFFFD0] =	vst v0  }
0xc6: {  	[hbm4b:s30+s15] =	stream.strided.scatter [tilespmem:s13], [sflag:$0x7], $0x4000, s16, s15, $0x38;
	[tilespmem:$0x1A000] =	vst v63  }
0xc7: {  	_ =	swait.ge [sflag:s21], $0x4000  }
0xc8: {  	[sflag:s21] =	ssyncset.done $0x0  }
0xc9: {  	s30 =	simm.s32 $0x280;
	[sflag:s21] =	ssyncadd.s32 $0xFFFFC000  }
0xca: {  	[tilespmem:s10], [sflag:$0x2] =	stream.indirect.gather [hbm4b:s2+s8], $0x80, s30, s8, $0xb8;
	[tilespmem:$0x1A000] =	vst v63  }
0xcb: {  	s30 =	simm.s32 $0x180;
	_ =	swait.ge [sflag:s22], $0x4000  }
0xcc: {  	v0 =	vmov s30;
	[sflag:s22] =	ssyncset.done $0x0  }
0xcd: {  	s26 =	simm.s32 $0x16040;
	[sflag:s22] =	ssyncadd.s32 $0xFFFFC000  }
0xce: {  	v4 =	vld [tilespmem:s26+$0x30]  }
0xcf: {  	v7 =	vld [tilespmem:s26+$0x10]  }
0xd0: {  	v5 =	vld [tilespmem:s26+$0xFFFFFFC0]  }
0xd1: {  	v1 =	vld.idx.msk [tilespmem:v0+s11+$0x0], $0xffff  }
0xd2: {  	v9 =	vld [tilespmem:s26+$0xFFFFFFE0]  }
0xd3: {  	v2 =	vld [tilespmem:s26+$0x20]  }
0xd4: {  	v3 =	vld [tilespmem:s26+$0xFFFFFFD0]  }
0xd5: {  	v0 =	vld [tilespmem:s26+$0xFFFFFFF0]  }
0xd6: {  	v8 =	vmul.f32 v4, v1;
	v4 =	vld [tilespmem:s26+$0x0]  }
0xd7: {  	v6 =	vmul.f32 v5, v1  }
0xd8: {  	s28 =	simm.s32 $0x181;
	s29 =	simm.s32 $0x16040;
	v5 =	vmul.f32 v9, v1;
	v7 =	vmul.f32 v7, v1  }
.LBB2_10:
0xd9: {  	p0 =	sne.s32 s28, $0x1FF  }
0xda: {  	v3 =	vmul.f32 v3, v1;
	v2 =	vmul.f32 v2, v1;
	[tilespmem:s26+$0x30] =	vst v8;
	s29 =	sadd.s32 $0x80, s29;
	s30 =	smov.u32 s28;
	s28 =	sadd.s32 $0x1, s28  }
0xdb: {  	[tilespmem:s26+$0xFFFFFFC0] =	vst v6;
	v6 =	vmul.f32 v0, v1;
	v1 =	vmul.f32 v4, v1  }
0xdc: {  	[tilespmem:s26+$0x10] =	vst v7  }
0xdd: {  	v4 =	vmov s30;
	[tilespmem:s26+$0xFFFFFFE0] =	vst v5  }
0xde: {  	v0 =	vld [tilespmem:s29+$0xFFFFFFF0];
	[tilespmem:s26+$0xFFFFFFF0] =	vst v6  }
0xdf: {  	v5 =	vld [tilespmem:s29+$0x30];
	[tilespmem:s26+$0x0] =	vst v1  }
0xe0: {  	v7 =	vld [tilespmem:s29+$0x10];
	[tilespmem:s26+$0x20] =	vst v2  }
0xe1: {  	v6 =	vld [tilespmem:s29+$0xFFFFFFC0];
	[tilespmem:s26+$0xFFFFFFD0] =	vst v3;
	s26 =	smov.u32 s29  }
0xe2: {  	v1 =	vld.idx.msk [tilespmem:v4+s11+$0x0], $0xffff  }
0xe3: {  	v9 =	vld [tilespmem:s29+$0xFFFFFFE0]  }
0xe4: {  	v2 =	vld [tilespmem:s29+$0x20]  }
.Ltmp4:
0xe5: {  	v3 =	vld [tilespmem:s29+$0xFFFFFFD0];
	(pc) =	sbr.rel @p0 .LBB2_10-.Ltmp4, $3  }
0xe6: {  	v4 =	vld [tilespmem:s29+$0x0];
	_ =	sdelay $0x1  }
0xe7: {  	v6 =	vmul.f32 v6, v1;
	v8 =	vmul.f32 v5, v1  }
0xe8: {  	v7 =	vmul.f32 v7, v1;
	v5 =	vmul.f32 v9, v1  }
0xe9: {  	[tilespmem:s26+$0x30] =	vst v8  }
0xea: {  	[tilespmem:s26+$0xFFFFFFC0] =	vst v6  }
0xeb: {  	v0 =	vmul.f32 v0, v1;
	[tilespmem:s26+$0x10] =	vst v7  }
0xec: {  	v2 =	vmul.f32 v2, v1;
	[tilespmem:s26+$0xFFFFFFE0] =	vst v5  }
0xed: {  	v4 =	vmul.f32 v4, v1;
	[tilespmem:s26+$0xFFFFFFF0] =	vst v0  }
0xee: {  	v0 =	vmul.f32 v3, v1;
	[tilespmem:s26+$0x20] =	vst v2  }
0xef: {  	[tilespmem:s26+$0x0] =	vst v4  }
0xf0: {  	s30 =	rddreg [dreg:$0xb];
	[tilespmem:s26+$0xFFFFFFD0] =	vst v0  }
0xf1: {  	[hbm4b:s30+s15] =	stream.strided.scatter [tilespmem:s17], [sflag:$0x8], $0x4000, s16, s15, $0x38;
	[tilespmem:$0x1A000] =	vst v63  }
0xf2: {  	_ =	swait.ge [sflag:s23], $0x4000  }
0xf3: {  	[sflag:s23] =	ssyncset.done $0x0  }
0xf4: {  	s30 =	simm.s32 $0x300;
	[sflag:s23] =	ssyncadd.s32 $0xFFFFC000  }
0xf5: {  	[tilespmem:s13], [sflag:$0x3] =	stream.indirect.gather [hbm4b:s2+s8], $0x80, s30, s8, $0xb8;
	[tilespmem:$0x1A000] =	vst v63  }
0xf6: {  	s30 =	simm.s32 $0x200;
	_ =	swait.ge [sflag:s14], $0x4000  }
0xf7: {  	v0 =	vmov s30;
	[sflag:s14] =	ssyncset.done $0x0  }
0xf8: {  	s26 =	simm.s32 $0xA040;
	[sflag:s14] =	ssyncadd.s32 $0xFFFFC000  }
0xf9: {  	v4 =	vld [tilespmem:s26+$0x30]  }
0xfa: {  	v7 =	vld [tilespmem:s26+$0x10]  }
0xfb: {  	v5 =	vld [tilespmem:s26+$0xFFFFFFC0]  }
0xfc: {  	v1 =	vld.idx.msk [tilespmem:v0+s11+$0x0], $0xffff  }
0xfd: {  	v9 =	vld [tilespmem:s26+$0xFFFFFFE0]  }
0xfe: {  	v2 =	vld [tilespmem:s26+$0x20]  }
0xff: {  	v3 =	vld [tilespmem:s26+$0xFFFFFFD0]  }
0x100: {  	v0 =	vld [tilespmem:s26+$0xFFFFFFF0]  }
0x101: {  	v8 =	vmul.f32 v4, v1;
	v4 =	vld [tilespmem:s26+$0x0]  }
0x102: {  	v6 =	vmul.f32 v5, v1  }
0x103: {  	s28 =	simm.s32 $0x201;
	s29 =	simm.s32 $0xA040;
	v5 =	vmul.f32 v9, v1;
	v7 =	vmul.f32 v7, v1  }
.LBB2_12:
0x104: {  	p0 =	sne.s32 s28, $0x27F  }
0x105: {  	v3 =	vmul.f32 v3, v1;
	v2 =	vmul.f32 v2, v1;
	[tilespmem:s26+$0x30] =	vst v8;
	s29 =	sadd.s32 $0x80, s29;
	s30 =	smov.u32 s28;
	s28 =	sadd.s32 $0x1, s28  }
0x106: {  	[tilespmem:s26+$0xFFFFFFC0] =	vst v6;
	v6 =	vmul.f32 v0, v1;
	v1 =	vmul.f32 v4, v1  }
0x107: {  	[tilespmem:s26+$0x10] =	vst v7  }
0x108: {  	v4 =	vmov s30;
	[tilespmem:s26+$0xFFFFFFE0] =	vst v5  }
0x109: {  	v0 =	vld [tilespmem:s29+$0xFFFFFFF0];
	[tilespmem:s26+$0xFFFFFFF0] =	vst v6  }
0x10a: {  	v5 =	vld [tilespmem:s29+$0x30];
	[tilespmem:s26+$0x0] =	vst v1  }
0x10b: {  	v7 =	vld [tilespmem:s29+$0x10];
	[tilespmem:s26+$0x20] =	vst v2  }
0x10c: {  	v6 =	vld [tilespmem:s29+$0xFFFFFFC0];
	[tilespmem:s26+$0xFFFFFFD0] =	vst v3;
	s26 =	smov.u32 s29  }
0x10d: {  	v1 =	vld.idx.msk [tilespmem:v4+s11+$0x0], $0xffff  }
0x10e: {  	v9 =	vld [tilespmem:s29+$0xFFFFFFE0]  }
0x10f: {  	v2 =	vld [tilespmem:s29+$0x20]  }
.Ltmp5:
0x110: {  	v3 =	vld [tilespmem:s29+$0xFFFFFFD0];
	(pc) =	sbr.rel @p0 .LBB2_12-.Ltmp5, $3  }
0x111: {  	v4 =	vld [tilespmem:s29+$0x0];
	_ =	sdelay $0x1  }
0x112: {  	v6 =	vmul.f32 v6, v1;
	v8 =	vmul.f32 v5, v1  }
0x113: {  	v7 =	vmul.f32 v7, v1;
	v5 =	vmul.f32 v9, v1  }
0x114: {  	[tilespmem:s26+$0x30] =	vst v8  }
0x115: {  	[tilespmem:s26+$0xFFFFFFC0] =	vst v6  }
0x116: {  	v0 =	vmul.f32 v0, v1;
	[tilespmem:s26+$0x10] =	vst v7  }
0x117: {  	v2 =	vmul.f32 v2, v1;
	[tilespmem:s26+$0xFFFFFFE0] =	vst v5  }
0x118: {  	v4 =	vmul.f32 v4, v1;
	[tilespmem:s26+$0xFFFFFFF0] =	vst v0  }
0x119: {  	v0 =	vmul.f32 v3, v1;
	[tilespmem:s26+$0x20] =	vst v2  }
0x11a: {  	[tilespmem:s26+$0x0] =	vst v4  }
0x11b: {  	s30 =	rddreg [dreg:$0xc];
	[tilespmem:s26+$0xFFFFFFD0] =	vst v0  }
0x11c: {  	[hbm4b:s30+s15] =	stream.strided.scatter [tilespmem:s9], [sflag:$0x5], $0x4000, s16, s15, $0x38;
	[tilespmem:$0x1A000] =	vst v63  }
0x11d: {  	_ =	swait.ge [sflag:s24], $0x4000  }
0x11e: {  	[sflag:s24] =	ssyncset.done $0x0  }
0x11f: {  	s30 =	simm.s32 $0x380;
	[sflag:s24] =	ssyncadd.s32 $0xFFFFC000  }
0x120: {  	[tilespmem:s17], [sflag:$0x4] =	stream.indirect.gather [hbm4b:s2+s8], $0x80, s30, s8, $0xb8;
	[tilespmem:$0x1A000] =	vst v63  }
0x121: {  	s30 =	simm.s32 $0x280;
	_ =	swait.ge [sflag:s18], $0x4000  }
0x122: {  	v0 =	vmov s30;
	[sflag:s18] =	ssyncset.done $0x0  }
0x123: {  	s26 =	simm.s32 $0xE040;
	[sflag:s18] =	ssyncadd.s32 $0xFFFFC000  }
0x124: {  	v4 =	vld [tilespmem:s26+$0x30]  }
0x125: {  	v7 =	vld [tilespmem:s26+$0x10]  }
0x126: {  	v5 =	vld [tilespmem:s26+$0xFFFFFFC0]  }
0x127: {  	v1 =	vld.idx.msk [tilespmem:v0+s11+$0x0], $0xffff  }
0x128: {  	v9 =	vld [tilespmem:s26+$0xFFFFFFE0]  }
0x129: {  	v2 =	vld [tilespmem:s26+$0x20]  }
0x12a: {  	v3 =	vld [tilespmem:s26+$0xFFFFFFD0]  }
0x12b: {  	v0 =	vld [tilespmem:s26+$0xFFFFFFF0]  }
0x12c: {  	v8 =	vmul.f32 v4, v1;
	v4 =	vld [tilespmem:s26+$0x0]  }
0x12d: {  	v6 =	vmul.f32 v5, v1  }
0x12e: {  	s28 =	simm.s32 $0x281;
	s29 =	simm.s32 $0xE040;
	v5 =	vmul.f32 v9, v1;
	v7 =	vmul.f32 v7, v1  }
.LBB2_14:
0x12f: {  	p0 =	sne.s32 s28, $0x2FF  }
0x130: {  	v3 =	vmul.f32 v3, v1;
	v2 =	vmul.f32 v2, v1;
	[tilespmem:s26+$0x30] =	vst v8;
	s29 =	sadd.s32 $0x80, s29;
	s30 =	smov.u32 s28;
	s28 =	sadd.s32 $0x1, s28  }
0x131: {  	[tilespmem:s26+$0xFFFFFFC0] =	vst v6;
	v6 =	vmul.f32 v0, v1;
	v1 =	vmul.f32 v4, v1  }
0x132: {  	[tilespmem:s26+$0x10] =	vst v7  }
0x133: {  	v4 =	vmov s30;
	[tilespmem:s26+$0xFFFFFFE0] =	vst v5  }
0x134: {  	v0 =	vld [tilespmem:s29+$0xFFFFFFF0];
	[tilespmem:s26+$0xFFFFFFF0] =	vst v6  }
0x135: {  	v5 =	vld [tilespmem:s29+$0x30];
	[tilespmem:s26+$0x0] =	vst v1  }
0x136: {  	v7 =	vld [tilespmem:s29+$0x10];
	[tilespmem:s26+$0x20] =	vst v2  }
0x137: {  	v6 =	vld [tilespmem:s29+$0xFFFFFFC0];
	[tilespmem:s26+$0xFFFFFFD0] =	vst v3;
	s26 =	smov.u32 s29  }
0x138: {  	v1 =	vld.idx.msk [tilespmem:v4+s11+$0x0], $0xffff  }
0x139: {  	v9 =	vld [tilespmem:s29+$0xFFFFFFE0]  }
0x13a: {  	v2 =	vld [tilespmem:s29+$0x20]  }
.Ltmp6:
0x13b: {  	v3 =	vld [tilespmem:s29+$0xFFFFFFD0];
	(pc) =	sbr.rel @p0 .LBB2_14-.Ltmp6, $3  }
0x13c: {  	v4 =	vld [tilespmem:s29+$0x0];
	_ =	sdelay $0x1  }
0x13d: {  	v6 =	vmul.f32 v6, v1;
	v8 =	vmul.f32 v5, v1  }
0x13e: {  	v7 =	vmul.f32 v7, v1;
	v5 =	vmul.f32 v9, v1  }
0x13f: {  	[tilespmem:s26+$0x30] =	vst v8  }
0x140: {  	[tilespmem:s26+$0xFFFFFFC0] =	vst v6  }
0x141: {  	v0 =	vmul.f32 v0, v1;
	[tilespmem:s26+$0x10] =	vst v7  }
0x142: {  	v2 =	vmul.f32 v2, v1;
	[tilespmem:s26+$0xFFFFFFE0] =	vst v5  }
0x143: {  	v4 =	vmul.f32 v4, v1;
	[tilespmem:s26+$0xFFFFFFF0] =	vst v0  }
0x144: {  	v0 =	vmul.f32 v3, v1;
	[tilespmem:s26+$0x20] =	vst v2  }
0x145: {  	[tilespmem:s26+$0x0] =	vst v4  }
0x146: {  	s30 =	rddreg [dreg:$0xd];
	[tilespmem:s26+$0xFFFFFFD0] =	vst v0  }
0x147: {  	[hbm4b:s30+s15] =	stream.strided.scatter [tilespmem:s10], [sflag:$0x6], $0x4000, s16, s15, $0x38;
	[tilespmem:$0x1A000] =	vst v63  }
0x148: {  	_ =	swait.ge [sflag:s19], $0x4000  }
0x149: {  	[sflag:s19] =	ssyncset.done $0x0  }
0x14a: {  	[sflag:s19] =	ssyncadd.s32 $0xFFFFC000  }
0x14b: {  	[tilespmem:s9], [sflag:$0x1] =	stream.indirect.gather [hbm4b:s2+s8], $0x80, s15, s8, $0xb8;
	[tilespmem:$0x1A000] =	vst v63  }
0x14c: {  	s30 =	simm.s32 $0x300;
	_ =	swait.ge [sflag:s20], $0x4000  }
0x14d: {  	v0 =	vmov s30;
	[sflag:s20] =	ssyncset.done $0x0  }
0x14e: {  	s26 =	simm.s32 $0x12040;
	[sflag:s20] =	ssyncadd.s32 $0xFFFFC000  }
0x14f: {  	v4 =	vld [tilespmem:s26+$0x30]  }
0x150: {  	v7 =	vld [tilespmem:s26+$0x10]  }
0x151: {  	v5 =	vld [tilespmem:s26+$0xFFFFFFC0]  }
0x152: {  	v1 =	vld.idx.msk [tilespmem:v0+s11+$0x0], $0xffff  }
0x153: {  	v9 =	vld [tilespmem:s26+$0xFFFFFFE0]  }
0x154: {  	v0 =	vld [tilespmem:s26+$0xFFFFFFF0]  }
0x155: {  	v2 =	vld [tilespmem:s26+$0x20]  }
0x156: {  	v3 =	vld [tilespmem:s26+$0xFFFFFFD0]  }
0x157: {  	v8 =	vmul.f32 v4, v1;
	v4 =	vld [tilespmem:s26+$0x0]  }
0x158: {  	v6 =	vmul.f32 v5, v1  }
0x159: {  	s28 =	simm.s32 $0x301;
	s29 =	simm.s32 $0x12040;
	v5 =	vmul.f32 v9, v1;
	v7 =	vmul.f32 v7, v1  }
.LBB2_16:
0x15a: {  	p0 =	sne.s32 s28, $0x37F  }
0x15b: {  	v3 =	vmul.f32 v3, v1;
	v2 =	vmul.f32 v2, v1;
	[tilespmem:s26+$0x30] =	vst v8;
	s29 =	sadd.s32 $0x80, s29;
	s30 =	smov.u32 s28;
	s28 =	sadd.s32 $0x1, s28  }
0x15c: {  	[tilespmem:s26+$0xFFFFFFC0] =	vst v6;
	v6 =	vmul.f32 v0, v1;
	v1 =	vmul.f32 v4, v1  }
0x15d: {  	[tilespmem:s26+$0x10] =	vst v7  }
0x15e: {  	v4 =	vmov s30;
	[tilespmem:s26+$0xFFFFFFE0] =	vst v5  }
0x15f: {  	v0 =	vld [tilespmem:s29+$0xFFFFFFF0];
	[tilespmem:s26+$0xFFFFFFF0] =	vst v6  }
0x160: {  	v5 =	vld [tilespmem:s29+$0x30];
	[tilespmem:s26+$0x0] =	vst v1  }
0x161: {  	v7 =	vld [tilespmem:s29+$0x10];
	[tilespmem:s26+$0x20] =	vst v2  }
0x162: {  	v6 =	vld [tilespmem:s29+$0xFFFFFFC0];
	[tilespmem:s26+$0xFFFFFFD0] =	vst v3;
	s26 =	smov.u32 s29  }
0x163: {  	v1 =	vld.idx.msk [tilespmem:v4+s11+$0x0], $0xffff  }
0x164: {  	v9 =	vld [tilespmem:s29+$0xFFFFFFE0]  }
0x165: {  	v2 =	vld [tilespmem:s29+$0x20]  }
.Ltmp7:
0x166: {  	v3 =	vld [tilespmem:s29+$0xFFFFFFD0];
	(pc) =	sbr.rel @p0 .LBB2_16-.Ltmp7, $3  }
0x167: {  	v4 =	vld [tilespmem:s29+$0x0];
	_ =	sdelay $0x1  }
0x168: {  	v6 =	vmul.f32 v6, v1;
	v8 =	vmul.f32 v5, v1  }
0x169: {  	v7 =	vmul.f32 v7, v1;
	v5 =	vmul.f32 v9, v1  }
0x16a: {  	[tilespmem:s26+$0x30] =	vst v8  }
0x16b: {  	[tilespmem:s26+$0xFFFFFFC0] =	vst v6  }
0x16c: {  	v0 =	vmul.f32 v0, v1;
	[tilespmem:s26+$0x10] =	vst v7  }
0x16d: {  	v2 =	vmul.f32 v2, v1;
	[tilespmem:s26+$0xFFFFFFE0] =	vst v5  }
0x16e: {  	v4 =	vmul.f32 v4, v1;
	[tilespmem:s26+$0xFFFFFFF0] =	vst v0  }
0x16f: {  	v0 =	vmul.f32 v3, v1;
	[tilespmem:s26+$0x20] =	vst v2  }
0x170: {  	[tilespmem:s26+$0x0] =	vst v4  }
0x171: {  	s30 =	rddreg [dreg:$0xe];
	[tilespmem:s26+$0xFFFFFFD0] =	vst v0  }
0x172: {  	[hbm4b:s30+s15] =	stream.strided.scatter [tilespmem:s13], [sflag:$0x7], $0x4000, s16, s15, $0x38;
	[tilespmem:$0x1A000] =	vst v63  }
0x173: {  	_ =	swait.ge [sflag:s21], $0x4000  }
0x174: {  	[sflag:s21] =	ssyncset.done $0x0  }
0x175: {  	s30 =	simm.s32 $0x480;
	[sflag:s21] =	ssyncadd.s32 $0xFFFFC000  }
0x176: {  	[tilespmem:s10], [sflag:$0x2] =	stream.indirect.gather [hbm4b:s2+s8], $0x80, s30, s8, $0xb8;
	[tilespmem:$0x1A000] =	vst v63  }
0x177: {  	s30 =	simm.s32 $0x380;
	_ =	swait.ge [sflag:s22], $0x4000  }
0x178: {  	v0 =	vmov s30;
	[sflag:s22] =	ssyncset.done $0x0  }
0x179: {  	s26 =	simm.s32 $0x16040;
	[sflag:s22] =	ssyncadd.s32 $0xFFFFC000  }
0x17a: {  	v4 =	vld [tilespmem:s26+$0x30]  }
0x17b: {  	v7 =	vld [tilespmem:s26+$0x10]  }
0x17c: {  	v5 =	vld [tilespmem:s26+$0xFFFFFFC0]  }
0x17d: {  	v1 =	vld.idx.msk [tilespmem:v0+s11+$0x0], $0xffff  }
0x17e: {  	v9 =	vld [tilespmem:s26+$0xFFFFFFE0]  }
0x17f: {  	v2 =	vld [tilespmem:s26+$0x20]  }
0x180: {  	v3 =	vld [tilespmem:s26+$0xFFFFFFD0]  }
0x181: {  	v0 =	vld [tilespmem:s26+$0xFFFFFFF0]  }
0x182: {  	v8 =	vmul.f32 v4, v1;
	v4 =	vld [tilespmem:s26+$0x0]  }
0x183: {  	v6 =	vmul.f32 v5, v1  }
0x184: {  	s28 =	simm.s32 $0x381;
	s29 =	simm.s32 $0x16040;
	v5 =	vmul.f32 v9, v1;
	v7 =	vmul.f32 v7, v1  }
.LBB2_18:
0x185: {  	p0 =	sne.s32 s28, $0x3FF  }
0x186: {  	v3 =	vmul.f32 v3, v1;
	v2 =	vmul.f32 v2, v1;
	[tilespmem:s26+$0x30] =	vst v8;
	s29 =	sadd.s32 $0x80, s29;
	s30 =	smov.u32 s28;
	s28 =	sadd.s32 $0x1, s28  }
0x187: {  	[tilespmem:s26+$0xFFFFFFC0] =	vst v6;
	v6 =	vmul.f32 v0, v1;
	v1 =	vmul.f32 v4, v1  }
0x188: {  	[tilespmem:s26+$0x10] =	vst v7  }
0x189: {  	v4 =	vmov s30;
	[tilespmem:s26+$0xFFFFFFE0] =	vst v5  }
0x18a: {  	v0 =	vld [tilespmem:s29+$0xFFFFFFF0];
	[tilespmem:s26+$0xFFFFFFF0] =	vst v6  }
0x18b: {  	v5 =	vld [tilespmem:s29+$0x30];
	[tilespmem:s26+$0x0] =	vst v1  }
0x18c: {  	v7 =	vld [tilespmem:s29+$0x10];
	[tilespmem:s26+$0x20] =	vst v2  }
0x18d: {  	v6 =	vld [tilespmem:s29+$0xFFFFFFC0];
	[tilespmem:s26+$0xFFFFFFD0] =	vst v3;
	s26 =	smov.u32 s29  }
0x18e: {  	v1 =	vld.idx.msk [tilespmem:v4+s11+$0x0], $0xffff  }
0x18f: {  	v9 =	vld [tilespmem:s29+$0xFFFFFFE0]  }
0x190: {  	v2 =	vld [tilespmem:s29+$0x20]  }
.Ltmp8:
0x191: {  	v3 =	vld [tilespmem:s29+$0xFFFFFFD0];
	(pc) =	sbr.rel @p0 .LBB2_18-.Ltmp8, $3  }
0x192: {  	v4 =	vld [tilespmem:s29+$0x0];
	_ =	sdelay $0x1  }
0x193: {  	v6 =	vmul.f32 v6, v1;
	v8 =	vmul.f32 v5, v1  }
0x194: {  	v7 =	vmul.f32 v7, v1;
	v5 =	vmul.f32 v9, v1  }
0x195: {  	[tilespmem:s26+$0x30] =	vst v8  }
0x196: {  	[tilespmem:s26+$0xFFFFFFC0] =	vst v6  }
0x197: {  	v0 =	vmul.f32 v0, v1;
	[tilespmem:s26+$0x10] =	vst v7  }
0x198: {  	v2 =	vmul.f32 v2, v1;
	[tilespmem:s26+$0xFFFFFFE0] =	vst v5  }
0x199: {  	v4 =	vmul.f32 v4, v1;
	[tilespmem:s26+$0xFFFFFFF0] =	vst v0  }
0x19a: {  	v0 =	vmul.f32 v3, v1;
	[tilespmem:s26+$0x20] =	vst v2  }
0x19b: {  	[tilespmem:s26+$0x0] =	vst v4  }
0x19c: {  	s30 =	simm.s32 $0x400;
	s28 =	rddreg [dreg:$0xf];
	[tilespmem:s26+$0xFFFFFFD0] =	vst v0  }
0x19d: {  	[hbm4b:s28+s30] =	stream.strided.scatter [tilespmem:s17], [sflag:$0x8], $0x4000, s16, s30, $0x38;
	[tilespmem:$0x1A000] =	vst v63  }
0x19e: {  	_ =	swait.ge [sflag:s23], $0x4000  }
0x19f: {  	[sflag:s23] =	ssyncset.done $0x0  }
0x1a0: {  	s28 =	simm.s32 $0x500;
	[sflag:s23] =	ssyncadd.s32 $0xFFFFC000  }
0x1a1: {  	[tilespmem:s13], [sflag:$0x3] =	stream.indirect.gather [hbm4b:s2+s8], $0x80, s28, s8, $0xb8;
	[tilespmem:$0x1A000] =	vst v63  }
0x1a2: {  	_ =	swait.ge [sflag:s14], $0x4000  }
0x1a3: {  	v0 =	vmov s30;
	[sflag:s14] =	ssyncset.done $0x0  }
0x1a4: {  	s26 =	simm.s32 $0xA040;
	[sflag:s14] =	ssyncadd.s32 $0xFFFFC000  }
0x1a5: {  	v4 =	vld [tilespmem:s26+$0x30]  }
0x1a6: {  	v7 =	vld [tilespmem:s26+$0x10]  }
0x1a7: {  	v5 =	vld [tilespmem:s26+$0xFFFFFFC0]  }
0x1a8: {  	v1 =	vld.idx.msk [tilespmem:v0+s11+$0x0], $0xffff  }
0x1a9: {  	v9 =	vld [tilespmem:s26+$0xFFFFFFE0]  }
0x1aa: {  	v0 =	vld [tilespmem:s26+$0xFFFFFFF0]  }
0x1ab: {  	v2 =	vld [tilespmem:s26+$0x20]  }
0x1ac: {  	v3 =	vld [tilespmem:s26+$0xFFFFFFD0]  }
0x1ad: {  	v8 =	vmul.f32 v4, v1;
	v4 =	vld [tilespmem:s26+$0x0]  }
0x1ae: {  	v6 =	vmul.f32 v5, v1  }
0x1af: {  	s29 =	simm.s32 $0xA040;
	s28 =	simm.s32 $0x401;
	v5 =	vmul.f32 v9, v1;
	v7 =	vmul.f32 v7, v1  }
.LBB2_20:
0x1b0: {  	p0 =	sne.s32 s28, $0x47F  }
0x1b1: {  	v3 =	vmul.f32 v3, v1;
	v2 =	vmul.f32 v2, v1;
	[tilespmem:s26+$0x30] =	vst v8;
	s29 =	sadd.s32 $0x80, s29;
	s30 =	smov.u32 s28;
	s28 =	sadd.s32 $0x1, s28  }
0x1b2: {  	[tilespmem:s26+$0xFFFFFFC0] =	vst v6;
	v6 =	vmul.f32 v0, v1;
	v1 =	vmul.f32 v4, v1  }
0x1b3: {  	[tilespmem:s26+$0x10] =	vst v7  }
0x1b4: {  	v4 =	vmov s30;
	[tilespmem:s26+$0xFFFFFFE0] =	vst v5  }
0x1b5: {  	v0 =	vld [tilespmem:s29+$0xFFFFFFF0];
	[tilespmem:s26+$0xFFFFFFF0] =	vst v6  }
0x1b6: {  	v5 =	vld [tilespmem:s29+$0x30];
	[tilespmem:s26+$0x0] =	vst v1  }
0x1b7: {  	v7 =	vld [tilespmem:s29+$0x10];
	[tilespmem:s26+$0x20] =	vst v2  }
0x1b8: {  	v6 =	vld [tilespmem:s29+$0xFFFFFFC0];
	[tilespmem:s26+$0xFFFFFFD0] =	vst v3;
	s26 =	smov.u32 s29  }
0x1b9: {  	v1 =	vld.idx.msk [tilespmem:v4+s11+$0x0], $0xffff  }
0x1ba: {  	v9 =	vld [tilespmem:s29+$0xFFFFFFE0]  }
0x1bb: {  	v2 =	vld [tilespmem:s29+$0x20]  }
.Ltmp9:
0x1bc: {  	v3 =	vld [tilespmem:s29+$0xFFFFFFD0];
	(pc) =	sbr.rel @p0 .LBB2_20-.Ltmp9, $3  }
0x1bd: {  	v4 =	vld [tilespmem:s29+$0x0];
	_ =	sdelay $0x1  }
0x1be: {  	v6 =	vmul.f32 v6, v1;
	v8 =	vmul.f32 v5, v1  }
0x1bf: {  	v7 =	vmul.f32 v7, v1;
	v5 =	vmul.f32 v9, v1  }
0x1c0: {  	[tilespmem:s26+$0x30] =	vst v8  }
0x1c1: {  	[tilespmem:s26+$0xFFFFFFC0] =	vst v6  }
0x1c2: {  	v0 =	vmul.f32 v0, v1;
	[tilespmem:s26+$0x10] =	vst v7  }
0x1c3: {  	v2 =	vmul.f32 v2, v1;
	[tilespmem:s26+$0xFFFFFFE0] =	vst v5  }
0x1c4: {  	v4 =	vmul.f32 v4, v1;
	[tilespmem:s26+$0xFFFFFFF0] =	vst v0  }
0x1c5: {  	v0 =	vmul.f32 v3, v1;
	[tilespmem:s26+$0x20] =	vst v2  }
0x1c6: {  	[tilespmem:s26+$0x0] =	vst v4  }
0x1c7: {  	s30 =	rddreg [dreg:$0x10];
	[tilespmem:s26+$0xFFFFFFD0] =	vst v0  }
0x1c8: {  	[hbm4b:s30+s15] =	stream.strided.scatter [tilespmem:s9], [sflag:$0x5], $0x4000, s16, s15, $0x38;
	[tilespmem:$0x1A000] =	vst v63  }
0x1c9: {  	_ =	swait.ge [sflag:s24], $0x4000  }
0x1ca: {  	[sflag:s24] =	ssyncset.done $0x0  }
0x1cb: {  	s30 =	simm.s32 $0x580;
	[sflag:s24] =	ssyncadd.s32 $0xFFFFC000  }
0x1cc: {  	[tilespmem:s17], [sflag:$0x4] =	stream.indirect.gather [hbm4b:s2+s8], $0x80, s30, s8, $0xb8;
	[tilespmem:$0x1A000] =	vst v63  }
0x1cd: {  	s30 =	simm.s32 $0x480;
	_ =	swait.ge [sflag:s18], $0x4000  }
0x1ce: {  	v0 =	vmov s30;
	[sflag:s18] =	ssyncset.done $0x0  }
0x1cf: {  	s26 =	simm.s32 $0xE040;
	[sflag:s18] =	ssyncadd.s32 $0xFFFFC000  }
0x1d0: {  	v4 =	vld [tilespmem:s26+$0x30]  }
0x1d1: {  	v7 =	vld [tilespmem:s26+$0x10]  }
0x1d2: {  	v5 =	vld [tilespmem:s26+$0xFFFFFFC0]  }
0x1d3: {  	v1 =	vld.idx.msk [tilespmem:v0+s11+$0x0], $0xffff  }
0x1d4: {  	v9 =	vld [tilespmem:s26+$0xFFFFFFE0]  }
0x1d5: {  	v2 =	vld [tilespmem:s26+$0x20]  }
0x1d6: {  	v3 =	vld [tilespmem:s26+$0xFFFFFFD0]  }
0x1d7: {  	v0 =	vld [tilespmem:s26+$0xFFFFFFF0]  }
0x1d8: {  	v8 =	vmul.f32 v4, v1;
	v4 =	vld [tilespmem:s26+$0x0]  }
0x1d9: {  	v6 =	vmul.f32 v5, v1  }
0x1da: {  	s28 =	simm.s32 $0x481;
	s29 =	simm.s32 $0xE040;
	v5 =	vmul.f32 v9, v1;
	v7 =	vmul.f32 v7, v1  }
.LBB2_22:
0x1db: {  	p0 =	sne.s32 s28, $0x4FF  }
0x1dc: {  	v3 =	vmul.f32 v3, v1;
	v2 =	vmul.f32 v2, v1;
	[tilespmem:s26+$0x30] =	vst v8;
	s29 =	sadd.s32 $0x80, s29;
	s30 =	smov.u32 s28;
	s28 =	sadd.s32 $0x1, s28  }
0x1dd: {  	[tilespmem:s26+$0xFFFFFFC0] =	vst v6;
	v6 =	vmul.f32 v0, v1;
	v1 =	vmul.f32 v4, v1  }
0x1de: {  	[tilespmem:s26+$0x10] =	vst v7  }
0x1df: {  	v4 =	vmov s30;
	[tilespmem:s26+$0xFFFFFFE0] =	vst v5  }
0x1e0: {  	v0 =	vld [tilespmem:s29+$0xFFFFFFF0];
	[tilespmem:s26+$0xFFFFFFF0] =	vst v6  }
0x1e1: {  	v5 =	vld [tilespmem:s29+$0x30];
	[tilespmem:s26+$0x0] =	vst v1  }
0x1e2: {  	v7 =	vld [tilespmem:s29+$0x10];
	[tilespmem:s26+$0x20] =	vst v2  }
0x1e3: {  	v6 =	vld [tilespmem:s29+$0xFFFFFFC0];
	[tilespmem:s26+$0xFFFFFFD0] =	vst v3;
	s26 =	smov.u32 s29  }
0x1e4: {  	v1 =	vld.idx.msk [tilespmem:v4+s11+$0x0], $0xffff  }
0x1e5: {  	v9 =	vld [tilespmem:s29+$0xFFFFFFE0]  }
0x1e6: {  	v2 =	vld [tilespmem:s29+$0x20]  }
.Ltmp10:
0x1e7: {  	v3 =	vld [tilespmem:s29+$0xFFFFFFD0];
	(pc) =	sbr.rel @p0 .LBB2_22-.Ltmp10, $3  }
0x1e8: {  	v4 =	vld [tilespmem:s29+$0x0];
	_ =	sdelay $0x1  }
0x1e9: {  	v6 =	vmul.f32 v6, v1;
	v8 =	vmul.f32 v5, v1  }
0x1ea: {  	v7 =	vmul.f32 v7, v1;
	v5 =	vmul.f32 v9, v1  }
0x1eb: {  	[tilespmem:s26+$0x30] =	vst v8  }
0x1ec: {  	[tilespmem:s26+$0xFFFFFFC0] =	vst v6  }
0x1ed: {  	v0 =	vmul.f32 v0, v1;
	[tilespmem:s26+$0x10] =	vst v7  }
0x1ee: {  	v2 =	vmul.f32 v2, v1;
	[tilespmem:s26+$0xFFFFFFE0] =	vst v5  }
0x1ef: {  	v4 =	vmul.f32 v4, v1;
	[tilespmem:s26+$0xFFFFFFF0] =	vst v0  }
0x1f0: {  	v0 =	vmul.f32 v3, v1;
	[tilespmem:s26+$0x20] =	vst v2  }
0x1f1: {  	[tilespmem:s26+$0x0] =	vst v4  }
0x1f2: {  	s30 =	rddreg [dreg:$0x11];
	[tilespmem:s26+$0xFFFFFFD0] =	vst v0  }
0x1f3: {  	[hbm4b:s30+s15] =	stream.strided.scatter [tilespmem:s10], [sflag:$0x6], $0x4000, s16, s15, $0x38;
	[tilespmem:$0x1A000] =	vst v63  }
0x1f4: {  	_ =	swait.ge [sflag:s19], $0x4000  }
0x1f5: {  	[sflag:s19] =	ssyncset.done $0x0  }
0x1f6: {  	s30 =	simm.s32 $0x600;
	[sflag:s19] =	ssyncadd.s32 $0xFFFFC000  }
0x1f7: {  	[tilespmem:s9], [sflag:$0x1] =	stream.indirect.gather [hbm4b:s2+s8], $0x80, s30, s8, $0xb8;
	[tilespmem:$0x1A000] =	vst v63  }
0x1f8: {  	s30 =	simm.s32 $0x500;
	_ =	swait.ge [sflag:s20], $0x4000  }
0x1f9: {  	v0 =	vmov s30;
	[sflag:s20] =	ssyncset.done $0x0  }
0x1fa: {  	s26 =	simm.s32 $0x12040;
	[sflag:s20] =	ssyncadd.s32 $0xFFFFC000  }
0x1fb: {  	v4 =	vld [tilespmem:s26+$0x30]  }
0x1fc: {  	v7 =	vld [tilespmem:s26+$0x10]  }
0x1fd: {  	v5 =	vld [tilespmem:s26+$0xFFFFFFC0]  }
0x1fe: {  	v1 =	vld.idx.msk [tilespmem:v0+s11+$0x0], $0xffff  }
0x1ff: {  	v9 =	vld [tilespmem:s26+$0xFFFFFFE0]  }
0x200: {  	v2 =	vld [tilespmem:s26+$0x20]  }
0x201: {  	v3 =	vld [tilespmem:s26+$0xFFFFFFD0]  }
0x202: {  	v0 =	vld [tilespmem:s26+$0xFFFFFFF0]  }
0x203: {  	v8 =	vmul.f32 v4, v1;
	v4 =	vld [tilespmem:s26+$0x0]  }
0x204: {  	v6 =	vmul.f32 v5, v1  }
0x205: {  	s28 =	simm.s32 $0x501;
	s29 =	simm.s32 $0x12040;
	v5 =	vmul.f32 v9, v1;
	v7 =	vmul.f32 v7, v1  }
.LBB2_24:
0x206: {  	p0 =	sne.s32 s28, $0x57F  }
0x207: {  	v3 =	vmul.f32 v3, v1;
	v2 =	vmul.f32 v2, v1;
	[tilespmem:s26+$0x30] =	vst v8;
	s29 =	sadd.s32 $0x80, s29;
	s30 =	smov.u32 s28;
	s28 =	sadd.s32 $0x1, s28  }
0x208: {  	[tilespmem:s26+$0xFFFFFFC0] =	vst v6;
	v6 =	vmul.f32 v0, v1;
	v1 =	vmul.f32 v4, v1  }
0x209: {  	[tilespmem:s26+$0x10] =	vst v7  }
0x20a: {  	v4 =	vmov s30;
	[tilespmem:s26+$0xFFFFFFE0] =	vst v5  }
0x20b: {  	v0 =	vld [tilespmem:s29+$0xFFFFFFF0];
	[tilespmem:s26+$0xFFFFFFF0] =	vst v6  }
0x20c: {  	v5 =	vld [tilespmem:s29+$0x30];
	[tilespmem:s26+$0x0] =	vst v1  }
0x20d: {  	v7 =	vld [tilespmem:s29+$0x10];
	[tilespmem:s26+$0x20] =	vst v2  }
0x20e: {  	v6 =	vld [tilespmem:s29+$0xFFFFFFC0];
	[tilespmem:s26+$0xFFFFFFD0] =	vst v3;
	s26 =	smov.u32 s29  }
0x20f: {  	v1 =	vld.idx.msk [tilespmem:v4+s11+$0x0], $0xffff  }
0x210: {  	v9 =	vld [tilespmem:s29+$0xFFFFFFE0]  }
0x211: {  	v2 =	vld [tilespmem:s29+$0x20]  }
.Ltmp11:
0x212: {  	v3 =	vld [tilespmem:s29+$0xFFFFFFD0];
	(pc) =	sbr.rel @p0 .LBB2_24-.Ltmp11, $3  }
0x213: {  	v4 =	vld [tilespmem:s29+$0x0];
	_ =	sdelay $0x1  }
0x214: {  	v6 =	vmul.f32 v6, v1;
	v8 =	vmul.f32 v5, v1  }
0x215: {  	v7 =	vmul.f32 v7, v1;
	v5 =	vmul.f32 v9, v1  }
0x216: {  	[tilespmem:s26+$0x30] =	vst v8  }
0x217: {  	[tilespmem:s26+$0xFFFFFFC0] =	vst v6  }
0x218: {  	v0 =	vmul.f32 v0, v1;
	[tilespmem:s26+$0x10] =	vst v7  }
0x219: {  	v2 =	vmul.f32 v2, v1;
	[tilespmem:s26+$0xFFFFFFE0] =	vst v5  }
0x21a: {  	v4 =	vmul.f32 v4, v1;
	[tilespmem:s26+$0xFFFFFFF0] =	vst v0  }
0x21b: {  	v0 =	vmul.f32 v3, v1;
	[tilespmem:s26+$0x20] =	vst v2  }
0x21c: {  	[tilespmem:s26+$0x0] =	vst v4  }
0x21d: {  	s30 =	rddreg [dreg:$0x12];
	[tilespmem:s26+$0xFFFFFFD0] =	vst v0  }
0x21e: {  	[hbm4b:s30+s15] =	stream.strided.scatter [tilespmem:s13], [sflag:$0x7], $0x4000, s16, s15, $0x38;
	[tilespmem:$0x1A000] =	vst v63  }
0x21f: {  	_ =	swait.ge [sflag:s21], $0x4000  }
0x220: {  	[sflag:s21] =	ssyncset.done $0x0  }
0x221: {  	s30 =	simm.s32 $0x680;
	[sflag:s21] =	ssyncadd.s32 $0xFFFFC000  }
0x222: {  	[tilespmem:s10], [sflag:$0x2] =	stream.indirect.gather [hbm4b:s2+s8], $0x80, s30, s8, $0xb8;
	[tilespmem:$0x1A000] =	vst v63  }
0x223: {  	s30 =	simm.s32 $0x580;
	_ =	swait.ge [sflag:s22], $0x4000  }
0x224: {  	v0 =	vmov s30;
	[sflag:s22] =	ssyncset.done $0x0  }
0x225: {  	s26 =	simm.s32 $0x16040;
	[sflag:s22] =	ssyncadd.s32 $0xFFFFC000  }
0x226: {  	v4 =	vld [tilespmem:s26+$0x30]  }
0x227: {  	v7 =	vld [tilespmem:s26+$0x10]  }
0x228: {  	v5 =	vld [tilespmem:s26+$0xFFFFFFC0]  }
0x229: {  	v1 =	vld.idx.msk [tilespmem:v0+s11+$0x0], $0xffff  }
0x22a: {  	v9 =	vld [tilespmem:s26+$0xFFFFFFE0]  }
0x22b: {  	v2 =	vld [tilespmem:s26+$0x20]  }
0x22c: {  	v3 =	vld [tilespmem:s26+$0xFFFFFFD0]  }
0x22d: {  	v0 =	vld [tilespmem:s26+$0xFFFFFFF0]  }
0x22e: {  	v8 =	vmul.f32 v4, v1;
	v4 =	vld [tilespmem:s26+$0x0]  }
0x22f: {  	v6 =	vmul.f32 v5, v1  }
0x230: {  	s28 =	simm.s32 $0x581;
	s29 =	simm.s32 $0x16040;
	v5 =	vmul.f32 v9, v1;
	v7 =	vmul.f32 v7, v1  }
.LBB2_26:
0x231: {  	p0 =	sne.s32 s28, $0x5FF  }
0x232: {  	v3 =	vmul.f32 v3, v1;
	v2 =	vmul.f32 v2, v1;
	[tilespmem:s26+$0x30] =	vst v8;
	s29 =	sadd.s32 $0x80, s29;
	s30 =	smov.u32 s28;
	s28 =	sadd.s32 $0x1, s28  }
0x233: {  	[tilespmem:s26+$0xFFFFFFC0] =	vst v6;
	v6 =	vmul.f32 v0, v1;
	v1 =	vmul.f32 v4, v1  }
0x234: {  	[tilespmem:s26+$0x10] =	vst v7  }
0x235: {  	v4 =	vmov s30;
	[tilespmem:s26+$0xFFFFFFE0] =	vst v5  }
0x236: {  	v0 =	vld [tilespmem:s29+$0xFFFFFFF0];
	[tilespmem:s26+$0xFFFFFFF0] =	vst v6  }
0x237: {  	v5 =	vld [tilespmem:s29+$0x30];
	[tilespmem:s26+$0x0] =	vst v1  }
0x238: {  	v7 =	vld [tilespmem:s29+$0x10];
	[tilespmem:s26+$0x20] =	vst v2  }
0x239: {  	v6 =	vld [tilespmem:s29+$0xFFFFFFC0];
	[tilespmem:s26+$0xFFFFFFD0] =	vst v3;
	s26 =	smov.u32 s29  }
0x23a: {  	v1 =	vld.idx.msk [tilespmem:v4+s11+$0x0], $0xffff  }
0x23b: {  	v9 =	vld [tilespmem:s29+$0xFFFFFFE0]  }
0x23c: {  	v2 =	vld [tilespmem:s29+$0x20]  }
.Ltmp12:
0x23d: {  	v3 =	vld [tilespmem:s29+$0xFFFFFFD0];
	(pc) =	sbr.rel @p0 .LBB2_26-.Ltmp12, $3  }
0x23e: {  	v4 =	vld [tilespmem:s29+$0x0];
	_ =	sdelay $0x1  }
0x23f: {  	v6 =	vmul.f32 v6, v1;
	v8 =	vmul.f32 v5, v1  }
0x240: {  	v7 =	vmul.f32 v7, v1;
	v5 =	vmul.f32 v9, v1  }
0x241: {  	[tilespmem:s26+$0x30] =	vst v8  }
0x242: {  	[tilespmem:s26+$0xFFFFFFC0] =	vst v6  }
0x243: {  	v0 =	vmul.f32 v0, v1;
	[tilespmem:s26+$0x10] =	vst v7  }
0x244: {  	v2 =	vmul.f32 v2, v1;
	[tilespmem:s26+$0xFFFFFFE0] =	vst v5  }
0x245: {  	v4 =	vmul.f32 v4, v1;
	[tilespmem:s26+$0xFFFFFFF0] =	vst v0  }
0x246: {  	v0 =	vmul.f32 v3, v1;
	[tilespmem:s26+$0x20] =	vst v2  }
0x247: {  	[tilespmem:s26+$0x0] =	vst v4  }
0x248: {  	s30 =	rddreg [dreg:$0x13];
	[tilespmem:s26+$0xFFFFFFD0] =	vst v0  }
0x249: {  	[hbm4b:s30+s15] =	stream.strided.scatter [tilespmem:s17], [sflag:$0x8], $0x4000, s16, s15, $0x38;
	[tilespmem:$0x1A000] =	vst v63  }
0x24a: {  	_ =	swait.ge [sflag:s23], $0x4000  }
0x24b: {  	[sflag:s23] =	ssyncset.done $0x0  }
0x24c: {  	s30 =	simm.s32 $0x700;
	[sflag:s23] =	ssyncadd.s32 $0xFFFFC000  }
0x24d: {  	[tilespmem:s13], [sflag:$0x3] =	stream.indirect.gather [hbm4b:s2+s8], $0x80, s30, s8, $0xb8;
	[tilespmem:$0x1A000] =	vst v63  }
0x24e: {  	s30 =	simm.s32 $0x600;
	_ =	swait.ge [sflag:s14], $0x4000  }
0x24f: {  	v0 =	vmov s30;
	[sflag:s14] =	ssyncset.done $0x0  }
0x250: {  	s26 =	simm.s32 $0xA040;
	[sflag:s14] =	ssyncadd.s32 $0xFFFFC000  }
0x251: {  	v4 =	vld [tilespmem:s26+$0x30]  }
0x252: {  	v7 =	vld [tilespmem:s26+$0x10]  }
0x253: {  	v5 =	vld [tilespmem:s26+$0xFFFFFFC0]  }
0x254: {  	v1 =	vld.idx.msk [tilespmem:v0+s11+$0x0], $0xffff  }
0x255: {  	v9 =	vld [tilespmem:s26+$0xFFFFFFE0]  }
0x256: {  	v2 =	vld [tilespmem:s26+$0x20]  }
0x257: {  	v3 =	vld [tilespmem:s26+$0xFFFFFFD0]  }
0x258: {  	v0 =	vld [tilespmem:s26+$0xFFFFFFF0]  }
0x259: {  	v8 =	vmul.f32 v4, v1;
	v4 =	vld [tilespmem:s26+$0x0]  }
0x25a: {  	v6 =	vmul.f32 v5, v1  }
0x25b: {  	s28 =	simm.s32 $0x601;
	s29 =	simm.s32 $0xA040;
	v5 =	vmul.f32 v9, v1;
	v7 =	vmul.f32 v7, v1  }
.LBB2_28:
0x25c: {  	p0 =	sne.s32 s28, $0x67F  }
0x25d: {  	v3 =	vmul.f32 v3, v1;
	v2 =	vmul.f32 v2, v1;
	[tilespmem:s26+$0x30] =	vst v8;
	s29 =	sadd.s32 $0x80, s29;
	s30 =	smov.u32 s28;
	s28 =	sadd.s32 $0x1, s28  }
0x25e: {  	[tilespmem:s26+$0xFFFFFFC0] =	vst v6;
	v6 =	vmul.f32 v0, v1;
	v1 =	vmul.f32 v4, v1  }
0x25f: {  	[tilespmem:s26+$0x10] =	vst v7  }
0x260: {  	v4 =	vmov s30;
	[tilespmem:s26+$0xFFFFFFE0] =	vst v5  }
0x261: {  	v0 =	vld [tilespmem:s29+$0xFFFFFFF0];
	[tilespmem:s26+$0xFFFFFFF0] =	vst v6  }
0x262: {  	v5 =	vld [tilespmem:s29+$0x30];
	[tilespmem:s26+$0x0] =	vst v1  }
0x263: {  	v7 =	vld [tilespmem:s29+$0x10];
	[tilespmem:s26+$0x20] =	vst v2  }
0x264: {  	v6 =	vld [tilespmem:s29+$0xFFFFFFC0];
	[tilespmem:s26+$0xFFFFFFD0] =	vst v3;
	s26 =	smov.u32 s29  }
0x265: {  	v1 =	vld.idx.msk [tilespmem:v4+s11+$0x0], $0xffff  }
0x266: {  	v9 =	vld [tilespmem:s29+$0xFFFFFFE0]  }
0x267: {  	v2 =	vld [tilespmem:s29+$0x20]  }
.Ltmp13:
0x268: {  	v3 =	vld [tilespmem:s29+$0xFFFFFFD0];
	(pc) =	sbr.rel @p0 .LBB2_28-.Ltmp13, $3  }
0x269: {  	v4 =	vld [tilespmem:s29+$0x0];
	_ =	sdelay $0x1  }
0x26a: {  	v6 =	vmul.f32 v6, v1;
	v8 =	vmul.f32 v5, v1  }
0x26b: {  	v7 =	vmul.f32 v7, v1;
	v5 =	vmul.f32 v9, v1  }
0x26c: {  	[tilespmem:s26+$0x30] =	vst v8  }
0x26d: {  	[tilespmem:s26+$0xFFFFFFC0] =	vst v6  }
0x26e: {  	v0 =	vmul.f32 v0, v1;
	[tilespmem:s26+$0x10] =	vst v7  }
0x26f: {  	v2 =	vmul.f32 v2, v1;
	[tilespmem:s26+$0xFFFFFFE0] =	vst v5  }
0x270: {  	v4 =	vmul.f32 v4, v1;
	[tilespmem:s26+$0xFFFFFFF0] =	vst v0  }
0x271: {  	v0 =	vmul.f32 v3, v1;
	[tilespmem:s26+$0x20] =	vst v2  }
0x272: {  	[tilespmem:s26+$0x0] =	vst v4  }
0x273: {  	s30 =	rddreg [dreg:$0x14];
	[tilespmem:s26+$0xFFFFFFD0] =	vst v0  }
0x274: {  	[hbm4b:s30+s15] =	stream.strided.scatter [tilespmem:s9], [sflag:$0x5], $0x4000, s16, s15, $0x38;
	[tilespmem:$0x1A000] =	vst v63  }
0x275: {  	_ =	swait.ge [sflag:s24], $0x4000  }
0x276: {  	[sflag:s24] =	ssyncset.done $0x0  }
0x277: {  	s30 =	simm.s32 $0x780;
	[sflag:s24] =	ssyncadd.s32 $0xFFFFC000  }
0x278: {  	[tilespmem:s17], [sflag:$0x4] =	stream.indirect.gather [hbm4b:s2+s8], $0x80, s30, s8, $0xb8;
	[tilespmem:$0x1A000] =	vst v63  }
0x279: {  	s30 =	simm.s32 $0x680;
	_ =	swait.ge [sflag:s18], $0x4000  }
0x27a: {  	v0 =	vmov s30;
	[sflag:s18] =	ssyncset.done $0x0  }
0x27b: {  	s26 =	simm.s32 $0xE040;
	[sflag:s18] =	ssyncadd.s32 $0xFFFFC000  }
0x27c: {  	v4 =	vld [tilespmem:s26+$0x30]  }
0x27d: {  	v7 =	vld [tilespmem:s26+$0x10]  }
0x27e: {  	v5 =	vld [tilespmem:s26+$0xFFFFFFC0]  }
0x27f: {  	v1 =	vld.idx.msk [tilespmem:v0+s11+$0x0], $0xffff  }
0x280: {  	v9 =	vld [tilespmem:s26+$0xFFFFFFE0]  }
0x281: {  	v2 =	vld [tilespmem:s26+$0x20]  }
0x282: {  	v3 =	vld [tilespmem:s26+$0xFFFFFFD0]  }
0x283: {  	v0 =	vld [tilespmem:s26+$0xFFFFFFF0]  }
0x284: {  	v8 =	vmul.f32 v4, v1;
	v4 =	vld [tilespmem:s26+$0x0]  }
0x285: {  	v6 =	vmul.f32 v5, v1  }
0x286: {  	s28 =	simm.s32 $0x681;
	s29 =	simm.s32 $0xE040;
	v5 =	vmul.f32 v9, v1;
	v7 =	vmul.f32 v7, v1  }
.LBB2_30:
0x287: {  	p0 =	sne.s32 s28, $0x6FF  }
0x288: {  	v3 =	vmul.f32 v3, v1;
	v2 =	vmul.f32 v2, v1;
	[tilespmem:s26+$0x30] =	vst v8;
	s29 =	sadd.s32 $0x80, s29;
	s30 =	smov.u32 s28;
	s28 =	sadd.s32 $0x1, s28  }
0x289: {  	[tilespmem:s26+$0xFFFFFFC0] =	vst v6;
	v6 =	vmul.f32 v0, v1;
	v1 =	vmul.f32 v4, v1  }
0x28a: {  	[tilespmem:s26+$0x10] =	vst v7  }
0x28b: {  	v4 =	vmov s30;
	[tilespmem:s26+$0xFFFFFFE0] =	vst v5  }
0x28c: {  	v0 =	vld [tilespmem:s29+$0xFFFFFFF0];
	[tilespmem:s26+$0xFFFFFFF0] =	vst v6  }
0x28d: {  	v5 =	vld [tilespmem:s29+$0x30];
	[tilespmem:s26+$0x0] =	vst v1  }
0x28e: {  	v7 =	vld [tilespmem:s29+$0x10];
	[tilespmem:s26+$0x20] =	vst v2  }
0x28f: {  	v6 =	vld [tilespmem:s29+$0xFFFFFFC0];
	[tilespmem:s26+$0xFFFFFFD0] =	vst v3;
	s26 =	smov.u32 s29  }
0x290: {  	v1 =	vld.idx.msk [tilespmem:v4+s11+$0x0], $0xffff  }
0x291: {  	v9 =	vld [tilespmem:s29+$0xFFFFFFE0]  }
0x292: {  	v2 =	vld [tilespmem:s29+$0x20]  }
.Ltmp14:
0x293: {  	v3 =	vld [tilespmem:s29+$0xFFFFFFD0];
	(pc) =	sbr.rel @p0 .LBB2_30-.Ltmp14, $3  }
0x294: {  	v4 =	vld [tilespmem:s29+$0x0];
	_ =	sdelay $0x1  }
0x295: {  	v6 =	vmul.f32 v6, v1;
	v8 =	vmul.f32 v5, v1  }
0x296: {  	v7 =	vmul.f32 v7, v1;
	v5 =	vmul.f32 v9, v1  }
0x297: {  	[tilespmem:s26+$0x30] =	vst v8  }
0x298: {  	[tilespmem:s26+$0xFFFFFFC0] =	vst v6  }
0x299: {  	v0 =	vmul.f32 v0, v1;
	[tilespmem:s26+$0x10] =	vst v7  }
0x29a: {  	v2 =	vmul.f32 v2, v1;
	[tilespmem:s26+$0xFFFFFFE0] =	vst v5  }
0x29b: {  	v4 =	vmul.f32 v4, v1;
	[tilespmem:s26+$0xFFFFFFF0] =	vst v0  }
0x29c: {  	v0 =	vmul.f32 v3, v1;
	[tilespmem:s26+$0x20] =	vst v2  }
0x29d: {  	[tilespmem:s26+$0x0] =	vst v4  }
0x29e: {  	s30 =	rddreg [dreg:$0x15];
	[tilespmem:s26+$0xFFFFFFD0] =	vst v0  }
0x29f: {  	[hbm4b:s30+s15] =	stream.strided.scatter [tilespmem:s10], [sflag:$0x6], $0x4000, s16, s15, $0x38;
	[tilespmem:$0x1A000] =	vst v63  }
0x2a0: {  	_ =	swait.ge [sflag:s19], $0x4000  }
0x2a1: {  	[sflag:s19] =	ssyncset.done $0x0  }
0x2a2: {  	s30 =	simm.s32 $0x800;
	[sflag:s19] =	ssyncadd.s32 $0xFFFFC000  }
0x2a3: {  	[tilespmem:s9], [sflag:$0x1] =	stream.indirect.gather [hbm4b:s2+s8], $0x80, s30, s8, $0xb8;
	[tilespmem:$0x1A000] =	vst v63  }
0x2a4: {  	s30 =	simm.s32 $0x700;
	_ =	swait.ge [sflag:s20], $0x4000  }
0x2a5: {  	v0 =	vmov s30;
	[sflag:s20] =	ssyncset.done $0x0  }
0x2a6: {  	s26 =	simm.s32 $0x12040;
	[sflag:s20] =	ssyncadd.s32 $0xFFFFC000  }
0x2a7: {  	v4 =	vld [tilespmem:s26+$0x30]  }
0x2a8: {  	v7 =	vld [tilespmem:s26+$0x10]  }
0x2a9: {  	v5 =	vld [tilespmem:s26+$0xFFFFFFC0]  }
0x2aa: {  	v1 =	vld.idx.msk [tilespmem:v0+s11+$0x0], $0xffff  }
0x2ab: {  	v9 =	vld [tilespmem:s26+$0xFFFFFFE0]  }
0x2ac: {  	v2 =	vld [tilespmem:s26+$0x20]  }
0x2ad: {  	v3 =	vld [tilespmem:s26+$0xFFFFFFD0]  }
0x2ae: {  	v0 =	vld [tilespmem:s26+$0xFFFFFFF0]  }
0x2af: {  	v8 =	vmul.f32 v4, v1;
	v4 =	vld [tilespmem:s26+$0x0]  }
0x2b0: {  	v6 =	vmul.f32 v5, v1  }
0x2b1: {  	s28 =	simm.s32 $0x701;
	s29 =	simm.s32 $0x12040;
	v5 =	vmul.f32 v9, v1;
	v7 =	vmul.f32 v7, v1  }
.LBB2_32:
0x2b2: {  	p0 =	sne.s32 s28, $0x77F  }
0x2b3: {  	v3 =	vmul.f32 v3, v1;
	v2 =	vmul.f32 v2, v1;
	[tilespmem:s26+$0x30] =	vst v8;
	s29 =	sadd.s32 $0x80, s29;
	s30 =	smov.u32 s28;
	s28 =	sadd.s32 $0x1, s28  }
0x2b4: {  	[tilespmem:s26+$0xFFFFFFC0] =	vst v6;
	v6 =	vmul.f32 v0, v1;
	v1 =	vmul.f32 v4, v1  }
0x2b5: {  	[tilespmem:s26+$0x10] =	vst v7  }
0x2b6: {  	v4 =	vmov s30;
	[tilespmem:s26+$0xFFFFFFE0] =	vst v5  }
0x2b7: {  	v0 =	vld [tilespmem:s29+$0xFFFFFFF0];
	[tilespmem:s26+$0xFFFFFFF0] =	vst v6  }
0x2b8: {  	v5 =	vld [tilespmem:s29+$0x30];
	[tilespmem:s26+$0x0] =	vst v1  }
0x2b9: {  	v7 =	vld [tilespmem:s29+$0x10];
	[tilespmem:s26+$0x20] =	vst v2  }
0x2ba: {  	v6 =	vld [tilespmem:s29+$0xFFFFFFC0];
	[tilespmem:s26+$0xFFFFFFD0] =	vst v3;
	s26 =	smov.u32 s29  }
0x2bb: {  	v1 =	vld.idx.msk [tilespmem:v4+s11+$0x0], $0xffff  }
0x2bc: {  	v9 =	vld [tilespmem:s29+$0xFFFFFFE0]  }
0x2bd: {  	v2 =	vld [tilespmem:s29+$0x20]  }
.Ltmp15:
0x2be: {  	v3 =	vld [tilespmem:s29+$0xFFFFFFD0];
	(pc) =	sbr.rel @p0 .LBB2_32-.Ltmp15, $3  }
0x2bf: {  	v4 =	vld [tilespmem:s29+$0x0];
	_ =	sdelay $0x1  }
0x2c0: {  	v6 =	vmul.f32 v6, v1;
	v8 =	vmul.f32 v5, v1  }
0x2c1: {  	v7 =	vmul.f32 v7, v1;
	v5 =	vmul.f32 v9, v1  }
0x2c2: {  	[tilespmem:s26+$0x30] =	vst v8  }
0x2c3: {  	[tilespmem:s26+$0xFFFFFFC0] =	vst v6  }
0x2c4: {  	v0 =	vmul.f32 v0, v1;
	[tilespmem:s26+$0x10] =	vst v7  }
0x2c5: {  	v2 =	vmul.f32 v2, v1;
	[tilespmem:s26+$0xFFFFFFE0] =	vst v5  }
0x2c6: {  	v4 =	vmul.f32 v4, v1;
	[tilespmem:s26+$0xFFFFFFF0] =	vst v0  }
0x2c7: {  	v0 =	vmul.f32 v3, v1;
	[tilespmem:s26+$0x20] =	vst v2  }
0x2c8: {  	[tilespmem:s26+$0x0] =	vst v4  }
0x2c9: {  	s30 =	rddreg [dreg:$0x16];
	[tilespmem:s26+$0xFFFFFFD0] =	vst v0  }
0x2ca: {  	[hbm4b:s30+s15] =	stream.strided.scatter [tilespmem:s13], [sflag:$0x7], $0x4000, s16, s15, $0x38;
	[tilespmem:$0x1A000] =	vst v63  }
0x2cb: {  	_ =	swait.ge [sflag:s21], $0x4000  }
0x2cc: {  	[sflag:s21] =	ssyncset.done $0x0  }
0x2cd: {  	s30 =	simm.s32 $0x880;
	[sflag:s21] =	ssyncadd.s32 $0xFFFFC000  }
0x2ce: {  	[tilespmem:s10], [sflag:$0x2] =	stream.indirect.gather [hbm4b:s2+s8], $0x80, s30, s8, $0xb8;
	[tilespmem:$0x1A000] =	vst v63  }
0x2cf: {  	s30 =	simm.s32 $0x780;
	_ =	swait.ge [sflag:s22], $0x4000  }
0x2d0: {  	v0 =	vmov s30;
	[sflag:s22] =	ssyncset.done $0x0  }
0x2d1: {  	s26 =	simm.s32 $0x16040;
	[sflag:s22] =	ssyncadd.s32 $0xFFFFC000  }
0x2d2: {  	v4 =	vld [tilespmem:s26+$0x30]  }
0x2d3: {  	v7 =	vld [tilespmem:s26+$0x10]  }
0x2d4: {  	v5 =	vld [tilespmem:s26+$0xFFFFFFC0]  }
0x2d5: {  	v1 =	vld.idx.msk [tilespmem:v0+s11+$0x0], $0xffff  }
0x2d6: {  	v9 =	vld [tilespmem:s26+$0xFFFFFFE0]  }
0x2d7: {  	v2 =	vld [tilespmem:s26+$0x20]  }
0x2d8: {  	v3 =	vld [tilespmem:s26+$0xFFFFFFD0]  }
0x2d9: {  	v0 =	vld [tilespmem:s26+$0xFFFFFFF0]  }
0x2da: {  	v8 =	vmul.f32 v4, v1;
	v4 =	vld [tilespmem:s26+$0x0]  }
0x2db: {  	v6 =	vmul.f32 v5, v1  }
0x2dc: {  	s28 =	simm.s32 $0x781;
	s29 =	simm.s32 $0x16040;
	v5 =	vmul.f32 v9, v1;
	v7 =	vmul.f32 v7, v1  }
.LBB2_34:
0x2dd: {  	p0 =	sne.s32 s28, $0x7FF  }
0x2de: {  	v3 =	vmul.f32 v3, v1;
	v2 =	vmul.f32 v2, v1;
	[tilespmem:s26+$0x30] =	vst v8;
	s29 =	sadd.s32 $0x80, s29;
	s30 =	smov.u32 s28;
	s28 =	sadd.s32 $0x1, s28  }
0x2df: {  	[tilespmem:s26+$0xFFFFFFC0] =	vst v6;
	v6 =	vmul.f32 v0, v1;
	v1 =	vmul.f32 v4, v1  }
0x2e0: {  	[tilespmem:s26+$0x10] =	vst v7  }
0x2e1: {  	v4 =	vmov s30;
	[tilespmem:s26+$0xFFFFFFE0] =	vst v5  }
0x2e2: {  	v0 =	vld [tilespmem:s29+$0xFFFFFFF0];
	[tilespmem:s26+$0xFFFFFFF0] =	vst v6  }
0x2e3: {  	v5 =	vld [tilespmem:s29+$0x30];
	[tilespmem:s26+$0x0] =	vst v1  }
0x2e4: {  	v7 =	vld [tilespmem:s29+$0x10];
	[tilespmem:s26+$0x20] =	vst v2  }
0x2e5: {  	v6 =	vld [tilespmem:s29+$0xFFFFFFC0];
	[tilespmem:s26+$0xFFFFFFD0] =	vst v3;
	s26 =	smov.u32 s29  }
0x2e6: {  	v1 =	vld.idx.msk [tilespmem:v4+s11+$0x0], $0xffff  }
0x2e7: {  	v9 =	vld [tilespmem:s29+$0xFFFFFFE0]  }
0x2e8: {  	v2 =	vld [tilespmem:s29+$0x20]  }
.Ltmp16:
0x2e9: {  	v3 =	vld [tilespmem:s29+$0xFFFFFFD0];
	(pc) =	sbr.rel @p0 .LBB2_34-.Ltmp16, $3  }
0x2ea: {  	v4 =	vld [tilespmem:s29+$0x0];
	_ =	sdelay $0x1  }
0x2eb: {  	v6 =	vmul.f32 v6, v1;
	v8 =	vmul.f32 v5, v1  }
0x2ec: {  	v7 =	vmul.f32 v7, v1;
	v5 =	vmul.f32 v9, v1  }
0x2ed: {  	[tilespmem:s26+$0x30] =	vst v8  }
0x2ee: {  	[tilespmem:s26+$0xFFFFFFC0] =	vst v6  }
0x2ef: {  	v0 =	vmul.f32 v0, v1;
	[tilespmem:s26+$0x10] =	vst v7  }
0x2f0: {  	v2 =	vmul.f32 v2, v1;
	[tilespmem:s26+$0xFFFFFFE0] =	vst v5  }
0x2f1: {  	v4 =	vmul.f32 v4, v1;
	[tilespmem:s26+$0xFFFFFFF0] =	vst v0  }
0x2f2: {  	v0 =	vmul.f32 v3, v1;
	[tilespmem:s26+$0x20] =	vst v2  }
0x2f3: {  	[tilespmem:s26+$0x0] =	vst v4  }
0x2f4: {  	s30 =	rddreg [dreg:$0x17];
	[tilespmem:s26+$0xFFFFFFD0] =	vst v0  }
0x2f5: {  	[hbm4b:s30+s15] =	stream.strided.scatter [tilespmem:s17], [sflag:$0x8], $0x4000, s16, s15, $0x38;
	[tilespmem:$0x1A000] =	vst v63  }
0x2f6: {  	_ =	swait.ge [sflag:s23], $0x4000  }
0x2f7: {  	[sflag:s23] =	ssyncset.done $0x0  }
0x2f8: {  	s30 =	simm.s32 $0x900;
	[sflag:s23] =	ssyncadd.s32 $0xFFFFC000  }
0x2f9: {  	[tilespmem:s13], [sflag:$0x3] =	stream.indirect.gather [hbm4b:s2+s8], $0x80, s30, s8, $0xb8;
	[tilespmem:$0x1A000] =	vst v63  }
0x2fa: {  	s30 =	simm.s32 $0x800;
	_ =	swait.ge [sflag:s14], $0x4000  }
0x2fb: {  	v0 =	vmov s30;
	[sflag:s14] =	ssyncset.done $0x0  }
0x2fc: {  	s26 =	simm.s32 $0xA040;
	[sflag:s14] =	ssyncadd.s32 $0xFFFFC000  }
0x2fd: {  	v4 =	vld [tilespmem:s26+$0x30]  }
0x2fe: {  	v7 =	vld [tilespmem:s26+$0x10]  }
0x2ff: {  	v5 =	vld [tilespmem:s26+$0xFFFFFFC0]  }
0x300: {  	v1 =	vld.idx.msk [tilespmem:v0+s11+$0x0], $0xffff  }
0x301: {  	v9 =	vld [tilespmem:s26+$0xFFFFFFE0]  }
0x302: {  	v2 =	vld [tilespmem:s26+$0x20]  }
0x303: {  	v3 =	vld [tilespmem:s26+$0xFFFFFFD0]  }
0x304: {  	v0 =	vld [tilespmem:s26+$0xFFFFFFF0]  }
0x305: {  	v8 =	vmul.f32 v4, v1;
	v4 =	vld [tilespmem:s26+$0x0]  }
0x306: {  	v6 =	vmul.f32 v5, v1  }
0x307: {  	s28 =	simm.s32 $0x801;
	s29 =	simm.s32 $0xA040;
	v5 =	vmul.f32 v9, v1;
	v7 =	vmul.f32 v7, v1  }
.LBB2_36:
0x308: {  	p0 =	sne.s32 s28, $0x87F  }
0x309: {  	v3 =	vmul.f32 v3, v1;
	v2 =	vmul.f32 v2, v1;
	[tilespmem:s26+$0x30] =	vst v8;
	s29 =	sadd.s32 $0x80, s29;
	s30 =	smov.u32 s28;
	s28 =	sadd.s32 $0x1, s28  }
0x30a: {  	[tilespmem:s26+$0xFFFFFFC0] =	vst v6;
	v6 =	vmul.f32 v0, v1;
	v1 =	vmul.f32 v4, v1  }
0x30b: {  	[tilespmem:s26+$0x10] =	vst v7  }
0x30c: {  	v4 =	vmov s30;
	[tilespmem:s26+$0xFFFFFFE0] =	vst v5  }
0x30d: {  	v0 =	vld [tilespmem:s29+$0xFFFFFFF0];
	[tilespmem:s26+$0xFFFFFFF0] =	vst v6  }
0x30e: {  	v5 =	vld [tilespmem:s29+$0x30];
	[tilespmem:s26+$0x0] =	vst v1  }
0x30f: {  	v7 =	vld [tilespmem:s29+$0x10];
	[tilespmem:s26+$0x20] =	vst v2  }
0x310: {  	v6 =	vld [tilespmem:s29+$0xFFFFFFC0];
	[tilespmem:s26+$0xFFFFFFD0] =	vst v3;
	s26 =	smov.u32 s29  }
0x311: {  	v1 =	vld.idx.msk [tilespmem:v4+s11+$0x0], $0xffff  }
0x312: {  	v9 =	vld [tilespmem:s29+$0xFFFFFFE0]  }
0x313: {  	v2 =	vld [tilespmem:s29+$0x20]  }
.Ltmp17:
0x314: {  	v3 =	vld [tilespmem:s29+$0xFFFFFFD0];
	(pc) =	sbr.rel @p0 .LBB2_36-.Ltmp17, $3  }
0x315: {  	v4 =	vld [tilespmem:s29+$0x0];
	_ =	sdelay $0x1  }
0x316: {  	v6 =	vmul.f32 v6, v1;
	v8 =	vmul.f32 v5, v1  }
0x317: {  	v7 =	vmul.f32 v7, v1;
	v5 =	vmul.f32 v9, v1  }
0x318: {  	[tilespmem:s26+$0x30] =	vst v8  }
0x319: {  	[tilespmem:s26+$0xFFFFFFC0] =	vst v6  }
0x31a: {  	v0 =	vmul.f32 v0, v1;
	[tilespmem:s26+$0x10] =	vst v7  }
0x31b: {  	v2 =	vmul.f32 v2, v1;
	[tilespmem:s26+$0xFFFFFFE0] =	vst v5  }
0x31c: {  	v4 =	vmul.f32 v4, v1;
	[tilespmem:s26+$0xFFFFFFF0] =	vst v0  }
0x31d: {  	v0 =	vmul.f32 v3, v1;
	[tilespmem:s26+$0x20] =	vst v2  }
0x31e: {  	[tilespmem:s26+$0x0] =	vst v4  }
0x31f: {  	s30 =	rddreg [dreg:$0x18];
	[tilespmem:s26+$0xFFFFFFD0] =	vst v0  }
0x320: {  	[hbm4b:s30+s15] =	stream.strided.scatter [tilespmem:s9], [sflag:$0x5], $0x4000, s16, s15, $0x38;
	[tilespmem:$0x1A000] =	vst v63  }
0x321: {  	_ =	swait.ge [sflag:s24], $0x4000  }
0x322: {  	[sflag:s24] =	ssyncset.done $0x0  }
0x323: {  	s30 =	simm.s32 $0x980;
	[sflag:s24] =	ssyncadd.s32 $0xFFFFC000  }
0x324: {  	[tilespmem:s17], [sflag:$0x4] =	stream.indirect.gather [hbm4b:s2+s8], $0x80, s30, s8, $0xb8;
	[tilespmem:$0x1A000] =	vst v63  }
0x325: {  	s30 =	simm.s32 $0x880;
	_ =	swait.ge [sflag:s18], $0x4000  }
0x326: {  	v0 =	vmov s30;
	[sflag:s18] =	ssyncset.done $0x0  }
0x327: {  	s26 =	simm.s32 $0xE040;
	[sflag:s18] =	ssyncadd.s32 $0xFFFFC000  }
0x328: {  	v4 =	vld [tilespmem:s26+$0x30]  }
0x329: {  	v7 =	vld [tilespmem:s26+$0x10]  }
0x32a: {  	v5 =	vld [tilespmem:s26+$0xFFFFFFC0]  }
0x32b: {  	v1 =	vld.idx.msk [tilespmem:v0+s11+$0x0], $0xffff  }
0x32c: {  	v9 =	vld [tilespmem:s26+$0xFFFFFFE0]  }
0x32d: {  	v2 =	vld [tilespmem:s26+$0x20]  }
0x32e: {  	v3 =	vld [tilespmem:s26+$0xFFFFFFD0]  }
0x32f: {  	v0 =	vld [tilespmem:s26+$0xFFFFFFF0]  }
0x330: {  	v8 =	vmul.f32 v4, v1;
	v4 =	vld [tilespmem:s26+$0x0]  }
0x331: {  	v6 =	vmul.f32 v5, v1  }
0x332: {  	s28 =	simm.s32 $0x881;
	s29 =	simm.s32 $0xE040;
	v5 =	vmul.f32 v9, v1;
	v7 =	vmul.f32 v7, v1  }
.LBB2_38:
0x333: {  	p0 =	sne.s32 s28, $0x8FF  }
0x334: {  	v3 =	vmul.f32 v3, v1;
	v2 =	vmul.f32 v2, v1;
	[tilespmem:s26+$0x30] =	vst v8;
	s29 =	sadd.s32 $0x80, s29;
	s30 =	smov.u32 s28;
	s28 =	sadd.s32 $0x1, s28  }
0x335: {  	[tilespmem:s26+$0xFFFFFFC0] =	vst v6;
	v6 =	vmul.f32 v0, v1;
	v1 =	vmul.f32 v4, v1  }
0x336: {  	[tilespmem:s26+$0x10] =	vst v7  }
0x337: {  	v4 =	vmov s30;
	[tilespmem:s26+$0xFFFFFFE0] =	vst v5  }
0x338: {  	v0 =	vld [tilespmem:s29+$0xFFFFFFF0];
	[tilespmem:s26+$0xFFFFFFF0] =	vst v6  }
0x339: {  	v5 =	vld [tilespmem:s29+$0x30];
	[tilespmem:s26+$0x0] =	vst v1  }
0x33a: {  	v7 =	vld [tilespmem:s29+$0x10];
	[tilespmem:s26+$0x20] =	vst v2  }
0x33b: {  	v6 =	vld [tilespmem:s29+$0xFFFFFFC0];
	[tilespmem:s26+$0xFFFFFFD0] =	vst v3;
	s26 =	smov.u32 s29  }
0x33c: {  	v1 =	vld.idx.msk [tilespmem:v4+s11+$0x0], $0xffff  }
0x33d: {  	v9 =	vld [tilespmem:s29+$0xFFFFFFE0]  }
0x33e: {  	v2 =	vld [tilespmem:s29+$0x20]  }
.Ltmp18:
0x33f: {  	v3 =	vld [tilespmem:s29+$0xFFFFFFD0];
	(pc) =	sbr.rel @p0 .LBB2_38-.Ltmp18, $3  }
0x340: {  	v4 =	vld [tilespmem:s29+$0x0];
	_ =	sdelay $0x1  }
0x341: {  	v6 =	vmul.f32 v6, v1;
	v8 =	vmul.f32 v5, v1  }
0x342: {  	v7 =	vmul.f32 v7, v1;
	v5 =	vmul.f32 v9, v1  }
0x343: {  	[tilespmem:s26+$0x30] =	vst v8  }
0x344: {  	[tilespmem:s26+$0xFFFFFFC0] =	vst v6  }
0x345: {  	v0 =	vmul.f32 v0, v1;
	[tilespmem:s26+$0x10] =	vst v7  }
0x346: {  	v2 =	vmul.f32 v2, v1;
	[tilespmem:s26+$0xFFFFFFE0] =	vst v5  }
0x347: {  	v4 =	vmul.f32 v4, v1;
	[tilespmem:s26+$0xFFFFFFF0] =	vst v0  }
0x348: {  	v0 =	vmul.f32 v3, v1;
	[tilespmem:s26+$0x20] =	vst v2  }
0x349: {  	[tilespmem:s26+$0x0] =	vst v4  }
0x34a: {  	s30 =	rddreg [dreg:$0x19];
	[tilespmem:s26+$0xFFFFFFD0] =	vst v0  }
0x34b: {  	[hbm4b:s30+s15] =	stream.strided.scatter [tilespmem:s10], [sflag:$0x6], $0x4000, s16, s15, $0x38;
	[tilespmem:$0x1A000] =	vst v63  }
0x34c: {  	_ =	swait.ge [sflag:s19], $0x4000  }
0x34d: {  	[sflag:s19] =	ssyncset.done $0x0  }
0x34e: {  	s30 =	simm.s32 $0xA00;
	[sflag:s19] =	ssyncadd.s32 $0xFFFFC000  }
0x34f: {  	[tilespmem:s9], [sflag:$0x1] =	stream.indirect.gather [hbm4b:s2+s8], $0x80, s30, s8, $0xb8;
	[tilespmem:$0x1A000] =	vst v63  }
0x350: {  	s30 =	simm.s32 $0x900;
	_ =	swait.ge [sflag:s20], $0x4000  }
0x351: {  	v0 =	vmov s30;
	[sflag:s20] =	ssyncset.done $0x0  }
0x352: {  	s26 =	simm.s32 $0x12040;
	[sflag:s20] =	ssyncadd.s32 $0xFFFFC000  }
0x353: {  	v4 =	vld [tilespmem:s26+$0x30]  }
0x354: {  	v7 =	vld [tilespmem:s26+$0x10]  }
0x355: {  	v5 =	vld [tilespmem:s26+$0xFFFFFFC0]  }
0x356: {  	v1 =	vld.idx.msk [tilespmem:v0+s11+$0x0], $0xffff  }
0x357: {  	v9 =	vld [tilespmem:s26+$0xFFFFFFE0]  }
0x358: {  	v2 =	vld [tilespmem:s26+$0x20]  }
0x359: {  	v3 =	vld [tilespmem:s26+$0xFFFFFFD0]  }
0x35a: {  	v0 =	vld [tilespmem:s26+$0xFFFFFFF0]  }
0x35b: {  	v8 =	vmul.f32 v4, v1;
	v4 =	vld [tilespmem:s26+$0x0]  }
0x35c: {  	v6 =	vmul.f32 v5, v1  }
0x35d: {  	s28 =	simm.s32 $0x901;
	s29 =	simm.s32 $0x12040;
	v5 =	vmul.f32 v9, v1;
	v7 =	vmul.f32 v7, v1  }
.LBB2_40:
0x35e: {  	p0 =	sne.s32 s28, $0x97F  }
0x35f: {  	v3 =	vmul.f32 v3, v1;
	v2 =	vmul.f32 v2, v1;
	[tilespmem:s26+$0x30] =	vst v8;
	s29 =	sadd.s32 $0x80, s29;
	s30 =	smov.u32 s28;
	s28 =	sadd.s32 $0x1, s28  }
0x360: {  	[tilespmem:s26+$0xFFFFFFC0] =	vst v6;
	v6 =	vmul.f32 v0, v1;
	v1 =	vmul.f32 v4, v1  }
0x361: {  	[tilespmem:s26+$0x10] =	vst v7  }
0x362: {  	v4 =	vmov s30;
	[tilespmem:s26+$0xFFFFFFE0] =	vst v5  }
0x363: {  	v0 =	vld [tilespmem:s29+$0xFFFFFFF0];
	[tilespmem:s26+$0xFFFFFFF0] =	vst v6  }
0x364: {  	v5 =	vld [tilespmem:s29+$0x30];
	[tilespmem:s26+$0x0] =	vst v1  }
0x365: {  	v7 =	vld [tilespmem:s29+$0x10];
	[tilespmem:s26+$0x20] =	vst v2  }
0x366: {  	v6 =	vld [tilespmem:s29+$0xFFFFFFC0];
	[tilespmem:s26+$0xFFFFFFD0] =	vst v3;
	s26 =	smov.u32 s29  }
0x367: {  	v1 =	vld.idx.msk [tilespmem:v4+s11+$0x0], $0xffff  }
0x368: {  	v9 =	vld [tilespmem:s29+$0xFFFFFFE0]  }
0x369: {  	v2 =	vld [tilespmem:s29+$0x20]  }
.Ltmp19:
0x36a: {  	v3 =	vld [tilespmem:s29+$0xFFFFFFD0];
	(pc) =	sbr.rel @p0 .LBB2_40-.Ltmp19, $3  }
0x36b: {  	v4 =	vld [tilespmem:s29+$0x0];
	_ =	sdelay $0x1  }
0x36c: {  	v6 =	vmul.f32 v6, v1;
	v8 =	vmul.f32 v5, v1  }
0x36d: {  	v7 =	vmul.f32 v7, v1;
	v5 =	vmul.f32 v9, v1  }
0x36e: {  	[tilespmem:s26+$0x30] =	vst v8  }
0x36f: {  	[tilespmem:s26+$0xFFFFFFC0] =	vst v6  }
0x370: {  	v0 =	vmul.f32 v0, v1;
	[tilespmem:s26+$0x10] =	vst v7  }
0x371: {  	v2 =	vmul.f32 v2, v1;
	[tilespmem:s26+$0xFFFFFFE0] =	vst v5  }
0x372: {  	v4 =	vmul.f32 v4, v1;
	[tilespmem:s26+$0xFFFFFFF0] =	vst v0  }
0x373: {  	v0 =	vmul.f32 v3, v1;
	[tilespmem:s26+$0x20] =	vst v2  }
0x374: {  	[tilespmem:s26+$0x0] =	vst v4  }
0x375: {  	s30 =	rddreg [dreg:$0x1a];
	[tilespmem:s26+$0xFFFFFFD0] =	vst v0  }
0x376: {  	[hbm4b:s30+s15] =	stream.strided.scatter [tilespmem:s13], [sflag:$0x7], $0x4000, s16, s15, $0x38;
	[tilespmem:$0x1A000] =	vst v63  }
0x377: {  	_ =	swait.ge [sflag:s21], $0x4000  }
0x378: {  	[sflag:s21] =	ssyncset.done $0x0  }
0x379: {  	s30 =	simm.s32 $0xA80;
	[sflag:s21] =	ssyncadd.s32 $0xFFFFC000  }
0x37a: {  	[tilespmem:s10], [sflag:$0x2] =	stream.indirect.gather [hbm4b:s2+s8], $0x80, s30, s8, $0xb8;
	[tilespmem:$0x1A000] =	vst v63  }
0x37b: {  	s30 =	simm.s32 $0x980;
	_ =	swait.ge [sflag:s22], $0x4000  }
0x37c: {  	v0 =	vmov s30;
	[sflag:s22] =	ssyncset.done $0x0  }
0x37d: {  	s26 =	simm.s32 $0x16040;
	[sflag:s22] =	ssyncadd.s32 $0xFFFFC000  }
0x37e: {  	v4 =	vld [tilespmem:s26+$0x30]  }
0x37f: {  	v7 =	vld [tilespmem:s26+$0x10]  }
0x380: {  	v5 =	vld [tilespmem:s26+$0xFFFFFFC0]  }
0x381: {  	v1 =	vld.idx.msk [tilespmem:v0+s11+$0x0], $0xffff  }
0x382: {  	v9 =	vld [tilespmem:s26+$0xFFFFFFE0]  }
0x383: {  	v2 =	vld [tilespmem:s26+$0x20]  }
0x384: {  	v3 =	vld [tilespmem:s26+$0xFFFFFFD0]  }
0x385: {  	v0 =	vld [tilespmem:s26+$0xFFFFFFF0]  }
0x386: {  	v8 =	vmul.f32 v4, v1;
	v4 =	vld [tilespmem:s26+$0x0]  }
0x387: {  	v6 =	vmul.f32 v5, v1  }
0x388: {  	s28 =	simm.s32 $0x981;
	s29 =	simm.s32 $0x16040;
	v5 =	vmul.f32 v9, v1;
	v7 =	vmul.f32 v7, v1  }
.LBB2_42:
0x389: {  	p0 =	sne.s32 s28, $0x9FF  }
0x38a: {  	v3 =	vmul.f32 v3, v1;
	v2 =	vmul.f32 v2, v1;
	[tilespmem:s26+$0x30] =	vst v8;
	s29 =	sadd.s32 $0x80, s29;
	s30 =	smov.u32 s28;
	s28 =	sadd.s32 $0x1, s28  }
0x38b: {  	[tilespmem:s26+$0xFFFFFFC0] =	vst v6;
	v6 =	vmul.f32 v0, v1;
	v1 =	vmul.f32 v4, v1  }
0x38c: {  	[tilespmem:s26+$0x10] =	vst v7  }
0x38d: {  	v4 =	vmov s30;
	[tilespmem:s26+$0xFFFFFFE0] =	vst v5  }
0x38e: {  	v0 =	vld [tilespmem:s29+$0xFFFFFFF0];
	[tilespmem:s26+$0xFFFFFFF0] =	vst v6  }
0x38f: {  	v5 =	vld [tilespmem:s29+$0x30];
	[tilespmem:s26+$0x0] =	vst v1  }
0x390: {  	v7 =	vld [tilespmem:s29+$0x10];
	[tilespmem:s26+$0x20] =	vst v2  }
0x391: {  	v6 =	vld [tilespmem:s29+$0xFFFFFFC0];
	[tilespmem:s26+$0xFFFFFFD0] =	vst v3;
	s26 =	smov.u32 s29  }
0x392: {  	v1 =	vld.idx.msk [tilespmem:v4+s11+$0x0], $0xffff  }
0x393: {  	v9 =	vld [tilespmem:s29+$0xFFFFFFE0]  }
0x394: {  	v2 =	vld [tilespmem:s29+$0x20]  }
.Ltmp20:
0x395: {  	v3 =	vld [tilespmem:s29+$0xFFFFFFD0];
	(pc) =	sbr.rel @p0 .LBB2_42-.Ltmp20, $3  }
0x396: {  	v4 =	vld [tilespmem:s29+$0x0];
	_ =	sdelay $0x1  }
0x397: {  	v6 =	vmul.f32 v6, v1;
	v8 =	vmul.f32 v5, v1  }
0x398: {  	v7 =	vmul.f32 v7, v1;
	v5 =	vmul.f32 v9, v1  }
0x399: {  	[tilespmem:s26+$0x30] =	vst v8  }
0x39a: {  	[tilespmem:s26+$0xFFFFFFC0] =	vst v6  }
0x39b: {  	v0 =	vmul.f32 v0, v1;
	[tilespmem:s26+$0x10] =	vst v7  }
0x39c: {  	v2 =	vmul.f32 v2, v1;
	[tilespmem:s26+$0xFFFFFFE0] =	vst v5  }
0x39d: {  	v4 =	vmul.f32 v4, v1;
	[tilespmem:s26+$0xFFFFFFF0] =	vst v0  }
0x39e: {  	v0 =	vmul.f32 v3, v1;
	[tilespmem:s26+$0x20] =	vst v2  }
0x39f: {  	[tilespmem:s26+$0x0] =	vst v4  }
0x3a0: {  	s30 =	rddreg [dreg:$0x1b];
	[tilespmem:s26+$0xFFFFFFD0] =	vst v0  }
0x3a1: {  	[hbm4b:s30+s15] =	stream.strided.scatter [tilespmem:s17], [sflag:$0x8], $0x4000, s16, s15, $0x38;
	[tilespmem:$0x1A000] =	vst v63  }
0x3a2: {  	_ =	swait.ge [sflag:s23], $0x4000  }
0x3a3: {  	[sflag:s23] =	ssyncset.done $0x0  }
0x3a4: {  	s30 =	simm.s32 $0xB00;
	[sflag:s23] =	ssyncadd.s32 $0xFFFFC000  }
0x3a5: {  	[tilespmem:s13], [sflag:$0x3] =	stream.indirect.gather [hbm4b:s2+s8], $0x80, s30, s8, $0xb8;
	[tilespmem:$0x1A000] =	vst v63  }
0x3a6: {  	s30 =	simm.s32 $0xA00;
	_ =	swait.ge [sflag:s14], $0x4000  }
0x3a7: {  	v0 =	vmov s30;
	[sflag:s14] =	ssyncset.done $0x0  }
0x3a8: {  	s26 =	simm.s32 $0xA040;
	[sflag:s14] =	ssyncadd.s32 $0xFFFFC000  }
0x3a9: {  	v4 =	vld [tilespmem:s26+$0x30]  }
0x3aa: {  	v7 =	vld [tilespmem:s26+$0x10]  }
0x3ab: {  	v5 =	vld [tilespmem:s26+$0xFFFFFFC0]  }
0x3ac: {  	v1 =	vld.idx.msk [tilespmem:v0+s11+$0x0], $0xffff  }
0x3ad: {  	v9 =	vld [tilespmem:s26+$0xFFFFFFE0]  }
0x3ae: {  	v2 =	vld [tilespmem:s26+$0x20]  }
0x3af: {  	v3 =	vld [tilespmem:s26+$0xFFFFFFD0]  }
0x3b0: {  	v0 =	vld [tilespmem:s26+$0xFFFFFFF0]  }
0x3b1: {  	v8 =	vmul.f32 v4, v1;
	v4 =	vld [tilespmem:s26+$0x0]  }
0x3b2: {  	v6 =	vmul.f32 v5, v1  }
0x3b3: {  	s28 =	simm.s32 $0xA01;
	s29 =	simm.s32 $0xA040;
	v5 =	vmul.f32 v9, v1;
	v7 =	vmul.f32 v7, v1  }
.LBB2_44:
0x3b4: {  	p0 =	sne.s32 s28, $0xA7F  }
0x3b5: {  	v3 =	vmul.f32 v3, v1;
	v2 =	vmul.f32 v2, v1;
	[tilespmem:s26+$0x30] =	vst v8;
	s29 =	sadd.s32 $0x80, s29;
	s30 =	smov.u32 s28;
	s28 =	sadd.s32 $0x1, s28  }
0x3b6: {  	[tilespmem:s26+$0xFFFFFFC0] =	vst v6;
	v6 =	vmul.f32 v0, v1;
	v1 =	vmul.f32 v4, v1  }
0x3b7: {  	[tilespmem:s26+$0x10] =	vst v7  }
0x3b8: {  	v4 =	vmov s30;
	[tilespmem:s26+$0xFFFFFFE0] =	vst v5  }
0x3b9: {  	v0 =	vld [tilespmem:s29+$0xFFFFFFF0];
	[tilespmem:s26+$0xFFFFFFF0] =	vst v6  }
0x3ba: {  	v5 =	vld [tilespmem:s29+$0x30];
	[tilespmem:s26+$0x0] =	vst v1  }
0x3bb: {  	v7 =	vld [tilespmem:s29+$0x10];
	[tilespmem:s26+$0x20] =	vst v2  }
0x3bc: {  	v6 =	vld [tilespmem:s29+$0xFFFFFFC0];
	[tilespmem:s26+$0xFFFFFFD0] =	vst v3;
	s26 =	smov.u32 s29  }
0x3bd: {  	v1 =	vld.idx.msk [tilespmem:v4+s11+$0x0], $0xffff  }
0x3be: {  	v9 =	vld [tilespmem:s29+$0xFFFFFFE0]  }
0x3bf: {  	v2 =	vld [tilespmem:s29+$0x20]  }
.Ltmp21:
0x3c0: {  	v3 =	vld [tilespmem:s29+$0xFFFFFFD0];
	(pc) =	sbr.rel @p0 .LBB2_44-.Ltmp21, $3  }
0x3c1: {  	v4 =	vld [tilespmem:s29+$0x0];
	_ =	sdelay $0x1  }
0x3c2: {  	v6 =	vmul.f32 v6, v1;
	v8 =	vmul.f32 v5, v1  }
0x3c3: {  	v7 =	vmul.f32 v7, v1;
	v5 =	vmul.f32 v9, v1  }
0x3c4: {  	[tilespmem:s26+$0x30] =	vst v8  }
0x3c5: {  	[tilespmem:s26+$0xFFFFFFC0] =	vst v6  }
0x3c6: {  	v0 =	vmul.f32 v0, v1;
	[tilespmem:s26+$0x10] =	vst v7  }
0x3c7: {  	v2 =	vmul.f32 v2, v1;
	[tilespmem:s26+$0xFFFFFFE0] =	vst v5  }
0x3c8: {  	v4 =	vmul.f32 v4, v1;
	[tilespmem:s26+$0xFFFFFFF0] =	vst v0  }
0x3c9: {  	v0 =	vmul.f32 v3, v1;
	[tilespmem:s26+$0x20] =	vst v2  }
0x3ca: {  	[tilespmem:s26+$0x0] =	vst v4  }
0x3cb: {  	s30 =	rddreg [dreg:$0x1c];
	[tilespmem:s26+$0xFFFFFFD0] =	vst v0  }
0x3cc: {  	[hbm4b:s30+s15] =	stream.strided.scatter [tilespmem:s9], [sflag:$0x5], $0x4000, s16, s15, $0x38;
	[tilespmem:$0x1A000] =	vst v63  }
0x3cd: {  	_ =	swait.ge [sflag:s24], $0x4000  }
0x3ce: {  	[sflag:s24] =	ssyncset.done $0x0  }
0x3cf: {  	s30 =	simm.s32 $0xB80;
	[sflag:s24] =	ssyncadd.s32 $0xFFFFC000  }
0x3d0: {  	[tilespmem:s17], [sflag:$0x4] =	stream.indirect.gather [hbm4b:s2+s8], $0x80, s30, s8, $0xb8;
	[tilespmem:$0x1A000] =	vst v63  }
0x3d1: {  	s30 =	simm.s32 $0xA80;
	_ =	swait.ge [sflag:s18], $0x4000  }
0x3d2: {  	v0 =	vmov s30;
	[sflag:s18] =	ssyncset.done $0x0  }
0x3d3: {  	s26 =	simm.s32 $0xE040;
	[sflag:s18] =	ssyncadd.s32 $0xFFFFC000  }
0x3d4: {  	v4 =	vld [tilespmem:s26+$0x30]  }
0x3d5: {  	v7 =	vld [tilespmem:s26+$0x10]  }
0x3d6: {  	v5 =	vld [tilespmem:s26+$0xFFFFFFC0]  }
0x3d7: {  	v1 =	vld.idx.msk [tilespmem:v0+s11+$0x0], $0xffff  }
0x3d8: {  	v9 =	vld [tilespmem:s26+$0xFFFFFFE0]  }
0x3d9: {  	v2 =	vld [tilespmem:s26+$0x20]  }
0x3da: {  	v3 =	vld [tilespmem:s26+$0xFFFFFFD0]  }
0x3db: {  	v0 =	vld [tilespmem:s26+$0xFFFFFFF0]  }
0x3dc: {  	v8 =	vmul.f32 v4, v1;
	v4 =	vld [tilespmem:s26+$0x0]  }
0x3dd: {  	v6 =	vmul.f32 v5, v1  }
0x3de: {  	s28 =	simm.s32 $0xA81;
	s29 =	simm.s32 $0xE040;
	v5 =	vmul.f32 v9, v1;
	v7 =	vmul.f32 v7, v1  }
.LBB2_46:
0x3df: {  	p0 =	sne.s32 s28, $0xAFF  }
0x3e0: {  	v3 =	vmul.f32 v3, v1;
	v2 =	vmul.f32 v2, v1;
	[tilespmem:s26+$0x30] =	vst v8;
	s29 =	sadd.s32 $0x80, s29;
	s30 =	smov.u32 s28;
	s28 =	sadd.s32 $0x1, s28  }
0x3e1: {  	[tilespmem:s26+$0xFFFFFFC0] =	vst v6;
	v6 =	vmul.f32 v0, v1;
	v1 =	vmul.f32 v4, v1  }
0x3e2: {  	[tilespmem:s26+$0x10] =	vst v7  }
0x3e3: {  	v4 =	vmov s30;
	[tilespmem:s26+$0xFFFFFFE0] =	vst v5  }
0x3e4: {  	v0 =	vld [tilespmem:s29+$0xFFFFFFF0];
	[tilespmem:s26+$0xFFFFFFF0] =	vst v6  }
0x3e5: {  	v5 =	vld [tilespmem:s29+$0x30];
	[tilespmem:s26+$0x0] =	vst v1  }
0x3e6: {  	v7 =	vld [tilespmem:s29+$0x10];
	[tilespmem:s26+$0x20] =	vst v2  }
0x3e7: {  	v6 =	vld [tilespmem:s29+$0xFFFFFFC0];
	[tilespmem:s26+$0xFFFFFFD0] =	vst v3;
	s26 =	smov.u32 s29  }
0x3e8: {  	v1 =	vld.idx.msk [tilespmem:v4+s11+$0x0], $0xffff  }
0x3e9: {  	v9 =	vld [tilespmem:s29+$0xFFFFFFE0]  }
0x3ea: {  	v2 =	vld [tilespmem:s29+$0x20]  }
.Ltmp22:
0x3eb: {  	v3 =	vld [tilespmem:s29+$0xFFFFFFD0];
	(pc) =	sbr.rel @p0 .LBB2_46-.Ltmp22, $3  }
0x3ec: {  	v4 =	vld [tilespmem:s29+$0x0];
	_ =	sdelay $0x1  }
0x3ed: {  	v6 =	vmul.f32 v6, v1;
	v8 =	vmul.f32 v5, v1  }
0x3ee: {  	v7 =	vmul.f32 v7, v1;
	v5 =	vmul.f32 v9, v1  }
0x3ef: {  	[tilespmem:s26+$0x30] =	vst v8  }
0x3f0: {  	[tilespmem:s26+$0xFFFFFFC0] =	vst v6  }
0x3f1: {  	v0 =	vmul.f32 v0, v1;
	[tilespmem:s26+$0x10] =	vst v7  }
0x3f2: {  	v2 =	vmul.f32 v2, v1;
	[tilespmem:s26+$0xFFFFFFE0] =	vst v5  }
0x3f3: {  	v4 =	vmul.f32 v4, v1;
	[tilespmem:s26+$0xFFFFFFF0] =	vst v0  }
0x3f4: {  	v0 =	vmul.f32 v3, v1;
	[tilespmem:s26+$0x20] =	vst v2  }
0x3f5: {  	[tilespmem:s26+$0x0] =	vst v4  }
0x3f6: {  	[tilespmem:s26+$0xFFFFFFD0] =	vst v0  }
0x3f7: {  	[hbm4b:s31+s15] =	stream.strided.scatter [tilespmem:s10], [sflag:$0x6], $0x4000, s16, s15, $0x38;
	[tilespmem:$0x1A000] =	vst v63  }
0x3f8: {  	_ =	swait.ge [sflag:s19], $0x4000  }
0x3f9: {  	[sflag:s19] =	ssyncset.done $0x0  }
0x3fa: {  	s30 =	simm.s32 $0xC00;
	[sflag:s19] =	ssyncadd.s32 $0xFFFFC000  }
0x3fb: {  	[tilespmem:s9], [sflag:$0x1] =	stream.indirect.gather [hbm4b:s2+s8], $0x80, s30, s8, $0xb8;
	[tilespmem:$0x1A000] =	vst v63  }
0x3fc: {  	s30 =	simm.s32 $0xB00;
	_ =	swait.ge [sflag:s20], $0x4000  }
0x3fd: {  	v0 =	vmov s30;
	[sflag:s20] =	ssyncset.done $0x0  }
0x3fe: {  	s26 =	simm.s32 $0x12040;
	[sflag:s20] =	ssyncadd.s32 $0xFFFFC000  }
0x3ff: {  	v4 =	vld [tilespmem:s26+$0x30]  }
0x400: {  	v7 =	vld [tilespmem:s26+$0x10]  }
0x401: {  	v5 =	vld [tilespmem:s26+$0xFFFFFFC0]  }
0x402: {  	v1 =	vld.idx.msk [tilespmem:v0+s11+$0x0], $0xffff  }
0x403: {  	v9 =	vld [tilespmem:s26+$0xFFFFFFE0]  }
0x404: {  	v2 =	vld [tilespmem:s26+$0x20]  }
0x405: {  	v3 =	vld [tilespmem:s26+$0xFFFFFFD0]  }
0x406: {  	v0 =	vld [tilespmem:s26+$0xFFFFFFF0]  }
0x407: {  	v8 =	vmul.f32 v4, v1;
	v4 =	vld [tilespmem:s26+$0x0]  }
0x408: {  	v6 =	vmul.f32 v5, v1  }
0x409: {  	s28 =	simm.s32 $0xB01;
	s29 =	simm.s32 $0x12040;
	v5 =	vmul.f32 v9, v1;
	v7 =	vmul.f32 v7, v1  }
.LBB2_48:
0x40a: {  	p0 =	sne.s32 s28, $0xB7F  }
0x40b: {  	v3 =	vmul.f32 v3, v1;
	v2 =	vmul.f32 v2, v1;
	[tilespmem:s26+$0x30] =	vst v8;
	s29 =	sadd.s32 $0x80, s29;
	s30 =	smov.u32 s28;
	s28 =	sadd.s32 $0x1, s28  }
0x40c: {  	[tilespmem:s26+$0xFFFFFFC0] =	vst v6;
	v6 =	vmul.f32 v0, v1;
	v1 =	vmul.f32 v4, v1  }
0x40d: {  	[tilespmem:s26+$0x10] =	vst v7  }
0x40e: {  	v4 =	vmov s30;
	[tilespmem:s26+$0xFFFFFFE0] =	vst v5  }
0x40f: {  	v0 =	vld [tilespmem:s29+$0xFFFFFFF0];
	[tilespmem:s26+$0xFFFFFFF0] =	vst v6  }
0x410: {  	v5 =	vld [tilespmem:s29+$0x30];
	[tilespmem:s26+$0x0] =	vst v1  }
0x411: {  	v7 =	vld [tilespmem:s29+$0x10];
	[tilespmem:s26+$0x20] =	vst v2  }
0x412: {  	v6 =	vld [tilespmem:s29+$0xFFFFFFC0];
	[tilespmem:s26+$0xFFFFFFD0] =	vst v3;
	s26 =	smov.u32 s29  }
0x413: {  	v1 =	vld.idx.msk [tilespmem:v4+s11+$0x0], $0xffff  }
0x414: {  	v9 =	vld [tilespmem:s29+$0xFFFFFFE0]  }
0x415: {  	v2 =	vld [tilespmem:s29+$0x20]  }
.Ltmp23:
0x416: {  	v3 =	vld [tilespmem:s29+$0xFFFFFFD0];
	(pc) =	sbr.rel @p0 .LBB2_48-.Ltmp23, $3  }
0x417: {  	v4 =	vld [tilespmem:s29+$0x0];
	_ =	sdelay $0x1  }
0x418: {  	v6 =	vmul.f32 v6, v1;
	v8 =	vmul.f32 v5, v1  }
0x419: {  	v7 =	vmul.f32 v7, v1;
	v5 =	vmul.f32 v9, v1  }
0x41a: {  	[tilespmem:s26+$0x30] =	vst v8  }
0x41b: {  	[tilespmem:s26+$0xFFFFFFC0] =	vst v6  }
0x41c: {  	v0 =	vmul.f32 v0, v1;
	[tilespmem:s26+$0x10] =	vst v7  }
0x41d: {  	v2 =	vmul.f32 v2, v1;
	[tilespmem:s26+$0xFFFFFFE0] =	vst v5  }
0x41e: {  	v4 =	vmul.f32 v4, v1;
	[tilespmem:s26+$0xFFFFFFF0] =	vst v0  }
0x41f: {  	v0 =	vmul.f32 v3, v1;
	[tilespmem:s26+$0x20] =	vst v2  }
0x420: {  	[tilespmem:s26+$0x0] =	vst v4  }
0x421: {  	[tilespmem:s26+$0xFFFFFFD0] =	vst v0  }
0x422: {  	[hbm4b:s0+s15] =	stream.strided.scatter [tilespmem:s13], [sflag:$0x7], $0x4000, s16, s15, $0x38;
	[tilespmem:$0x1A000] =	vst v63  }
0x423: {  	_ =	swait.ge [sflag:s21], $0x4000  }
0x424: {  	[sflag:s21] =	ssyncset.done $0x0  }
0x425: {  	s30 =	simm.s32 $0xC80;
	[sflag:s21] =	ssyncadd.s32 $0xFFFFC000  }
0x426: {  	[tilespmem:s10], [sflag:$0x2] =	stream.indirect.gather [hbm4b:s2+s8], $0x80, s30, s8, $0xb8;
	[tilespmem:$0x1A000] =	vst v63  }
0x427: {  	s30 =	simm.s32 $0xB80;
	_ =	swait.ge [sflag:s22], $0x4000  }
0x428: {  	v0 =	vmov s30;
	[sflag:s22] =	ssyncset.done $0x0  }
0x429: {  	s26 =	simm.s32 $0x16040;
	[sflag:s22] =	ssyncadd.s32 $0xFFFFC000  }
0x42a: {  	v4 =	vld [tilespmem:s26+$0x30]  }
0x42b: {  	v7 =	vld [tilespmem:s26+$0x10]  }
0x42c: {  	v5 =	vld [tilespmem:s26+$0xFFFFFFC0]  }
0x42d: {  	v1 =	vld.idx.msk [tilespmem:v0+s11+$0x0], $0xffff  }
0x42e: {  	v9 =	vld [tilespmem:s26+$0xFFFFFFE0]  }
0x42f: {  	v2 =	vld [tilespmem:s26+$0x20]  }
0x430: {  	v3 =	vld [tilespmem:s26+$0xFFFFFFD0]  }
0x431: {  	v0 =	vld [tilespmem:s26+$0xFFFFFFF0]  }
0x432: {  	v8 =	vmul.f32 v4, v1;
	v4 =	vld [tilespmem:s26+$0x0]  }
0x433: {  	v6 =	vmul.f32 v5, v1  }
0x434: {  	s28 =	simm.s32 $0xB81;
	s29 =	simm.s32 $0x16040;
	v5 =	vmul.f32 v9, v1;
	v7 =	vmul.f32 v7, v1  }
.LBB2_50:
0x435: {  	p0 =	sne.s32 s28, $0xBFF  }
0x436: {  	v3 =	vmul.f32 v3, v1;
	v2 =	vmul.f32 v2, v1;
	[tilespmem:s26+$0x30] =	vst v8;
	s29 =	sadd.s32 $0x80, s29;
	s30 =	smov.u32 s28;
	s28 =	sadd.s32 $0x1, s28  }
0x437: {  	[tilespmem:s26+$0xFFFFFFC0] =	vst v6;
	v6 =	vmul.f32 v0, v1;
	v1 =	vmul.f32 v4, v1  }
0x438: {  	[tilespmem:s26+$0x10] =	vst v7  }
0x439: {  	v4 =	vmov s30;
	[tilespmem:s26+$0xFFFFFFE0] =	vst v5  }
0x43a: {  	v0 =	vld [tilespmem:s29+$0xFFFFFFF0];
	[tilespmem:s26+$0xFFFFFFF0] =	vst v6  }
0x43b: {  	v5 =	vld [tilespmem:s29+$0x30];
	[tilespmem:s26+$0x0] =	vst v1  }
0x43c: {  	v7 =	vld [tilespmem:s29+$0x10];
	[tilespmem:s26+$0x20] =	vst v2  }
0x43d: {  	v6 =	vld [tilespmem:s29+$0xFFFFFFC0];
	[tilespmem:s26+$0xFFFFFFD0] =	vst v3;
	s26 =	smov.u32 s29  }
0x43e: {  	v1 =	vld.idx.msk [tilespmem:v4+s11+$0x0], $0xffff  }
0x43f: {  	v9 =	vld [tilespmem:s29+$0xFFFFFFE0]  }
0x440: {  	v2 =	vld [tilespmem:s29+$0x20]  }
.Ltmp24:
0x441: {  	v3 =	vld [tilespmem:s29+$0xFFFFFFD0];
	(pc) =	sbr.rel @p0 .LBB2_50-.Ltmp24, $3  }
0x442: {  	v4 =	vld [tilespmem:s29+$0x0];
	_ =	sdelay $0x1  }
0x443: {  	v6 =	vmul.f32 v6, v1;
	v8 =	vmul.f32 v5, v1  }
0x444: {  	v7 =	vmul.f32 v7, v1;
	v5 =	vmul.f32 v9, v1  }
0x445: {  	[tilespmem:s26+$0x30] =	vst v8  }
0x446: {  	[tilespmem:s26+$0xFFFFFFC0] =	vst v6  }
0x447: {  	v0 =	vmul.f32 v0, v1;
	[tilespmem:s26+$0x10] =	vst v7  }
0x448: {  	v2 =	vmul.f32 v2, v1;
	[tilespmem:s26+$0xFFFFFFE0] =	vst v5  }
0x449: {  	v4 =	vmul.f32 v4, v1;
	[tilespmem:s26+$0xFFFFFFF0] =	vst v0  }
0x44a: {  	v0 =	vmul.f32 v3, v1;
	[tilespmem:s26+$0x20] =	vst v2  }
0x44b: {  	[tilespmem:s26+$0x0] =	vst v4  }
0x44c: {  	[tilespmem:s26+$0xFFFFFFD0] =	vst v0  }
0x44d: {  	[hbm4b:s1+s15] =	stream.strided.scatter [tilespmem:s17], [sflag:$0x8], $0x4000, s16, s15, $0x38;
	[tilespmem:$0x1A000] =	vst v63  }
0x44e: {  	s30 =	simm.s32 $0xC00;
	_ =	swait.ge [sflag:s14], $0x4000  }
0x44f: {  	v0 =	vmov s30;
	[sflag:s14] =	ssyncset.done $0x0  }
0x450: {  	s26 =	simm.s32 $0xA040;
	[sflag:s14] =	ssyncadd.s32 $0xFFFFC000  }
0x451: {  	v4 =	vld [tilespmem:s26+$0x30]  }
0x452: {  	v7 =	vld [tilespmem:s26+$0x10]  }
0x453: {  	v5 =	vld [tilespmem:s26+$0xFFFFFFC0]  }
0x454: {  	v1 =	vld.idx.msk [tilespmem:v0+s11+$0x0], $0xffff  }
0x455: {  	v9 =	vld [tilespmem:s26+$0xFFFFFFE0]  }
0x456: {  	v0 =	vld [tilespmem:s26+$0xFFFFFFF0]  }
0x457: {  	v2 =	vld [tilespmem:s26+$0x20]  }
0x458: {  	v3 =	vld [tilespmem:s26+$0xFFFFFFD0]  }
0x459: {  	v8 =	vmul.f32 v4, v1;
	v4 =	vld [tilespmem:s26+$0x0]  }
0x45a: {  	v6 =	vmul.f32 v5, v1  }
0x45b: {  	s28 =	simm.s32 $0xC01;
	s29 =	simm.s32 $0xA040;
	v5 =	vmul.f32 v9, v1;
	v7 =	vmul.f32 v7, v1  }
.LBB2_52:
0x45c: {  	p0 =	sne.s32 s28, $0xC7F  }
0x45d: {  	v3 =	vmul.f32 v3, v1;
	v2 =	vmul.f32 v2, v1;
	[tilespmem:s26+$0x30] =	vst v8;
	s29 =	sadd.s32 $0x80, s29;
	s30 =	smov.u32 s28;
	s28 =	sadd.s32 $0x1, s28  }
0x45e: {  	[tilespmem:s26+$0xFFFFFFC0] =	vst v6;
	v6 =	vmul.f32 v0, v1;
	v1 =	vmul.f32 v4, v1  }
0x45f: {  	[tilespmem:s26+$0x10] =	vst v7  }
0x460: {  	v4 =	vmov s30;
	[tilespmem:s26+$0xFFFFFFE0] =	vst v5  }
0x461: {  	v0 =	vld [tilespmem:s29+$0xFFFFFFF0];
	[tilespmem:s26+$0xFFFFFFF0] =	vst v6  }
0x462: {  	v5 =	vld [tilespmem:s29+$0x30];
	[tilespmem:s26+$0x0] =	vst v1  }
0x463: {  	v7 =	vld [tilespmem:s29+$0x10];
	[tilespmem:s26+$0x20] =	vst v2  }
0x464: {  	v6 =	vld [tilespmem:s29+$0xFFFFFFC0];
	[tilespmem:s26+$0xFFFFFFD0] =	vst v3;
	s26 =	smov.u32 s29  }
0x465: {  	v1 =	vld.idx.msk [tilespmem:v4+s11+$0x0], $0xffff  }
0x466: {  	v9 =	vld [tilespmem:s29+$0xFFFFFFE0]  }
0x467: {  	v2 =	vld [tilespmem:s29+$0x20]  }
.Ltmp25:
0x468: {  	v3 =	vld [tilespmem:s29+$0xFFFFFFD0];
	(pc) =	sbr.rel @p0 .LBB2_52-.Ltmp25, $3  }
0x469: {  	v4 =	vld [tilespmem:s29+$0x0];
	_ =	sdelay $0x1  }
0x46a: {  	v6 =	vmul.f32 v6, v1;
	v8 =	vmul.f32 v5, v1  }
0x46b: {  	v7 =	vmul.f32 v7, v1;
	v5 =	vmul.f32 v9, v1  }
0x46c: {  	[tilespmem:s26+$0x30] =	vst v8  }
0x46d: {  	[tilespmem:s26+$0xFFFFFFC0] =	vst v6  }
0x46e: {  	v0 =	vmul.f32 v0, v1;
	[tilespmem:s26+$0x10] =	vst v7  }
0x46f: {  	v2 =	vmul.f32 v2, v1;
	[tilespmem:s26+$0xFFFFFFE0] =	vst v5  }
0x470: {  	v4 =	vmul.f32 v4, v1;
	[tilespmem:s26+$0xFFFFFFF0] =	vst v0  }
0x471: {  	v0 =	vmul.f32 v3, v1;
	[tilespmem:s26+$0x20] =	vst v2  }
0x472: {  	[tilespmem:s26+$0x0] =	vst v4  }
0x473: {  	[tilespmem:s26+$0xFFFFFFD0] =	vst v0  }
0x474: {  	[hbm4b:s4+s15] =	stream.strided.scatter [tilespmem:s9], [sflag:$0x5], $0x4000, s16, s15, $0x38;
	[tilespmem:$0x1A000] =	vst v63  }
0x475: {  	s30 =	simm.s32 $0xC80;
	_ =	swait.ge [sflag:s18], $0x4000  }
0x476: {  	v0 =	vmov s30;
	[sflag:s18] =	ssyncset.done $0x0  }
0x477: {  	s26 =	simm.s32 $0xE040;
	[sflag:s18] =	ssyncadd.s32 $0xFFFFC000  }
0x478: {  	v4 =	vld [tilespmem:s26+$0x30]  }
0x479: {  	v7 =	vld [tilespmem:s26+$0x10]  }
0x47a: {  	v5 =	vld [tilespmem:s26+$0xFFFFFFC0]  }
0x47b: {  	v1 =	vld.idx.msk [tilespmem:v0+s11+$0x0], $0xffff  }
0x47c: {  	v9 =	vld [tilespmem:s26+$0xFFFFFFE0]  }
0x47d: {  	v0 =	vld [tilespmem:s26+$0xFFFFFFF0]  }
0x47e: {  	v2 =	vld [tilespmem:s26+$0x20]  }
0x47f: {  	v3 =	vld [tilespmem:s26+$0xFFFFFFD0]  }
0x480: {  	v8 =	vmul.f32 v4, v1;
	v4 =	vld [tilespmem:s26+$0x0]  }
0x481: {  	v6 =	vmul.f32 v5, v1  }
0x482: {  	s28 =	simm.s32 $0xC81;
	s29 =	simm.s32 $0xE040;
	v5 =	vmul.f32 v9, v1;
	v7 =	vmul.f32 v7, v1  }
.LBB2_54:
0x483: {  	p0 =	sne.s32 s28, $0xCFF  }
0x484: {  	v3 =	vmul.f32 v3, v1;
	v2 =	vmul.f32 v2, v1;
	[tilespmem:s26+$0x30] =	vst v8;
	s29 =	sadd.s32 $0x80, s29;
	s30 =	smov.u32 s28;
	s28 =	sadd.s32 $0x1, s28  }
0x485: {  	[tilespmem:s26+$0xFFFFFFC0] =	vst v6;
	v6 =	vmul.f32 v0, v1;
	v1 =	vmul.f32 v4, v1  }
0x486: {  	[tilespmem:s26+$0x10] =	vst v7  }
0x487: {  	v4 =	vmov s30;
	[tilespmem:s26+$0xFFFFFFE0] =	vst v5  }
0x488: {  	v0 =	vld [tilespmem:s29+$0xFFFFFFF0];
	[tilespmem:s26+$0xFFFFFFF0] =	vst v6  }
0x489: {  	v5 =	vld [tilespmem:s29+$0x30];
	[tilespmem:s26+$0x0] =	vst v1  }
0x48a: {  	v7 =	vld [tilespmem:s29+$0x10];
	[tilespmem:s26+$0x20] =	vst v2  }
0x48b: {  	v6 =	vld [tilespmem:s29+$0xFFFFFFC0];
	[tilespmem:s26+$0xFFFFFFD0] =	vst v3;
	s26 =	smov.u32 s29  }
0x48c: {  	v1 =	vld.idx.msk [tilespmem:v4+s11+$0x0], $0xffff  }
0x48d: {  	v9 =	vld [tilespmem:s29+$0xFFFFFFE0]  }
0x48e: {  	v2 =	vld [tilespmem:s29+$0x20]  }
.Ltmp26:
0x48f: {  	v3 =	vld [tilespmem:s29+$0xFFFFFFD0];
	(pc) =	sbr.rel @p0 .LBB2_54-.Ltmp26, $3  }
0x490: {  	v4 =	vld [tilespmem:s29+$0x0];
	_ =	sdelay $0x1  }
0x491: {  	v6 =	vmul.f32 v6, v1;
	v8 =	vmul.f32 v5, v1  }
0x492: {  	v7 =	vmul.f32 v7, v1;
	v5 =	vmul.f32 v9, v1  }
0x493: {  	[tilespmem:s26+$0x30] =	vst v8  }
0x494: {  	[tilespmem:s26+$0xFFFFFFC0] =	vst v6  }
0x495: {  	v0 =	vmul.f32 v0, v1;
	[tilespmem:s26+$0x10] =	vst v7  }
0x496: {  	v2 =	vmul.f32 v2, v1;
	[tilespmem:s26+$0xFFFFFFE0] =	vst v5  }
0x497: {  	v63 =	vmul.f32 v3, v1;
	[tilespmem:s26+$0xFFFFFFF0] =	vst v0  }
0x498: {  	v4 =	vmul.f32 v4, v1;
	[tilespmem:s26+$0x20] =	vst v2  }
0x499: {  	[tilespmem:s26+$0xFFFFFFD0] =	vst v63  }
0x49a: {  	[tilespmem:s26+$0x0] =	vst v4  }
0x49b: {  	[hbm4b:s5+s15] =	stream.strided.scatter [tilespmem:s10], [sflag:$0x6], $0x4000, s16, s15, $0x38;
	[tilespmem:$0x1A000] =	vst v63  }
0x49c: {  	_ =	swait.ge [sflag:s19], $0x4000  }
0x49d: {  	[sflag:s19] =	ssyncset.done $0x0  }
0x49e: {  	[sflag:s19] =	ssyncadd.s32 $0xFFFFC000  }
0x49f: {  	_ =	swait.ge [sflag:s21], $0x4000  }
0x4a0: {  	[sflag:s21] =	ssyncset.done $0x0  }
0x4a1: {  	s25 =	sadd.s32 $0x1, s25;
	[sflag:s21] =	ssyncadd.s32 $0xFFFFC000  }
0x4a2: {  	p0 =	sne.s32 s25, s6;
	_ =	swait.ge [sflag:s23], $0x4000  }
.Ltmp27:
0x4a3: {  	[sflag:s23] =	ssyncset.done $0x0;
	(pc) =	sbr.rel @p0 .LBB2_1-.Ltmp27, $4  }
0x4a4: {  	[sflag:s23] =	ssyncadd.s32 $0xFFFFC000  }
0x4a5: {  	_ =	swait.ge [sflag:s24], $0x4000  }
0x4a6: {  	[sflag:s24] =	ssyncset.done $0x0  }
0x4a7: {  	[sflag:s24] =	ssyncadd.s32 $0xFFFFC000  }
0x4a8: {  	_ =	sfence.sel $0x180000  }
0x4a9: {  	[bflag:$0x0] =	sbarrier.arrive $0xFFFF  }
0x4aa: {  	_ =	strace $0x90000047  }
0x4ab: {  	s0 =	stileid.u32;
	[bflag:$0x2] =	sbarrier.arrive $0xFFFF  }
0x4ac: {  	p0 =	sne.s32 s0, $0x0;
	s0 =	rddreg [dreg:$0x2]  }
0x4ad: {  	s0 =	sadd.s32 @!p0 $0x100000, s0  }
0x4ae: {  	[sflag:s0] =	ssyncadd.tile.s32 @!p0 $0x1;
	_ =	shalt  }
.Lfunc_end2:
_tile_overlayer_lowered:
.L_overlay_start_2:
0x4af: {  	(tag) =	ssettag $0x2  }
0x4b0: {  	s0 =	rddreg [dreg:$0x0];
	s2 =	stileid.u32  }
0x4b1: {  	s1 =	rddreg [dreg:$0x1];
	p0 =	sne.s32 s2, $0x0  }
0x4b2: {  	s3 =	rddreg [dreg:$0x2];
	[bflag:$0x3] =	sbarrier.arrive $0xFFFF;
	s2 =	simm.s32 @!p0 $0x1C09  }
0x4b3: {  	[timem:s3], [sflag:s2] =	dma.local @!p0 [hbm:s0], s1  }
0x4b4: {  	s0 =	simm.s32 @!p0 $0x9  }
0x4b5: {  	_ =	swait.ge @!p0 [sflag:s0], s1  }
0x4b6: {  	s1 =	ssub.s32 @!p0 $0x0, s1;
	[sflag:s0] =	ssyncset.done @!p0 $0x0  }
0x4b7: {  	[sflag:s0] =	ssyncadd.s32 @!p0 s1  }
0x4b8: {  	[bflag:$0x3] =	sbarrier.arrive $0xFFFF  }
0x4b9: {  	_ =	shalt  }

</sc_bundles>
